<compile_context>
chip_gen: v7x
topology: tpu7x:2x2x1
jax: 0.10.2.dev20260603
libtpu: 0.0.44.dev20260713+nightly
codegen_flags: <defaults>
</compile_context>

<pallas_src>
import functools

import jax
import jax.numpy as jnp
from jax import lax
from jax.experimental import pallas as pl
from jax.experimental.pallas import tpu as pltpu
from jax.experimental.pallas import tpu_sc as plsc

F32 = jnp.float32
EPS = 1e-5



def _gather_sc(table, idx):
    T, Dc = table.shape
    P = idx.shape[0]
    RPT = P // 32
    CH = 128
    while RPT % CH:
        CH -= 8
    NCH = RPT // CH
    NBUF = 1
    while (NBUF + 1) * CH * Dc * 4 <= 416 * 1024 and NBUF < NCH:
        NBUF += 1
    NG = NCH // NBUF
    TAIL = NCH - NG * NBUF

    mesh = plsc.VectorSubcoreMesh(core_axis_name="c", subcore_axis_name="s")

    @functools.partial(
        pl.kernel,
        mesh=mesh,
        out_type=jax.ShapeDtypeStruct((P, Dc), F32),
        scratch_types=[
            pltpu.VMEM((RPT,), jnp.int32),
            pltpu.VMEM((NBUF * CH, Dc), F32),
            pltpu.SemaphoreType.DMA,
            pltpu.SemaphoreType.DMA,
        ],
    )
    def k(table_hbm, idx_hbm, out_hbm, idx_v, rows_v, sem, wsem):
        wid = lax.axis_index("s") * 2 + lax.axis_index("c")
        b0 = wid * RPT
        pltpu.sync_copy(idx_hbm.at[pl.ds(b0, RPT)], idx_v)

        def group(g, _):
            j0 = g * NBUF
            ds_ = []
            for b in range(NBUF):
                iv = idx_v.at[pl.ds((j0 + b) * CH, CH)]
                ds_.append(pltpu.async_copy(
                    table_hbm.at[iv], rows_v.at[pl.ds(b * CH, CH)], sem))
            for d in ds_:
                d.wait()
            pltpu.async_copy(
                rows_v, out_hbm.at[pl.ds(b0 + j0 * CH, NBUF * CH)],
                wsem).wait()
            return 0

        lax.fori_loop(0, NG, group, 0)

        for b in range(TAIL):
            j = NG * NBUF + b
            iv = idx_v.at[pl.ds(j * CH, CH)]
            pltpu.async_copy(table_hbm.at[iv],
                             rows_v.at[pl.ds(b * CH, CH)], sem).wait()
            pltpu.sync_copy(rows_v.at[pl.ds(b * CH, CH)],
                            out_hbm.at[pl.ds(b0 + j * CH, CH)])

    return k(table, idx)



def _tc_support_res(feats, gc_W, res_W, res_b, bm):
    N, D = feats.shape

    def body(feats_ref, gcw_ref, resw_ref, rb_ref, sup_ref, res_ref):
        x = feats_ref[...]
        sup_ref[...] = jnp.dot(x, gcw_ref[...], preferred_element_type=F32)
        res_ref[...] = jnp.dot(x, resw_ref[...],
                               preferred_element_type=F32) + rb_ref[...]

    return pl.pallas_call(
        body,
        grid=(N // bm,),
        in_specs=[
            pl.BlockSpec((bm, D), lambda i: (i, 0)),
            pl.BlockSpec((D, D), lambda i: (0, 0)),
            pl.BlockSpec((D, D), lambda i: (0, 0)),
            pl.BlockSpec((1, D), lambda i: (0, 0)),
        ],
        out_specs=[
            pl.BlockSpec((bm, D), lambda i: (i, 0)),
            pl.BlockSpec((bm, D), lambda i: (i, 0)),
        ],
        out_shape=[
            jax.ShapeDtypeStruct((N, D), F32),
            jax.ShapeDtypeStruct((N, D), F32),
        ],
    )(feats, gc_W, res_W, res_b.reshape(1, D))


def _tc_zsum(agg, res, gc_b, bm):
    N, D = agg.shape

    def body(a_ref, r_ref, b_ref, z_ref, st_ref):
        z = a_ref[...] + b_ref[...] + r_ref[...]
        z_ref[...] = z
        part = jnp.concatenate([jnp.sum(z, axis=0, keepdims=True),
                                jnp.zeros((7, D), F32)], axis=0)

        @pl.when(pl.program_id(0) == 0)
        def _():
            st_ref[...] = part

        @pl.when(pl.program_id(0) > 0)
        def _():
            st_ref[...] = st_ref[...] + part

    return pl.pallas_call(
        body,
        grid=(N // bm,),
        in_specs=[
            pl.BlockSpec((bm, D), lambda i: (i, 0)),
            pl.BlockSpec((bm, D), lambda i: (i, 0)),
            pl.BlockSpec((1, D), lambda i: (0, 0)),
        ],
        out_specs=[
            pl.BlockSpec((bm, D), lambda i: (i, 0)),
            pl.BlockSpec((8, D), lambda i: (0, 0)),
        ],
        out_shape=[
            jax.ShapeDtypeStruct((N, D), F32),
            jax.ShapeDtypeStruct((8, D), F32),
        ],
    )(agg, res, gc_b.reshape(1, D))


def _tc_varsum(z, mu, bm):
    N, D = z.shape

    def body(z_ref, m_ref, st_ref):
        dzz = z_ref[...] - m_ref[...]
        part = jnp.concatenate([jnp.sum(dzz * dzz, axis=0, keepdims=True),
                                jnp.zeros((7, D), F32)], axis=0)

        @pl.when(pl.program_id(0) == 0)
        def _():
            st_ref[...] = part

        @pl.when(pl.program_id(0) > 0)
        def _():
            st_ref[...] = st_ref[...] + part

    return pl.pallas_call(
        body,
        grid=(N // bm,),
        in_specs=[
            pl.BlockSpec((bm, D), lambda i: (i, 0)),
            pl.BlockSpec((1, D), lambda i: (0, 0)),
        ],
        out_specs=pl.BlockSpec((8, D), lambda i: (0, 0)),
        out_shape=jax.ShapeDtypeStruct((8, D), F32),
    )(z, mu)


def _tc_bn_gate(z, a1, c1, gate_W, gate_b, bm):
    N, D = z.shape
    NE = gate_W.shape[1]
    grid = N // bm

    def body(z_ref, a_ref, c_ref, gw_ref, gb_ref, new_ref, ei_ref, gv_ref):
        new = z_ref[...] * a_ref[...] + c_ref[...]
        new_ref[...] = new
        lg = jnp.dot(new, gw_ref[...], preferred_element_type=F32)
        lg = lg + gb_ref[...]
        io = lax.broadcasted_iota(jnp.int32, lg.shape, 1)
        m1 = jnp.max(lg, axis=1, keepdims=True)
        i1 = jnp.min(jnp.where(lg == m1, io, NE), axis=1, keepdims=True)
        lg2 = jnp.where(io == i1, -jnp.inf, lg)
        m2 = jnp.max(lg2, axis=1, keepdims=True)
        i2 = jnp.min(jnp.where(lg2 == m2, io, NE), axis=1, keepdims=True)
        g1 = 1.0 / (1.0 + jnp.exp(m2 - m1))
        g2 = 1.0 - g1
        cio = lax.broadcasted_iota(jnp.int32, (ei_ref.shape[0], 128), 1)
        ei_ref[...] = jnp.where(cio == 0, i1, jnp.where(cio == 1, i2, 0))
        gv_ref[...] = jnp.where(cio == 0, g1, jnp.where(cio == 1, g2, 0.0))

    return pl.pallas_call(
        body,
        grid=(grid,),
        in_specs=[
            pl.BlockSpec((bm, D), lambda i: (i, 0)),
            pl.BlockSpec((1, D), lambda i: (0, 0)),
            pl.BlockSpec((1, D), lambda i: (0, 0)),
            pl.BlockSpec((D, NE), lambda i: (0, 0)),
            pl.BlockSpec((1, NE), lambda i: (0, 0)),
        ],
        out_specs=[
            pl.BlockSpec((bm, D), lambda i: (i, 0)),
            pl.BlockSpec((bm, 128), lambda i: (i, 0)),
            pl.BlockSpec((bm, 128), lambda i: (i, 0)),
        ],
        out_shape=[
            jax.ShapeDtypeStruct((N, D), F32),
            jax.ShapeDtypeStruct((N, 128), jnp.int32),
            jax.ShapeDtypeStruct((N, 128), F32),
        ],
    )(z, a1, c1, gate_W, gate_b.reshape(1, NE))


def _tc_moe_mlp(blk_e, x_disp, w1, b1, w2, b2, g_bc, bmc):
    P, D = x_disp.shape
    NE, _, H = w1.shape
    grid = P // bmc

    def body(be_ref, x_ref, w1_ref, b1_ref, w2_ref, b2_ref, g_ref, y_ref):
        x = x_ref[...]
        h = jnp.dot(x, w1_ref[0], preferred_element_type=F32) + b1_ref[0]
        h = 0.5 * h * (1.0 + lax.erf(h * (2.0 ** -0.5)))
        y = jnp.dot(h, w2_ref[0], preferred_element_type=F32) + b2_ref[0]
        y_ref[...] = y * g_ref[:, 0:1]

    grid_spec = pltpu.PrefetchScalarGridSpec(
        num_scalar_prefetch=1,
        grid=(grid,),
        in_specs=[
            pl.BlockSpec((bmc, D), lambda i, be: (i, 0)),
            pl.BlockSpec((1, D, H), lambda i, be: (be[i], 0, 0)),
            pl.BlockSpec((1, 1, H), lambda i, be: (be[i], 0, 0)),
            pl.BlockSpec((1, H, D), lambda i, be: (be[i], 0, 0)),
            pl.BlockSpec((1, 1, D), lambda i, be: (be[i], 0, 0)),
            pl.BlockSpec((bmc, 128), lambda i, be: (i, 0)),
        ],
        out_specs=pl.BlockSpec((bmc, D), lambda i, be: (i, 0)),
    )
    return pl.pallas_call(
        body,
        grid_spec=grid_spec,
        out_shape=jax.ShapeDtypeStruct((P, D), F32),
    )(blk_e, x_disp, w1, b1.reshape(NE, 1, H), w2, b2.reshape(NE, 1, D), g_bc)


def _tc_onehot_agg(blk_nb, first, x_e, dloc3, bme, nb_out):
    P, D = x_e.shape
    NBLK = P // bme

    def body(nb_ref, fr_ref, x_ref, dl_ref, o_ref):
        ids = dl_ref[0].reshape(bme, 1)
        io = lax.broadcasted_iota(jnp.int32, (bme, 256), 1)
        L = (ids == io).astype(F32)
        acc = lax.dot_general(L, x_ref[...], (((0,), (0,)), ((), ())),
                              preferred_element_type=F32,
                              precision=lax.Precision.HIGHEST)
        i = pl.program_id(0)

        @pl.when(fr_ref[i] == 1)
        def _():
            o_ref[...] = acc

        @pl.when(fr_ref[i] == 0)
        def _():
            o_ref[...] = o_ref[...] + acc

    grid_spec = pltpu.PrefetchScalarGridSpec(
        num_scalar_prefetch=2,
        grid=(NBLK,),
        in_specs=[
            pl.BlockSpec((bme, D), lambda i, nb, fr: (i, 0)),
            pl.BlockSpec((1, 1, bme), lambda i, nb, fr: (i, 0, 0)),
        ],
        out_specs=pl.BlockSpec((256, D), lambda i, nb, fr: (nb[i], 0)),
    )
    return pl.pallas_call(
        body,
        grid_spec=grid_spec,
        out_shape=jax.ShapeDtypeStruct((nb_out * 256, D), F32),
    )(blk_nb, first, x_e, dloc3)


def _tc_add_sum(new, v, bm):
    N, D = new.shape
    grid = N // bm

    def body(a_ref, b_ref, c_ref, z_ref, st_ref):
        z = a_ref[...] + b_ref[...] + c_ref[...]
        z_ref[...] = z
        part = jnp.concatenate([jnp.sum(z, axis=0, keepdims=True),
                                jnp.zeros((7, D), F32)], axis=0)

        @pl.when(pl.program_id(0) == 0)
        def _():
            st_ref[...] = part

        @pl.when(pl.program_id(0) > 0)
        def _():
            st_ref[...] = st_ref[...] + part

    return pl.pallas_call(
        body,
        grid=(grid,),
        in_specs=[
            pl.BlockSpec((bm, D), lambda i: (i, 0)),
            pl.BlockSpec((bm, D), lambda i: (i, 0)),
            pl.BlockSpec((bm, D), lambda i, g=grid: (g + i, 0)),
        ],
        out_specs=[
            pl.BlockSpec((bm, D), lambda i: (i, 0)),
            pl.BlockSpec((8, D), lambda i: (0, 0)),
        ],
        out_shape=[
            jax.ShapeDtypeStruct((N, D), F32),
            jax.ShapeDtypeStruct((8, D), F32),
        ],
    )(new, v, v)


def _tc_affine(z, a, c, bm):
    N, D = z.shape
    grid = N // bm

    def body(z_ref, a_ref, c_ref, o_ref):
        o_ref[...] = z_ref[...] * a_ref[...] + c_ref[...]

    return pl.pallas_call(
        body,
        grid=(grid,),
        in_specs=[
            pl.BlockSpec((bm, D), lambda i: (i, 0)),
            pl.BlockSpec((1, D), lambda i: (0, 0)),
            pl.BlockSpec((1, D), lambda i: (0, 0)),
        ],
        out_specs=pl.BlockSpec((bm, D), lambda i: (i, 0)),
        out_shape=jax.ShapeDtypeStruct((N, D), F32),
    )(z, a, c)


def _bn_coeffs(mu, varsum, g, b, n):
    var = varsum[0] / n
    inv = lax.rsqrt(var + EPS)
    a = (g * inv)[None, :]
    c = (b - mu[0] * g * inv)[None, :]
    return a, c



def kernel(feats, edge_index, gc_W, gc_b, res_W, res_b, bn1_g, bn1_b,
           gate_W, gate_b, w1, b1, w2, b2, bn2_g, bn2_b):
    N, D = feats.shape
    NE = gate_W.shape[1]
    K = 2
    BM = 400
    BMC = 128
    P = 20000 + NE * BMC
    P = ((P + 32 * BMC - 1) // (32 * BMC)) * (32 * BMC)

    src = edge_index[0]
    dst = edge_index[1]
    E = src.shape[0]

    BME = 512
    NBQ = -(-N // 256)
    PE = E + NBQ * BME
    PE = -(-PE // 3072) * 3072
    nbkey = dst // 256
    order_e = jnp.argsort(nbkey)
    key_s = nbkey[order_e]
    src_s = src[order_e]
    dloc_s = dst[order_e] - key_s * 256
    cnts = jnp.zeros((NBQ,), jnp.int32).at[nbkey].add(1)
    starts_e = jnp.concatenate([jnp.zeros((1,), jnp.int32),
                                jnp.cumsum(cnts)[:-1]])
    pce = jnp.maximum(-(-cnts // BME), 1) * BME
    pstarts_e = jnp.concatenate([jnp.zeros((1,), jnp.int32),
                                 jnp.cumsum(pce)[:-1]])
    dest_e = pstarts_e[key_s] + jnp.arange(E, dtype=jnp.int32) - starts_e[key_s]
    src_pad = jnp.zeros((PE,), jnp.int32).at[dest_e].set(src_s)
    dloc_pad = jnp.full((PE,), 256, jnp.int32).at[dest_e].set(dloc_s)
    bidx_e = jnp.arange(PE // BME, dtype=jnp.int32) * BME
    blk_nb = jnp.clip(
        jnp.searchsorted(pstarts_e, bidx_e, side="right").astype(jnp.int32) - 1,
        0, NBQ - 1)
    first_e = (bidx_e == pstarts_e[blk_nb]).astype(jnp.int32)

    sup, res = _tc_support_res(feats, gc_W, res_W, res_b, BM)
    x_e = _gather_sc(sup, src_pad)
    agg = _tc_onehot_agg(blk_nb, first_e, x_e,
                         dloc_pad.reshape(PE // BME, 1, BME), BME, NBQ)[:N]

    z1, s1 = _tc_zsum(agg, res, gc_b, BM)
    mu1 = (s1[0] / N)[None, :]
    vs1 = _tc_varsum(z1, mu1, BM)
    a1, c1 = _bn_coeffs(mu1, vs1, bn1_g, bn1_b, N)
    new, ei_out, gv_out = _tc_bn_gate(z1, a1, c1, gate_W, gate_b, BM)

    ei = ei_out[:, :K].reshape(-1)
    gv = gv_out[:, :K].reshape(-1)
    tok = jnp.arange(N * K, dtype=jnp.int32) // K
    order = jnp.argsort(ei)
    es = ei[order]
    toks = tok[order]
    gs = gv[order]
    counts = jnp.zeros((NE,), jnp.int32).at[ei].add(1)
    starts = jnp.concatenate([jnp.zeros((1,), jnp.int32),
                              jnp.cumsum(counts)[:-1]])
    pc = ((counts + BMC - 1) // BMC) * BMC
    pstarts = jnp.concatenate([jnp.zeros((1,), jnp.int32),
                               jnp.cumsum(pc)[:-1]])
    pos = jnp.arange(N * K, dtype=jnp.int32) - starts[es]
    dest = pstarts[es] + pos
    tok_disp = jnp.zeros((P,), jnp.int32).at[dest].set(toks)
    g_disp = jnp.zeros((P,), F32).at[dest].set(gs)
    g_bc = jnp.broadcast_to(g_disp[:, None], (P, 128))
    blk_e = jnp.clip(
        jnp.searchsorted(pstarts, jnp.arange(P // BMC, dtype=jnp.int32) * BMC,
                         side="right").astype(jnp.int32) - 1, 0, NE - 1)

    x_disp = _gather_sc(new, tok_disp)
    y_disp = _tc_moe_mlp(blk_e, x_disp, w1, b1, w2, b2, g_bc, BMC)
    pos_t = jnp.zeros((N * K,), jnp.int32).at[order].set(dest)
    PV = -(-(N * K) // 4096) * 4096
    pos_all = jnp.concatenate(
        [pos_t[0::2], pos_t[1::2],
         jnp.zeros((PV - N * K,), jnp.int32)])
    v = _gather_sc(y_disp, pos_all)

    z2, s2 = _tc_add_sum(new, v, BM)
    mu2 = (s2[0] / N)[None, :]
    vs2 = _tc_varsum(z2, mu2, BM)
    a2, c2 = _bn_coeffs(mu2, vs2, bn2_g, bn2_b, N)
    return _tc_affine(z2, a2, c2, BM)

# --- scband reference (transcript-rebuilt; emitter-appended) ---
"""Pipeline reference for scband-graph-conv-block-26740466385633 (READ-ONLY COPY).

The authoritative reference and input builder live on the scoring server;
editing this copy changes nothing except your own understanding.
"""

import jax, jax.numpy as jnp
import numpy as np

N = 10000
D = 256
H = 512  # d_inner = out_feats * 2
NE = 64  # moe_num_expert
K = 2    # moe_top_k
EDGES = 160000


def setup_inputs(seed: int = 0) -> dict:
    key = jax.random.key(seed)
    ks = jax.random.split(key, 16)
    feats = jax.random.normal(ks[0], (N, D), dtype=jnp.float32)
    edge_index = jax.random.randint(ks[1], (2, EDGES), 0, N, dtype=jnp.int32)
    gc_W = jax.random.normal(ks[2], (D, D), dtype=jnp.float32) * (1.0 / np.sqrt(D))
    gc_b = jnp.zeros((D,), dtype=jnp.float32)
    res_W = jax.random.normal(ks[3], (D, D), dtype=jnp.float32) * (1.0 / np.sqrt(D))
    res_b = jnp.zeros((D,), dtype=jnp.float32)
    bn1_g = jnp.ones((D,), dtype=jnp.float32)
    bn1_b = jnp.zeros((D,), dtype=jnp.float32)
    gate_W = jax.random.normal(ks[4], (D, NE), dtype=jnp.float32) * 0.05
    gate_b = jnp.zeros((NE,), dtype=jnp.float32)
    w1 = jax.random.normal(ks[5], (NE, D, H), dtype=jnp.float32) * (1.0 / np.sqrt(D))
    b1 = jnp.zeros((NE, H), dtype=jnp.float32)
    w2 = jax.random.normal(ks[6], (NE, H, D), dtype=jnp.float32) * (1.0 / np.sqrt(H))
    b2 = jnp.zeros((NE, D), dtype=jnp.float32)
    bn2_g = jnp.ones((D,), dtype=jnp.float32)
    bn2_b = jnp.zeros((D,), dtype=jnp.float32)
    return {"feats": feats, "edge_index": edge_index, "gc_W": gc_W, "gc_b": gc_b,
            "res_W": res_W, "res_b": res_b, "bn1_g": bn1_g, "bn1_b": bn1_b,
            "gate_W": gate_W, "gate_b": gate_b, "w1": w1, "b1": b1, "w2": w2, "b2": b2,
            "bn2_g": bn2_g, "bn2_b": bn2_b}


def _batchnorm(x, g, b, eps=1e-5):
    mu = jnp.mean(x, axis=0)
    var = jnp.var(x, axis=0)  # biased, matches torch training-mode normalization
    return (x - mu) / jnp.sqrt(var + eps) * g + b


def reference(feats, edge_index, gc_W, gc_b, res_W, res_b, bn1_g, bn1_b,
              gate_W, gate_b, w1, b1, w2, b2, bn2_g, bn2_b):
    src = edge_index[0]
    dst = edge_index[1]
    # GraphConv: support = x @ W ; out = spmm(A, support) (+ bias)
    support = feats @ gc_W
    agg = jax.ops.segment_sum(support[src], dst, num_segments=N) + gc_b
    # residual linear (activation=None), dropout=0 -> identity
    res = feats @ res_W + res_b
    new = _batchnorm(agg + res, bn1_g, bn1_b)
    # CustomizedMoEPositionwiseFF: NaiveGate top-2, per-expert 2-layer MLP with exact GELU
    logits = new @ gate_W + gate_b
    topv, topi = jax.lax.top_k(logits, K)
    gate = jax.nn.softmax(topv, axis=-1)

    def _expert_body(e, acc):
        w = jnp.sum(gate * (topi == e).astype(gate.dtype), axis=-1)
        h = jax.nn.gelu(new @ w1[e] + b1[e], approximate=False)
        y = h @ w2[e] + b2[e]
        return acc + w[:, None] * y

    out_moe = jax.lax.fori_loop(0, NE, _expert_body, jnp.zeros_like(new))
    # dropout=0 -> identity; final BatchNorm over (inp + core_out)
    out = _batchnorm(new + out_moe, bn2_g, bn2_b)
    return out

if __name__ == "__main__":
    import jax
    _d = setup_inputs()
    print(jax.jit(kernel)(*tuple(_d.values())))

</pallas_src>

<mosaic_0001>
#map = affine_map<(d0, d1) -> (0, 0)>
#map1 = affine_map<(d0, d1) -> (0)>
module attributes {stable_mosaic.version = 14 : i64} {
  func.func @k(%arg0: i32, %arg1: i32, %arg2: memref<10000x256xf32, #tpu.memory_space<hbm>>, %arg3: memref<181248xi32, #tpu.memory_space<hbm>>, %arg4: memref<181248x256xf32, #tpu.memory_space<hbm>>, %arg5: memref<5664xi32, #tpu.memory_space<vmem>>, %arg6: memref<384x256xf32, #tpu.memory_space<vmem>>, %arg7: memref<!tpu.dma_semaphore, #tpu.memory_space<semaphore_mem>>, %arg8: memref<!tpu.dma_semaphore, #tpu.memory_space<semaphore_mem>>) attributes {dimension_semantics = [#tpu.dimension_semantics<core_parallel>, #tpu.dimension_semantics<subcore_parallel>], iteration_bounds = array<i64: 2, 16>, scalar_prefetch = 0 : i64, scratch_operands = 4 : i64, tpu.core_type = #tpu.core_type<sc_vector_subcore>, window_params = [{transform_indices = #map}, {transform_indices = #map1}, {transform_indices = #map}]} {
    %mul3A = arith.constant 2 : i32
    %mul3A_0 = arith.muli %arg1, %mul3A : i32
    %add3A = arith.addi %mul3A_0, %arg0 : i32
    %mul3A_1 = arith.constant 5664 : i32
    %mul3A_2 = arith.muli %add3A, %mul3A_1 : i32
    "tpu.region"() ({
      %run_scoped3A = tpu.sem_alloc : memref<!tpu.dma_semaphore, #tpu.memory_space<semaphore_mem>>
      %dma_start3A_61 = tpu.memref_slice %arg3[%mul3A_2] : memref<181248xi32, #tpu.memory_space<hbm>> -> memref<5664xi32, #tpu.memory_space<hbm>>
      %dma_start3A_62 = tpu.memref_slice %arg3[%mul3A_2] : memref<181248xi32, #tpu.memory_space<hbm>> -> memref<5664xi32, #tpu.memory_space<hbm>>
      tpu.enqueue_dma source(%dma_start3A_62 : memref<5664xi32, #tpu.memory_space<hbm>>) target(%arg5 : memref<5664xi32, #tpu.memory_space<vmem>>) target_semaphore(%run_scoped3A : memref<!tpu.dma_semaphore, #tpu.memory_space<semaphore_mem>>)
      %dma_wait3A_63 = tpu.memref_slice %arg3[%mul3A_2] : memref<181248xi32, #tpu.memory_space<hbm>> -> memref<5664xi32, #tpu.memory_space<hbm>>
      %dma_wait3A_64 = tpu.memref_slice %arg3[%mul3A_2] : memref<181248xi32, #tpu.memory_space<hbm>> -> memref<5664xi32, #tpu.memory_space<hbm>>
      tpu.wait_dma2 semaphore(%run_scoped3A : memref<!tpu.dma_semaphore, #tpu.memory_space<semaphore_mem>>) src(%dma_wait3A_64 : memref<5664xi32, #tpu.memory_space<hbm>>) dst(%arg5 : memref<5664xi32, #tpu.memory_space<vmem>>)
      tpu.yield
    }) : () -> ()
    %scan3A = arith.constant 0 : i32
    %scan3A_3 = arith.constant 0 : i32
    %scan3A_4 = arith.constant 14 : i32
    %scan3A_5 = arith.addi %scan3A_3, %scan3A_4 : i32
    %scan3A_6 = arith.constant 1 : i32
    %scan3A_7 = scf.for %scan3A_61 = %scan3A_3 to %scan3A_5 step %scan3A_6 iter_args(%scan3A_62 = %scan3A) -> (i32)  : i32 {
      %mul3A_63 = arith.constant 4 : i32
      %mul3A_64 = arith.muli %scan3A_61, %mul3A_63 : i32
      %add3A_65 = arith.constant 0 : i32
      %add3A_66 = arith.addi %mul3A_64, %add3A_65 : i32
      %mul3A_67 = arith.constant 96 : i32
      %mul3A_68 = arith.muli %add3A_66, %mul3A_67 : i32
      %dma_start3A_69 = arith.constant 0 : i32
      %dma_start3A_70 = arith.constant 0 : i32
      %dma_start3A_71 = tpu.memref_slice %arg6[%dma_start3A_69, %dma_start3A_70] : memref<384x256xf32, #tpu.memory_space<vmem>> -> memref<96x256xf32, #tpu.memory_space<vmem>>
      %dma_start3A_72 = tpu.memref_slice %arg5[%mul3A_68] : memref<5664xi32, #tpu.memory_space<vmem>> -> memref<96xi32, #tpu.memory_space<vmem>>
      %dma_start3A_73 = arith.constant 0 : i32
      %dma_start3A_74 = arith.constant 0 : i32
      %dma_start3A_75 = tpu.memref_slice %arg2[%dma_start3A_73, %dma_start3A_74] : memref<10000x256xf32, #tpu.memory_space<hbm>> -> memref<10000x256xf32, #tpu.memory_space<hbm>>
      tpu.enqueue_indirect_dma source(%dma_start3A_75 : memref<10000x256xf32, #tpu.memory_space<hbm>>) target(%dma_start3A_71 : memref<96x256xf32, #tpu.memory_space<vmem>>) offsets(%dma_start3A_72 : memref<96xi32, #tpu.memory_space<vmem>>) semaphore(%arg7 : memref<!tpu.dma_semaphore, #tpu.memory_space<semaphore_mem>>)
      %add3A_76 = arith.constant 1 : i32
      %add3A_77 = arith.addi %mul3A_64, %add3A_76 : i32
      %mul3A_78 = arith.constant 96 : i32
      %mul3A_79 = arith.muli %add3A_77, %mul3A_78 : i32
      %dma_start3A_80 = arith.constant 96 : i32
      %dma_start3A_81 = arith.constant 0 : i32
      %dma_start3A_82 = tpu.memref_slice %arg6[%dma_start3A_80, %dma_start3A_81] : memref<384x256xf32, #tpu.memory_space<vmem>> -> memref<96x256xf32, #tpu.memory_space<vmem>>
      %dma_start3A_83 = tpu.memref_slice %arg5[%mul3A_79] : memref<5664xi32, #tpu.memory_space<vmem>> -> memref<96xi32, #tpu.memory_space<vmem>>
      %dma_start3A_84 = arith.constant 0 : i32
      %dma_start3A_85 = arith.constant 0 : i32
      %dma_start3A_86 = tpu.memref_slice %arg2[%dma_start3A_84, %dma_start3A_85] : memref<10000x256xf32, #tpu.memory_space<hbm>> -> memref<10000x256xf32, #tpu.memory_space<hbm>>
      tpu.enqueue_indirect_dma source(%dma_start3A_86 : memref<10000x256xf32, #tpu.memory_space<hbm>>) target(%dma_start3A_82 : memref<96x256xf32, #tpu.memory_space<vmem>>) offsets(%dma_start3A_83 : memref<96xi32, #tpu.memory_space<vmem>>) semaphore(%arg7 : memref<!tpu.dma_semaphore, #tpu.memory_space<semaphore_mem>>)
      %add3A_87 = arith.constant 2 : i32
      %add3A_88 = arith.addi %mul3A_64, %add3A_87 : i32
      %mul3A_89 = arith.constant 96 : i32
      %mul3A_90 = arith.muli %add3A_88, %mul3A_89 : i32
      %dma_start3A_91 = arith.constant 192 : i32
      %dma_start3A_92 = arith.constant 0 : i32
      %dma_start3A_93 = tpu.memref_slice %arg6[%dma_start3A_91, %dma_start3A_92] : memref<384x256xf32, #tpu.memory_space<vmem>> -> memref<96x256xf32, #tpu.memory_space<vmem>>
      %dma_start3A_94 = tpu.memref_slice %arg5[%mul3A_90] : memref<5664xi32, #tpu.memory_space<vmem>> -> memref<96xi32, #tpu.memory_space<vmem>>
      %dma_start3A_95 = arith.constant 0 : i32
      %dma_start3A_96 = arith.constant 0 : i32
      %dma_start3A_97 = tpu.memref_slice %arg2[%dma_start3A_95, %dma_start3A_96] : memref<10000x256xf32, #tpu.memory_space<hbm>> -> memref<10000x256xf32, #tpu.memory_space<hbm>>
      tpu.enqueue_indirect_dma source(%dma_start3A_97 : memref<10000x256xf32, #tpu.memory_space<hbm>>) target(%dma_start3A_93 : memref<96x256xf32, #tpu.memory_space<vmem>>) offsets(%dma_start3A_94 : memref<96xi32, #tpu.memory_space<vmem>>) semaphore(%arg7 : memref<!tpu.dma_semaphore, #tpu.memory_space<semaphore_mem>>)
      %add3A_98 = arith.constant 3 : i32
      %add3A_99 = arith.addi %mul3A_64, %add3A_98 : i32
      %mul3A_100 = arith.constant 96 : i32
      %mul3A_101 = arith.muli %add3A_99, %mul3A_100 : i32
      %dma_start3A_102 = arith.constant 288 : i32
      %dma_start3A_103 = arith.constant 0 : i32
      %dma_start3A_104 = tpu.memref_slice %arg6[%dma_start3A_102, %dma_start3A_103] : memref<384x256xf32, #tpu.memory_space<vmem>> -> memref<96x256xf32, #tpu.memory_space<vmem>>
      %dma_start3A_105 = tpu.memref_slice %arg5[%mul3A_101] : memref<5664xi32, #tpu.memory_space<vmem>> -> memref<96xi32, #tpu.memory_space<vmem>>
      %dma_start3A_106 = arith.constant 0 : i32
      %dma_start3A_107 = arith.constant 0 : i32
      %dma_start3A_108 = tpu.memref_slice %arg2[%dma_start3A_106, %dma_start3A_107] : memref<10000x256xf32, #tpu.memory_space<hbm>> -> memref<10000x256xf32, #tpu.memory_space<hbm>>
      tpu.enqueue_indirect_dma source(%dma_start3A_108 : memref<10000x256xf32, #tpu.memory_space<hbm>>) target(%dma_start3A_104 : memref<96x256xf32, #tpu.memory_space<vmem>>) offsets(%dma_start3A_105 : memref<96xi32, #tpu.memory_space<vmem>>) semaphore(%arg7 : memref<!tpu.dma_semaphore, #tpu.memory_space<semaphore_mem>>)
      %dma_wait3A_109 = arith.constant 0 : i32
      %dma_wait3A_110 = arith.constant 0 : i32
      %dma_wait3A_111 = tpu.memref_slice %arg6[%dma_wait3A_109, %dma_wait3A_110] : memref<384x256xf32, #tpu.memory_space<vmem>> -> memref<96x256xf32, #tpu.memory_space<vmem>>
      %dma_wait3A_112 = tpu.memref_slice %arg5[%mul3A_68] : memref<5664xi32, #tpu.memory_space<vmem>> -> memref<96xi32, #tpu.memory_space<vmem>>
      %dma_wait3A_113 = arith.constant 0 : i32
      %dma_wait3A_114 = arith.constant 0 : i32
      %dma_wait3A_115 = tpu.memref_slice %arg2[%dma_wait3A_113, %dma_wait3A_114] : memref<10000x256xf32, #tpu.memory_space<hbm>> -> memref<10000x256xf32, #tpu.memory_space<hbm>>
      tpu.wait_indirect_dma semaphore(%arg7 : memref<!tpu.dma_semaphore, #tpu.memory_space<semaphore_mem>>) src(%dma_wait3A_115 : memref<10000x256xf32, #tpu.memory_space<hbm>>) dst(%dma_wait3A_111 : memref<96x256xf32, #tpu.memory_space<vmem>>)
      %dma_wait3A_116 = arith.constant 96 : i32
      %dma_wait3A_117 = arith.constant 0 : i32
      %dma_wait3A_118 = tpu.memref_slice %arg6[%dma_wait3A_116, %dma_wait3A_117] : memref<384x256xf32, #tpu.memory_space<vmem>> -> memref<96x256xf32, #tpu.memory_space<vmem>>
      %dma_wait3A_119 = tpu.memref_slice %arg5[%mul3A_79] : memref<5664xi32, #tpu.memory_space<vmem>> -> memref<96xi32, #tpu.memory_space<vmem>>
      %dma_wait3A_120 = arith.constant 0 : i32
      %dma_wait3A_121 = arith.constant 0 : i32
      %dma_wait3A_122 = tpu.memref_slice %arg2[%dma_wait3A_120, %dma_wait3A_121] : memref<10000x256xf32, #tpu.memory_space<hbm>> -> memref<10000x256xf32, #tpu.memory_space<hbm>>
      tpu.wait_indirect_dma semaphore(%arg7 : memref<!tpu.dma_semaphore, #tpu.memory_space<semaphore_mem>>) src(%dma_wait3A_122 : memref<10000x256xf32, #tpu.memory_space<hbm>>) dst(%dma_wait3A_118 : memref<96x256xf32, #tpu.memory_space<vmem>>)
      %dma_wait3A_123 = arith.constant 192 : i32
      %dma_wait3A_124 = arith.constant 0 : i32
      %dma_wait3A_125 = tpu.memref_slice %arg6[%dma_wait3A_123, %dma_wait3A_124] : memref<384x256xf32, #tpu.memory_space<vmem>> -> memref<96x256xf32, #tpu.memory_space<vmem>>
      %dma_wait3A_126 = tpu.memref_slice %arg5[%mul3A_90] : memref<5664xi32, #tpu.memory_space<vmem>> -> memref<96xi32, #tpu.memory_space<vmem>>
      %dma_wait3A_127 = arith.constant 0 : i32
      %dma_wait3A_128 = arith.constant 0 : i32
      %dma_wait3A_129 = tpu.memref_slice %arg2[%dma_wait3A_127, %dma_wait3A_128] : memref<10000x256xf32, #tpu.memory_space<hbm>> -> memref<10000x256xf32, #tpu.memory_space<hbm>>
      tpu.wait_indirect_dma semaphore(%arg7 : memref<!tpu.dma_semaphore, #tpu.memory_space<semaphore_mem>>) src(%dma_wait3A_129 : memref<10000x256xf32, #tpu.memory_space<hbm>>) dst(%dma_wait3A_125 : memref<96x256xf32, #tpu.memory_space<vmem>>)
      %dma_wait3A_130 = arith.constant 288 : i32
      %dma_wait3A_131 = arith.constant 0 : i32
      %dma_wait3A_132 = tpu.memref_slice %arg6[%dma_wait3A_130, %dma_wait3A_131] : memref<384x256xf32, #tpu.memory_space<vmem>> -> memref<96x256xf32, #tpu.memory_space<vmem>>
      %dma_wait3A_133 = tpu.memref_slice %arg5[%mul3A_101] : memref<5664xi32, #tpu.memory_space<vmem>> -> memref<96xi32, #tpu.memory_space<vmem>>
      %dma_wait3A_134 = arith.constant 0 : i32
      %dma_wait3A_135 = arith.constant 0 : i32
      %dma_wait3A_136 = tpu.memref_slice %arg2[%dma_wait3A_134, %dma_wait3A_135] : memref<10000x256xf32, #tpu.memory_space<hbm>> -> memref<10000x256xf32, #tpu.memory_space<hbm>>
      tpu.wait_indirect_dma semaphore(%arg7 : memref<!tpu.dma_semaphore, #tpu.memory_space<semaphore_mem>>) src(%dma_wait3A_136 : memref<10000x256xf32, #tpu.memory_space<hbm>>) dst(%dma_wait3A_132 : memref<96x256xf32, #tpu.memory_space<vmem>>)
      %mul3A_137 = arith.constant 96 : i32
      %mul3A_138 = arith.muli %mul3A_64, %mul3A_137 : i32
      %add3A_139 = arith.addi %mul3A_2, %mul3A_138 : i32
      %dma_start3A_140 = arith.constant 0 : i32
      %dma_start3A_141 = tpu.memref_slice %arg4[%add3A_139, %dma_start3A_140] : memref<181248x256xf32, #tpu.memory_space<hbm>> -> memref<384x256xf32, #tpu.memory_space<hbm>>
      %dma_start3A_142 = arith.constant 0 : i32
      %dma_start3A_143 = tpu.memref_slice %arg4[%add3A_139, %dma_start3A_142] : memref<181248x256xf32, #tpu.memory_space<hbm>> -> memref<384x256xf32, #tpu.memory_space<hbm>>
      tpu.enqueue_dma source(%arg6 : memref<384x256xf32, #tpu.memory_space<vmem>>) target(%dma_start3A_143 : memref<384x256xf32, #tpu.memory_space<hbm>>) target_semaphore(%arg8 : memref<!tpu.dma_semaphore, #tpu.memory_space<semaphore_mem>>)
      %dma_wait3A_144 = arith.constant 0 : i32
      %dma_wait3A_145 = tpu.memref_slice %arg4[%add3A_139, %dma_wait3A_144] : memref<181248x256xf32, #tpu.memory_space<hbm>> -> memref<384x256xf32, #tpu.memory_space<hbm>>
      %dma_wait3A_146 = arith.constant 0 : i32
      %dma_wait3A_147 = tpu.memref_slice %arg4[%add3A_139, %dma_wait3A_146] : memref<181248x256xf32, #tpu.memory_space<hbm>> -> memref<384x256xf32, #tpu.memory_space<hbm>>
      tpu.wait_dma2 semaphore(%arg8 : memref<!tpu.dma_semaphore, #tpu.memory_space<semaphore_mem>>) src(%arg6 : memref<384x256xf32, #tpu.memory_space<vmem>>) dst(%dma_wait3A_147 : memref<384x256xf32, #tpu.memory_space<hbm>>)
      %scan3A_148 = arith.constant 0 : i32
      scf.yield %scan3A_148 : i32
    }
    %scan3A_8 = arith.constant 14 : i32
    %dma_start3A = arith.constant 0 : i32
    %dma_start3A_9 = arith.constant 0 : i32
    %dma_start3A_10 = tpu.memref_slice %arg6[%dma_start3A, %dma_start3A_9] : memref<384x256xf32, #tpu.memory_space<vmem>> -> memref<96x256xf32, #tpu.memory_space<vmem>>
    %dma_start3A_11 = arith.constant 5376 : i32
    %dma_start3A_12 = tpu.memref_slice %arg5[%dma_start3A_11] : memref<5664xi32, #tpu.memory_space<vmem>> -> memref<96xi32, #tpu.memory_space<vmem>>
    %dma_start3A_13 = arith.constant 0 : i32
    %dma_start3A_14 = arith.constant 0 : i32
    %dma_start3A_15 = tpu.memref_slice %arg2[%dma_start3A_13, %dma_start3A_14] : memref<10000x256xf32, #tpu.memory_space<hbm>> -> memref<10000x256xf32, #tpu.memory_space<hbm>>
    tpu.enqueue_indirect_dma source(%dma_start3A_15 : memref<10000x256xf32, #tpu.memory_space<hbm>>) target(%dma_start3A_10 : memref<96x256xf32, #tpu.memory_space<vmem>>) offsets(%dma_start3A_12 : memref<96xi32, #tpu.memory_space<vmem>>) semaphore(%arg7 : memref<!tpu.dma_semaphore, #tpu.memory_space<semaphore_mem>>)
    %dma_wait3A = arith.constant 0 : i32
    %dma_wait3A_16 = arith.constant 0 : i32
    %dma_wait3A_17 = tpu.memref_slice %arg6[%dma_wait3A, %dma_wait3A_16] : memref<384x256xf32, #tpu.memory_space<vmem>> -> memref<96x256xf32, #tpu.memory_space<vmem>>
    %dma_wait3A_18 = arith.constant 5376 : i32
    %dma_wait3A_19 = tpu.memref_slice %arg5[%dma_wait3A_18] : memref<5664xi32, #tpu.memory_space<vmem>> -> memref<96xi32, #tpu.memory_space<vmem>>
    %dma_wait3A_20 = arith.constant 0 : i32
    %dma_wait3A_21 = arith.constant 0 : i32
    %dma_wait3A_22 = tpu.memref_slice %arg2[%dma_wait3A_20, %dma_wait3A_21] : memref<10000x256xf32, #tpu.memory_space<hbm>> -> memref<10000x256xf32, #tpu.memory_space<hbm>>
    tpu.wait_indirect_dma semaphore(%arg7 : memref<!tpu.dma_semaphore, #tpu.memory_space<semaphore_mem>>) src(%dma_wait3A_22 : memref<10000x256xf32, #tpu.memory_space<hbm>>) dst(%dma_wait3A_17 : memref<96x256xf32, #tpu.memory_space<vmem>>)
    %add3A_23 = arith.constant 5376 : i32
    %add3A_24 = arith.addi %mul3A_2, %add3A_23 : i32
    "tpu.region"() ({
      %run_scoped3A = tpu.sem_alloc : memref<!tpu.dma_semaphore, #tpu.memory_space<semaphore_mem>>
      %dma_start3A_61 = arith.constant 0 : i32
      %dma_start3A_62 = arith.constant 0 : i32
      %dma_start3A_63 = tpu.memref_slice %arg6[%dma_start3A_61, %dma_start3A_62] : memref<384x256xf32, #tpu.memory_space<vmem>> -> memref<96x256xf32, #tpu.memory_space<vmem>>
      %dma_start3A_64 = arith.constant 0 : i32
      %dma_start3A_65 = tpu.memref_slice %arg4[%add3A_24, %dma_start3A_64] : memref<181248x256xf32, #tpu.memory_space<hbm>> -> memref<96x256xf32, #tpu.memory_space<hbm>>
      %dma_start3A_66 = arith.constant 0 : i32
      %dma_start3A_67 = tpu.memref_slice %arg4[%add3A_24, %dma_start3A_66] : memref<181248x256xf32, #tpu.memory_space<hbm>> -> memref<96x256xf32, #tpu.memory_space<hbm>>
      %dma_start3A_68 = arith.constant 0 : i32
      %dma_start3A_69 = arith.constant 0 : i32
      %dma_start3A_70 = tpu.memref_slice %arg6[%dma_start3A_68, %dma_start3A_69] : memref<384x256xf32, #tpu.memory_space<vmem>> -> memref<96x256xf32, #tpu.memory_space<vmem>>
      tpu.enqueue_dma source(%dma_start3A_70 : memref<96x256xf32, #tpu.memory_space<vmem>>) target(%dma_start3A_67 : memref<96x256xf32, #tpu.memory_space<hbm>>) target_semaphore(%run_scoped3A : memref<!tpu.dma_semaphore, #tpu.memory_space<semaphore_mem>>)
      %dma_wait3A_71 = arith.constant 0 : i32
      %dma_wait3A_72 = arith.constant 0 : i32
      %dma_wait3A_73 = tpu.memref_slice %arg6[%dma_wait3A_71, %dma_wait3A_72] : memref<384x256xf32, #tpu.memory_space<vmem>> -> memref<96x256xf32, #tpu.memory_space<vmem>>
      %dma_wait3A_74 = arith.constant 0 : i32
      %dma_wait3A_75 = tpu.memref_slice %arg4[%add3A_24, %dma_wait3A_74] : memref<181248x256xf32, #tpu.memory_space<hbm>> -> memref<96x256xf32, #tpu.memory_space<hbm>>
      %dma_wait3A_76 = arith.constant 0 : i32
      %dma_wait3A_77 = tpu.memref_slice %arg4[%add3A_24, %dma_wait3A_76] : memref<181248x256xf32, #tpu.memory_space<hbm>> -> memref<96x256xf32, #tpu.memory_space<hbm>>
      %dma_wait3A_78 = arith.constant 0 : i32
      %dma_wait3A_79 = arith.constant 0 : i32
      %dma_wait3A_80 = tpu.memref_slice %arg6[%dma_wait3A_78, %dma_wait3A_79] : memref<384x256xf32, #tpu.memory_space<vmem>> -> memref<96x256xf32, #tpu.memory_space<vmem>>
      tpu.wait_dma2 semaphore(%run_scoped3A : memref<!tpu.dma_semaphore, #tpu.memory_space<semaphore_mem>>) src(%dma_wait3A_80 : memref<96x256xf32, #tpu.memory_space<vmem>>) dst(%dma_wait3A_77 : memref<96x256xf32, #tpu.memory_space<hbm>>)
      tpu.yield
    }) : () -> ()
    %dma_start3A_25 = arith.constant 96 : i32
    %dma_start3A_26 = arith.constant 0 : i32
    %dma_start3A_27 = tpu.memref_slice %arg6[%dma_start3A_25, %dma_start3A_26] : memref<384x256xf32, #tpu.memory_space<vmem>> -> memref<96x256xf32, #tpu.memory_space<vmem>>
    %dma_start3A_28 = arith.constant 5472 : i32
    %dma_start3A_29 = tpu.memref_slice %arg5[%dma_start3A_28] : memref<5664xi32, #tpu.memory_space<vmem>> -> memref<96xi32, #tpu.memory_space<vmem>>
    %dma_start3A_30 = arith.constant 0 : i32
    %dma_start3A_31 = arith.constant 0 : i32
    %dma_start3A_32 = tpu.memref_slice %arg2[%dma_start3A_30, %dma_start3A_31] : memref<10000x256xf32, #tpu.memory_space<hbm>> -> memref<10000x256xf32, #tpu.memory_space<hbm>>
    tpu.enqueue_indirect_dma source(%dma_start3A_32 : memref<10000x256xf32, #tpu.memory_space<hbm>>) target(%dma_start3A_27 : memref<96x256xf32, #tpu.memory_space<vmem>>) offsets(%dma_start3A_29 : memref<96xi32, #tpu.memory_space<vmem>>) semaphore(%arg7 : memref<!tpu.dma_semaphore, #tpu.memory_space<semaphore_mem>>)
    %dma_wait3A_33 = arith.constant 96 : i32
    %dma_wait3A_34 = arith.constant 0 : i32
    %dma_wait3A_35 = tpu.memref_slice %arg6[%dma_wait3A_33, %dma_wait3A_34] : memref<384x256xf32, #tpu.memory_space<vmem>> -> memref<96x256xf32, #tpu.memory_space<vmem>>
    %dma_wait3A_36 = arith.constant 5472 : i32
    %dma_wait3A_37 = tpu.memref_slice %arg5[%dma_wait3A_36] : memref<5664xi32, #tpu.memory_space<vmem>> -> memref<96xi32, #tpu.memory_space<vmem>>
    %dma_wait3A_38 = arith.constant 0 : i32
    %dma_wait3A_39 = arith.constant 0 : i32
    %dma_wait3A_40 = tpu.memref_slice %arg2[%dma_wait3A_38, %dma_wait3A_39] : memref<10000x256xf32, #tpu.memory_space<hbm>> -> memref<10000x256xf32, #tpu.memory_space<hbm>>
    tpu.wait_indirect_dma semaphore(%arg7 : memref<!tpu.dma_semaphore, #tpu.memory_space<semaphore_mem>>) src(%dma_wait3A_40 : memref<10000x256xf32, #tpu.memory_space<hbm>>) dst(%dma_wait3A_35 : memref<96x256xf32, #tpu.memory_space<vmem>>)
    %add3A_41 = arith.constant 5472 : i32
    %add3A_42 = arith.addi %mul3A_2, %add3A_41 : i32
    "tpu.region"() ({
      %run_scoped3A = tpu.sem_alloc : memref<!tpu.dma_semaphore, #tpu.memory_space<semaphore_mem>>
      %dma_start3A_61 = arith.constant 96 : i32
      %dma_start3A_62 = arith.constant 0 : i32
      %dma_start3A_63 = tpu.memref_slice %arg6[%dma_start3A_61, %dma_start3A_62] : memref<384x256xf32, #tpu.memory_space<vmem>> -> memref<96x256xf32, #tpu.memory_space<vmem>>
      %dma_start3A_64 = arith.constant 0 : i32
      %dma_start3A_65 = tpu.memref_slice %arg4[%add3A_42, %dma_start3A_64] : memref<181248x256xf32, #tpu.memory_space<hbm>> -> memref<96x256xf32, #tpu.memory_space<hbm>>
      %dma_start3A_66 = arith.constant 0 : i32
      %dma_start3A_67 = tpu.memref_slice %arg4[%add3A_42, %dma_start3A_66] : memref<181248x256xf32, #tpu.memory_space<hbm>> -> memref<96x256xf32, #tpu.memory_space<hbm>>
      %dma_start3A_68 = arith.constant 96 : i32
      %dma_start3A_69 = arith.constant 0 : i32
      %dma_start3A_70 = tpu.memref_slice %arg6[%dma_start3A_68, %dma_start3A_69] : memref<384x256xf32, #tpu.memory_space<vmem>> -> memref<96x256xf32, #tpu.memory_space<vmem>>
      tpu.enqueue_dma source(%dma_start3A_70 : memref<96x256xf32, #tpu.memory_space<vmem>>) target(%dma_start3A_67 : memref<96x256xf32, #tpu.memory_space<hbm>>) target_semaphore(%run_scoped3A : memref<!tpu.dma_semaphore, #tpu.memory_space<semaphore_mem>>)
      %dma_wait3A_71 = arith.constant 96 : i32
      %dma_wait3A_72 = arith.constant 0 : i32
      %dma_wait3A_73 = tpu.memref_slice %arg6[%dma_wait3A_71, %dma_wait3A_72] : memref<384x256xf32, #tpu.memory_space<vmem>> -> memref<96x256xf32, #tpu.memory_space<vmem>>
      %dma_wait3A_74 = arith.constant 0 : i32
      %dma_wait3A_75 = tpu.memref_slice %arg4[%add3A_42, %dma_wait3A_74] : memref<181248x256xf32, #tpu.memory_space<hbm>> -> memref<96x256xf32, #tpu.memory_space<hbm>>
      %dma_wait3A_76 = arith.constant 0 : i32
      %dma_wait3A_77 = tpu.memref_slice %arg4[%add3A_42, %dma_wait3A_76] : memref<181248x256xf32, #tpu.memory_space<hbm>> -> memref<96x256xf32, #tpu.memory_space<hbm>>
      %dma_wait3A_78 = arith.constant 96 : i32
      %dma_wait3A_79 = arith.constant 0 : i32
      %dma_wait3A_80 = tpu.memref_slice %arg6[%dma_wait3A_78, %dma_wait3A_79] : memref<384x256xf32, #tpu.memory_space<vmem>> -> memref<96x256xf32, #tpu.memory_space<vmem>>
      tpu.wait_dma2 semaphore(%run_scoped3A : memref<!tpu.dma_semaphore, #tpu.memory_space<semaphore_mem>>) src(%dma_wait3A_80 : memref<96x256xf32, #tpu.memory_space<vmem>>) dst(%dma_wait3A_77 : memref<96x256xf32, #tpu.memory_space<hbm>>)
      tpu.yield
    }) : () -> ()
    %dma_start3A_43 = arith.constant 192 : i32
    %dma_start3A_44 = arith.constant 0 : i32
    %dma_start3A_45 = tpu.memref_slice %arg6[%dma_start3A_43, %dma_start3A_44] : memref<384x256xf32, #tpu.memory_space<vmem>> -> memref<96x256xf32, #tpu.memory_space<vmem>>
    %dma_start3A_46 = arith.constant 5568 : i32
    %dma_start3A_47 = tpu.memref_slice %arg5[%dma_start3A_46] : memref<5664xi32, #tpu.memory_space<vmem>> -> memref<96xi32, #tpu.memory_space<vmem>>
    %dma_start3A_48 = arith.constant 0 : i32
    %dma_start3A_49 = arith.constant 0 : i32
    %dma_start3A_50 = tpu.memref_slice %arg2[%dma_start3A_48, %dma_start3A_49] : memref<10000x256xf32, #tpu.memory_space<hbm>> -> memref<10000x256xf32, #tpu.memory_space<hbm>>
    tpu.enqueue_indirect_dma source(%dma_start3A_50 : memref<10000x256xf32, #tpu.memory_space<hbm>>) target(%dma_start3A_45 : memref<96x256xf32, #tpu.memory_space<vmem>>) offsets(%dma_start3A_47 : memref<96xi32, #tpu.memory_space<vmem>>) semaphore(%arg7 : memref<!tpu.dma_semaphore, #tpu.memory_space<semaphore_mem>>)
    %dma_wait3A_51 = arith.constant 192 : i32
    %dma_wait3A_52 = arith.constant 0 : i32
    %dma_wait3A_53 = tpu.memref_slice %arg6[%dma_wait3A_51, %dma_wait3A_52] : memref<384x256xf32, #tpu.memory_space<vmem>> -> memref<96x256xf32, #tpu.memory_space<vmem>>
    %dma_wait3A_54 = arith.constant 5568 : i32
    %dma_wait3A_55 = tpu.memref_slice %arg5[%dma_wait3A_54] : memref<5664xi32, #tpu.memory_space<vmem>> -> memref<96xi32, #tpu.memory_space<vmem>>
    %dma_wait3A_56 = arith.constant 0 : i32
    %dma_wait3A_57 = arith.constant 0 : i32
    %dma_wait3A_58 = tpu.memref_slice %arg2[%dma_wait3A_56, %dma_wait3A_57] : memref<10000x256xf32, #tpu.memory_space<hbm>> -> memref<10000x256xf32, #tpu.memory_space<hbm>>
    tpu.wait_indirect_dma semaphore(%arg7 : memref<!tpu.dma_semaphore, #tpu.memory_space<semaphore_mem>>) src(%dma_wait3A_58 : memref<10000x256xf32, #tpu.memory_space<hbm>>) dst(%dma_wait3A_53 : memref<96x256xf32, #tpu.memory_space<vmem>>)
    %add3A_59 = arith.constant 5568 : i32
    %add3A_60 = arith.addi %mul3A_2, %add3A_59 : i32
    "tpu.region"() ({
      %run_scoped3A = tpu.sem_alloc : memref<!tpu.dma_semaphore, #tpu.memory_space<semaphore_mem>>
      %dma_start3A_61 = arith.constant 192 : i32
      %dma_start3A_62 = arith.constant 0 : i32
      %dma_start3A_63 = tpu.memref_slice %arg6[%dma_start3A_61, %dma_start3A_62] : memref<384x256xf32, #tpu.memory_space<vmem>> -> memref<96x256xf32, #tpu.memory_space<vmem>>
      %dma_start3A_64 = arith.constant 0 : i32
      %dma_start3A_65 = tpu.memref_slice %arg4[%add3A_60, %dma_start3A_64] : memref<181248x256xf32, #tpu.memory_space<hbm>> -> memref<96x256xf32, #tpu.memory_space<hbm>>
      %dma_start3A_66 = arith.constant 0 : i32
      %dma_start3A_67 = tpu.memref_slice %arg4[%add3A_60, %dma_start3A_66] : memref<181248x256xf32, #tpu.memory_space<hbm>> -> memref<96x256xf32, #tpu.memory_space<hbm>>
      %dma_start3A_68 = arith.constant 192 : i32
      %dma_start3A_69 = arith.constant 0 : i32
      %dma_start3A_70 = tpu.memref_slice %arg6[%dma_start3A_68, %dma_start3A_69] : memref<384x256xf32, #tpu.memory_space<vmem>> -> memref<96x256xf32, #tpu.memory_space<vmem>>
      tpu.enqueue_dma source(%dma_start3A_70 : memref<96x256xf32, #tpu.memory_space<vmem>>) target(%dma_start3A_67 : memref<96x256xf32, #tpu.memory_space<hbm>>) target_semaphore(%run_scoped3A : memref<!tpu.dma_semaphore, #tpu.memory_space<semaphore_mem>>)
      %dma_wait3A_71 = arith.constant 192 : i32
      %dma_wait3A_72 = arith.constant 0 : i32
      %dma_wait3A_73 = tpu.memref_slice %arg6[%dma_wait3A_71, %dma_wait3A_72] : memref<384x256xf32, #tpu.memory_space<vmem>> -> memref<96x256xf32, #tpu.memory_space<vmem>>
      %dma_wait3A_74 = arith.constant 0 : i32
      %dma_wait3A_75 = tpu.memref_slice %arg4[%add3A_60, %dma_wait3A_74] : memref<181248x256xf32, #tpu.memory_space<hbm>> -> memref<96x256xf32, #tpu.memory_space<hbm>>
      %dma_wait3A_76 = arith.constant 0 : i32
      %dma_wait3A_77 = tpu.memref_slice %arg4[%add3A_60, %dma_wait3A_76] : memref<181248x256xf32, #tpu.memory_space<hbm>> -> memref<96x256xf32, #tpu.memory_space<hbm>>
      %dma_wait3A_78 = arith.constant 192 : i32
      %dma_wait3A_79 = arith.constant 0 : i32
      %dma_wait3A_80 = tpu.memref_slice %arg6[%dma_wait3A_78, %dma_wait3A_79] : memref<384x256xf32, #tpu.memory_space<vmem>> -> memref<96x256xf32, #tpu.memory_space<vmem>>
      tpu.wait_dma2 semaphore(%run_scoped3A : memref<!tpu.dma_semaphore, #tpu.memory_space<semaphore_mem>>) src(%dma_wait3A_80 : memref<96x256xf32, #tpu.memory_space<vmem>>) dst(%dma_wait3A_77 : memref<96x256xf32, #tpu.memory_space<hbm>>)
      tpu.yield
    }) : () -> ()
    return
  }
}

#map = affine_map<(d0, d1) -> (0, 0)>
#map1 = affine_map<(d0, d1) -> (0)>
module attributes {stable_mosaic.version = 14 : i64} {
  func.func @k(%arg0: i32, %arg1: i32, %arg2: memref<10000x256xf32, #tpu.memory_space<hbm>>, %arg3: memref<28672xi32, #tpu.memory_space<hbm>>, %arg4: memref<28672x256xf32, #tpu.memory_space<hbm>>, %arg5: memref<896xi32, #tpu.memory_space<vmem>>, %arg6: memref<384x256xf32, #tpu.memory_space<vmem>>, %arg7: memref<!tpu.dma_semaphore, #tpu.memory_space<semaphore_mem>>, %arg8: memref<!tpu.dma_semaphore, #tpu.memory_space<semaphore_mem>>) attributes {dimension_semantics = [#tpu.dimension_semantics<core_parallel>, #tpu.dimension_semantics<subcore_parallel>], iteration_bounds = array<i64: 2, 16>, scalar_prefetch = 0 : i64, scratch_operands = 4 : i64, tpu.core_type = #tpu.core_type<sc_vector_subcore>, window_params = [{transform_indices = #map}, {transform_indices = #map1}, {transform_indices = #map}]} {
    %mul3A = arith.constant 2 : i32
    %mul3A_0 = arith.muli %arg1, %mul3A : i32
    %add3A = arith.addi %mul3A_0, %arg0 : i32
    %mul3A_1 = arith.constant 896 : i32
    %mul3A_2 = arith.muli %add3A, %mul3A_1 : i32
    "tpu.region"() ({
      %run_scoped3A = tpu.sem_alloc : memref<!tpu.dma_semaphore, #tpu.memory_space<semaphore_mem>>
      %dma_start3A_25 = tpu.memref_slice %arg3[%mul3A_2] : memref<28672xi32, #tpu.memory_space<hbm>> -> memref<896xi32, #tpu.memory_space<hbm>>
      %dma_start3A_26 = tpu.memref_slice %arg3[%mul3A_2] : memref<28672xi32, #tpu.memory_space<hbm>> -> memref<896xi32, #tpu.memory_space<hbm>>
      tpu.enqueue_dma source(%dma_start3A_26 : memref<896xi32, #tpu.memory_space<hbm>>) target(%arg5 : memref<896xi32, #tpu.memory_space<vmem>>) target_semaphore(%run_scoped3A : memref<!tpu.dma_semaphore, #tpu.memory_space<semaphore_mem>>)
      %dma_wait3A_27 = tpu.memref_slice %arg3[%mul3A_2] : memref<28672xi32, #tpu.memory_space<hbm>> -> memref<896xi32, #tpu.memory_space<hbm>>
      %dma_wait3A_28 = tpu.memref_slice %arg3[%mul3A_2] : memref<28672xi32, #tpu.memory_space<hbm>> -> memref<896xi32, #tpu.memory_space<hbm>>
      tpu.wait_dma2 semaphore(%run_scoped3A : memref<!tpu.dma_semaphore, #tpu.memory_space<semaphore_mem>>) src(%dma_wait3A_28 : memref<896xi32, #tpu.memory_space<hbm>>) dst(%arg5 : memref<896xi32, #tpu.memory_space<vmem>>)
      tpu.yield
    }) : () -> ()
    %scan3A = arith.constant 0 : i32
    %scan3A_3 = arith.constant 0 : i32
    %scan3A_4 = arith.constant 2 : i32
    %scan3A_5 = arith.addi %scan3A_3, %scan3A_4 : i32
    %scan3A_6 = arith.constant 1 : i32
    %scan3A_7 = scf.for %scan3A_25 = %scan3A_3 to %scan3A_5 step %scan3A_6 iter_args(%scan3A_26 = %scan3A) -> (i32)  : i32 {
      %mul3A_27 = arith.constant 3 : i32
      %mul3A_28 = arith.muli %scan3A_25, %mul3A_27 : i32
      %add3A_29 = arith.constant 0 : i32
      %add3A_30 = arith.addi %mul3A_28, %add3A_29 : i32
      %mul3A_31 = arith.constant 128 : i32
      %mul3A_32 = arith.muli %add3A_30, %mul3A_31 : i32
      %dma_start3A_33 = arith.constant 0 : i32
      %dma_start3A_34 = arith.constant 0 : i32
      %dma_start3A_35 = tpu.memref_slice %arg6[%dma_start3A_33, %dma_start3A_34] : memref<384x256xf32, #tpu.memory_space<vmem>> -> memref<128x256xf32, #tpu.memory_space<vmem>>
      %dma_start3A_36 = tpu.memref_slice %arg5[%mul3A_32] : memref<896xi32, #tpu.memory_space<vmem>> -> memref<128xi32, #tpu.memory_space<vmem>>
      %dma_start3A_37 = arith.constant 0 : i32
      %dma_start3A_38 = arith.constant 0 : i32
      %dma_start3A_39 = tpu.memref_slice %arg2[%dma_start3A_37, %dma_start3A_38] : memref<10000x256xf32, #tpu.memory_space<hbm>> -> memref<10000x256xf32, #tpu.memory_space<hbm>>
      tpu.enqueue_indirect_dma source(%dma_start3A_39 : memref<10000x256xf32, #tpu.memory_space<hbm>>) target(%dma_start3A_35 : memref<128x256xf32, #tpu.memory_space<vmem>>) offsets(%dma_start3A_36 : memref<128xi32, #tpu.memory_space<vmem>>) semaphore(%arg7 : memref<!tpu.dma_semaphore, #tpu.memory_space<semaphore_mem>>)
      %add3A_40 = arith.constant 1 : i32
      %add3A_41 = arith.addi %mul3A_28, %add3A_40 : i32
      %mul3A_42 = arith.constant 128 : i32
      %mul3A_43 = arith.muli %add3A_41, %mul3A_42 : i32
      %dma_start3A_44 = arith.constant 128 : i32
      %dma_start3A_45 = arith.constant 0 : i32
      %dma_start3A_46 = tpu.memref_slice %arg6[%dma_start3A_44, %dma_start3A_45] : memref<384x256xf32, #tpu.memory_space<vmem>> -> memref<128x256xf32, #tpu.memory_space<vmem>>
      %dma_start3A_47 = tpu.memref_slice %arg5[%mul3A_43] : memref<896xi32, #tpu.memory_space<vmem>> -> memref<128xi32, #tpu.memory_space<vmem>>
      %dma_start3A_48 = arith.constant 0 : i32
      %dma_start3A_49 = arith.constant 0 : i32
      %dma_start3A_50 = tpu.memref_slice %arg2[%dma_start3A_48, %dma_start3A_49] : memref<10000x256xf32, #tpu.memory_space<hbm>> -> memref<10000x256xf32, #tpu.memory_space<hbm>>
      tpu.enqueue_indirect_dma source(%dma_start3A_50 : memref<10000x256xf32, #tpu.memory_space<hbm>>) target(%dma_start3A_46 : memref<128x256xf32, #tpu.memory_space<vmem>>) offsets(%dma_start3A_47 : memref<128xi32, #tpu.memory_space<vmem>>) semaphore(%arg7 : memref<!tpu.dma_semaphore, #tpu.memory_space<semaphore_mem>>)
      %add3A_51 = arith.constant 2 : i32
      %add3A_52 = arith.addi %mul3A_28, %add3A_51 : i32
      %mul3A_53 = arith.constant 128 : i32
      %mul3A_54 = arith.muli %add3A_52, %mul3A_53 : i32
      %dma_start3A_55 = arith.constant 256 : i32
      %dma_start3A_56 = arith.constant 0 : i32
      %dma_start3A_57 = tpu.memref_slice %arg6[%dma_start3A_55, %dma_start3A_56] : memref<384x256xf32, #tpu.memory_space<vmem>> -> memref<128x256xf32, #tpu.memory_space<vmem>>
      %dma_start3A_58 = tpu.memref_slice %arg5[%mul3A_54] : memref<896xi32, #tpu.memory_space<vmem>> -> memref<128xi32, #tpu.memory_space<vmem>>
      %dma_start3A_59 = arith.constant 0 : i32
      %dma_start3A_60 = arith.constant 0 : i32
      %dma_start3A_61 = tpu.memref_slice %arg2[%dma_start3A_59, %dma_start3A_60] : memref<10000x256xf32, #tpu.memory_space<hbm>> -> memref<10000x256xf32, #tpu.memory_space<hbm>>
      tpu.enqueue_indirect_dma source(%dma_start3A_61 : memref<10000x256xf32, #tpu.memory_space<hbm>>) target(%dma_start3A_57 : memref<128x256xf32, #tpu.memory_space<vmem>>) offsets(%dma_start3A_58 : memref<128xi32, #tpu.memory_space<vmem>>) semaphore(%arg7 : memref<!tpu.dma_semaphore, #tpu.memory_space<semaphore_mem>>)
      %dma_wait3A_62 = arith.constant 0 : i32
      %dma_wait3A_63 = arith.constant 0 : i32
      %dma_wait3A_64 = tpu.memref_slice %arg6[%dma_wait3A_62, %dma_wait3A_63] : memref<384x256xf32, #tpu.memory_space<vmem>> -> memref<128x256xf32, #tpu.memory_space<vmem>>
      %dma_wait3A_65 = tpu.memref_slice %arg5[%mul3A_32] : memref<896xi32, #tpu.memory_space<vmem>> -> memref<128xi32, #tpu.memory_space<vmem>>
      %dma_wait3A_66 = arith.constant 0 : i32
      %dma_wait3A_67 = arith.constant 0 : i32
      %dma_wait3A_68 = tpu.memref_slice %arg2[%dma_wait3A_66, %dma_wait3A_67] : memref<10000x256xf32, #tpu.memory_space<hbm>> -> memref<10000x256xf32, #tpu.memory_space<hbm>>
      tpu.wait_indirect_dma semaphore(%arg7 : memref<!tpu.dma_semaphore, #tpu.memory_space<semaphore_mem>>) src(%dma_wait3A_68 : memref<10000x256xf32, #tpu.memory_space<hbm>>) dst(%dma_wait3A_64 : memref<128x256xf32, #tpu.memory_space<vmem>>)
      %dma_wait3A_69 = arith.constant 128 : i32
      %dma_wait3A_70 = arith.constant 0 : i32
      %dma_wait3A_71 = tpu.memref_slice %arg6[%dma_wait3A_69, %dma_wait3A_70] : memref<384x256xf32, #tpu.memory_space<vmem>> -> memref<128x256xf32, #tpu.memory_space<vmem>>
      %dma_wait3A_72 = tpu.memref_slice %arg5[%mul3A_43] : memref<896xi32, #tpu.memory_space<vmem>> -> memref<128xi32, #tpu.memory_space<vmem>>
      %dma_wait3A_73 = arith.constant 0 : i32
      %dma_wait3A_74 = arith.constant 0 : i32
      %dma_wait3A_75 = tpu.memref_slice %arg2[%dma_wait3A_73, %dma_wait3A_74] : memref<10000x256xf32, #tpu.memory_space<hbm>> -> memref<10000x256xf32, #tpu.memory_space<hbm>>
      tpu.wait_indirect_dma semaphore(%arg7 : memref<!tpu.dma_semaphore, #tpu.memory_space<semaphore_mem>>) src(%dma_wait3A_75 : memref<10000x256xf32, #tpu.memory_space<hbm>>) dst(%dma_wait3A_71 : memref<128x256xf32, #tpu.memory_space<vmem>>)
      %dma_wait3A_76 = arith.constant 256 : i32
      %dma_wait3A_77 = arith.constant 0 : i32
      %dma_wait3A_78 = tpu.memref_slice %arg6[%dma_wait3A_76, %dma_wait3A_77] : memref<384x256xf32, #tpu.memory_space<vmem>> -> memref<128x256xf32, #tpu.memory_space<vmem>>
      %dma_wait3A_79 = tpu.memref_slice %arg5[%mul3A_54] : memref<896xi32, #tpu.memory_space<vmem>> -> memref<128xi32, #tpu.memory_space<vmem>>
      %dma_wait3A_80 = arith.constant 0 : i32
      %dma_wait3A_81 = arith.constant 0 : i32
      %dma_wait3A_82 = tpu.memref_slice %arg2[%dma_wait3A_80, %dma_wait3A_81] : memref<10000x256xf32, #tpu.memory_space<hbm>> -> memref<10000x256xf32, #tpu.memory_space<hbm>>
      tpu.wait_indirect_dma semaphore(%arg7 : memref<!tpu.dma_semaphore, #tpu.memory_space<semaphore_mem>>) src(%dma_wait3A_82 : memref<10000x256xf32, #tpu.memory_space<hbm>>) dst(%dma_wait3A_78 : memref<128x256xf32, #tpu.memory_space<vmem>>)
      %mul3A_83 = arith.constant 128 : i32
      %mul3A_84 = arith.muli %mul3A_28, %mul3A_83 : i32
      %add3A_85 = arith.addi %mul3A_2, %mul3A_84 : i32
      %dma_start3A_86 = arith.constant 0 : i32
      %dma_start3A_87 = tpu.memref_slice %arg4[%add3A_85, %dma_start3A_86] : memref<28672x256xf32, #tpu.memory_space<hbm>> -> memref<384x256xf32, #tpu.memory_space<hbm>>
      %dma_start3A_88 = arith.constant 0 : i32
      %dma_start3A_89 = tpu.memref_slice %arg4[%add3A_85, %dma_start3A_88] : memref<28672x256xf32, #tpu.memory_space<hbm>> -> memref<384x256xf32, #tpu.memory_space<hbm>>
      tpu.enqueue_dma source(%arg6 : memref<384x256xf32, #tpu.memory_space<vmem>>) target(%dma_start3A_89 : memref<384x256xf32, #tpu.memory_space<hbm>>) target_semaphore(%arg8 : memref<!tpu.dma_semaphore, #tpu.memory_space<semaphore_mem>>)
      %dma_wait3A_90 = arith.constant 0 : i32
      %dma_wait3A_91 = tpu.memref_slice %arg4[%add3A_85, %dma_wait3A_90] : memref<28672x256xf32, #tpu.memory_space<hbm>> -> memref<384x256xf32, #tpu.memory_space<hbm>>
      %dma_wait3A_92 = arith.constant 0 : i32
      %dma_wait3A_93 = tpu.memref_slice %arg4[%add3A_85, %dma_wait3A_92] : memref<28672x256xf32, #tpu.memory_space<hbm>> -> memref<384x256xf32, #tpu.memory_space<hbm>>
      tpu.wait_dma2 semaphore(%arg8 : memref<!tpu.dma_semaphore, #tpu.memory_space<semaphore_mem>>) src(%arg6 : memref<384x256xf32, #tpu.memory_space<vmem>>) dst(%dma_wait3A_93 : memref<384x256xf32, #tpu.memory_space<hbm>>)
      %scan3A_94 = arith.constant 0 : i32
      scf.yield %scan3A_94 : i32
    }
    %scan3A_8 = arith.constant 2 : i32
    %dma_start3A = arith.constant 0 : i32
    %dma_start3A_9 = arith.constant 0 : i32
    %dma_start3A_10 = tpu.memref_slice %arg6[%dma_start3A, %dma_start3A_9] : memref<384x256xf32, #tpu.memory_space<vmem>> -> memref<128x256xf32, #tpu.memory_space<vmem>>
    %dma_start3A_11 = arith.constant 768 : i32
    %dma_start3A_12 = tpu.memref_slice %arg5[%dma_start3A_11] : memref<896xi32, #tpu.memory_space<vmem>> -> memref<128xi32, #tpu.memory_space<vmem>>
    %dma_start3A_13 = arith.constant 0 : i32
    %dma_start3A_14 = arith.constant 0 : i32
    %dma_start3A_15 = tpu.memref_slice %arg2[%dma_start3A_13, %dma_start3A_14] : memref<10000x256xf32, #tpu.memory_space<hbm>> -> memref<10000x256xf32, #tpu.memory_space<hbm>>
    tpu.enqueue_indirect_dma source(%dma_start3A_15 : memref<10000x256xf32, #tpu.memory_space<hbm>>) target(%dma_start3A_10 : memref<128x256xf32, #tpu.memory_space<vmem>>) offsets(%dma_start3A_12 : memref<128xi32, #tpu.memory_space<vmem>>) semaphore(%arg7 : memref<!tpu.dma_semaphore, #tpu.memory_space<semaphore_mem>>)
    %dma_wait3A = arith.constant 0 : i32
    %dma_wait3A_16 = arith.constant 0 : i32
    %dma_wait3A_17 = tpu.memref_slice %arg6[%dma_wait3A, %dma_wait3A_16] : memref<384x256xf32, #tpu.memory_space<vmem>> -> memref<128x256xf32, #tpu.memory_space<vmem>>
    %dma_wait3A_18 = arith.constant 768 : i32
    %dma_wait3A_19 = tpu.memref_slice %arg5[%dma_wait3A_18] : memref<896xi32, #tpu.memory_space<vmem>> -> memref<128xi32, #tpu.memory_space<vmem>>
    %dma_wait3A_20 = arith.constant 0 : i32
    %dma_wait3A_21 = arith.constant 0 : i32
    %dma_wait3A_22 = tpu.memref_slice %arg2[%dma_wait3A_20, %dma_wait3A_21] : memref<10000x256xf32, #tpu.memory_space<hbm>> -> memref<10000x256xf32, #tpu.memory_space<hbm>>
    tpu.wait_indirect_dma semaphore(%arg7 : memref<!tpu.dma_semaphore, #tpu.memory_space<semaphore_mem>>) src(%dma_wait3A_22 : memref<10000x256xf32, #tpu.memory_space<hbm>>) dst(%dma_wait3A_17 : memref<128x256xf32, #tpu.memory_space<vmem>>)
    %add3A_23 = arith.constant 768 : i32
    %add3A_24 = arith.addi %mul3A_2, %add3A_23 : i32
    "tpu.region"() ({
      %run_scoped3A = tpu.sem_alloc : memref<!tpu.dma_semaphore, #tpu.memory_space<semaphore_mem>>
      %dma_start3A_25 = arith.constant 0 : i32
      %dma_start3A_26 = arith.constant 0 : i32
      %dma_start3A_27 = tpu.memref_slice %arg6[%dma_start3A_25, %dma_start3A_26] : memref<384x256xf32, #tpu.memory_space<vmem>> -> memref<128x256xf32, #tpu.memory_space<vmem>>
      %dma_start3A_28 = arith.constant 0 : i32
      %dma_start3A_29 = tpu.memref_slice %arg4[%add3A_24, %dma_start3A_28] : memref<28672x256xf32, #tpu.memory_space<hbm>> -> memref<128x256xf32, #tpu.memory_space<hbm>>
      %dma_start3A_30 = arith.constant 0 : i32
      %dma_start3A_31 = tpu.memref_slice %arg4[%add3A_24, %dma_start3A_30] : memref<28672x256xf32, #tpu.memory_space<hbm>> -> memref<128x256xf32, #tpu.memory_space<hbm>>
      %dma_start3A_32 = arith.constant 0 : i32
      %dma_start3A_33 = arith.constant 0 : i32
      %dma_start3A_34 = tpu.memref_slice %arg6[%dma_start3A_32, %dma_start3A_33] : memref<384x256xf32, #tpu.memory_space<vmem>> -> memref<128x256xf32, #tpu.memory_space<vmem>>
      tpu.enqueue_dma source(%dma_start3A_34 : memref<128x256xf32, #tpu.memory_space<vmem>>) target(%dma_start3A_31 : memref<128x256xf32, #tpu.memory_space<hbm>>) target_semaphore(%run_scoped3A : memref<!tpu.dma_semaphore, #tpu.memory_space<semaphore_mem>>)
      %dma_wait3A_35 = arith.constant 0 : i32
      %dma_wait3A_36 = arith.constant 0 : i32
      %dma_wait3A_37 = tpu.memref_slice %arg6[%dma_wait3A_35, %dma_wait3A_36] : memref<384x256xf32, #tpu.memory_space<vmem>> -> memref<128x256xf32, #tpu.memory_space<vmem>>
      %dma_wait3A_38 = arith.constant 0 : i32
      %dma_wait3A_39 = tpu.memref_slice %arg4[%add3A_24, %dma_wait3A_38] : memref<28672x256xf32, #tpu.memory_space<hbm>> -> memref<128x256xf32, #tpu.memory_space<hbm>>
      %dma_wait3A_40 = arith.constant 0 : i32
      %dma_wait3A_41 = tpu.memref_slice %arg4[%add3A_24, %dma_wait3A_40] : memref<28672x256xf32, #tpu.memory_space<hbm>> -> memref<128x256xf32, #tpu.memory_space<hbm>>
      %dma_wait3A_42 = arith.constant 0 : i32
      %dma_wait3A_43 = arith.constant 0 : i32
      %dma_wait3A_44 = tpu.memref_slice %arg6[%dma_wait3A_42, %dma_wait3A_43] : memref<384x256xf32, #tpu.memory_space<vmem>> -> memref<128x256xf32, #tpu.memory_space<vmem>>
      tpu.wait_dma2 semaphore(%run_scoped3A : memref<!tpu.dma_semaphore, #tpu.memory_space<semaphore_mem>>) src(%dma_wait3A_44 : memref<128x256xf32, #tpu.memory_space<vmem>>) dst(%dma_wait3A_41 : memref<128x256xf32, #tpu.memory_space<hbm>>)
      tpu.yield
    }) : () -> ()
    return
  }
}

#map = affine_map<(d0, d1) -> (0, 0)>
#map1 = affine_map<(d0, d1) -> (0)>
module attributes {stable_mosaic.version = 14 : i64} {
  func.func @k(%arg0: i32, %arg1: i32, %arg2: memref<28672x256xf32, #tpu.memory_space<hbm>>, %arg3: memref<20480xi32, #tpu.memory_space<hbm>>, %arg4: memref<20480x256xf32, #tpu.memory_space<hbm>>, %arg5: memref<640xi32, #tpu.memory_space<vmem>>, %arg6: memref<384x256xf32, #tpu.memory_space<vmem>>, %arg7: memref<!tpu.dma_semaphore, #tpu.memory_space<semaphore_mem>>, %arg8: memref<!tpu.dma_semaphore, #tpu.memory_space<semaphore_mem>>) attributes {dimension_semantics = [#tpu.dimension_semantics<core_parallel>, #tpu.dimension_semantics<subcore_parallel>], iteration_bounds = array<i64: 2, 16>, scalar_prefetch = 0 : i64, scratch_operands = 4 : i64, tpu.core_type = #tpu.core_type<sc_vector_subcore>, window_params = [{transform_indices = #map}, {transform_indices = #map1}, {transform_indices = #map}]} {
    %mul3A = arith.constant 2 : i32
    %mul3A_0 = arith.muli %arg1, %mul3A : i32
    %add3A = arith.addi %mul3A_0, %arg0 : i32
    %mul3A_1 = arith.constant 640 : i32
    %mul3A_2 = arith.muli %add3A, %mul3A_1 : i32
    "tpu.region"() ({
      %run_scoped3A = tpu.sem_alloc : memref<!tpu.dma_semaphore, #tpu.memory_space<semaphore_mem>>
      %dma_start3A_107 = tpu.memref_slice %arg3[%mul3A_2] : memref<20480xi32, #tpu.memory_space<hbm>> -> memref<640xi32, #tpu.memory_space<hbm>>
      %dma_start3A_108 = tpu.memref_slice %arg3[%mul3A_2] : memref<20480xi32, #tpu.memory_space<hbm>> -> memref<640xi32, #tpu.memory_space<hbm>>
      tpu.enqueue_dma source(%dma_start3A_108 : memref<640xi32, #tpu.memory_space<hbm>>) target(%arg5 : memref<640xi32, #tpu.memory_space<vmem>>) target_semaphore(%run_scoped3A : memref<!tpu.dma_semaphore, #tpu.memory_space<semaphore_mem>>)
      %dma_wait3A_109 = tpu.memref_slice %arg3[%mul3A_2] : memref<20480xi32, #tpu.memory_space<hbm>> -> memref<640xi32, #tpu.memory_space<hbm>>
      %dma_wait3A_110 = tpu.memref_slice %arg3[%mul3A_2] : memref<20480xi32, #tpu.memory_space<hbm>> -> memref<640xi32, #tpu.memory_space<hbm>>
      tpu.wait_dma2 semaphore(%run_scoped3A : memref<!tpu.dma_semaphore, #tpu.memory_space<semaphore_mem>>) src(%dma_wait3A_110 : memref<640xi32, #tpu.memory_space<hbm>>) dst(%arg5 : memref<640xi32, #tpu.memory_space<vmem>>)
      tpu.yield
    }) : () -> ()
    %scan3A = arith.constant 0 : i32
    %scan3A_3 = arith.constant 0 : i32
    %mul3A_4 = arith.constant 3 : i32
    %mul3A_5 = arith.muli %scan3A_3, %mul3A_4 : i32
    %add3A_6 = arith.constant 0 : i32
    %add3A_7 = arith.addi %mul3A_5, %add3A_6 : i32
    %mul3A_8 = arith.constant 128 : i32
    %mul3A_9 = arith.muli %add3A_7, %mul3A_8 : i32
    %dma_start3A = arith.constant 0 : i32
    %dma_start3A_10 = arith.constant 0 : i32
    %dma_start3A_11 = tpu.memref_slice %arg6[%dma_start3A, %dma_start3A_10] : memref<384x256xf32, #tpu.memory_space<vmem>> -> memref<128x256xf32, #tpu.memory_space<vmem>>
    %dma_start3A_12 = tpu.memref_slice %arg5[%mul3A_9] : memref<640xi32, #tpu.memory_space<vmem>> -> memref<128xi32, #tpu.memory_space<vmem>>
    %dma_start3A_13 = arith.constant 0 : i32
    %dma_start3A_14 = arith.constant 0 : i32
    %dma_start3A_15 = tpu.memref_slice %arg2[%dma_start3A_13, %dma_start3A_14] : memref<28672x256xf32, #tpu.memory_space<hbm>> -> memref<28672x256xf32, #tpu.memory_space<hbm>>
    tpu.enqueue_indirect_dma source(%dma_start3A_15 : memref<28672x256xf32, #tpu.memory_space<hbm>>) target(%dma_start3A_11 : memref<128x256xf32, #tpu.memory_space<vmem>>) offsets(%dma_start3A_12 : memref<128xi32, #tpu.memory_space<vmem>>) semaphore(%arg7 : memref<!tpu.dma_semaphore, #tpu.memory_space<semaphore_mem>>)
    %add3A_16 = arith.constant 1 : i32
    %add3A_17 = arith.addi %mul3A_5, %add3A_16 : i32
    %mul3A_18 = arith.constant 128 : i32
    %mul3A_19 = arith.muli %add3A_17, %mul3A_18 : i32
    %dma_start3A_20 = arith.constant 128 : i32
    %dma_start3A_21 = arith.constant 0 : i32
    %dma_start3A_22 = tpu.memref_slice %arg6[%dma_start3A_20, %dma_start3A_21] : memref<384x256xf32, #tpu.memory_space<vmem>> -> memref<128x256xf32, #tpu.memory_space<vmem>>
    %dma_start3A_23 = tpu.memref_slice %arg5[%mul3A_19] : memref<640xi32, #tpu.memory_space<vmem>> -> memref<128xi32, #tpu.memory_space<vmem>>
    %dma_start3A_24 = arith.constant 0 : i32
    %dma_start3A_25 = arith.constant 0 : i32
    %dma_start3A_26 = tpu.memref_slice %arg2[%dma_start3A_24, %dma_start3A_25] : memref<28672x256xf32, #tpu.memory_space<hbm>> -> memref<28672x256xf32, #tpu.memory_space<hbm>>
    tpu.enqueue_indirect_dma source(%dma_start3A_26 : memref<28672x256xf32, #tpu.memory_space<hbm>>) target(%dma_start3A_22 : memref<128x256xf32, #tpu.memory_space<vmem>>) offsets(%dma_start3A_23 : memref<128xi32, #tpu.memory_space<vmem>>) semaphore(%arg7 : memref<!tpu.dma_semaphore, #tpu.memory_space<semaphore_mem>>)
    %add3A_27 = arith.constant 2 : i32
    %add3A_28 = arith.addi %mul3A_5, %add3A_27 : i32
    %mul3A_29 = arith.constant 128 : i32
    %mul3A_30 = arith.muli %add3A_28, %mul3A_29 : i32
    %dma_start3A_31 = arith.constant 256 : i32
    %dma_start3A_32 = arith.constant 0 : i32
    %dma_start3A_33 = tpu.memref_slice %arg6[%dma_start3A_31, %dma_start3A_32] : memref<384x256xf32, #tpu.memory_space<vmem>> -> memref<128x256xf32, #tpu.memory_space<vmem>>
    %dma_start3A_34 = tpu.memref_slice %arg5[%mul3A_30] : memref<640xi32, #tpu.memory_space<vmem>> -> memref<128xi32, #tpu.memory_space<vmem>>
    %dma_start3A_35 = arith.constant 0 : i32
    %dma_start3A_36 = arith.constant 0 : i32
    %dma_start3A_37 = tpu.memref_slice %arg2[%dma_start3A_35, %dma_start3A_36] : memref<28672x256xf32, #tpu.memory_space<hbm>> -> memref<28672x256xf32, #tpu.memory_space<hbm>>
    tpu.enqueue_indirect_dma source(%dma_start3A_37 : memref<28672x256xf32, #tpu.memory_space<hbm>>) target(%dma_start3A_33 : memref<128x256xf32, #tpu.memory_space<vmem>>) offsets(%dma_start3A_34 : memref<128xi32, #tpu.memory_space<vmem>>) semaphore(%arg7 : memref<!tpu.dma_semaphore, #tpu.memory_space<semaphore_mem>>)
    %dma_wait3A = arith.constant 0 : i32
    %dma_wait3A_38 = arith.constant 0 : i32
    %dma_wait3A_39 = tpu.memref_slice %arg6[%dma_wait3A, %dma_wait3A_38] : memref<384x256xf32, #tpu.memory_space<vmem>> -> memref<128x256xf32, #tpu.memory_space<vmem>>
    %dma_wait3A_40 = tpu.memref_slice %arg5[%mul3A_9] : memref<640xi32, #tpu.memory_space<vmem>> -> memref<128xi32, #tpu.memory_space<vmem>>
    %dma_wait3A_41 = arith.constant 0 : i32
    %dma_wait3A_42 = arith.constant 0 : i32
    %dma_wait3A_43 = tpu.memref_slice %arg2[%dma_wait3A_41, %dma_wait3A_42] : memref<28672x256xf32, #tpu.memory_space<hbm>> -> memref<28672x256xf32, #tpu.memory_space<hbm>>
    tpu.wait_indirect_dma semaphore(%arg7 : memref<!tpu.dma_semaphore, #tpu.memory_space<semaphore_mem>>) src(%dma_wait3A_43 : memref<28672x256xf32, #tpu.memory_space<hbm>>) dst(%dma_wait3A_39 : memref<128x256xf32, #tpu.memory_space<vmem>>)
    %dma_wait3A_44 = arith.constant 128 : i32
    %dma_wait3A_45 = arith.constant 0 : i32
    %dma_wait3A_46 = tpu.memref_slice %arg6[%dma_wait3A_44, %dma_wait3A_45] : memref<384x256xf32, #tpu.memory_space<vmem>> -> memref<128x256xf32, #tpu.memory_space<vmem>>
    %dma_wait3A_47 = tpu.memref_slice %arg5[%mul3A_19] : memref<640xi32, #tpu.memory_space<vmem>> -> memref<128xi32, #tpu.memory_space<vmem>>
    %dma_wait3A_48 = arith.constant 0 : i32
    %dma_wait3A_49 = arith.constant 0 : i32
    %dma_wait3A_50 = tpu.memref_slice %arg2[%dma_wait3A_48, %dma_wait3A_49] : memref<28672x256xf32, #tpu.memory_space<hbm>> -> memref<28672x256xf32, #tpu.memory_space<hbm>>
    tpu.wait_indirect_dma semaphore(%arg7 : memref<!tpu.dma_semaphore, #tpu.memory_space<semaphore_mem>>) src(%dma_wait3A_50 : memref<28672x256xf32, #tpu.memory_space<hbm>>) dst(%dma_wait3A_46 : memref<128x256xf32, #tpu.memory_space<vmem>>)
    %dma_wait3A_51 = arith.constant 256 : i32
    %dma_wait3A_52 = arith.constant 0 : i32
    %dma_wait3A_53 = tpu.memref_slice %arg6[%dma_wait3A_51, %dma_wait3A_52] : memref<384x256xf32, #tpu.memory_space<vmem>> -> memref<128x256xf32, #tpu.memory_space<vmem>>
    %dma_wait3A_54 = tpu.memref_slice %arg5[%mul3A_30] : memref<640xi32, #tpu.memory_space<vmem>> -> memref<128xi32, #tpu.memory_space<vmem>>
    %dma_wait3A_55 = arith.constant 0 : i32
    %dma_wait3A_56 = arith.constant 0 : i32
    %dma_wait3A_57 = tpu.memref_slice %arg2[%dma_wait3A_55, %dma_wait3A_56] : memref<28672x256xf32, #tpu.memory_space<hbm>> -> memref<28672x256xf32, #tpu.memory_space<hbm>>
    tpu.wait_indirect_dma semaphore(%arg7 : memref<!tpu.dma_semaphore, #tpu.memory_space<semaphore_mem>>) src(%dma_wait3A_57 : memref<28672x256xf32, #tpu.memory_space<hbm>>) dst(%dma_wait3A_53 : memref<128x256xf32, #tpu.memory_space<vmem>>)
    %mul3A_58 = arith.constant 128 : i32
    %mul3A_59 = arith.muli %mul3A_5, %mul3A_58 : i32
    %add3A_60 = arith.addi %mul3A_2, %mul3A_59 : i32
    %dma_start3A_61 = arith.constant 0 : i32
    %dma_start3A_62 = tpu.memref_slice %arg4[%add3A_60, %dma_start3A_61] : memref<20480x256xf32, #tpu.memory_space<hbm>> -> memref<384x256xf32, #tpu.memory_space<hbm>>
    %dma_start3A_63 = arith.constant 0 : i32
    %dma_start3A_64 = tpu.memref_slice %arg4[%add3A_60, %dma_start3A_63] : memref<20480x256xf32, #tpu.memory_space<hbm>> -> memref<384x256xf32, #tpu.memory_space<hbm>>
    tpu.enqueue_dma source(%arg6 : memref<384x256xf32, #tpu.memory_space<vmem>>) target(%dma_start3A_64 : memref<384x256xf32, #tpu.memory_space<hbm>>) target_semaphore(%arg8 : memref<!tpu.dma_semaphore, #tpu.memory_space<semaphore_mem>>)
    %dma_wait3A_65 = arith.constant 0 : i32
    %dma_wait3A_66 = tpu.memref_slice %arg4[%add3A_60, %dma_wait3A_65] : memref<20480x256xf32, #tpu.memory_space<hbm>> -> memref<384x256xf32, #tpu.memory_space<hbm>>
    %dma_wait3A_67 = arith.constant 0 : i32
    %dma_wait3A_68 = tpu.memref_slice %arg4[%add3A_60, %dma_wait3A_67] : memref<20480x256xf32, #tpu.memory_space<hbm>> -> memref<384x256xf32, #tpu.memory_space<hbm>>
    tpu.wait_dma2 semaphore(%arg8 : memref<!tpu.dma_semaphore, #tpu.memory_space<semaphore_mem>>) src(%arg6 : memref<384x256xf32, #tpu.memory_space<vmem>>) dst(%dma_wait3A_68 : memref<384x256xf32, #tpu.memory_space<hbm>>)
    %scan3A_69 = arith.constant 0 : i32
    %scan3A_70 = arith.constant 1 : i32
    %dma_start3A_71 = arith.constant 0 : i32
    %dma_start3A_72 = arith.constant 0 : i32
    %dma_start3A_73 = tpu.memref_slice %arg6[%dma_start3A_71, %dma_start3A_72] : memref<384x256xf32, #tpu.memory_space<vmem>> -> memref<128x256xf32, #tpu.memory_space<vmem>>
    %dma_start3A_74 = arith.constant 384 : i32
    %dma_start3A_75 = tpu.memref_slice %arg5[%dma_start3A_74] : memref<640xi32, #tpu.memory_space<vmem>> -> memref<128xi32, #tpu.memory_space<vmem>>
    %dma_start3A_76 = arith.constant 0 : i32
    %dma_start3A_77 = arith.constant 0 : i32
    %dma_start3A_78 = tpu.memref_slice %arg2[%dma_start3A_76, %dma_start3A_77] : memref<28672x256xf32, #tpu.memory_space<hbm>> -> memref<28672x256xf32, #tpu.memory_space<hbm>>
    tpu.enqueue_indirect_dma source(%dma_start3A_78 : memref<28672x256xf32, #tpu.memory_space<hbm>>) target(%dma_start3A_73 : memref<128x256xf32, #tpu.memory_space<vmem>>) offsets(%dma_start3A_75 : memref<128xi32, #tpu.memory_space<vmem>>) semaphore(%arg7 : memref<!tpu.dma_semaphore, #tpu.memory_space<semaphore_mem>>)
    %dma_wait3A_79 = arith.constant 0 : i32
    %dma_wait3A_80 = arith.constant 0 : i32
    %dma_wait3A_81 = tpu.memref_slice %arg6[%dma_wait3A_79, %dma_wait3A_80] : memref<384x256xf32, #tpu.memory_space<vmem>> -> memref<128x256xf32, #tpu.memory_space<vmem>>
    %dma_wait3A_82 = arith.constant 384 : i32
    %dma_wait3A_83 = tpu.memref_slice %arg5[%dma_wait3A_82] : memref<640xi32, #tpu.memory_space<vmem>> -> memref<128xi32, #tpu.memory_space<vmem>>
    %dma_wait3A_84 = arith.constant 0 : i32
    %dma_wait3A_85 = arith.constant 0 : i32
    %dma_wait3A_86 = tpu.memref_slice %arg2[%dma_wait3A_84, %dma_wait3A_85] : memref<28672x256xf32, #tpu.memory_space<hbm>> -> memref<28672x256xf32, #tpu.memory_space<hbm>>
    tpu.wait_indirect_dma semaphore(%arg7 : memref<!tpu.dma_semaphore, #tpu.memory_space<semaphore_mem>>) src(%dma_wait3A_86 : memref<28672x256xf32, #tpu.memory_space<hbm>>) dst(%dma_wait3A_81 : memref<128x256xf32, #tpu.memory_space<vmem>>)
    %add3A_87 = arith.constant 384 : i32
    %add3A_88 = arith.addi %mul3A_2, %add3A_87 : i32
    "tpu.region"() ({
      %run_scoped3A = tpu.sem_alloc : memref<!tpu.dma_semaphore, #tpu.memory_space<semaphore_mem>>
      %dma_start3A_107 = arith.constant 0 : i32
      %dma_start3A_108 = arith.constant 0 : i32
      %dma_start3A_109 = tpu.memref_slice %arg6[%dma_start3A_107, %dma_start3A_108] : memref<384x256xf32, #tpu.memory_space<vmem>> -> memref<128x256xf32, #tpu.memory_space<vmem>>
      %dma_start3A_110 = arith.constant 0 : i32
      %dma_start3A_111 = tpu.memref_slice %arg4[%add3A_88, %dma_start3A_110] : memref<20480x256xf32, #tpu.memory_space<hbm>> -> memref<128x256xf32, #tpu.memory_space<hbm>>
      %dma_start3A_112 = arith.constant 0 : i32
      %dma_start3A_113 = tpu.memref_slice %arg4[%add3A_88, %dma_start3A_112] : memref<20480x256xf32, #tpu.memory_space<hbm>> -> memref<128x256xf32, #tpu.memory_space<hbm>>
      %dma_start3A_114 = arith.constant 0 : i32
      %dma_start3A_115 = arith.constant 0 : i32
      %dma_start3A_116 = tpu.memref_slice %arg6[%dma_start3A_114, %dma_start3A_115] : memref<384x256xf32, #tpu.memory_space<vmem>> -> memref<128x256xf32, #tpu.memory_space<vmem>>
      tpu.enqueue_dma source(%dma_start3A_116 : memref<128x256xf32, #tpu.memory_space<vmem>>) target(%dma_start3A_113 : memref<128x256xf32, #tpu.memory_space<hbm>>) target_semaphore(%run_scoped3A : memref<!tpu.dma_semaphore, #tpu.memory_space<semaphore_mem>>)
      %dma_wait3A_117 = arith.constant 0 : i32
      %dma_wait3A_118 = arith.constant 0 : i32
      %dma_wait3A_119 = tpu.memref_slice %arg6[%dma_wait3A_117, %dma_wait3A_118] : memref<384x256xf32, #tpu.memory_space<vmem>> -> memref<128x256xf32, #tpu.memory_space<vmem>>
      %dma_wait3A_120 = arith.constant 0 : i32
      %dma_wait3A_121 = tpu.memref_slice %arg4[%add3A_88, %dma_wait3A_120] : memref<20480x256xf32, #tpu.memory_space<hbm>> -> memref<128x256xf32, #tpu.memory_space<hbm>>
      %dma_wait3A_122 = arith.constant 0 : i32
      %dma_wait3A_123 = tpu.memref_slice %arg4[%add3A_88, %dma_wait3A_122] : memref<20480x256xf32, #tpu.memory_space<hbm>> -> memref<128x256xf32, #tpu.memory_space<hbm>>
      %dma_wait3A_124 = arith.constant 0 : i32
      %dma_wait3A_125 = arith.constant 0 : i32
      %dma_wait3A_126 = tpu.memref_slice %arg6[%dma_wait3A_124, %dma_wait3A_125] : memref<384x256xf32, #tpu.memory_space<vmem>> -> memref<128x256xf32, #tpu.memory_space<vmem>>
      tpu.wait_dma2 semaphore(%run_scoped3A : memref<!tpu.dma_semaphore, #tpu.memory_space<semaphore_mem>>) src(%dma_wait3A_126 : memref<128x256xf32, #tpu.memory_space<vmem>>) dst(%dma_wait3A_123 : memref<128x256xf32, #tpu.memory_space<hbm>>)
      tpu.yield
    }) : () -> ()
    %dma_start3A_89 = arith.constant 128 : i32
    %dma_start3A_90 = arith.constant 0 : i32
    %dma_start3A_91 = tpu.memref_slice %arg6[%dma_start3A_89, %dma_start3A_90] : memref<384x256xf32, #tpu.memory_space<vmem>> -> memref<128x256xf32, #tpu.memory_space<vmem>>
    %dma_start3A_92 = arith.constant 512 : i32
    %dma_start3A_93 = tpu.memref_slice %arg5[%dma_start3A_92] : memref<640xi32, #tpu.memory_space<vmem>> -> memref<128xi32, #tpu.memory_space<vmem>>
    %dma_start3A_94 = arith.constant 0 : i32
    %dma_start3A_95 = arith.constant 0 : i32
    %dma_start3A_96 = tpu.memref_slice %arg2[%dma_start3A_94, %dma_start3A_95] : memref<28672x256xf32, #tpu.memory_space<hbm>> -> memref<28672x256xf32, #tpu.memory_space<hbm>>
    tpu.enqueue_indirect_dma source(%dma_start3A_96 : memref<28672x256xf32, #tpu.memory_space<hbm>>) target(%dma_start3A_91 : memref<128x256xf32, #tpu.memory_space<vmem>>) offsets(%dma_start3A_93 : memref<128xi32, #tpu.memory_space<vmem>>) semaphore(%arg7 : memref<!tpu.dma_semaphore, #tpu.memory_space<semaphore_mem>>)
    %dma_wait3A_97 = arith.constant 128 : i32
    %dma_wait3A_98 = arith.constant 0 : i32
    %dma_wait3A_99 = tpu.memref_slice %arg6[%dma_wait3A_97, %dma_wait3A_98] : memref<384x256xf32, #tpu.memory_space<vmem>> -> memref<128x256xf32, #tpu.memory_space<vmem>>
    %dma_wait3A_100 = arith.constant 512 : i32
    %dma_wait3A_101 = tpu.memref_slice %arg5[%dma_wait3A_100] : memref<640xi32, #tpu.memory_space<vmem>> -> memref<128xi32, #tpu.memory_space<vmem>>
    %dma_wait3A_102 = arith.constant 0 : i32
    %dma_wait3A_103 = arith.constant 0 : i32
    %dma_wait3A_104 = tpu.memref_slice %arg2[%dma_wait3A_102, %dma_wait3A_103] : memref<28672x256xf32, #tpu.memory_space<hbm>> -> memref<28672x256xf32, #tpu.memory_space<hbm>>
    tpu.wait_indirect_dma semaphore(%arg7 : memref<!tpu.dma_semaphore, #tpu.memory_space<semaphore_mem>>) src(%dma_wait3A_104 : memref<28672x256xf32, #tpu.memory_space<hbm>>) dst(%dma_wait3A_99 : memref<128x256xf32, #tpu.memory_space<vmem>>)
    %add3A_105 = arith.constant 512 : i32
    %add3A_106 = arith.addi %mul3A_2, %add3A_105 : i32
    "tpu.region"() ({
      %run_scoped3A = tpu.sem_alloc : memref<!tpu.dma_semaphore, #tpu.memory_space<semaphore_mem>>
      %dma_start3A_107 = arith.constant 128 : i32
      %dma_start3A_108 = arith.constant 0 : i32
      %dma_start3A_109 = tpu.memref_slice %arg6[%dma_start3A_107, %dma_start3A_108] : memref<384x256xf32, #tpu.memory_space<vmem>> -> memref<128x256xf32, #tpu.memory_space<vmem>>
      %dma_start3A_110 = arith.constant 0 : i32
      %dma_start3A_111 = tpu.memref_slice %arg4[%add3A_106, %dma_start3A_110] : memref<20480x256xf32, #tpu.memory_space<hbm>> -> memref<128x256xf32, #tpu.memory_space<hbm>>
      %dma_start3A_112 = arith.constant 0 : i32
      %dma_start3A_113 = tpu.memref_slice %arg4[%add3A_106, %dma_start3A_112] : memref<20480x256xf32, #tpu.memory_space<hbm>> -> memref<128x256xf32, #tpu.memory_space<hbm>>
      %dma_start3A_114 = arith.constant 128 : i32
      %dma_start3A_115 = arith.constant 0 : i32
      %dma_start3A_116 = tpu.memref_slice %arg6[%dma_start3A_114, %dma_start3A_115] : memref<384x256xf32, #tpu.memory_space<vmem>> -> memref<128x256xf32, #tpu.memory_space<vmem>>
      tpu.enqueue_dma source(%dma_start3A_116 : memref<128x256xf32, #tpu.memory_space<vmem>>) target(%dma_start3A_113 : memref<128x256xf32, #tpu.memory_space<hbm>>) target_semaphore(%run_scoped3A : memref<!tpu.dma_semaphore, #tpu.memory_space<semaphore_mem>>)
      %dma_wait3A_117 = arith.constant 128 : i32
      %dma_wait3A_118 = arith.constant 0 : i32
      %dma_wait3A_119 = tpu.memref_slice %arg6[%dma_wait3A_117, %dma_wait3A_118] : memref<384x256xf32, #tpu.memory_space<vmem>> -> memref<128x256xf32, #tpu.memory_space<vmem>>
      %dma_wait3A_120 = arith.constant 0 : i32
      %dma_wait3A_121 = tpu.memref_slice %arg4[%add3A_106, %dma_wait3A_120] : memref<20480x256xf32, #tpu.memory_space<hbm>> -> memref<128x256xf32, #tpu.memory_space<hbm>>
      %dma_wait3A_122 = arith.constant 0 : i32
      %dma_wait3A_123 = tpu.memref_slice %arg4[%add3A_106, %dma_wait3A_122] : memref<20480x256xf32, #tpu.memory_space<hbm>> -> memref<128x256xf32, #tpu.memory_space<hbm>>
      %dma_wait3A_124 = arith.constant 128 : i32
      %dma_wait3A_125 = arith.constant 0 : i32
      %dma_wait3A_126 = tpu.memref_slice %arg6[%dma_wait3A_124, %dma_wait3A_125] : memref<384x256xf32, #tpu.memory_space<vmem>> -> memref<128x256xf32, #tpu.memory_space<vmem>>
      tpu.wait_dma2 semaphore(%run_scoped3A : memref<!tpu.dma_semaphore, #tpu.memory_space<semaphore_mem>>) src(%dma_wait3A_126 : memref<128x256xf32, #tpu.memory_space<vmem>>) dst(%dma_wait3A_123 : memref<128x256xf32, #tpu.memory_space<hbm>>)
      tpu.yield
    }) : () -> ()
    return
  }
}

module attributes {stable_mosaic.version = 14 : i64} {
  func.func @body(%arg0: i32, %arg1: memref<400x256xf32, #tpu.memory_space<vmem>>, %arg2: memref<256x256xf32, #tpu.memory_space<vmem>>, %arg3: memref<256x256xf32, #tpu.memory_space<vmem>>, %arg4: memref<1x256xf32, #tpu.memory_space<vmem>>, %arg5: memref<400x256xf32, #tpu.memory_space<vmem>>, %arg6: memref<400x256xf32, #tpu.memory_space<vmem>>) attributes {dimension_semantics = [#tpu.dimension_semantics<arbitrary>], iteration_bounds = array<i64: 25>, scalar_prefetch = 0 : i64, scratch_operands = 0 : i64, tpu.core_type = #tpu.core_type<tc>, window_params = [{transform_indices = @transform_0, window_bounds = array<i64: 400, 256>}, {pipeline_mode = #tpu.pipeline_mode<synchronous>, transform_indices = @transform_1, window_bounds = array<i64: 256, 256>}, {pipeline_mode = #tpu.pipeline_mode<synchronous>, transform_indices = @transform_2, window_bounds = array<i64: 256, 256>}, {pipeline_mode = #tpu.pipeline_mode<synchronous>, transform_indices = @transform_3, window_bounds = array<i64: 1, 256>}, {transform_indices = @transform_4, window_bounds = array<i64: 400, 256>}, {transform_indices = @transform_5, window_bounds = array<i64: 400, 256>}]} {
    %get3A = arith.constant 0 : index
    %get3A_0 = arith.constant 0 : index
    %get3A_1 = vector.load %arg1[%get3A, %get3A_0] : memref<400x256xf32, #tpu.memory_space<vmem>>, vector<400x256xf32>
    %get3A_2 = arith.constant 0 : index
    %get3A_3 = arith.constant 0 : index
    %get3A_4 = vector.load %arg2[%get3A_2, %get3A_3] : memref<256x256xf32, #tpu.memory_space<vmem>>, vector<256x256xf32>
    %dot_general3A = arith.constant dense<0.000000e+00> : vector<400x256xf32>
    %dot_general3A_5 = tpu.matmul %get3A_1, %get3A_4, %dot_general3A {dimension_numbers = #tpu.dot_dimension_numbers<[1], [0], [0], [1], [0, 0, 1, 1], [], []>, transpose_lhs_hint = false} : vector<400x256xf32>, vector<256x256xf32>, vector<400x256xf32> -> vector<400x256xf32>
    %swap3A = arith.constant 0 : index
    %swap3A_6 = arith.constant 0 : index
    %swap3A_7 = vector.load %arg5[%swap3A, %swap3A_6] : memref<400x256xf32, #tpu.memory_space<vmem>>, vector<400x256xf32>
    tpu.vector_store %arg5[%swap3A, %swap3A_6], %dot_general3A_5 {strides = array<i32>} : memref<400x256xf32, #tpu.memory_space<vmem>>, vector<400x256xf32>,
    %get3A_8 = arith.constant 0 : index
    %get3A_9 = arith.constant 0 : index
    %get3A_10 = vector.load %arg3[%get3A_8, %get3A_9] : memref<256x256xf32, #tpu.memory_space<vmem>>, vector<256x256xf32>
    %dot_general3A_11 = arith.constant dense<0.000000e+00> : vector<400x256xf32>
    %dot_general3A_12 = tpu.matmul %get3A_1, %get3A_10, %dot_general3A_11 {dimension_numbers = #tpu.dot_dimension_numbers<[1], [0], [0], [1], [0, 0, 1, 1], [], []>, transpose_lhs_hint = false} : vector<400x256xf32>, vector<256x256xf32>, vector<400x256xf32> -> vector<400x256xf32>
    %get3A_13 = arith.constant 0 : index
    %get3A_14 = arith.constant 0 : index
    %get3A_15 = vector.load %arg4[%get3A_13, %get3A_14] : memref<1x256xf32, #tpu.memory_space<vmem>>, vector<1x256xf32>
    %add3A = vector.broadcast %get3A_15 : vector<1x256xf32> to vector<400x256xf32>
    %add3A_16 = arith.addf %dot_general3A_12, %add3A : vector<400x256xf32>
    %swap3A_17 = arith.constant 0 : index
    %swap3A_18 = arith.constant 0 : index
    %swap3A_19 = vector.load %arg6[%swap3A_17, %swap3A_18] : memref<400x256xf32, #tpu.memory_space<vmem>>, vector<400x256xf32>
    tpu.vector_store %arg6[%swap3A_17, %swap3A_18], %add3A_16 {strides = array<i32>} : memref<400x256xf32, #tpu.memory_space<vmem>>, vector<400x256xf32>,
    return
  }
  func.func @transform_0(%arg0: i32) -> (i32, i32) {
    %c0_i32 = arith.constant 0 : i32
    %c0_i32_0 = arith.constant 0 : i32
    return %arg0, %c0_i32 : i32, i32
  }
  func.func @transform_1(%arg0: i32) -> (i32, i32) {
    %c0_i32 = arith.constant 0 : i32
    %c0_i32_0 = arith.constant 0 : i32
    %c0_i32_1 = arith.constant 0 : i32
    return %c0_i32, %c0_i32_0 : i32, i32
  }
  func.func @transform_2(%arg0: i32) -> (i32, i32) {
    %c0_i32 = arith.constant 0 : i32
    %c0_i32_0 = arith.constant 0 : i32
    %c0_i32_1 = arith.constant 0 : i32
    return %c0_i32, %c0_i32_0 : i32, i32
  }
  func.func @transform_3(%arg0: i32) -> (i32, i32) {
    %c0_i32 = arith.constant 0 : i32
    %c0_i32_0 = arith.constant 0 : i32
    %c0_i32_1 = arith.constant 0 : i32
    return %c0_i32, %c0_i32_0 : i32, i32
  }
  func.func @transform_4(%arg0: i32) -> (i32, i32) {
    %c0_i32 = arith.constant 0 : i32
    %c0_i32_0 = arith.constant 0 : i32
    return %arg0, %c0_i32 : i32, i32
  }
  func.func @transform_5(%arg0: i32) -> (i32, i32) {
    %c0_i32 = arith.constant 0 : i32
    %c0_i32_0 = arith.constant 0 : i32
    return %arg0, %c0_i32 : i32, i32
  }
}

module attributes {stable_mosaic.version = 14 : i64} {
  func.func @body(%arg0: i32, %arg1: memref<354xi32, #tpu.memory_space<smem>>, %arg2: memref<354xi32, #tpu.memory_space<smem>>, %arg3: memref<512x256xf32, #tpu.memory_space<vmem>>, %arg4: memref<1x1x512xi32, #tpu.memory_space<vmem>>, %arg5: memref<256x256xf32, #tpu.memory_space<vmem>>) attributes {dimension_semantics = [#tpu.dimension_semantics<arbitrary>], iteration_bounds = array<i64: 354>, scalar_prefetch = 2 : i64, scratch_operands = 0 : i64, tpu.core_type = #tpu.core_type<tc>, window_params = [{transform_indices = @transform_0, window_bounds = array<i64: 512, 256>}, {transform_indices = @transform_1, window_bounds = array<i64: 1, 1, 512>}, {transform_indices = @transform_2, window_bounds = array<i64: 256, 256>}]} {
    %get3A = arith.constant 0 : index
    %get3A_0 = arith.constant 0 : index
    %get3A_1 = arith.constant 0 : index
    %get3A_2 = vector.load %arg4[%get3A, %get3A_0, %get3A_1] : memref<1x1x512xi32, #tpu.memory_space<vmem>>, vector<1x1x512xi32>
    %get3A_3 = vector.shape_cast %get3A_2 : vector<1x1x512xi32> to vector<1x512xi32>
    %reshape3A = vector.shape_cast %get3A_3 : vector<1x512xi32> to vector<512x1xi32>
    %iota3A = tpu.iota {dimensions = array<i32: 1>} : vector<512x256xi32>
    %eq3A = vector.broadcast %reshape3A : vector<512x1xi32> to vector<512x256xi32>
    %eq3A_4 = arith.cmpi eq, %eq3A, %iota3A : vector<512x256xi32>
    %convert_element_type3A = arith.extui %eq3A_4 : vector<512x256xi1> to vector<512x256xi32>
    %convert_element_type3A_5 = arith.sitofp %convert_element_type3A : vector<512x256xi32> to vector<512x256xf32>
    %get3A_6 = arith.constant 0 : index
    %get3A_7 = arith.constant 0 : index
    %get3A_8 = vector.load %arg3[%get3A_6, %get3A_7] : memref<512x256xf32, #tpu.memory_space<vmem>>, vector<512x256xf32>
    %dot_general3A = arith.constant dense<0.000000e+00> : vector<256x256xf32>
    %dot_general3A_9 = tpu.matmul %convert_element_type3A_5, %get3A_8, %dot_general3A {dimension_numbers = #tpu.dot_dimension_numbers<[0], [0], [1], [1], [0, 1, 1, 1], [], []>, precision = #tpu.contract_precision<fp32>, transpose_lhs_hint = false} : vector<512x256xf32>, vector<512x256xf32>, vector<256x256xf32> -> vector<256x256xf32>
    %get3A_10 = arith.index_cast %arg0 : i32 to index
    %get3A_11 = memref.load %arg2[%get3A_10] : memref<354xi32, #tpu.memory_space<smem>>
    %eq3A_12 = arith.constant 1 : i32
    %eq3A_13 = arith.cmpi eq, %get3A_11, %eq3A_12 : i32
    %convert_element_type3A_14 = arith.extui %eq3A_13 : i1 to i32
    %cond3A = arith.constant 0 : i32
    %cond3A_15 = arith.cmpi ne, %convert_element_type3A_14, %cond3A : i32
    scf.if %cond3A_15 {
      %swap3A = arith.constant 0 : index
      %swap3A_23 = arith.constant 0 : index
      %swap3A_24 = vector.load %arg5[%swap3A, %swap3A_23] : memref<256x256xf32, #tpu.memory_space<vmem>>, vector<256x256xf32>
      tpu.vector_store %arg5[%swap3A, %swap3A_23], %dot_general3A_9 {strides = array<i32>} : memref<256x256xf32, #tpu.memory_space<vmem>>, vector<256x256xf32>,
    } else {
    }
    %get3A_16 = arith.index_cast %arg0 : i32 to index
    %get3A_17 = memref.load %arg2[%get3A_16] : memref<354xi32, #tpu.memory_space<smem>>
    %eq3A_18 = arith.constant 0 : i32
    %eq3A_19 = arith.cmpi eq, %get3A_17, %eq3A_18 : i32
    %convert_element_type3A_20 = arith.extui %eq3A_19 : i1 to i32
    %cond3A_21 = arith.constant 0 : i32
    %cond3A_22 = arith.cmpi ne, %convert_element_type3A_20, %cond3A_21 : i32
    scf.if %cond3A_22 {
      %get3A_23 = arith.constant 0 : index
      %get3A_24 = arith.constant 0 : index
      %get3A_25 = vector.load %arg5[%get3A_23, %get3A_24] : memref<256x256xf32, #tpu.memory_space<vmem>>, vector<256x256xf32>
      %add3A = arith.addf %get3A_25, %dot_general3A_9 : vector<256x256xf32>
      %swap3A = arith.constant 0 : index
      %swap3A_26 = arith.constant 0 : index
      %swap3A_27 = vector.load %arg5[%swap3A, %swap3A_26] : memref<256x256xf32, #tpu.memory_space<vmem>>, vector<256x256xf32>
      tpu.vector_store %arg5[%swap3A, %swap3A_26], %add3A {strides = array<i32>} : memref<256x256xf32, #tpu.memory_space<vmem>>, vector<256x256xf32>,
    } else {
    }
    return
  }
  func.func @transform_0(%arg0: i32, %arg1: memref<354xi32, #tpu.memory_space<smem>>, %arg2: memref<354xi32, #tpu.memory_space<smem>>) -> (i32, i32) {
    %c0_i32 = arith.constant 0 : i32
    %c0_i32_0 = arith.constant 0 : i32
    return %arg0, %c0_i32 : i32, i32
  }
  func.func @transform_1(%arg0: i32, %arg1: memref<354xi32, #tpu.memory_space<smem>>, %arg2: memref<354xi32, #tpu.memory_space<smem>>) -> (i32, i32, i32) {
    %c0_i32 = arith.constant 0 : i32
    %c0_i32_0 = arith.constant 0 : i32
    %c0_i32_1 = arith.constant 0 : i32
    return %arg0, %c0_i32, %c0_i32_0 : i32, i32, i32
  }
  func.func @transform_2(%arg0: i32, %arg1: memref<354xi32, #tpu.memory_space<smem>>, %arg2: memref<354xi32, #tpu.memory_space<smem>>) -> (i32, i32) {
    %get3A = arith.index_cast %arg0 : i32 to index
    %get3A_0 = memref.load %arg1[%get3A] : memref<354xi32, #tpu.memory_space<smem>>
    %c0_i32 = arith.constant 0 : i32
    %c0_i32_1 = arith.constant 0 : i32
    return %get3A_0, %c0_i32 : i32, i32
  }
}

module attributes {stable_mosaic.version = 14 : i64} {
  func.func @body(%arg0: i32, %arg1: memref<400x256xf32, #tpu.memory_space<vmem>>, %arg2: memref<400x256xf32, #tpu.memory_space<vmem>>, %arg3: memref<1x256xf32, #tpu.memory_space<vmem>>, %arg4: memref<400x256xf32, #tpu.memory_space<vmem>>, %arg5: memref<8x256xf32, #tpu.memory_space<vmem>>) attributes {dimension_semantics = [#tpu.dimension_semantics<arbitrary>], iteration_bounds = array<i64: 25>, scalar_prefetch = 0 : i64, scratch_operands = 0 : i64, tpu.core_type = #tpu.core_type<tc>, window_params = [{transform_indices = @transform_0, window_bounds = array<i64: 400, 256>}, {transform_indices = @transform_1, window_bounds = array<i64: 400, 256>}, {pipeline_mode = #tpu.pipeline_mode<synchronous>, transform_indices = @transform_2, window_bounds = array<i64: 1, 256>}, {transform_indices = @transform_3, window_bounds = array<i64: 400, 256>}, {pipeline_mode = #tpu.pipeline_mode<synchronous>, transform_indices = @transform_4, window_bounds = array<i64: 8, 256>}]} {
    %get3A = arith.constant 0 : index
    %get3A_0 = arith.constant 0 : index
    %get3A_1 = vector.load %arg1[%get3A, %get3A_0] : memref<400x256xf32, #tpu.memory_space<vmem>>, vector<400x256xf32>
    %get3A_2 = arith.constant 0 : index
    %get3A_3 = arith.constant 0 : index
    %get3A_4 = vector.load %arg3[%get3A_2, %get3A_3] : memref<1x256xf32, #tpu.memory_space<vmem>>, vector<1x256xf32>
    %add3A = vector.broadcast %get3A_4 : vector<1x256xf32> to vector<400x256xf32>
    %add3A_5 = arith.addf %get3A_1, %add3A : vector<400x256xf32>
    %get3A_6 = arith.constant 0 : index
    %get3A_7 = arith.constant 0 : index
    %get3A_8 = vector.load %arg2[%get3A_6, %get3A_7] : memref<400x256xf32, #tpu.memory_space<vmem>>, vector<400x256xf32>
    %add3A_9 = arith.addf %add3A_5, %get3A_8 : vector<400x256xf32>
    %swap3A = arith.constant 0 : index
    %swap3A_10 = arith.constant 0 : index
    %swap3A_11 = vector.load %arg4[%swap3A, %swap3A_10] : memref<400x256xf32, #tpu.memory_space<vmem>>, vector<400x256xf32>
    tpu.vector_store %arg4[%swap3A, %swap3A_10], %add3A_9 {strides = array<i32>} : memref<400x256xf32, #tpu.memory_space<vmem>>, vector<400x256xf32>,
    %reduce_sum3A = arith.constant dense<0.000000e+00> : vector<256xf32>
    %reduce_sum3A_12 = vector.multi_reduction <add>, %add3A_9, %reduce_sum3A [0] : vector<400x256xf32> to vector<256xf32>
    %broadcast_in_dim3A = vector.shape_cast %reduce_sum3A_12 : vector<256xf32> to vector<1x256xf32>
    %broadcast_in_dim3A_13 = arith.constant 0.000000e+00 : f32
    %broadcast_in_dim3A_14 = vector.broadcast %broadcast_in_dim3A_13 : f32 to vector<7x256xf32>
    %concatenate3A = tpu.concatenate %broadcast_in_dim3A, %broadcast_in_dim3A_14 in 0 : vector<1x256xf32>, vector<7x256xf32> -> vector<8x256xf32>
    %eq3A = arith.constant 0 : i32
    %eq3A_15 = arith.cmpi eq, %arg0, %eq3A : i32
    %convert_element_type3A = arith.extui %eq3A_15 : i1 to i32
    %cond3A = arith.constant 0 : i32
    %cond3A_16 = arith.cmpi ne, %convert_element_type3A, %cond3A : i32
    scf.if %cond3A_16 {
      %swap3A_21 = arith.constant 0 : index
      %swap3A_22 = arith.constant 0 : index
      %swap3A_23 = vector.load %arg5[%swap3A_21, %swap3A_22] : memref<8x256xf32, #tpu.memory_space<vmem>>, vector<8x256xf32>
      tpu.vector_store %arg5[%swap3A_21, %swap3A_22], %concatenate3A {strides = array<i32>} : memref<8x256xf32, #tpu.memory_space<vmem>>, vector<8x256xf32>,
    } else {
    }
    %gt3A = arith.constant 0 : i32
    %gt3A_17 = arith.cmpi sgt, %arg0, %gt3A : i32
    %convert_element_type3A_18 = arith.extui %gt3A_17 : i1 to i32
    %cond3A_19 = arith.constant 0 : i32
    %cond3A_20 = arith.cmpi ne, %convert_element_type3A_18, %cond3A_19 : i32
    scf.if %cond3A_20 {
      %get3A_21 = arith.constant 0 : index
      %get3A_22 = arith.constant 0 : index
      %get3A_23 = vector.load %arg5[%get3A_21, %get3A_22] : memref<8x256xf32, #tpu.memory_space<vmem>>, vector<8x256xf32>
      %add3A_24 = arith.addf %get3A_23, %concatenate3A : vector<8x256xf32>
      %swap3A_25 = arith.constant 0 : index
      %swap3A_26 = arith.constant 0 : index
      %swap3A_27 = vector.load %arg5[%swap3A_25, %swap3A_26] : memref<8x256xf32, #tpu.memory_space<vmem>>, vector<8x256xf32>
      tpu.vector_store %arg5[%swap3A_25, %swap3A_26], %add3A_24 {strides = array<i32>} : memref<8x256xf32, #tpu.memory_space<vmem>>, vector<8x256xf32>,
    } else {
    }
    return
  }
  func.func @transform_0(%arg0: i32) -> (i32, i32) {
    %c0_i32 = arith.constant 0 : i32
    %c0_i32_0 = arith.constant 0 : i32
    return %arg0, %c0_i32 : i32, i32
  }
  func.func @transform_1(%arg0: i32) -> (i32, i32) {
    %c0_i32 = arith.constant 0 : i32
    %c0_i32_0 = arith.constant 0 : i32
    return %arg0, %c0_i32 : i32, i32
  }
  func.func @transform_2(%arg0: i32) -> (i32, i32) {
    %c0_i32 = arith.constant 0 : i32
    %c0_i32_0 = arith.constant 0 : i32
    %c0_i32_1 = arith.constant 0 : i32
    return %c0_i32, %c0_i32_0 : i32, i32
  }
  func.func @transform_3(%arg0: i32) -> (i32, i32) {
    %c0_i32 = arith.constant 0 : i32
    %c0_i32_0 = arith.constant 0 : i32
    return %arg0, %c0_i32 : i32, i32
  }
  func.func @transform_4(%arg0: i32) -> (i32, i32) {
    %c0_i32 = arith.constant 0 : i32
    %c0_i32_0 = arith.constant 0 : i32
    %c0_i32_1 = arith.constant 0 : i32
    return %c0_i32, %c0_i32_0 : i32, i32
  }
}

module attributes {stable_mosaic.version = 14 : i64} {
  func.func @body(%arg0: i32, %arg1: memref<400x256xf32, #tpu.memory_space<vmem>>, %arg2: memref<1x256xf32, #tpu.memory_space<vmem>>, %arg3: memref<8x256xf32, #tpu.memory_space<vmem>>) attributes {dimension_semantics = [#tpu.dimension_semantics<arbitrary>], iteration_bounds = array<i64: 25>, scalar_prefetch = 0 : i64, scratch_operands = 0 : i64, tpu.core_type = #tpu.core_type<tc>, window_params = [{transform_indices = @transform_0, window_bounds = array<i64: 400, 256>}, {pipeline_mode = #tpu.pipeline_mode<synchronous>, transform_indices = @transform_1, window_bounds = array<i64: 1, 256>}, {pipeline_mode = #tpu.pipeline_mode<synchronous>, transform_indices = @transform_2, window_bounds = array<i64: 8, 256>}]} {
    %get3A = arith.constant 0 : index
    %get3A_0 = arith.constant 0 : index
    %get3A_1 = vector.load %arg1[%get3A, %get3A_0] : memref<400x256xf32, #tpu.memory_space<vmem>>, vector<400x256xf32>
    %get3A_2 = arith.constant 0 : index
    %get3A_3 = arith.constant 0 : index
    %get3A_4 = vector.load %arg2[%get3A_2, %get3A_3] : memref<1x256xf32, #tpu.memory_space<vmem>>, vector<1x256xf32>
    %sub3A = vector.broadcast %get3A_4 : vector<1x256xf32> to vector<400x256xf32>
    %sub3A_5 = arith.subf %get3A_1, %sub3A : vector<400x256xf32>
    %mul3A = arith.mulf %sub3A_5, %sub3A_5 : vector<400x256xf32>
    %reduce_sum3A = arith.constant dense<0.000000e+00> : vector<256xf32>
    %reduce_sum3A_6 = vector.multi_reduction <add>, %mul3A, %reduce_sum3A [0] : vector<400x256xf32> to vector<256xf32>
    %broadcast_in_dim3A = vector.shape_cast %reduce_sum3A_6 : vector<256xf32> to vector<1x256xf32>
    %broadcast_in_dim3A_7 = arith.constant 0.000000e+00 : f32
    %broadcast_in_dim3A_8 = vector.broadcast %broadcast_in_dim3A_7 : f32 to vector<7x256xf32>
    %concatenate3A = tpu.concatenate %broadcast_in_dim3A, %broadcast_in_dim3A_8 in 0 : vector<1x256xf32>, vector<7x256xf32> -> vector<8x256xf32>
    %eq3A = arith.constant 0 : i32
    %eq3A_9 = arith.cmpi eq, %arg0, %eq3A : i32
    %convert_element_type3A = arith.extui %eq3A_9 : i1 to i32
    %cond3A = arith.constant 0 : i32
    %cond3A_10 = arith.cmpi ne, %convert_element_type3A, %cond3A : i32
    scf.if %cond3A_10 {
      %swap3A = arith.constant 0 : index
      %swap3A_15 = arith.constant 0 : index
      %swap3A_16 = vector.load %arg3[%swap3A, %swap3A_15] : memref<8x256xf32, #tpu.memory_space<vmem>>, vector<8x256xf32>
      tpu.vector_store %arg3[%swap3A, %swap3A_15], %concatenate3A {strides = array<i32>} : memref<8x256xf32, #tpu.memory_space<vmem>>, vector<8x256xf32>,
    } else {
    }
    %gt3A = arith.constant 0 : i32
    %gt3A_11 = arith.cmpi sgt, %arg0, %gt3A : i32
    %convert_element_type3A_12 = arith.extui %gt3A_11 : i1 to i32
    %cond3A_13 = arith.constant 0 : i32
    %cond3A_14 = arith.cmpi ne, %convert_element_type3A_12, %cond3A_13 : i32
    scf.if %cond3A_14 {
      %get3A_15 = arith.constant 0 : index
      %get3A_16 = arith.constant 0 : index
      %get3A_17 = vector.load %arg3[%get3A_15, %get3A_16] : memref<8x256xf32, #tpu.memory_space<vmem>>, vector<8x256xf32>
      %add3A = arith.addf %get3A_17, %concatenate3A : vector<8x256xf32>
      %swap3A = arith.constant 0 : index
      %swap3A_18 = arith.constant 0 : index
      %swap3A_19 = vector.load %arg3[%swap3A, %swap3A_18] : memref<8x256xf32, #tpu.memory_space<vmem>>, vector<8x256xf32>
      tpu.vector_store %arg3[%swap3A, %swap3A_18], %add3A {strides = array<i32>} : memref<8x256xf32, #tpu.memory_space<vmem>>, vector<8x256xf32>,
    } else {
    }
    return
  }
  func.func @transform_0(%arg0: i32) -> (i32, i32) {
    %c0_i32 = arith.constant 0 : i32
    %c0_i32_0 = arith.constant 0 : i32
    return %arg0, %c0_i32 : i32, i32
  }
  func.func @transform_1(%arg0: i32) -> (i32, i32) {
    %c0_i32 = arith.constant 0 : i32
    %c0_i32_0 = arith.constant 0 : i32
    %c0_i32_1 = arith.constant 0 : i32
    return %c0_i32, %c0_i32_0 : i32, i32
  }
  func.func @transform_2(%arg0: i32) -> (i32, i32) {
    %c0_i32 = arith.constant 0 : i32
    %c0_i32_0 = arith.constant 0 : i32
    %c0_i32_1 = arith.constant 0 : i32
    return %c0_i32, %c0_i32_0 : i32, i32
  }
}

module attributes {stable_mosaic.version = 14 : i64} {
  func.func @body(%arg0: i32, %arg1: memref<400x256xf32, #tpu.memory_space<vmem>>, %arg2: memref<1x256xf32, #tpu.memory_space<vmem>>, %arg3: memref<1x256xf32, #tpu.memory_space<vmem>>, %arg4: memref<256x64xf32, #tpu.memory_space<vmem>>, %arg5: memref<1x64xf32, #tpu.memory_space<vmem>>, %arg6: memref<400x256xf32, #tpu.memory_space<vmem>>, %arg7: memref<400x128xi32, #tpu.memory_space<vmem>>, %arg8: memref<400x128xf32, #tpu.memory_space<vmem>>) attributes {dimension_semantics = [#tpu.dimension_semantics<arbitrary>], iteration_bounds = array<i64: 25>, scalar_prefetch = 0 : i64, scratch_operands = 0 : i64, tpu.core_type = #tpu.core_type<tc>, window_params = [{transform_indices = @transform_0, window_bounds = array<i64: 400, 256>}, {pipeline_mode = #tpu.pipeline_mode<synchronous>, transform_indices = @transform_1, window_bounds = array<i64: 1, 256>}, {pipeline_mode = #tpu.pipeline_mode<synchronous>, transform_indices = @transform_2, window_bounds = array<i64: 1, 256>}, {pipeline_mode = #tpu.pipeline_mode<synchronous>, transform_indices = @transform_3, window_bounds = array<i64: 256, 64>}, {pipeline_mode = #tpu.pipeline_mode<synchronous>, transform_indices = @transform_4, window_bounds = array<i64: 1, 64>}, {transform_indices = @transform_5, window_bounds = array<i64: 400, 256>}, {transform_indices = @transform_6, window_bounds = array<i64: 400, 128>}, {transform_indices = @transform_7, window_bounds = array<i64: 400, 128>}]} {
    %get3A = arith.constant 0 : index
    %get3A_0 = arith.constant 0 : index
    %get3A_1 = vector.load %arg1[%get3A, %get3A_0] : memref<400x256xf32, #tpu.memory_space<vmem>>, vector<400x256xf32>
    %get3A_2 = arith.constant 0 : index
    %get3A_3 = arith.constant 0 : index
    %get3A_4 = vector.load %arg2[%get3A_2, %get3A_3] : memref<1x256xf32, #tpu.memory_space<vmem>>, vector<1x256xf32>
    %mul3A = vector.broadcast %get3A_4 : vector<1x256xf32> to vector<400x256xf32>
    %mul3A_5 = arith.mulf %get3A_1, %mul3A : vector<400x256xf32>
    %get3A_6 = arith.constant 0 : index
    %get3A_7 = arith.constant 0 : index
    %get3A_8 = vector.load %arg3[%get3A_6, %get3A_7] : memref<1x256xf32, #tpu.memory_space<vmem>>, vector<1x256xf32>
    %add3A = vector.broadcast %get3A_8 : vector<1x256xf32> to vector<400x256xf32>
    %add3A_9 = arith.addf %mul3A_5, %add3A : vector<400x256xf32>
    %swap3A = arith.constant 0 : index
    %swap3A_10 = arith.constant 0 : index
    %swap3A_11 = vector.load %arg6[%swap3A, %swap3A_10] : memref<400x256xf32, #tpu.memory_space<vmem>>, vector<400x256xf32>
    tpu.vector_store %arg6[%swap3A, %swap3A_10], %add3A_9 {strides = array<i32>} : memref<400x256xf32, #tpu.memory_space<vmem>>, vector<400x256xf32>,
    %get3A_12 = arith.constant 0 : index
    %get3A_13 = arith.constant 0 : index
    %get3A_14 = vector.load %arg4[%get3A_12, %get3A_13] : memref<256x64xf32, #tpu.memory_space<vmem>>, vector<256x64xf32>
    %dot_general3A = arith.constant dense<0.000000e+00> : vector<400x64xf32>
    %dot_general3A_15 = tpu.matmul %add3A_9, %get3A_14, %dot_general3A {dimension_numbers = #tpu.dot_dimension_numbers<[1], [0], [0], [1], [0, 0, 1, 1], [], []>, transpose_lhs_hint = false} : vector<400x256xf32>, vector<256x64xf32>, vector<400x64xf32> -> vector<400x64xf32>
    %get3A_16 = arith.constant 0 : index
    %get3A_17 = arith.constant 0 : index
    %get3A_18 = vector.load %arg5[%get3A_16, %get3A_17] : memref<1x64xf32, #tpu.memory_space<vmem>>, vector<1x64xf32>
    %add3A_19 = vector.broadcast %get3A_18 : vector<1x64xf32> to vector<400x64xf32>
    %add3A_20 = arith.addf %dot_general3A_15, %add3A_19 : vector<400x64xf32>
    %iota3A = tpu.iota {dimensions = array<i32: 1>} : vector<400x64xi32>
    %reduce_max3A = arith.constant dense<0xFF800000> : vector<400xf32>
    %reduce_max3A_21 = vector.multi_reduction <maximumf>, %add3A_20, %reduce_max3A [1] : vector<400x64xf32> to vector<400xf32>
    %broadcast_in_dim3A = vector.shape_cast %reduce_max3A_21 : vector<400xf32> to vector<400x1xf32>
    %eq3A = vector.broadcast %broadcast_in_dim3A : vector<400x1xf32> to vector<400x64xf32>
    %eq3A_22 = arith.cmpf oeq, %add3A_20, %eq3A : vector<400x64xf32>
    %jit3A = arith.constant 64 : i32
    %broadcast_in_dim3A_23 = vector.broadcast %jit3A : i32 to vector<400x64xi32>
    %select_n3A = arith.select %eq3A_22, %iota3A, %broadcast_in_dim3A_23 : vector<400x64xi1>, vector<400x64xi32>
    %reduce_min3A = arith.constant dense<2147483647> : vector<400xi32>
    %reduce_min3A_24 = vector.multi_reduction <minsi>, %select_n3A, %reduce_min3A [1] : vector<400x64xi32> to vector<400xi32>
    %broadcast_in_dim3A_25 = vector.shape_cast %reduce_min3A_24 : vector<400xi32> to vector<400x1xi32>
    %eq3A_26 = vector.broadcast %broadcast_in_dim3A_25 : vector<400x1xi32> to vector<400x64xi32>
    %eq3A_27 = arith.cmpi eq, %iota3A, %eq3A_26 : vector<400x64xi32>
    %jit3A_28 = arith.constant 0xFF800000 : f32
    %broadcast_in_dim3A_29 = vector.broadcast %jit3A_28 : f32 to vector<400x64xf32>
    %select_n3A_30 = arith.select %eq3A_27, %broadcast_in_dim3A_29, %add3A_20 : vector<400x64xi1>, vector<400x64xf32>
    %reduce_max3A_31 = arith.constant dense<0xFF800000> : vector<400xf32>
    %reduce_max3A_32 = vector.multi_reduction <maximumf>, %select_n3A_30, %reduce_max3A_31 [1] : vector<400x64xf32> to vector<400xf32>
    %broadcast_in_dim3A_33 = vector.shape_cast %reduce_max3A_32 : vector<400xf32> to vector<400x1xf32>
    %eq3A_34 = vector.broadcast %broadcast_in_dim3A_33 : vector<400x1xf32> to vector<400x64xf32>
    %eq3A_35 = arith.cmpf oeq, %select_n3A_30, %eq3A_34 : vector<400x64xf32>
    %jit3A_36 = arith.constant 64 : i32
    %broadcast_in_dim3A_37 = vector.broadcast %jit3A_36 : i32 to vector<400x64xi32>
    %select_n3A_38 = arith.select %eq3A_35, %iota3A, %broadcast_in_dim3A_37 : vector<400x64xi1>, vector<400x64xi32>
    %reduce_min3A_39 = arith.constant dense<2147483647> : vector<400xi32>
    %reduce_min3A_40 = vector.multi_reduction <minsi>, %select_n3A_38, %reduce_min3A_39 [1] : vector<400x64xi32> to vector<400xi32>
    %broadcast_in_dim3A_41 = vector.shape_cast %reduce_min3A_40 : vector<400xi32> to vector<400x1xi32>
    %sub3A = arith.subf %broadcast_in_dim3A_33, %broadcast_in_dim3A : vector<400x1xf32>
    %exp3A = math.exp %sub3A : vector<400x1xf32>
    %add3A_42 = arith.constant 1.000000e+00 : f32
    %add3A_43 = vector.broadcast %add3A_42 : f32 to vector<400x1xf32>
    %add3A_44 = arith.addf %add3A_43, %exp3A : vector<400x1xf32>
    %div3A = arith.constant 1.000000e+00 : f32
    %div3A_45 = vector.broadcast %div3A : f32 to vector<400x1xf32>
    %div3A_46 = arith.divf %div3A_45, %add3A_44 : vector<400x1xf32>
    %sub3A_47 = arith.constant 1.000000e+00 : f32
    %sub3A_48 = vector.broadcast %sub3A_47 : f32 to vector<400x1xf32>
    %sub3A_49 = arith.subf %sub3A_48, %div3A_46 : vector<400x1xf32>
    %iota3A_50 = tpu.iota {dimensions = array<i32: 1>} : vector<400x128xi32>
    %eq3A_51 = arith.constant 0 : i32
    %eq3A_52 = vector.broadcast %eq3A_51 : i32 to vector<400x128xi32>
    %eq3A_53 = arith.cmpi eq, %iota3A_50, %eq3A_52 : vector<400x128xi32>
    %eq3A_54 = arith.constant 1 : i32
    %eq3A_55 = vector.broadcast %eq3A_54 : i32 to vector<400x128xi32>
    %eq3A_56 = arith.cmpi eq, %iota3A_50, %eq3A_55 : vector<400x128xi32>
    %jit3A_57 = arith.constant 0 : i32
    %broadcast_in_dim3A_58 = vector.shape_cast %broadcast_in_dim3A_41 : vector<400x1xi32> to vector<400x1xi32>
    %broadcast_in_dim3A_59 = vector.broadcast %broadcast_in_dim3A_58 : vector<400x1xi32> to vector<400x128xi32>
    %broadcast_in_dim3A_60 = vector.broadcast %jit3A_57 : i32 to vector<400x128xi32>
    %select_n3A_61 = arith.select %eq3A_56, %broadcast_in_dim3A_59, %broadcast_in_dim3A_60 : vector<400x128xi1>, vector<400x128xi32>
    %broadcast_in_dim3A_62 = vector.shape_cast %broadcast_in_dim3A_25 : vector<400x1xi32> to vector<400x1xi32>
    %broadcast_in_dim3A_63 = vector.broadcast %broadcast_in_dim3A_62 : vector<400x1xi32> to vector<400x128xi32>
    %select_n3A_64 = arith.select %eq3A_53, %broadcast_in_dim3A_63, %select_n3A_61 : vector<400x128xi1>, vector<400x128xi32>
    %swap3A_65 = arith.constant 0 : index
    %swap3A_66 = arith.constant 0 : index
    %swap3A_67 = vector.load %arg7[%swap3A_65, %swap3A_66] : memref<400x128xi32, #tpu.memory_space<vmem>>, vector<400x128xi32>
    tpu.vector_store %arg7[%swap3A_65, %swap3A_66], %select_n3A_64 {strides = array<i32>} : memref<400x128xi32, #tpu.memory_space<vmem>>, vector<400x128xi32>,
    %eq3A_68 = arith.constant 0 : i32
    %eq3A_69 = vector.broadcast %eq3A_68 : i32 to vector<400x128xi32>
    %eq3A_70 = arith.cmpi eq, %iota3A_50, %eq3A_69 : vector<400x128xi32>
    %eq3A_71 = arith.constant 1 : i32
    %eq3A_72 = vector.broadcast %eq3A_71 : i32 to vector<400x128xi32>
    %eq3A_73 = arith.cmpi eq, %iota3A_50, %eq3A_72 : vector<400x128xi32>
    %jit3A_74 = arith.constant 0.000000e+00 : f32
    %broadcast_in_dim3A_75 = vector.shape_cast %sub3A_49 : vector<400x1xf32> to vector<400x1xf32>
    %broadcast_in_dim3A_76 = vector.broadcast %broadcast_in_dim3A_75 : vector<400x1xf32> to vector<400x128xf32>
    %broadcast_in_dim3A_77 = vector.broadcast %jit3A_74 : f32 to vector<400x128xf32>
    %select_n3A_78 = arith.select %eq3A_73, %broadcast_in_dim3A_76, %broadcast_in_dim3A_77 : vector<400x128xi1>, vector<400x128xf32>
    %broadcast_in_dim3A_79 = vector.shape_cast %div3A_46 : vector<400x1xf32> to vector<400x1xf32>
    %broadcast_in_dim3A_80 = vector.broadcast %broadcast_in_dim3A_79 : vector<400x1xf32> to vector<400x128xf32>
    %select_n3A_81 = arith.select %eq3A_70, %broadcast_in_dim3A_80, %select_n3A_78 : vector<400x128xi1>, vector<400x128xf32>
    %swap3A_82 = arith.constant 0 : index
    %swap3A_83 = arith.constant 0 : index
    %swap3A_84 = vector.load %arg8[%swap3A_82, %swap3A_83] : memref<400x128xf32, #tpu.memory_space<vmem>>, vector<400x128xf32>
    tpu.vector_store %arg8[%swap3A_82, %swap3A_83], %select_n3A_81 {strides = array<i32>} : memref<400x128xf32, #tpu.memory_space<vmem>>, vector<400x128xf32>,
    return
  }
  func.func @transform_0(%arg0: i32) -> (i32, i32) {
    %c0_i32 = arith.constant 0 : i32
    %c0_i32_0 = arith.constant 0 : i32
    return %arg0, %c0_i32 : i32, i32
  }
  func.func @transform_1(%arg0: i32) -> (i32, i32) {
    %c0_i32 = arith.constant 0 : i32
    %c0_i32_0 = arith.constant 0 : i32
    %c0_i32_1 = arith.constant 0 : i32
    return %c0_i32, %c0_i32_0 : i32, i32
  }
  func.func @transform_2(%arg0: i32) -> (i32, i32) {
    %c0_i32 = arith.constant 0 : i32
    %c0_i32_0 = arith.constant 0 : i32
    %c0_i32_1 = arith.constant 0 : i32
    return %c0_i32, %c0_i32_0 : i32, i32
  }
  func.func @transform_3(%arg0: i32) -> (i32, i32) {
    %c0_i32 = arith.constant 0 : i32
    %c0_i32_0 = arith.constant 0 : i32
    %c0_i32_1 = arith.constant 0 : i32
    return %c0_i32, %c0_i32_0 : i32, i32
  }
  func.func @transform_4(%arg0: i32) -> (i32, i32) {
    %c0_i32 = arith.constant 0 : i32
    %c0_i32_0 = arith.constant 0 : i32
    %c0_i32_1 = arith.constant 0 : i32
    return %c0_i32, %c0_i32_0 : i32, i32
  }
  func.func @transform_5(%arg0: i32) -> (i32, i32) {
    %c0_i32 = arith.constant 0 : i32
    %c0_i32_0 = arith.constant 0 : i32
    return %arg0, %c0_i32 : i32, i32
  }
  func.func @transform_6(%arg0: i32) -> (i32, i32) {
    %c0_i32 = arith.constant 0 : i32
    %c0_i32_0 = arith.constant 0 : i32
    return %arg0, %c0_i32 : i32, i32
  }
  func.func @transform_7(%arg0: i32) -> (i32, i32) {
    %c0_i32 = arith.constant 0 : i32
    %c0_i32_0 = arith.constant 0 : i32
    return %arg0, %c0_i32 : i32, i32
  }
}

module attributes {stable_mosaic.version = 14 : i64} {
  func.func @body(%arg0: i32, %arg1: memref<224xi32, #tpu.memory_space<smem>>, %arg2: memref<128x256xf32, #tpu.memory_space<vmem>>, %arg3: memref<1x256x512xf32, #tpu.memory_space<vmem>>, %arg4: memref<1x1x512xf32, #tpu.memory_space<vmem>>, %arg5: memref<1x512x256xf32, #tpu.memory_space<vmem>>, %arg6: memref<1x1x256xf32, #tpu.memory_space<vmem>>, %arg7: memref<128x128xf32, #tpu.memory_space<vmem>>, %arg8: memref<128x256xf32, #tpu.memory_space<vmem>>) attributes {dimension_semantics = [#tpu.dimension_semantics<arbitrary>], iteration_bounds = array<i64: 224>, scalar_prefetch = 1 : i64, scratch_operands = 0 : i64, tpu.core_type = #tpu.core_type<tc>, window_params = [{transform_indices = @transform_0, window_bounds = array<i64: 128, 256>}, {transform_indices = @transform_1, window_bounds = array<i64: 1, 256, 512>}, {transform_indices = @transform_2, window_bounds = array<i64: 1, 1, 512>}, {transform_indices = @transform_3, window_bounds = array<i64: 1, 512, 256>}, {transform_indices = @transform_4, window_bounds = array<i64: 1, 1, 256>}, {transform_indices = @transform_5, window_bounds = array<i64: 128, 128>}, {transform_indices = @transform_6, window_bounds = array<i64: 128, 256>}]} {
    %get3A = arith.constant 0 : index
    %get3A_0 = arith.constant 0 : index
    %get3A_1 = vector.load %arg2[%get3A, %get3A_0] : memref<128x256xf32, #tpu.memory_space<vmem>>, vector<128x256xf32>
    %get3A_2 = arith.constant 0 : index
    %get3A_3 = arith.constant 0 : index
    %get3A_4 = arith.constant 0 : index
    %get3A_5 = vector.load %arg3[%get3A_2, %get3A_3, %get3A_4] : memref<1x256x512xf32, #tpu.memory_space<vmem>>, vector<1x256x512xf32>
    %get3A_6 = vector.shape_cast %get3A_5 : vector<1x256x512xf32> to vector<256x512xf32>
    %dot_general3A = arith.constant dense<0.000000e+00> : vector<128x512xf32>
    %dot_general3A_7 = tpu.matmul %get3A_1, %get3A_6, %dot_general3A {dimension_numbers = #tpu.dot_dimension_numbers<[1], [0], [0], [1], [0, 0, 1, 1], [], []>, transpose_lhs_hint = false} : vector<128x256xf32>, vector<256x512xf32>, vector<128x512xf32> -> vector<128x512xf32>
    %get3A_8 = arith.constant 0 : index
    %get3A_9 = arith.constant 0 : index
    %get3A_10 = arith.constant 0 : index
    %get3A_11 = vector.load %arg4[%get3A_8, %get3A_9, %get3A_10] : memref<1x1x512xf32, #tpu.memory_space<vmem>>, vector<1x1x512xf32>
    %get3A_12 = vector.shape_cast %get3A_11 : vector<1x1x512xf32> to vector<1x512xf32>
    %add3A = vector.broadcast %get3A_12 : vector<1x512xf32> to vector<128x512xf32>
    %add3A_13 = arith.addf %dot_general3A_7, %add3A : vector<128x512xf32>
    %mul3A = arith.constant 5.000000e-01 : f32
    %mul3A_14 = vector.broadcast %mul3A : f32 to vector<128x512xf32>
    %mul3A_15 = arith.mulf %mul3A_14, %add3A_13 : vector<128x512xf32>
    %mul3A_16 = arith.constant 0.707106769 : f32
    %mul3A_17 = vector.broadcast %mul3A_16 : f32 to vector<128x512xf32>
    %mul3A_18 = arith.mulf %add3A_13, %mul3A_17 : vector<128x512xf32>
    %erf3A = math.erf %mul3A_18 : vector<128x512xf32>
    %add3A_19 = arith.constant 1.000000e+00 : f32
    %add3A_20 = vector.broadcast %add3A_19 : f32 to vector<128x512xf32>
    %add3A_21 = arith.addf %add3A_20, %erf3A : vector<128x512xf32>
    %mul3A_22 = arith.mulf %mul3A_15, %add3A_21 : vector<128x512xf32>
    %get3A_23 = arith.constant 0 : index
    %get3A_24 = arith.constant 0 : index
    %get3A_25 = arith.constant 0 : index
    %get3A_26 = vector.load %arg5[%get3A_23, %get3A_24, %get3A_25] : memref<1x512x256xf32, #tpu.memory_space<vmem>>, vector<1x512x256xf32>
    %get3A_27 = vector.shape_cast %get3A_26 : vector<1x512x256xf32> to vector<512x256xf32>
    %dot_general3A_28 = arith.constant dense<0.000000e+00> : vector<128x256xf32>
    %dot_general3A_29 = tpu.matmul %mul3A_22, %get3A_27, %dot_general3A_28 {dimension_numbers = #tpu.dot_dimension_numbers<[1], [0], [0], [1], [0, 0, 1, 1], [], []>, transpose_lhs_hint = false} : vector<128x512xf32>, vector<512x256xf32>, vector<128x256xf32> -> vector<128x256xf32>
    %get3A_30 = arith.constant 0 : index
    %get3A_31 = arith.constant 0 : index
    %get3A_32 = arith.constant 0 : index
    %get3A_33 = vector.load %arg6[%get3A_30, %get3A_31, %get3A_32] : memref<1x1x256xf32, #tpu.memory_space<vmem>>, vector<1x1x256xf32>
    %get3A_34 = vector.shape_cast %get3A_33 : vector<1x1x256xf32> to vector<1x256xf32>
    %add3A_35 = vector.broadcast %get3A_34 : vector<1x256xf32> to vector<128x256xf32>
    %add3A_36 = arith.addf %dot_general3A_29, %add3A_35 : vector<128x256xf32>
    %get3A_37 = arith.constant 0 : index
    %get3A_38 = arith.constant 0 : index
    %get3A_39 = vector.load %arg7[%get3A_37, %get3A_38] : memref<128x128xf32, #tpu.memory_space<vmem>>, vector<128x1xf32>
    %mul3A_40 = vector.broadcast %get3A_39 : vector<128x1xf32> to vector<128x256xf32>
    %mul3A_41 = arith.mulf %add3A_36, %mul3A_40 : vector<128x256xf32>
    %swap3A = arith.constant 0 : index
    %swap3A_42 = arith.constant 0 : index
    %swap3A_43 = vector.load %arg8[%swap3A, %swap3A_42] : memref<128x256xf32, #tpu.memory_space<vmem>>, vector<128x256xf32>
    tpu.vector_store %arg8[%swap3A, %swap3A_42], %mul3A_41 {strides = array<i32>} : memref<128x256xf32, #tpu.memory_space<vmem>>, vector<128x256xf32>,
    return
  }
  func.func @transform_0(%arg0: i32, %arg1: memref<224xi32, #tpu.memory_space<smem>>) -> (i32, i32) {
    %c0_i32 = arith.constant 0 : i32
    %c0_i32_0 = arith.constant 0 : i32
    return %arg0, %c0_i32 : i32, i32
  }
  func.func @transform_1(%arg0: i32, %arg1: memref<224xi32, #tpu.memory_space<smem>>) -> (i32, i32, i32) {
    %get3A = arith.index_cast %arg0 : i32 to index
    %get3A_0 = memref.load %arg1[%get3A] : memref<224xi32, #tpu.memory_space<smem>>
    %c0_i32 = arith.constant 0 : i32
    %c0_i32_1 = arith.constant 0 : i32
    %c0_i32_2 = arith.constant 0 : i32
    return %get3A_0, %c0_i32, %c0_i32_1 : i32, i32, i32
  }
  func.func @transform_2(%arg0: i32, %arg1: memref<224xi32, #tpu.memory_space<smem>>) -> (i32, i32, i32) {
    %get3A = arith.index_cast %arg0 : i32 to index
    %get3A_0 = memref.load %arg1[%get3A] : memref<224xi32, #tpu.memory_space<smem>>
    %c0_i32 = arith.constant 0 : i32
    %c0_i32_1 = arith.constant 0 : i32
    %c0_i32_2 = arith.constant 0 : i32
    return %get3A_0, %c0_i32, %c0_i32_1 : i32, i32, i32
  }
  func.func @transform_3(%arg0: i32, %arg1: memref<224xi32, #tpu.memory_space<smem>>) -> (i32, i32, i32) {
    %get3A = arith.index_cast %arg0 : i32 to index
    %get3A_0 = memref.load %arg1[%get3A] : memref<224xi32, #tpu.memory_space<smem>>
    %c0_i32 = arith.constant 0 : i32
    %c0_i32_1 = arith.constant 0 : i32
    %c0_i32_2 = arith.constant 0 : i32
    return %get3A_0, %c0_i32, %c0_i32_1 : i32, i32, i32
  }
  func.func @transform_4(%arg0: i32, %arg1: memref<224xi32, #tpu.memory_space<smem>>) -> (i32, i32, i32) {
    %get3A = arith.index_cast %arg0 : i32 to index
    %get3A_0 = memref.load %arg1[%get3A] : memref<224xi32, #tpu.memory_space<smem>>
    %c0_i32 = arith.constant 0 : i32
    %c0_i32_1 = arith.constant 0 : i32
    %c0_i32_2 = arith.constant 0 : i32
    return %get3A_0, %c0_i32, %c0_i32_1 : i32, i32, i32
  }
  func.func @transform_5(%arg0: i32, %arg1: memref<224xi32, #tpu.memory_space<smem>>) -> (i32, i32) {
    %c0_i32 = arith.constant 0 : i32
    %c0_i32_0 = arith.constant 0 : i32
    return %arg0, %c0_i32 : i32, i32
  }
  func.func @transform_6(%arg0: i32, %arg1: memref<224xi32, #tpu.memory_space<smem>>) -> (i32, i32) {
    %c0_i32 = arith.constant 0 : i32
    %c0_i32_0 = arith.constant 0 : i32
    return %arg0, %c0_i32 : i32, i32
  }
}

module attributes {stable_mosaic.version = 14 : i64} {
  func.func @body(%arg0: i32, %arg1: memref<400x256xf32, #tpu.memory_space<vmem>>, %arg2: memref<400x256xf32, #tpu.memory_space<vmem>>, %arg3: memref<400x256xf32, #tpu.memory_space<vmem>>, %arg4: memref<400x256xf32, #tpu.memory_space<vmem>>, %arg5: memref<8x256xf32, #tpu.memory_space<vmem>>) attributes {dimension_semantics = [#tpu.dimension_semantics<arbitrary>], iteration_bounds = array<i64: 25>, scalar_prefetch = 0 : i64, scratch_operands = 0 : i64, tpu.core_type = #tpu.core_type<tc>, window_params = [{transform_indices = @transform_0, window_bounds = array<i64: 400, 256>}, {transform_indices = @transform_1, window_bounds = array<i64: 400, 256>}, {transform_indices = @transform_2, window_bounds = array<i64: 400, 256>}, {transform_indices = @transform_3, window_bounds = array<i64: 400, 256>}, {pipeline_mode = #tpu.pipeline_mode<synchronous>, transform_indices = @transform_4, window_bounds = array<i64: 8, 256>}]} {
    %get3A = arith.constant 0 : index
    %get3A_0 = arith.constant 0 : index
    %get3A_1 = vector.load %arg1[%get3A, %get3A_0] : memref<400x256xf32, #tpu.memory_space<vmem>>, vector<400x256xf32>
    %get3A_2 = arith.constant 0 : index
    %get3A_3 = arith.constant 0 : index
    %get3A_4 = vector.load %arg2[%get3A_2, %get3A_3] : memref<400x256xf32, #tpu.memory_space<vmem>>, vector<400x256xf32>
    %add3A = arith.addf %get3A_1, %get3A_4 : vector<400x256xf32>
    %get3A_5 = arith.constant 0 : index
    %get3A_6 = arith.constant 0 : index
    %get3A_7 = vector.load %arg3[%get3A_5, %get3A_6] : memref<400x256xf32, #tpu.memory_space<vmem>>, vector<400x256xf32>
    %add3A_8 = arith.addf %add3A, %get3A_7 : vector<400x256xf32>
    %swap3A = arith.constant 0 : index
    %swap3A_9 = arith.constant 0 : index
    %swap3A_10 = vector.load %arg4[%swap3A, %swap3A_9] : memref<400x256xf32, #tpu.memory_space<vmem>>, vector<400x256xf32>
    tpu.vector_store %arg4[%swap3A, %swap3A_9], %add3A_8 {strides = array<i32>} : memref<400x256xf32, #tpu.memory_space<vmem>>, vector<400x256xf32>,
    %reduce_sum3A = arith.constant dense<0.000000e+00> : vector<256xf32>
    %reduce_sum3A_11 = vector.multi_reduction <add>, %add3A_8, %reduce_sum3A [0] : vector<400x256xf32> to vector<256xf32>
    %broadcast_in_dim3A = vector.shape_cast %reduce_sum3A_11 : vector<256xf32> to vector<1x256xf32>
    %broadcast_in_dim3A_12 = arith.constant 0.000000e+00 : f32
    %broadcast_in_dim3A_13 = vector.broadcast %broadcast_in_dim3A_12 : f32 to vector<7x256xf32>
    %concatenate3A = tpu.concatenate %broadcast_in_dim3A, %broadcast_in_dim3A_13 in 0 : vector<1x256xf32>, vector<7x256xf32> -> vector<8x256xf32>
    %eq3A = arith.constant 0 : i32
    %eq3A_14 = arith.cmpi eq, %arg0, %eq3A : i32
    %convert_element_type3A = arith.extui %eq3A_14 : i1 to i32
    %cond3A = arith.constant 0 : i32
    %cond3A_15 = arith.cmpi ne, %convert_element_type3A, %cond3A : i32
    scf.if %cond3A_15 {
      %swap3A_20 = arith.constant 0 : index
      %swap3A_21 = arith.constant 0 : index
      %swap3A_22 = vector.load %arg5[%swap3A_20, %swap3A_21] : memref<8x256xf32, #tpu.memory_space<vmem>>, vector<8x256xf32>
      tpu.vector_store %arg5[%swap3A_20, %swap3A_21], %concatenate3A {strides = array<i32>} : memref<8x256xf32, #tpu.memory_space<vmem>>, vector<8x256xf32>,
    } else {
    }
    %gt3A = arith.constant 0 : i32
    %gt3A_16 = arith.cmpi sgt, %arg0, %gt3A : i32
    %convert_element_type3A_17 = arith.extui %gt3A_16 : i1 to i32
    %cond3A_18 = arith.constant 0 : i32
    %cond3A_19 = arith.cmpi ne, %convert_element_type3A_17, %cond3A_18 : i32
    scf.if %cond3A_19 {
      %get3A_20 = arith.constant 0 : index
      %get3A_21 = arith.constant 0 : index
      %get3A_22 = vector.load %arg5[%get3A_20, %get3A_21] : memref<8x256xf32, #tpu.memory_space<vmem>>, vector<8x256xf32>
      %add3A_23 = arith.addf %get3A_22, %concatenate3A : vector<8x256xf32>
      %swap3A_24 = arith.constant 0 : index
      %swap3A_25 = arith.constant 0 : index
      %swap3A_26 = vector.load %arg5[%swap3A_24, %swap3A_25] : memref<8x256xf32, #tpu.memory_space<vmem>>, vector<8x256xf32>
      tpu.vector_store %arg5[%swap3A_24, %swap3A_25], %add3A_23 {strides = array<i32>} : memref<8x256xf32, #tpu.memory_space<vmem>>, vector<8x256xf32>,
    } else {
    }
    return
  }
  func.func @transform_0(%arg0: i32) -> (i32, i32) {
    %c0_i32 = arith.constant 0 : i32
    %c0_i32_0 = arith.constant 0 : i32
    return %arg0, %c0_i32 : i32, i32
  }
  func.func @transform_1(%arg0: i32) -> (i32, i32) {
    %c0_i32 = arith.constant 0 : i32
    %c0_i32_0 = arith.constant 0 : i32
    return %arg0, %c0_i32 : i32, i32
  }
  func.func @transform_2(%arg0: i32) -> (i32, i32) {
    %add3A = arith.constant 25 : i32
    %add3A_0 = arith.addi %add3A, %arg0 : i32
    %c0_i32 = arith.constant 0 : i32
    %c0_i32_1 = arith.constant 0 : i32
    return %add3A_0, %c0_i32 : i32, i32
  }
  func.func @transform_3(%arg0: i32) -> (i32, i32) {
    %c0_i32 = arith.constant 0 : i32
    %c0_i32_0 = arith.constant 0 : i32
    return %arg0, %c0_i32 : i32, i32
  }
  func.func @transform_4(%arg0: i32) -> (i32, i32) {
    %c0_i32 = arith.constant 0 : i32
    %c0_i32_0 = arith.constant 0 : i32
    %c0_i32_1 = arith.constant 0 : i32
    return %c0_i32, %c0_i32_0 : i32, i32
  }
}

module attributes {stable_mosaic.version = 14 : i64} {
  func.func @body(%arg0: i32, %arg1: memref<400x256xf32, #tpu.memory_space<vmem>>, %arg2: memref<1x256xf32, #tpu.memory_space<vmem>>, %arg3: memref<1x256xf32, #tpu.memory_space<vmem>>, %arg4: memref<400x256xf32, #tpu.memory_space<vmem>>) attributes {dimension_semantics = [#tpu.dimension_semantics<arbitrary>], iteration_bounds = array<i64: 25>, scalar_prefetch = 0 : i64, scratch_operands = 0 : i64, tpu.core_type = #tpu.core_type<tc>, window_params = [{transform_indices = @transform_0, window_bounds = array<i64: 400, 256>}, {pipeline_mode = #tpu.pipeline_mode<synchronous>, transform_indices = @transform_1, window_bounds = array<i64: 1, 256>}, {pipeline_mode = #tpu.pipeline_mode<synchronous>, transform_indices = @transform_2, window_bounds = array<i64: 1, 256>}, {transform_indices = @transform_3, window_bounds = array<i64: 400, 256>}]} {
    %get3A = arith.constant 0 : index
    %get3A_0 = arith.constant 0 : index
    %get3A_1 = vector.load %arg1[%get3A, %get3A_0] : memref<400x256xf32, #tpu.memory_space<vmem>>, vector<400x256xf32>
    %get3A_2 = arith.constant 0 : index
    %get3A_3 = arith.constant 0 : index
    %get3A_4 = vector.load %arg2[%get3A_2, %get3A_3] : memref<1x256xf32, #tpu.memory_space<vmem>>, vector<1x256xf32>
    %mul3A = vector.broadcast %get3A_4 : vector<1x256xf32> to vector<400x256xf32>
    %mul3A_5 = arith.mulf %get3A_1, %mul3A : vector<400x256xf32>
    %get3A_6 = arith.constant 0 : index
    %get3A_7 = arith.constant 0 : index
    %get3A_8 = vector.load %arg3[%get3A_6, %get3A_7] : memref<1x256xf32, #tpu.memory_space<vmem>>, vector<1x256xf32>
    %add3A = vector.broadcast %get3A_8 : vector<1x256xf32> to vector<400x256xf32>
    %add3A_9 = arith.addf %mul3A_5, %add3A : vector<400x256xf32>
    %swap3A = arith.constant 0 : index
    %swap3A_10 = arith.constant 0 : index
    %swap3A_11 = vector.load %arg4[%swap3A, %swap3A_10] : memref<400x256xf32, #tpu.memory_space<vmem>>, vector<400x256xf32>
    tpu.vector_store %arg4[%swap3A, %swap3A_10], %add3A_9 {strides = array<i32>} : memref<400x256xf32, #tpu.memory_space<vmem>>, vector<400x256xf32>,
    return
  }
  func.func @transform_0(%arg0: i32) -> (i32, i32) {
    %c0_i32 = arith.constant 0 : i32
    %c0_i32_0 = arith.constant 0 : i32
    return %arg0, %c0_i32 : i32, i32
  }
  func.func @transform_1(%arg0: i32) -> (i32, i32) {
    %c0_i32 = arith.constant 0 : i32
    %c0_i32_0 = arith.constant 0 : i32
    %c0_i32_1 = arith.constant 0 : i32
    return %c0_i32, %c0_i32_0 : i32, i32
  }
  func.func @transform_2(%arg0: i32) -> (i32, i32) {
    %c0_i32 = arith.constant 0 : i32
    %c0_i32_0 = arith.constant 0 : i32
    %c0_i32_1 = arith.constant 0 : i32
    return %c0_i32, %c0_i32_0 : i32, i32
  }
  func.func @transform_3(%arg0: i32) -> (i32, i32) {
    %c0_i32 = arith.constant 0 : i32
    %c0_i32_0 = arith.constant 0 : i32
    return %arg0, %c0_i32 : i32, i32
  }
}

</mosaic_0001>

<sc_bundles>
// kernel: gather_offload_async_start.1
scs
__scs_entry_jumppad:
0x0: {  	(pc) =	sbr.rel $0x88, $3  }
0x1: {  	(tag) =	ssettag $0x0;
	lr =	simm.s32 $0x1  }
0x2: {  	[smem:$0x3F91] =	sst lr;
	_ =	strace $0xD0000000  }
0x3: {  	_ = 	snop  }
0x4: {  	_ = 	snop  }
0x5: {  	_ = 	snop  }
0x6: {  	_ = 	snop  }
0x7: {  	_ = 	snop  }
__scs_overlays_trampoline_lowered:
0x8: {  	[smem:$0x3FA0] =	sst s0  }
0x9: {  	[smem:$0x3FA1] =	sst s1  }
0xa: {  	[smem:$0x3FA2] =	sst s2  }
0xb: {  	[smem:$0x3FA3] =	sst s3  }
0xc: {  	[smem:$0x3FA4] =	sst s4  }
0xd: {  	[smem:$0x3FA5] =	sst s5  }
0xe: {  	[smem:$0x3FA6] =	sst s6  }
0xf: {  	[smem:$0x3FA7] =	sst s7  }
0x10: {  	[smem:$0x3FA8] =	sst s8  }
0x11: {  	[smem:$0x3FA9] =	sst s9;
	s0 =	simm.s32 @!p0 $0x0  }
0x12: {  	s1 =	sld [smem:$0x3F8F];
	s0 =	simm.s32 @p0 $0x1  }
0x13: {  	[smem:$0x3FAA] =	sst s0;
	s0 =	simm.s32 @!p1 $0x0  }
0x14: {  	s2 =	sld [smem:$0x3F8E];
	s0 =	simm.s32 @p1 $0x1  }
0x15: {  	[smem:$0x3FAB] =	sst s0;
	s0 =	simm.s32 @!p2 $0x0  }
0x16: {  	s3 =	sld [smem:$0x3FDB];
	s0 =	simm.s32 @p2 $0x1  }
0x17: {  	s4 =	simm.s32 $0x1BF5;
	[smem:$0x3FAD] =	sst s0  }
0x18: {  	s0 =	sld [smem:$0x3F90];
	_ =	swait.ge [sflag:s4], $0x0  }
0x19: {  	s7 =	sld [smem:$0x3F91]  }
0x1a: {  	s8 =	sadd.s32 $0xFFFFE003, lr  }
0x1b: {  	s9 =	sadd.s32 $0xFFFFFEF7, lr;
	s5 =	simm.s32 $0xFFFFFFFF;
	p2 =	slt.u32 s8, $0xFFFFF086  }
0x1c: {  	p1 =	slt.u32 s9, $0xF7A;
	s5 =	simm.s32 @!p2 $0x0  }
0x1d: {  	s5 =	simm.s32 @p1 $0x1;
	p0 =	seq.s32 s7, s2  }
0x1e: {  	s7 =	smul.u32 @!p0 $0xF7A, s2;
	p2 =	seq.s32 @!p0 s5, $0x0  }
0x1f: {  	s9 =	smul.u32 $0xF7A, s1;
	s8 =	simm.s32 @!p0 $0x1BF5;
	p2 =	por !p2, p0  }
0x20: {  	[sflag:s8] =	ssyncset.s32 @!p0 $0xFFFFF086;
	s6 =	sadd.s32 @!p0 s3, s7;
	s7 =	simm.s32 @!p0 $0x108  }
0x21: {  	s3 =	sadd.s32 s3, s9;
	s6 =	sadd.s32 @!p0 $0x88, s6;
	s7 =	simm.s32 @p2 $0x1082  }
0x22: {  	[simem:s7], [sflag:s8] =	dma.local @!p0 [hbm:s6], $0xF7A  }
0x23: {  	s9 =	sor.u32 $0xD0000000, s2;
	s6 =	simm.s32 $0x108;
	_ =	swait.ge @!p0 [sflag:s8], $0x0  }
0x24: {  	s3 =	sadd.s32 $0x88, s3;
	s6 =	simm.s32 @!p1 $0x1082;
	[sflag:s4] =	ssyncset.s32 $0xFFFFF086  }
0x25: {  	[simem:s6], [sflag:s4] =	dma.local [hbm:s3], $0xF7A  }
0x26: {  	[smem:$0x3F91] =	sst s1;
	(tag) =	ssettag s2;
	_ =	strace s9  }
0x27: {  	s1 =	sld [smem:$0x3FA1]  }
0x28: {  	s2 =	sld [smem:$0x3FA2]  }
0x29: {  	s4 =	sld [smem:$0x3FA4]  }
0x2a: {  	p0 =	seq.s32 s5, $0x0;
	s5 =	sld [smem:$0x3FA5]  }
0x2b: {  	s6 =	sld [smem:$0x3FA6]  }
0x2c: {  	s7 =	sld [smem:$0x3FA7]  }
0x2d: {  	s3 =	simm.s32 $0x108;
	s8 =	sld [smem:$0x3FA8]  }
0x2e: {  	s3 =	simm.s32 @!p0 $0x1082;
	s9 =	sld [smem:$0x3FA9]  }
0x2f: {  	lr =	sadd.s32 s0, s3;
	s0 =	sld [smem:$0x3FA0]  }
0x30: {  	s3 =	sld [smem:$0x3FA3]  }
0x31: {  	[smem:$0x3FAC] =	sst s10  }
0x32: {  	s10 =	sld [smem:$0x3FAA];
	_ =	sdelay $0x3  }
0x33: {  	p0 =	seq.s32 s10, $0x1;
	s10 =	sld [smem:$0x3FAC];
	_ =	sdelay $0x3  }
0x34: {  	[smem:$0x3FAC] =	sst s10  }
0x35: {  	s10 =	sld [smem:$0x3FAB];
	_ =	sdelay $0x3  }
0x36: {  	p1 =	seq.s32 s10, $0x1;
	s10 =	sld [smem:$0x3FAC];
	_ =	sdelay $0x3  }
0x37: {  	[smem:$0x3FAC] =	sst s10  }
0x38: {  	s10 =	sld [smem:$0x3FAD]  }
0x39: {  	_ = 	snop;
	(pc) =	sbr.ind lr, $3  }
0x3a: {  	_ = 	snop  }
0x3b: {  	_ = 	snop  }
0x3c: {  	p2 =	seq.s32 s10, $0x1;
	s10 =	sld [smem:$0x3FAC]  }
0x3d: {  	_ =	shalt  }
0x3e: {  	_ =	shalt  }
0x3f: {  	_ =	shalt  }
0x40: {  	_ =	shalt  }
0x41: {  	_ =	shalt  }
0x42: {  	_ =	shalt  }
0x43: {  	_ =	shalt  }
0x44: {  	_ =	shalt  }
0x45: {  	_ =	shalt  }
0x46: {  	_ =	shalt  }
0x47: {  	_ =	shalt  }
0x48: {  	_ =	shalt  }
0x49: {  	_ =	shalt  }
0x4a: {  	_ =	shalt  }
0x4b: {  	_ =	shalt  }
0x4c: {  	_ =	shalt  }
0x4d: {  	_ =	shalt  }
0x4e: {  	_ =	shalt  }
0x4f: {  	_ =	shalt  }
0x50: {  	_ =	shalt  }
0x51: {  	_ =	shalt  }
0x52: {  	_ =	shalt  }
0x53: {  	_ =	shalt  }
0x54: {  	_ =	shalt  }
0x55: {  	_ =	shalt  }
0x56: {  	_ =	shalt  }
0x57: {  	_ =	shalt  }
0x58: {  	_ =	shalt  }
0x59: {  	_ =	shalt  }
0x5a: {  	_ =	shalt  }
0x5b: {  	_ =	shalt  }
0x5c: {  	_ =	shalt  }
0x5d: {  	_ =	shalt  }
0x5e: {  	_ =	shalt  }
0x5f: {  	_ =	shalt  }
0x60: {  	_ =	shalt  }
0x61: {  	_ =	shalt  }
0x62: {  	_ =	shalt  }
0x63: {  	_ =	shalt  }
0x64: {  	_ =	shalt  }
0x65: {  	_ =	shalt  }
0x66: {  	_ =	shalt  }
0x67: {  	_ =	shalt  }
0x68: {  	_ =	shalt  }
0x69: {  	_ =	shalt  }
0x6a: {  	_ =	shalt  }
0x6b: {  	_ =	shalt  }
0x6c: {  	_ =	shalt  }
0x6d: {  	_ =	shalt  }
0x6e: {  	_ =	shalt  }
0x6f: {  	_ =	shalt  }
0x70: {  	_ =	shalt  }
0x71: {  	_ =	shalt  }
0x72: {  	_ =	shalt  }
0x73: {  	_ =	shalt  }
0x74: {  	_ =	shalt  }
0x75: {  	_ =	shalt  }
0x76: {  	_ =	shalt  }
0x77: {  	_ =	shalt  }
0x78: {  	_ =	shalt  }
0x79: {  	_ =	shalt  }
0x7a: {  	_ =	shalt  }
0x7b: {  	_ =	shalt  }
0x7c: {  	_ =	shalt  }
0x7d: {  	_ =	shalt  }
0x7e: {  	_ =	shalt  }
0x7f: {  	_ =	shalt  }
0x80: {  	_ =	shalt  }
0x81: {  	_ =	shalt  }
0x82: {  	_ =	shalt  }
0x83: {  	_ =	shalt  }
0x84: {  	_ =	shalt  }
0x85: {  	_ =	shalt  }
0x86: {  	_ =	shalt  }
0x87: {  	_ =	shalt  }
.Lfunc_end0:
.L_simem_size_0:
called_computation.3_lowered:
.L_overlay_start_0:
0x88: {  	s2 =	sld [smem:$0x3FD9]  }
0x89: {  	s3 =	sld [smem:$0x3FFE];
	_ =	sdelay $0x1  }
0x8a: {  	s1 =	srdreg.scid  }
0x8b: {  	s0 =	sand.u32 $0x1, s1  }
0x8c: {  	s16 =	sshll.u32 s0, $0xA;
	s2 =	sadd.s32 s3, s2  }
0x8d: {  	s2 =	sadd.s32 s2, s16  }
0x8e: {  	[smem:$0x3FB8] =	sst s2  }
0x8f: {  	_ = 	snop  }
0x90: {  	(tm) =	ssettm $0x1  }
0x91: {  	s17 =	sld [smem:$0x3FFB];
	_ =	sdelay $0x3  }
0x92: {  	_ =	strace s17  }
0x93: {  	s2 =	sld [smem:$0x3FFC];
	_ =	sdelay $0x3  }
0x94: {  	_ =	strace s2  }
0x95: {  	s2 =	sld [smem:$0x3FFD];
	_ =	sdelay $0x3  }
0x96: {  	_ =	strace s2  }
0x97: {  	_ =	strace $0x8FFFFFFF  }
0x98: {  	s18 =	sld [smem:$0x3FDB];
	_ =	sdelay $0x1  }
0x99: {  	s19 =	simm.s32 $_scs_section_size  }
0x9a: {  	s4 =	simm.s32 $_size__tile_overlayer_lowered;
	s5 =	simm.s32 $_tile_overlayer_lowered  }
0x9b: {  	s22 =	simm.s32 $0x1BFF;
	s21 =	sshll.u32 s5, $0x1;
	s2 =	sadd.s32 s19, s18  }
0x9c: {  	s6 =	simm.s32 $0x0;
	s20 =	sshll.u32 s4, $0x1;
	s4 =	sadd.s32 s21, s2  }
0x9d: {  	[timem:s6], [sflag:s22] =	dma.local [hbm:s4], s20  }
0x9e: {  	_ =	swait.ge [sflag:s22], s20  }
0x9f: {  	s3 =	ssub.s32 $0x0, s20;
	[sflag:s22] =	ssyncset.done $0x0  }
0xa0: {  	[sflag:s22] =	ssyncadd.s32 s3;
	_ =	sdelay $0x1  }
0xa1: {  	s23 =	simm.s32 $0x1B8B  }
0xa2: {  	_ =	swait.ge [sflag:s23], $0x1  }
0xa3: {  	[sflag:s23] =	ssyncset.done $0x0  }
0xa4: {  	s25 =	simm.s32 $0x1B8E;
	s24 =	sld [smem:$0x3FFE];
	[sflag:s23] =	ssyncadd.s32 $0xFFFFFFFF  }
0xa5: {  	s26 =	simm.s32 $execute0_lowered;
	[smem:$0x3FD2] =	sst s25  }
0xa6: {  	s4 =	sshll.u32 s26, $0x1;
	_ =	strace $0x8000004C;
	[dreg:$0x1] =	wrdreg $0xFFFFFFFF  }
0xa7: {  	s28 =	simm.s32 $_size_execute0_lowered;
	s2 =	sadd.s32 s2, s4;
	[dreg:$0x0] =	wrdreg $0x0  }
0xa8: {  	s4 =	sshll.u32 s28, $0x1;
	[dreg:$0x2] =	wrdreg s2  }
0xa9: {  	[dreg:$0x3] =	wrdreg s4  }
0xaa: {  	[dreg:$0x4] =	wrdreg $0xC0  }
0xab: {  	_ =	task [dreg:s6], $0x5FFFF  }
0xac: {  	[dreg:$0x1] =	wrdreg $0xFFFFFFFF  }
0xad: {  	[dreg:$0x0] =	wrdreg $0x60  }
0xae: {  	[dreg:$0x2] =	wrdreg s24  }
0xaf: {  	[dreg:$0x3] =	wrdreg $0x9  }
0xb0: {  	_ =	task.clear_ibuf [dreg:s6], $0x4FFFF;
	_ =	strace $0x9000004C  }
0xb1: {  	s29 =	simm.s32 $0x9;
	_ =	strace $0x8000004E  }
0xb2: {  	_ =	swait.ge [sflag:s29], $0x1  }
0xb3: {  	[sflag:s29] =	ssyncadd.s32 $0xFFFFFFFF  }
0xb4: {  	_ =	strace $0x9000004E  }
0xb5: {  	_ =	sfence  }
0xb6: {  	s30 =	sld [smem:$0x0];
	_ =	sdelay $0x2  }
0xb7: {  	s31 =	sshll.u32 s1, $0xD;
	s1 =	sshrl.u32 s1, $0x2  }
0xb8: {  	s3 =	sand.u32 $0x4000, s31;
	s1 =	sadd.s32 s1, s30  }
0xb9: {  	s0 =	sor.u32 s3, s0;
	s1 =	sshll.u32 s1, $0x11  }
0xba: {  	s0 =	sor.u32 s1, s0  }
0xbb: {  	s0 =	sadd.s32 $0x8F2B, s0  }
0xbc: {  	[sflag:s0] =	ssyncadd.remote.s32 $0x1  }
0xbd: {  	_ =	sfence.sel $0xFFFF  }
0xbe: {  	[dreg:$0x0] =	wrdreg $0xFFFFFFFF;
	(pc) =	sbr.abs _section_cstart, $3  }
0xbf: {  	[dreg:$0x1] =	wrdreg $0xFFFFFFFF  }
0xc0: {  	_ =	task.clear_ibuf [dreg:s6], $0x2FFFF;
	_ =	strace $0x9FFFFFFF  }
0xc1: {  	(tm) =	ssettm $0x7FFFFFFF  }
tec
execute0_lowered:
.L_overlay_start_1:
0x0: {  	(tag) =	ssettag $0x1  }
0x1: {  	s8 =	rddreg [dreg:$0x0]  }
0x2: {  	s0 =	rddreg [dreg:$0x1];
	_ =	strace $0x8000004D;
	s1 =	stileid.u32  }
0x3: {  	s3 =	srdreg.scid;
	s4 =	simm.s32 $0x1;
	s7 =	simm.s32 $0x1  }
0x4: {  	s9 =	simm.s32 $0x1;
	s10 =	simm.s32 $0x3;
	s13 =	simm.s32 $0x0  }
0x5: {  	s12 =	simm.s32 $0x0;
	s5 =	sand.u32 $0x1, s3;
	s6 =	sshll.u32 s1, $0x1  }
0x6: {  	s2 =	sadd.s32 $0x5000, s8;
	s3 =	sadd.s32 $0x14000, s8;
	s5 =	sor.u32 s6, s5  }
.Ltmp0:
0x7: {  	[sflag:s4] =	ssyncpa.u1 $0x0;
	p0 =	slt.u32 s5, $0x9;
	(pc) =	sbr.rel .LBB2_1-.Ltmp0, $4  }
0x8: {  	s6 =	simm.s32 $0x2;
	s7 =	simm.s32 @!p0 $0x0;
	p0 =	sne.s32 s5, $0x8  }
0x9: {  	[sflag:s6] =	ssyncpa.u1 $0x0;
	s5 =	smul.u32 $0xFA0, s5;
	s9 =	simm.s32 @!p0 $0x0  }
0xa: {  	s8 =	sadd.s32 $0x76400, s8;
	[sflag:s10] =	ssyncpa.u1 $0x0;
	s7 =	sadd.s32 s9, s7  }
0xb: {  	vm0 =	vmmov $0xffff;
	s10 =	simm.s32 $0x0;
	s11 =	smov.u32 s5;
	s9 =	sadd.s32 $0x1, s7  }
.LBB2_4:
0xc: {  	v2 =	vnsel vm1, $0x0, v2  }
0xd: {  	vm1 =	vgt.s32 v0, $0x0;
	v2 =	vmin.u32 v2, $0x270FF  }
0xe: {  	v0 =	vnsel vm1, $0x0, v0  }
0xf: {  	v0 =	vmin.u32 v0, $0x270FF  }
0x10: {  	[tilespmem:s18], [sflag:$0x1] =	stream.indirect_vreg.gather [hbm4b:s2+s10], $0x1, v1, vm0, $0x4038;
	[tilespmem:$0x3E80] =	vst v63  }
0x11: {  	(ifvalue) =	ssetifvalue $0x7FFFFFFF  }
0x12: {  	[tilespmem:s15], [sflag:$0x1] =	stream.indirect_vreg.gather [hbm4b:s2+s10], $0x1, v2, vm0, $0x4038;
	[tilespmem:$0x3E80] =	vst v63  }
0x13: {  	s29 =	sadd.s32 $0x10, s15;
	(ifvalue) =	ssetifvalue $0x7FFFFFFF  }
0x14: {  	[tilespmem:s29], [sflag:$0x1] =	stream.indirect_vreg.gather [hbm4b:s2+s10], $0x1, v0, vm0, $0x4038;
	[tilespmem:$0x3E80] =	vst v63  }
0x15: {  	_ =	swait.ge [sflag:s4], $0xFA0  }
0x16: {  	s30 =	sshrl.u32 s13, $0x3;
	[sflag:s4] =	ssyncset.done $0x0  }
0x17: {  	s31 =	sand.u32 $0x7, s13;
	s15 =	sadd.s32 s8, s30;
	[sflag:s4] =	ssyncadd.s32 $0xFFFFF060  }
0x18: {  	[hbm4b:s15+s31] =	stream.linear.scatter [tilespmem:s14], [sflag:$0x3], $0xFA0, $0x38;
	[tilespmem:$0x3E80] =	vst v63  }
.LBB2_5:
0x19: {  	s15 =	sadd.s32 $0x1F400, s11  }
0x1a: {  	p1 =	sgt.s32 s15, $0x270FF  }
0x1b: {  	s15 =	smov.u32 @p1 s5;
	p1 =	sne.s32 s12, s9  }
.Ltmp1:
0x1c: {  	p0 =	slt.u32 s12, $0x2;
	(pc) =	sbr.rel @!p1 .LBB2_6-.Ltmp1, $4  }
0x1d: {  	s14 =	simm.s32 @!p0 $0x3  }
0x1e: {  	_ =	swait.ge @!p0 [sflag:s14], $0xFA0  }
0x1f: {  	s16 =	sadd.s32 $0x1, s12;
	s13 =	smov.u32 s11;
	[sflag:s14] =	ssyncset.done @!p0 $0x0  }
0x20: {  	s12 =	smov.u32 s16;
	s11 =	smov.u32 s15;
	[sflag:s14] =	ssyncadd.s32 @!p0 $0xFFFFF060  }
.LBB2_1:
0x21: {  	p0 =	sge.u32 s12, s7  }
0x22: {  	s14 =	sxor.u32 @!p0 $0x1, s12  }
0x23: {  	s14 =	smul.u32 @!p0 $0x3E80, s14  }
0x24: {  	s31 =	sadd.s32 $0xFFFFFFFF, s12;
	s15 =	sshrl.u32 @!p0 s11, $0x3  }
0x25: {  	s16 =	sand.u32 @!p0 $0x7, s11;
	s15 =	sadd.s32 @!p0 s3, s15;
	s14 =	sshra.s32 @!p0 s14, $0x2  }
0x26: {  	[tilespmem:s14], [sflag:$0x2] =	stream.linear.gather @!p0 [hbm4b:s15+s16], $0xFA0, $0x38;
	[tilespmem:$0x3E80] =	vst v63  }
0x27: {  	p0 =	sge.u32 s31, s7  }
.Ltmp2:
0x28: {  	_ = 	snop;
	(pc) =	sbr.rel @p0 .LBB2_5-.Ltmp2, $1  }
0x29: {  	_ =	sdelay $0x3  }
0x2a: {  	s14 =	sand.u32 $0x1, s12  }
0x2b: {  	_ =	swait.ge [sflag:s6], $0xFA0;
	p0 =	seq.s32 s14, $0x1;
	s14 =	simm.s32 $0xFA0  }
0x2c: {  	[sflag:s6] =	ssyncset.done $0x0;
	s14 =	simm.s32 @!p0 $0x0  }
0x2d: {  	[sflag:s6] =	ssyncadd.s32 $0xFFFFF060;
	(ifvalue) =	ssetifvalue $0x7FFFFFFF;
	v0 =	vld.msk [tilespmem:s14+$0x0 ss:$0x1], $0xffff;
	_ =	sdelay $0x4  }
0x2e: {  	s15 =	sadd.s32 $0x10, s14;
	vm1 =	vgt.s32 v0, $0x0  }
0x2f: {  	v2 =	vld.msk [tilespmem:s15+$0x0 ss:$0x1], $0xffff;
	v1 =	vnsel vm1, $0x0, v0  }
0x30: {  	v1 =	vmin.u32 v1, $0x270FF;
	_ =	sdelay $0x2  }
0x31: {  	s17 =	simm.s32 $0x20;
	s14 =	sadd.s32 $0x1F40, s14;
	s16 =	sadd.s32 $0x10, s15  }
0x32: {  	s15 =	sadd.s32 $0x10, s14;
	s18 =	smov.u32 s14;
	v0 =	vld.msk [tilespmem:s16+$0x0 ss:$0x1], $0xffff;
	vm1 =	vgt.s32 v2, $0x0;
	(ifvalue) =	ssetifvalue $0x7FFFFFFF  }
.LBB2_3:
0x33: {  	[tilespmem:s18], [sflag:$0x1] =	stream.indirect_vreg.gather [hbm4b:s2+s10], $0x1, v1, vm0, $0x4038;
	[tilespmem:$0x3E80] =	vst v63  }
0x34: {  	s17 =	sadd.s32 $0x10, s17  }
0x35: {  	v2 =	vnsel vm1, $0x0, v2;
	p0 =	slt.u32 s17, $0xF90  }
.Ltmp3:
0x36: {  	s18 =	smov.u32 s15;
	v1 =	vmin.u32 v2, $0x270FF;
	(pc) =	sbr.rel @p0 .LBB2_3-.Ltmp3, $3  }
0x37: {  	_ =	sdelay $0x1  }
0x38: {  	s16 =	sadd.s32 $0x10, s16  }
0x39: {  	vm1 =	vgt.s32 v0, $0x0;
	s15 =	sadd.s32 $0x10, s15;
	v2 =	vmov v0;
	(ifvalue) =	ssetifvalue $0x7FFFFFFF;
	v0 =	vld.msk [tilespmem:s16+$0x0 ss:$0x1], $0xffff  }
.Ltmp4:
0x3a: {  	_ = 	snop;
	(pc) =	sbr.rel .LBB2_4-.Ltmp4, $1  }
0x3b: {  	_ =	sdelay $0x3  }
.LBB2_6:
0x3c: {  	_ =	sfence.sel $0x180000  }
0x3d: {  	s2 =	simm.s32 $0x2;
	[bflag:$0x0] =	sbarrier.arrive $0xFFFF  }
0x3e: {  	s30 =	simm.s32 $0x3;
	[sflag:s2] =	ssyncpa.u1 $0x1  }
0x3f: {  	s31 =	simm.s32 $0x1;
	[sflag:s30] =	ssyncpa.u1 $0x1  }
0x40: {  	[sflag:s31] =	ssyncpa.u1 $0x1  }
0x41: {  	p0 =	sne.s32 s1, $0x0;
	_ =	strace $0x9000004D  }
0x42: {  	s0 =	sadd.s32 @!p0 $0x100000, s0;
	[bflag:$0x2] =	sbarrier.arrive $0xFFFF  }
0x43: {  	[sflag:s0] =	ssyncadd.tile.s32 @!p0 $0x1;
	_ =	shalt  }
.Lfunc_end2:
_tile_overlayer_lowered:
.L_overlay_start_2:
0x44: {  	(tag) =	ssettag $0x2  }
0x45: {  	s0 =	rddreg [dreg:$0x0];
	s2 =	stileid.u32  }
0x46: {  	s1 =	rddreg [dreg:$0x1];
	p0 =	sne.s32 s2, $0x0  }
0x47: {  	s3 =	rddreg [dreg:$0x2];
	[bflag:$0x3] =	sbarrier.arrive $0xFFFF;
	s2 =	simm.s32 @!p0 $0x1C01  }
0x48: {  	[timem:s3], [sflag:s2] =	dma.local @!p0 [hbm:s0], s1  }
0x49: {  	s0 =	simm.s32 @!p0 $0x1  }
0x4a: {  	_ =	swait.ge @!p0 [sflag:s0], s1  }
0x4b: {  	s1 =	ssub.s32 @!p0 $0x0, s1;
	[sflag:s0] =	ssyncset.done @!p0 $0x0  }
0x4c: {  	[sflag:s0] =	ssyncadd.s32 @!p0 s1  }
0x4d: {  	[bflag:$0x3] =	sbarrier.arrive $0xFFFF  }
0x4e: {  	_ =	shalt  }

// kernel: gather_offload_async_start.2
scs
__scs_entry_jumppad:
0x0: {  	(pc) =	sbr.rel $0x88, $3  }
0x1: {  	(tag) =	ssettag $0x0;
	lr =	simm.s32 $0x1  }
0x2: {  	[smem:$0x3F91] =	sst lr;
	_ =	strace $0xD0000000  }
0x3: {  	_ = 	snop  }
0x4: {  	_ = 	snop  }
0x5: {  	_ = 	snop  }
0x6: {  	_ = 	snop  }
0x7: {  	_ = 	snop  }
__scs_overlays_trampoline_lowered:
0x8: {  	[smem:$0x3FA0] =	sst s0  }
0x9: {  	[smem:$0x3FA1] =	sst s1  }
0xa: {  	[smem:$0x3FA2] =	sst s2  }
0xb: {  	[smem:$0x3FA3] =	sst s3  }
0xc: {  	[smem:$0x3FA4] =	sst s4  }
0xd: {  	[smem:$0x3FA5] =	sst s5  }
0xe: {  	[smem:$0x3FA6] =	sst s6  }
0xf: {  	[smem:$0x3FA7] =	sst s7  }
0x10: {  	[smem:$0x3FA8] =	sst s8  }
0x11: {  	[smem:$0x3FA9] =	sst s9;
	s0 =	simm.s32 @!p0 $0x0  }
0x12: {  	s1 =	sld [smem:$0x3F8F];
	s0 =	simm.s32 @p0 $0x1  }
0x13: {  	[smem:$0x3FAA] =	sst s0;
	s0 =	simm.s32 @!p1 $0x0  }
0x14: {  	s2 =	sld [smem:$0x3F8E];
	s0 =	simm.s32 @p1 $0x1  }
0x15: {  	[smem:$0x3FAB] =	sst s0;
	s0 =	simm.s32 @!p2 $0x0  }
0x16: {  	s3 =	sld [smem:$0x3FDB];
	s0 =	simm.s32 @p2 $0x1  }
0x17: {  	s4 =	simm.s32 $0x1BF5;
	[smem:$0x3FAD] =	sst s0  }
0x18: {  	s0 =	sld [smem:$0x3F90];
	_ =	swait.ge [sflag:s4], $0x0  }
0x19: {  	s7 =	sld [smem:$0x3F91]  }
0x1a: {  	s8 =	sadd.s32 $0xFFFFE003, lr  }
0x1b: {  	s9 =	sadd.s32 $0xFFFFFEF7, lr;
	s5 =	simm.s32 $0xFFFFFFFF;
	p2 =	slt.u32 s8, $0xFFFFF086  }
0x1c: {  	p1 =	slt.u32 s9, $0xF7A;
	s5 =	simm.s32 @!p2 $0x0  }
0x1d: {  	s5 =	simm.s32 @p1 $0x1;
	p0 =	seq.s32 s7, s2  }
0x1e: {  	s7 =	smul.u32 @!p0 $0xF7A, s2;
	p2 =	seq.s32 @!p0 s5, $0x0  }
0x1f: {  	s9 =	smul.u32 $0xF7A, s1;
	s8 =	simm.s32 @!p0 $0x1BF5;
	p2 =	por !p2, p0  }
0x20: {  	[sflag:s8] =	ssyncset.s32 @!p0 $0xFFFFF086;
	s6 =	sadd.s32 @!p0 s3, s7;
	s7 =	simm.s32 @!p0 $0x108  }
0x21: {  	s3 =	sadd.s32 s3, s9;
	s6 =	sadd.s32 @!p0 $0x88, s6;
	s7 =	simm.s32 @p2 $0x1082  }
0x22: {  	[simem:s7], [sflag:s8] =	dma.local @!p0 [hbm:s6], $0xF7A  }
0x23: {  	s9 =	sor.u32 $0xD0000000, s2;
	s6 =	simm.s32 $0x108;
	_ =	swait.ge @!p0 [sflag:s8], $0x0  }
0x24: {  	s3 =	sadd.s32 $0x88, s3;
	s6 =	simm.s32 @!p1 $0x1082;
	[sflag:s4] =	ssyncset.s32 $0xFFFFF086  }
0x25: {  	[simem:s6], [sflag:s4] =	dma.local [hbm:s3], $0xF7A  }
0x26: {  	[smem:$0x3F91] =	sst s1;
	(tag) =	ssettag s2;
	_ =	strace s9  }
0x27: {  	s1 =	sld [smem:$0x3FA1]  }
0x28: {  	s2 =	sld [smem:$0x3FA2]  }
0x29: {  	s4 =	sld [smem:$0x3FA4]  }
0x2a: {  	p0 =	seq.s32 s5, $0x0;
	s5 =	sld [smem:$0x3FA5]  }
0x2b: {  	s6 =	sld [smem:$0x3FA6]  }
0x2c: {  	s7 =	sld [smem:$0x3FA7]  }
0x2d: {  	s3 =	simm.s32 $0x108;
	s8 =	sld [smem:$0x3FA8]  }
0x2e: {  	s3 =	simm.s32 @!p0 $0x1082;
	s9 =	sld [smem:$0x3FA9]  }
0x2f: {  	lr =	sadd.s32 s0, s3;
	s0 =	sld [smem:$0x3FA0]  }
0x30: {  	s3 =	sld [smem:$0x3FA3]  }
0x31: {  	[smem:$0x3FAC] =	sst s10  }
0x32: {  	s10 =	sld [smem:$0x3FAA];
	_ =	sdelay $0x3  }
0x33: {  	p0 =	seq.s32 s10, $0x1;
	s10 =	sld [smem:$0x3FAC];
	_ =	sdelay $0x3  }
0x34: {  	[smem:$0x3FAC] =	sst s10  }
0x35: {  	s10 =	sld [smem:$0x3FAB];
	_ =	sdelay $0x3  }
0x36: {  	p1 =	seq.s32 s10, $0x1;
	s10 =	sld [smem:$0x3FAC];
	_ =	sdelay $0x3  }
0x37: {  	[smem:$0x3FAC] =	sst s10  }
0x38: {  	s10 =	sld [smem:$0x3FAD]  }
0x39: {  	_ = 	snop;
	(pc) =	sbr.ind lr, $3  }
0x3a: {  	_ = 	snop  }
0x3b: {  	_ = 	snop  }
0x3c: {  	p2 =	seq.s32 s10, $0x1;
	s10 =	sld [smem:$0x3FAC]  }
0x3d: {  	_ =	shalt  }
0x3e: {  	_ =	shalt  }
0x3f: {  	_ =	shalt  }
0x40: {  	_ =	shalt  }
0x41: {  	_ =	shalt  }
0x42: {  	_ =	shalt  }
0x43: {  	_ =	shalt  }
0x44: {  	_ =	shalt  }
0x45: {  	_ =	shalt  }
0x46: {  	_ =	shalt  }
0x47: {  	_ =	shalt  }
0x48: {  	_ =	shalt  }
0x49: {  	_ =	shalt  }
0x4a: {  	_ =	shalt  }
0x4b: {  	_ =	shalt  }
0x4c: {  	_ =	shalt  }
0x4d: {  	_ =	shalt  }
0x4e: {  	_ =	shalt  }
0x4f: {  	_ =	shalt  }
0x50: {  	_ =	shalt  }
0x51: {  	_ =	shalt  }
0x52: {  	_ =	shalt  }
0x53: {  	_ =	shalt  }
0x54: {  	_ =	shalt  }
0x55: {  	_ =	shalt  }
0x56: {  	_ =	shalt  }
0x57: {  	_ =	shalt  }
0x58: {  	_ =	shalt  }
0x59: {  	_ =	shalt  }
0x5a: {  	_ =	shalt  }
0x5b: {  	_ =	shalt  }
0x5c: {  	_ =	shalt  }
0x5d: {  	_ =	shalt  }
0x5e: {  	_ =	shalt  }
0x5f: {  	_ =	shalt  }
0x60: {  	_ =	shalt  }
0x61: {  	_ =	shalt  }
0x62: {  	_ =	shalt  }
0x63: {  	_ =	shalt  }
0x64: {  	_ =	shalt  }
0x65: {  	_ =	shalt  }
0x66: {  	_ =	shalt  }
0x67: {  	_ =	shalt  }
0x68: {  	_ =	shalt  }
0x69: {  	_ =	shalt  }
0x6a: {  	_ =	shalt  }
0x6b: {  	_ =	shalt  }
0x6c: {  	_ =	shalt  }
0x6d: {  	_ =	shalt  }
0x6e: {  	_ =	shalt  }
0x6f: {  	_ =	shalt  }
0x70: {  	_ =	shalt  }
0x71: {  	_ =	shalt  }
0x72: {  	_ =	shalt  }
0x73: {  	_ =	shalt  }
0x74: {  	_ =	shalt  }
0x75: {  	_ =	shalt  }
0x76: {  	_ =	shalt  }
0x77: {  	_ =	shalt  }
0x78: {  	_ =	shalt  }
0x79: {  	_ =	shalt  }
0x7a: {  	_ =	shalt  }
0x7b: {  	_ =	shalt  }
0x7c: {  	_ =	shalt  }
0x7d: {  	_ =	shalt  }
0x7e: {  	_ =	shalt  }
0x7f: {  	_ =	shalt  }
0x80: {  	_ =	shalt  }
0x81: {  	_ =	shalt  }
0x82: {  	_ =	shalt  }
0x83: {  	_ =	shalt  }
0x84: {  	_ =	shalt  }
0x85: {  	_ =	shalt  }
0x86: {  	_ =	shalt  }
0x87: {  	_ =	shalt  }
.Lfunc_end0:
.L_simem_size_0:
called_computation.4_lowered:
.L_overlay_start_0:
0x88: {  	s2 =	sld [smem:$0x3FD9]  }
0x89: {  	s3 =	sld [smem:$0x3FFE];
	_ =	sdelay $0x1  }
0x8a: {  	s1 =	srdreg.scid  }
0x8b: {  	s0 =	sand.u32 $0x1, s1  }
0x8c: {  	s16 =	sshll.u32 s0, $0xA;
	s2 =	sadd.s32 s3, s2  }
0x8d: {  	s2 =	sadd.s32 s2, s16  }
0x8e: {  	[smem:$0x3FB8] =	sst s2  }
0x8f: {  	_ = 	snop  }
0x90: {  	(tm) =	ssettm $0x1  }
0x91: {  	s17 =	sld [smem:$0x3FFB];
	_ =	sdelay $0x3  }
0x92: {  	_ =	strace s17  }
0x93: {  	s2 =	sld [smem:$0x3FFC];
	_ =	sdelay $0x3  }
0x94: {  	_ =	strace s2  }
0x95: {  	s2 =	sld [smem:$0x3FFD];
	_ =	sdelay $0x3  }
0x96: {  	_ =	strace s2  }
0x97: {  	_ =	strace $0x8FFFFFFF  }
0x98: {  	s18 =	sld [smem:$0x3FDB];
	_ =	sdelay $0x1  }
0x99: {  	s19 =	simm.s32 $_scs_section_size  }
0x9a: {  	s4 =	simm.s32 $_size__tile_overlayer_lowered;
	s5 =	simm.s32 $_tile_overlayer_lowered  }
0x9b: {  	s22 =	simm.s32 $0x1BFF;
	s21 =	sshll.u32 s5, $0x1;
	s2 =	sadd.s32 s19, s18  }
0x9c: {  	s6 =	simm.s32 $0x0;
	s20 =	sshll.u32 s4, $0x1;
	s4 =	sadd.s32 s21, s2  }
0x9d: {  	[timem:s6], [sflag:s22] =	dma.local [hbm:s4], s20  }
0x9e: {  	_ =	swait.ge [sflag:s22], s20  }
0x9f: {  	s3 =	ssub.s32 $0x0, s20;
	[sflag:s22] =	ssyncset.done $0x0  }
0xa0: {  	[sflag:s22] =	ssyncadd.s32 s3;
	_ =	sdelay $0x1  }
0xa1: {  	s23 =	simm.s32 $0x1B8B  }
0xa2: {  	_ =	swait.ge [sflag:s23], $0x1  }
0xa3: {  	[sflag:s23] =	ssyncset.done $0x0  }
0xa4: {  	s25 =	simm.s32 $0x1B8E;
	s24 =	sld [smem:$0x3FFE];
	[sflag:s23] =	ssyncadd.s32 $0xFFFFFFFF  }
0xa5: {  	s26 =	simm.s32 $execute0_lowered;
	[smem:$0x3FD2] =	sst s25  }
0xa6: {  	s4 =	sshll.u32 s26, $0x1;
	_ =	strace $0x8000004F;
	[dreg:$0x1] =	wrdreg $0xFFFFFFFF  }
0xa7: {  	s28 =	simm.s32 $_size_execute0_lowered;
	s2 =	sadd.s32 s2, s4;
	[dreg:$0x0] =	wrdreg $0x0  }
0xa8: {  	s4 =	sshll.u32 s28, $0x1;
	[dreg:$0x2] =	wrdreg s2  }
0xa9: {  	[dreg:$0x3] =	wrdreg s4  }
0xaa: {  	[dreg:$0x4] =	wrdreg $0xC0  }
0xab: {  	_ =	task [dreg:s6], $0x5FFFF  }
0xac: {  	[dreg:$0x1] =	wrdreg $0xFFFFFFFF  }
0xad: {  	[dreg:$0x0] =	wrdreg $0x60  }
0xae: {  	[dreg:$0x2] =	wrdreg s24  }
0xaf: {  	[dreg:$0x3] =	wrdreg $0x9  }
0xb0: {  	_ =	task.clear_ibuf [dreg:s6], $0x4FFFF;
	_ =	strace $0x9000004F  }
0xb1: {  	s29 =	simm.s32 $0x9;
	_ =	strace $0x80000051  }
0xb2: {  	_ =	swait.ge [sflag:s29], $0x1  }
0xb3: {  	[sflag:s29] =	ssyncadd.s32 $0xFFFFFFFF  }
0xb4: {  	_ =	strace $0x90000051  }
0xb5: {  	_ =	sfence  }
0xb6: {  	s30 =	sld [smem:$0x0];
	_ =	sdelay $0x2  }
0xb7: {  	s31 =	sshll.u32 s1, $0xD;
	s1 =	sshrl.u32 s1, $0x2  }
0xb8: {  	s3 =	sand.u32 $0x4000, s31;
	s1 =	sadd.s32 s1, s30  }
0xb9: {  	s0 =	sor.u32 s3, s0;
	s1 =	sshll.u32 s1, $0x11  }
0xba: {  	s0 =	sor.u32 s1, s0  }
0xbb: {  	s0 =	sadd.s32 $0x8F2B, s0  }
0xbc: {  	[sflag:s0] =	ssyncadd.remote.s32 $0x1  }
0xbd: {  	_ =	sfence.sel $0xFFFF  }
0xbe: {  	[dreg:$0x0] =	wrdreg $0xFFFFFFFF;
	(pc) =	sbr.abs _section_cstart, $3  }
0xbf: {  	[dreg:$0x1] =	wrdreg $0xFFFFFFFF  }
0xc0: {  	_ =	task.clear_ibuf [dreg:s6], $0x2FFFF;
	_ =	strace $0x9FFFFFFF  }
0xc1: {  	(tm) =	ssettm $0x7FFFFFFF  }
tec
execute0_lowered:
.L_overlay_start_1:
0x0: {  	(tag) =	ssettag $0x1  }
0x1: {  	s8 =	rddreg [dreg:$0x0]  }
0x2: {  	s0 =	rddreg [dreg:$0x1];
	_ =	strace $0x80000050;
	s1 =	stileid.u32  }
0x3: {  	s3 =	srdreg.scid;
	s4 =	simm.s32 $0x1;
	s7 =	simm.s32 $0x1  }
0x4: {  	s9 =	simm.s32 $0x1;
	s10 =	simm.s32 $0x3;
	s13 =	simm.s32 $0x0  }
0x5: {  	s12 =	simm.s32 $0x0;
	s5 =	sand.u32 $0x1, s3;
	s6 =	sshll.u32 s1, $0x1  }
0x6: {  	s2 =	sadd.s32 $0xA000, s8;
	s3 =	sadd.s32 $0x14000, s8;
	s5 =	sor.u32 s6, s5  }
.Ltmp0:
0x7: {  	[sflag:s4] =	ssyncpa.u1 $0x0;
	p0 =	slt.u32 s5, $0x9;
	(pc) =	sbr.rel .LBB2_1-.Ltmp0, $4  }
0x8: {  	s6 =	simm.s32 $0x2;
	s7 =	simm.s32 @!p0 $0x0;
	p0 =	sne.s32 s5, $0x8  }
0x9: {  	[sflag:s6] =	ssyncpa.u1 $0x0;
	s5 =	smul.u32 $0xFA0, s5;
	s9 =	simm.s32 @!p0 $0x0  }
0xa: {  	s8 =	sadd.s32 $0x5000, s8;
	[sflag:s10] =	ssyncpa.u1 $0x0;
	s7 =	sadd.s32 s9, s7  }
0xb: {  	vm0 =	vmmov $0xffff;
	s10 =	simm.s32 $0x0;
	s11 =	smov.u32 s5;
	s9 =	sadd.s32 $0x1, s7  }
.LBB2_4:
0xc: {  	v2 =	vnsel vm1, $0x0, v2  }
0xd: {  	vm1 =	vgt.s32 v0, $0x0;
	v2 =	vmin.u32 v2, $0x270FF  }
0xe: {  	v0 =	vnsel vm1, $0x0, v0  }
0xf: {  	v0 =	vmin.u32 v0, $0x270FF  }
0x10: {  	[tilespmem:s18], [sflag:$0x1] =	stream.indirect_vreg.gather [hbm4b:s2+s10], $0x1, v1, vm0, $0x4038;
	[tilespmem:$0x3E80] =	vst v63  }
0x11: {  	(ifvalue) =	ssetifvalue $0x7FFFFFFF  }
0x12: {  	[tilespmem:s15], [sflag:$0x1] =	stream.indirect_vreg.gather [hbm4b:s2+s10], $0x1, v2, vm0, $0x4038;
	[tilespmem:$0x3E80] =	vst v63  }
0x13: {  	s29 =	sadd.s32 $0x10, s15;
	(ifvalue) =	ssetifvalue $0x7FFFFFFF  }
0x14: {  	[tilespmem:s29], [sflag:$0x1] =	stream.indirect_vreg.gather [hbm4b:s2+s10], $0x1, v0, vm0, $0x4038;
	[tilespmem:$0x3E80] =	vst v63  }
0x15: {  	_ =	swait.ge [sflag:s4], $0xFA0  }
0x16: {  	s30 =	sshrl.u32 s13, $0x3;
	[sflag:s4] =	ssyncset.done $0x0  }
0x17: {  	s31 =	sand.u32 $0x7, s13;
	s15 =	sadd.s32 s8, s30;
	[sflag:s4] =	ssyncadd.s32 $0xFFFFF060  }
0x18: {  	[hbm4b:s15+s31] =	stream.linear.scatter [tilespmem:s14], [sflag:$0x3], $0xFA0, $0x38;
	[tilespmem:$0x3E80] =	vst v63  }
.LBB2_5:
0x19: {  	s15 =	sadd.s32 $0x1F400, s11  }
0x1a: {  	p1 =	sgt.s32 s15, $0x270FF  }
0x1b: {  	s15 =	smov.u32 @p1 s5;
	p1 =	sne.s32 s12, s9  }
.Ltmp1:
0x1c: {  	p0 =	slt.u32 s12, $0x2;
	(pc) =	sbr.rel @!p1 .LBB2_6-.Ltmp1, $4  }
0x1d: {  	s14 =	simm.s32 @!p0 $0x3  }
0x1e: {  	_ =	swait.ge @!p0 [sflag:s14], $0xFA0  }
0x1f: {  	s16 =	sadd.s32 $0x1, s12;
	s13 =	smov.u32 s11;
	[sflag:s14] =	ssyncset.done @!p0 $0x0  }
0x20: {  	s12 =	smov.u32 s16;
	s11 =	smov.u32 s15;
	[sflag:s14] =	ssyncadd.s32 @!p0 $0xFFFFF060  }
.LBB2_1:
0x21: {  	p0 =	sge.u32 s12, s7  }
0x22: {  	s14 =	sxor.u32 @!p0 $0x1, s12  }
0x23: {  	s14 =	smul.u32 @!p0 $0x3E80, s14  }
0x24: {  	s31 =	sadd.s32 $0xFFFFFFFF, s12;
	s15 =	sshrl.u32 @!p0 s11, $0x3  }
0x25: {  	s16 =	sand.u32 @!p0 $0x7, s11;
	s15 =	sadd.s32 @!p0 s3, s15;
	s14 =	sshra.s32 @!p0 s14, $0x2  }
0x26: {  	[tilespmem:s14], [sflag:$0x2] =	stream.linear.gather @!p0 [hbm4b:s15+s16], $0xFA0, $0x38;
	[tilespmem:$0x3E80] =	vst v63  }
0x27: {  	p0 =	sge.u32 s31, s7  }
.Ltmp2:
0x28: {  	_ = 	snop;
	(pc) =	sbr.rel @p0 .LBB2_5-.Ltmp2, $1  }
0x29: {  	_ =	sdelay $0x3  }
0x2a: {  	s14 =	sand.u32 $0x1, s12  }
0x2b: {  	_ =	swait.ge [sflag:s6], $0xFA0;
	p0 =	seq.s32 s14, $0x1;
	s14 =	simm.s32 $0xFA0  }
0x2c: {  	[sflag:s6] =	ssyncset.done $0x0;
	s14 =	simm.s32 @!p0 $0x0  }
0x2d: {  	[sflag:s6] =	ssyncadd.s32 $0xFFFFF060;
	(ifvalue) =	ssetifvalue $0x7FFFFFFF;
	v0 =	vld.msk [tilespmem:s14+$0x0 ss:$0x1], $0xffff;
	_ =	sdelay $0x4  }
0x2e: {  	s15 =	sadd.s32 $0x10, s14;
	vm1 =	vgt.s32 v0, $0x0  }
0x2f: {  	v2 =	vld.msk [tilespmem:s15+$0x0 ss:$0x1], $0xffff;
	v1 =	vnsel vm1, $0x0, v0  }
0x30: {  	v1 =	vmin.u32 v1, $0x270FF;
	_ =	sdelay $0x2  }
0x31: {  	s17 =	simm.s32 $0x20;
	s14 =	sadd.s32 $0x1F40, s14;
	s16 =	sadd.s32 $0x10, s15  }
0x32: {  	s15 =	sadd.s32 $0x10, s14;
	s18 =	smov.u32 s14;
	v0 =	vld.msk [tilespmem:s16+$0x0 ss:$0x1], $0xffff;
	vm1 =	vgt.s32 v2, $0x0;
	(ifvalue) =	ssetifvalue $0x7FFFFFFF  }
.LBB2_3:
0x33: {  	[tilespmem:s18], [sflag:$0x1] =	stream.indirect_vreg.gather [hbm4b:s2+s10], $0x1, v1, vm0, $0x4038;
	[tilespmem:$0x3E80] =	vst v63  }
0x34: {  	s17 =	sadd.s32 $0x10, s17  }
0x35: {  	v2 =	vnsel vm1, $0x0, v2;
	p0 =	slt.u32 s17, $0xF90  }
.Ltmp3:
0x36: {  	s18 =	smov.u32 s15;
	v1 =	vmin.u32 v2, $0x270FF;
	(pc) =	sbr.rel @p0 .LBB2_3-.Ltmp3, $3  }
0x37: {  	_ =	sdelay $0x1  }
0x38: {  	s16 =	sadd.s32 $0x10, s16  }
0x39: {  	vm1 =	vgt.s32 v0, $0x0;
	s15 =	sadd.s32 $0x10, s15;
	v2 =	vmov v0;
	(ifvalue) =	ssetifvalue $0x7FFFFFFF;
	v0 =	vld.msk [tilespmem:s16+$0x0 ss:$0x1], $0xffff  }
.Ltmp4:
0x3a: {  	_ = 	snop;
	(pc) =	sbr.rel .LBB2_4-.Ltmp4, $1  }
0x3b: {  	_ =	sdelay $0x3  }
.LBB2_6:
0x3c: {  	_ =	sfence.sel $0x180000  }
0x3d: {  	s2 =	simm.s32 $0x2;
	[bflag:$0x0] =	sbarrier.arrive $0xFFFF  }
0x3e: {  	s30 =	simm.s32 $0x3;
	[sflag:s2] =	ssyncpa.u1 $0x1  }
0x3f: {  	s31 =	simm.s32 $0x1;
	[sflag:s30] =	ssyncpa.u1 $0x1  }
0x40: {  	[sflag:s31] =	ssyncpa.u1 $0x1  }
0x41: {  	p0 =	sne.s32 s1, $0x0;
	_ =	strace $0x90000050  }
0x42: {  	s0 =	sadd.s32 @!p0 $0x100000, s0;
	[bflag:$0x2] =	sbarrier.arrive $0xFFFF  }
0x43: {  	[sflag:s0] =	ssyncadd.tile.s32 @!p0 $0x1;
	_ =	shalt  }
.Lfunc_end2:
_tile_overlayer_lowered:
.L_overlay_start_2:
0x44: {  	(tag) =	ssettag $0x2  }
0x45: {  	s0 =	rddreg [dreg:$0x0];
	s2 =	stileid.u32  }
0x46: {  	s1 =	rddreg [dreg:$0x1];
	p0 =	sne.s32 s2, $0x0  }
0x47: {  	s3 =	rddreg [dreg:$0x2];
	[bflag:$0x3] =	sbarrier.arrive $0xFFFF;
	s2 =	simm.s32 @!p0 $0x1C01  }
0x48: {  	[timem:s3], [sflag:s2] =	dma.local @!p0 [hbm:s0], s1  }
0x49: {  	s0 =	simm.s32 @!p0 $0x1  }
0x4a: {  	_ =	swait.ge @!p0 [sflag:s0], s1  }
0x4b: {  	s1 =	ssub.s32 @!p0 $0x0, s1;
	[sflag:s0] =	ssyncset.done @!p0 $0x0  }
0x4c: {  	[sflag:s0] =	ssyncadd.s32 @!p0 s1  }
0x4d: {  	[bflag:$0x3] =	sbarrier.arrive $0xFFFF  }
0x4e: {  	_ =	shalt  }

// kernel: gather_offload_async_start.3
scs
__scs_entry_jumppad:
0x0: {  	(pc) =	sbr.rel $0x88, $3  }
0x1: {  	(tag) =	ssettag $0x0;
	lr =	simm.s32 $0x1  }
0x2: {  	[smem:$0x3F91] =	sst lr;
	_ =	strace $0xD0000000  }
0x3: {  	_ = 	snop  }
0x4: {  	_ = 	snop  }
0x5: {  	_ = 	snop  }
0x6: {  	_ = 	snop  }
0x7: {  	_ = 	snop  }
__scs_overlays_trampoline_lowered:
0x8: {  	[smem:$0x3FA0] =	sst s0  }
0x9: {  	[smem:$0x3FA1] =	sst s1  }
0xa: {  	[smem:$0x3FA2] =	sst s2  }
0xb: {  	[smem:$0x3FA3] =	sst s3  }
0xc: {  	[smem:$0x3FA4] =	sst s4  }
0xd: {  	[smem:$0x3FA5] =	sst s5  }
0xe: {  	[smem:$0x3FA6] =	sst s6  }
0xf: {  	[smem:$0x3FA7] =	sst s7  }
0x10: {  	[smem:$0x3FA8] =	sst s8  }
0x11: {  	[smem:$0x3FA9] =	sst s9;
	s0 =	simm.s32 @!p0 $0x0  }
0x12: {  	s1 =	sld [smem:$0x3F8F];
	s0 =	simm.s32 @p0 $0x1  }
0x13: {  	[smem:$0x3FAA] =	sst s0;
	s0 =	simm.s32 @!p1 $0x0  }
0x14: {  	s2 =	sld [smem:$0x3F8E];
	s0 =	simm.s32 @p1 $0x1  }
0x15: {  	[smem:$0x3FAB] =	sst s0;
	s0 =	simm.s32 @!p2 $0x0  }
0x16: {  	s3 =	sld [smem:$0x3FDB];
	s0 =	simm.s32 @p2 $0x1  }
0x17: {  	s4 =	simm.s32 $0x1BF5;
	[smem:$0x3FAD] =	sst s0  }
0x18: {  	s0 =	sld [smem:$0x3F90];
	_ =	swait.ge [sflag:s4], $0x0  }
0x19: {  	s7 =	sld [smem:$0x3F91]  }
0x1a: {  	s8 =	sadd.s32 $0xFFFFE003, lr  }
0x1b: {  	s9 =	sadd.s32 $0xFFFFFEF7, lr;
	s5 =	simm.s32 $0xFFFFFFFF;
	p2 =	slt.u32 s8, $0xFFFFF086  }
0x1c: {  	p1 =	slt.u32 s9, $0xF7A;
	s5 =	simm.s32 @!p2 $0x0  }
0x1d: {  	s5 =	simm.s32 @p1 $0x1;
	p0 =	seq.s32 s7, s2  }
0x1e: {  	s7 =	smul.u32 @!p0 $0xF7A, s2;
	p2 =	seq.s32 @!p0 s5, $0x0  }
0x1f: {  	s9 =	smul.u32 $0xF7A, s1;
	s8 =	simm.s32 @!p0 $0x1BF5;
	p2 =	por !p2, p0  }
0x20: {  	[sflag:s8] =	ssyncset.s32 @!p0 $0xFFFFF086;
	s6 =	sadd.s32 @!p0 s3, s7;
	s7 =	simm.s32 @!p0 $0x108  }
0x21: {  	s3 =	sadd.s32 s3, s9;
	s6 =	sadd.s32 @!p0 $0x88, s6;
	s7 =	simm.s32 @p2 $0x1082  }
0x22: {  	[simem:s7], [sflag:s8] =	dma.local @!p0 [hbm:s6], $0xF7A  }
0x23: {  	s9 =	sor.u32 $0xD0000000, s2;
	s6 =	simm.s32 $0x108;
	_ =	swait.ge @!p0 [sflag:s8], $0x0  }
0x24: {  	s3 =	sadd.s32 $0x88, s3;
	s6 =	simm.s32 @!p1 $0x1082;
	[sflag:s4] =	ssyncset.s32 $0xFFFFF086  }
0x25: {  	[simem:s6], [sflag:s4] =	dma.local [hbm:s3], $0xF7A  }
0x26: {  	[smem:$0x3F91] =	sst s1;
	(tag) =	ssettag s2;
	_ =	strace s9  }
0x27: {  	s1 =	sld [smem:$0x3FA1]  }
0x28: {  	s2 =	sld [smem:$0x3FA2]  }
0x29: {  	s4 =	sld [smem:$0x3FA4]  }
0x2a: {  	p0 =	seq.s32 s5, $0x0;
	s5 =	sld [smem:$0x3FA5]  }
0x2b: {  	s6 =	sld [smem:$0x3FA6]  }
0x2c: {  	s7 =	sld [smem:$0x3FA7]  }
0x2d: {  	s3 =	simm.s32 $0x108;
	s8 =	sld [smem:$0x3FA8]  }
0x2e: {  	s3 =	simm.s32 @!p0 $0x1082;
	s9 =	sld [smem:$0x3FA9]  }
0x2f: {  	lr =	sadd.s32 s0, s3;
	s0 =	sld [smem:$0x3FA0]  }
0x30: {  	s3 =	sld [smem:$0x3FA3]  }
0x31: {  	[smem:$0x3FAC] =	sst s10  }
0x32: {  	s10 =	sld [smem:$0x3FAA];
	_ =	sdelay $0x3  }
0x33: {  	p0 =	seq.s32 s10, $0x1;
	s10 =	sld [smem:$0x3FAC];
	_ =	sdelay $0x3  }
0x34: {  	[smem:$0x3FAC] =	sst s10  }
0x35: {  	s10 =	sld [smem:$0x3FAB];
	_ =	sdelay $0x3  }
0x36: {  	p1 =	seq.s32 s10, $0x1;
	s10 =	sld [smem:$0x3FAC];
	_ =	sdelay $0x3  }
0x37: {  	[smem:$0x3FAC] =	sst s10  }
0x38: {  	s10 =	sld [smem:$0x3FAD]  }
0x39: {  	_ = 	snop;
	(pc) =	sbr.ind lr, $3  }
0x3a: {  	_ = 	snop  }
0x3b: {  	_ = 	snop  }
0x3c: {  	p2 =	seq.s32 s10, $0x1;
	s10 =	sld [smem:$0x3FAC]  }
0x3d: {  	_ =	shalt  }
0x3e: {  	_ =	shalt  }
0x3f: {  	_ =	shalt  }
0x40: {  	_ =	shalt  }
0x41: {  	_ =	shalt  }
0x42: {  	_ =	shalt  }
0x43: {  	_ =	shalt  }
0x44: {  	_ =	shalt  }
0x45: {  	_ =	shalt  }
0x46: {  	_ =	shalt  }
0x47: {  	_ =	shalt  }
0x48: {  	_ =	shalt  }
0x49: {  	_ =	shalt  }
0x4a: {  	_ =	shalt  }
0x4b: {  	_ =	shalt  }
0x4c: {  	_ =	shalt  }
0x4d: {  	_ =	shalt  }
0x4e: {  	_ =	shalt  }
0x4f: {  	_ =	shalt  }
0x50: {  	_ =	shalt  }
0x51: {  	_ =	shalt  }
0x52: {  	_ =	shalt  }
0x53: {  	_ =	shalt  }
0x54: {  	_ =	shalt  }
0x55: {  	_ =	shalt  }
0x56: {  	_ =	shalt  }
0x57: {  	_ =	shalt  }
0x58: {  	_ =	shalt  }
0x59: {  	_ =	shalt  }
0x5a: {  	_ =	shalt  }
0x5b: {  	_ =	shalt  }
0x5c: {  	_ =	shalt  }
0x5d: {  	_ =	shalt  }
0x5e: {  	_ =	shalt  }
0x5f: {  	_ =	shalt  }
0x60: {  	_ =	shalt  }
0x61: {  	_ =	shalt  }
0x62: {  	_ =	shalt  }
0x63: {  	_ =	shalt  }
0x64: {  	_ =	shalt  }
0x65: {  	_ =	shalt  }
0x66: {  	_ =	shalt  }
0x67: {  	_ =	shalt  }
0x68: {  	_ =	shalt  }
0x69: {  	_ =	shalt  }
0x6a: {  	_ =	shalt  }
0x6b: {  	_ =	shalt  }
0x6c: {  	_ =	shalt  }
0x6d: {  	_ =	shalt  }
0x6e: {  	_ =	shalt  }
0x6f: {  	_ =	shalt  }
0x70: {  	_ =	shalt  }
0x71: {  	_ =	shalt  }
0x72: {  	_ =	shalt  }
0x73: {  	_ =	shalt  }
0x74: {  	_ =	shalt  }
0x75: {  	_ =	shalt  }
0x76: {  	_ =	shalt  }
0x77: {  	_ =	shalt  }
0x78: {  	_ =	shalt  }
0x79: {  	_ =	shalt  }
0x7a: {  	_ =	shalt  }
0x7b: {  	_ =	shalt  }
0x7c: {  	_ =	shalt  }
0x7d: {  	_ =	shalt  }
0x7e: {  	_ =	shalt  }
0x7f: {  	_ =	shalt  }
0x80: {  	_ =	shalt  }
0x81: {  	_ =	shalt  }
0x82: {  	_ =	shalt  }
0x83: {  	_ =	shalt  }
0x84: {  	_ =	shalt  }
0x85: {  	_ =	shalt  }
0x86: {  	_ =	shalt  }
0x87: {  	_ =	shalt  }
.Lfunc_end0:
.L_simem_size_0:
called_computation.5_lowered:
.L_overlay_start_0:
0x88: {  	s2 =	sld [smem:$0x3FD9]  }
0x89: {  	s3 =	sld [smem:$0x3FFE];
	_ =	sdelay $0x1  }
0x8a: {  	s1 =	srdreg.scid  }
0x8b: {  	s0 =	sand.u32 $0x1, s1  }
0x8c: {  	s16 =	sshll.u32 s0, $0xA;
	s2 =	sadd.s32 s3, s2  }
0x8d: {  	s2 =	sadd.s32 s2, s16  }
0x8e: {  	[smem:$0x3FB8] =	sst s2  }
0x8f: {  	_ = 	snop  }
0x90: {  	(tm) =	ssettm $0x1  }
0x91: {  	s17 =	sld [smem:$0x3FFB];
	_ =	sdelay $0x3  }
0x92: {  	_ =	strace s17  }
0x93: {  	s2 =	sld [smem:$0x3FFC];
	_ =	sdelay $0x3  }
0x94: {  	_ =	strace s2  }
0x95: {  	s2 =	sld [smem:$0x3FFD];
	_ =	sdelay $0x3  }
0x96: {  	_ =	strace s2  }
0x97: {  	_ =	strace $0x8FFFFFFF  }
0x98: {  	s18 =	sld [smem:$0x3FDB];
	_ =	sdelay $0x1  }
0x99: {  	s19 =	simm.s32 $_scs_section_size  }
0x9a: {  	s4 =	simm.s32 $_size__tile_overlayer_lowered;
	s5 =	simm.s32 $_tile_overlayer_lowered  }
0x9b: {  	s22 =	simm.s32 $0x1BFF;
	s21 =	sshll.u32 s5, $0x1;
	s2 =	sadd.s32 s19, s18  }
0x9c: {  	s6 =	simm.s32 $0x0;
	s20 =	sshll.u32 s4, $0x1;
	s4 =	sadd.s32 s21, s2  }
0x9d: {  	[timem:s6], [sflag:s22] =	dma.local [hbm:s4], s20  }
0x9e: {  	_ =	swait.ge [sflag:s22], s20  }
0x9f: {  	s3 =	ssub.s32 $0x0, s20;
	[sflag:s22] =	ssyncset.done $0x0  }
0xa0: {  	[sflag:s22] =	ssyncadd.s32 s3;
	_ =	sdelay $0x1  }
0xa1: {  	s23 =	simm.s32 $0x1B8B  }
0xa2: {  	_ =	swait.ge [sflag:s23], $0x1  }
0xa3: {  	[sflag:s23] =	ssyncset.done $0x0  }
0xa4: {  	s25 =	simm.s32 $0x1B8E;
	s24 =	sld [smem:$0x3FFE];
	[sflag:s23] =	ssyncadd.s32 $0xFFFFFFFF  }
0xa5: {  	s26 =	simm.s32 $execute0_lowered;
	[smem:$0x3FD2] =	sst s25  }
0xa6: {  	s4 =	sshll.u32 s26, $0x1;
	_ =	strace $0x80000058;
	[dreg:$0x1] =	wrdreg $0xFFFFFFFF  }
0xa7: {  	s28 =	simm.s32 $_size_execute0_lowered;
	s2 =	sadd.s32 s2, s4;
	[dreg:$0x0] =	wrdreg $0x0  }
0xa8: {  	s4 =	sshll.u32 s28, $0x1;
	[dreg:$0x2] =	wrdreg s2  }
0xa9: {  	[dreg:$0x3] =	wrdreg s4  }
0xaa: {  	[dreg:$0x4] =	wrdreg $0xC0  }
0xab: {  	_ =	task [dreg:s6], $0x5FFFF  }
0xac: {  	[dreg:$0x1] =	wrdreg $0xFFFFFFFF  }
0xad: {  	[dreg:$0x0] =	wrdreg $0x60  }
0xae: {  	[dreg:$0x2] =	wrdreg s24  }
0xaf: {  	[dreg:$0x3] =	wrdreg $0x9  }
0xb0: {  	_ =	task.clear_ibuf [dreg:s6], $0x4FFFF;
	_ =	strace $0x90000058  }
0xb1: {  	s29 =	simm.s32 $0x9;
	_ =	strace $0x8000005A  }
0xb2: {  	_ =	swait.ge [sflag:s29], $0x1  }
0xb3: {  	[sflag:s29] =	ssyncadd.s32 $0xFFFFFFFF  }
0xb4: {  	_ =	strace $0x9000005A  }
0xb5: {  	_ =	sfence  }
0xb6: {  	s30 =	sld [smem:$0x0];
	_ =	sdelay $0x2  }
0xb7: {  	s31 =	sshll.u32 s1, $0xD;
	s1 =	sshrl.u32 s1, $0x2  }
0xb8: {  	s3 =	sand.u32 $0x4000, s31;
	s1 =	sadd.s32 s1, s30  }
0xb9: {  	s0 =	sor.u32 s3, s0;
	s1 =	sshll.u32 s1, $0x11  }
0xba: {  	s0 =	sor.u32 s1, s0  }
0xbb: {  	s0 =	sadd.s32 $0x8F2B, s0  }
0xbc: {  	[sflag:s0] =	ssyncadd.remote.s32 $0x1  }
0xbd: {  	_ =	sfence.sel $0xFFFF  }
0xbe: {  	[dreg:$0x0] =	wrdreg $0xFFFFFFFF;
	(pc) =	sbr.abs _section_cstart, $3  }
0xbf: {  	[dreg:$0x1] =	wrdreg $0xFFFFFFFF  }
0xc0: {  	_ =	task.clear_ibuf [dreg:s6], $0x2FFFF;
	_ =	strace $0x9FFFFFFF  }
0xc1: {  	(tm) =	ssettm $0x7FFFFFFF  }
tec
execute0_lowered:
.L_overlay_start_1:
0x0: {  	(tag) =	ssettag $0x1  }
0x1: {  	s8 =	rddreg [dreg:$0x0]  }
0x2: {  	s0 =	rddreg [dreg:$0x1];
	_ =	strace $0x80000059;
	s1 =	stileid.u32  }
0x3: {  	s3 =	srdreg.scid;
	s4 =	simm.s32 $0x1;
	s7 =	simm.s32 $0x1  }
0x4: {  	s9 =	simm.s32 $0x1;
	s10 =	simm.s32 $0x3;
	s13 =	simm.s32 $0x0  }
0x5: {  	s12 =	simm.s32 $0x0;
	s5 =	sand.u32 $0x1, s3;
	s6 =	sshll.u32 s1, $0x1  }
0x6: {  	s2 =	sadd.s32 $0xA00, s8;
	s3 =	sadd.s32 $0x1E00, s8;
	s5 =	sor.u32 s6, s5  }
.Ltmp0:
0x7: {  	[sflag:s4] =	ssyncpa.u1 $0x0;
	p0 =	slt.u32 s5, $0x13;
	(pc) =	sbr.rel .LBB2_1-.Ltmp0, $4  }
0x8: {  	s6 =	simm.s32 $0x2;
	s7 =	simm.s32 @!p0 $0x0;
	p0 =	sne.s32 s5, $0x12  }
0x9: {  	[sflag:s6] =	ssyncpa.u1 $0x0;
	s5 =	smul.u32 $0x190, s5;
	s9 =	simm.s32 @!p0 $0x0  }
0xa: {  	s8 =	sadd.s32 $0x12600, s8;
	[sflag:s10] =	ssyncpa.u1 $0x0;
	s7 =	sadd.s32 s9, s7  }
0xb: {  	vm0 =	vmmov $0xffff;
	s10 =	simm.s32 $0x0;
	s11 =	smov.u32 s5;
	s9 =	sadd.s32 $0x1, s7  }
.LBB2_4:
0xc: {  	v2 =	vnsel vm1, $0x0, v2  }
0xd: {  	vm1 =	vgt.s32 v0, $0x0;
	v2 =	vmin.u32 v2, $0x4E1F  }
0xe: {  	v0 =	vnsel vm1, $0x0, v0  }
0xf: {  	v0 =	vmin.u32 v0, $0x4E1F  }
0x10: {  	[tilespmem:s18], [sflag:$0x1] =	stream.indirect_vreg.gather [hbm4b:s2+s10], $0x1, v1, vm0, $0x4038;
	[tilespmem:$0x640] =	vst v63  }
0x11: {  	(ifvalue) =	ssetifvalue $0x7FFFFFFF  }
0x12: {  	[tilespmem:s15], [sflag:$0x1] =	stream.indirect_vreg.gather [hbm4b:s2+s10], $0x1, v2, vm0, $0x4038;
	[tilespmem:$0x640] =	vst v63  }
0x13: {  	s29 =	sadd.s32 $0x10, s15;
	(ifvalue) =	ssetifvalue $0x7FFFFFFF  }
0x14: {  	[tilespmem:s29], [sflag:$0x1] =	stream.indirect_vreg.gather [hbm4b:s2+s10], $0x1, v0, vm0, $0x4038;
	[tilespmem:$0x640] =	vst v63  }
0x15: {  	_ =	swait.ge [sflag:s4], $0x190  }
0x16: {  	s30 =	sshrl.u32 s13, $0x3;
	[sflag:s4] =	ssyncset.done $0x0  }
0x17: {  	s31 =	sand.u32 $0x7, s13;
	s15 =	sadd.s32 s8, s30;
	[sflag:s4] =	ssyncadd.s32 $0xFFFFFE70  }
0x18: {  	[hbm4b:s15+s31] =	stream.linear.scatter [tilespmem:s14], [sflag:$0x3], $0x190, $0x38;
	[tilespmem:$0x640] =	vst v63  }
.LBB2_5:
0x19: {  	s15 =	sadd.s32 $0x3200, s11  }
0x1a: {  	p1 =	sgt.s32 s15, $0x4E1F  }
0x1b: {  	s15 =	smov.u32 @p1 s5;
	p1 =	sne.s32 s12, s9  }
.Ltmp1:
0x1c: {  	p0 =	slt.u32 s12, $0x2;
	(pc) =	sbr.rel @!p1 .LBB2_6-.Ltmp1, $4  }
0x1d: {  	s14 =	simm.s32 @!p0 $0x3  }
0x1e: {  	_ =	swait.ge @!p0 [sflag:s14], $0x190  }
0x1f: {  	s16 =	sadd.s32 $0x1, s12;
	s13 =	smov.u32 s11;
	[sflag:s14] =	ssyncset.done @!p0 $0x0  }
0x20: {  	s12 =	smov.u32 s16;
	s11 =	smov.u32 s15;
	[sflag:s14] =	ssyncadd.s32 @!p0 $0xFFFFFE70  }
.LBB2_1:
0x21: {  	p0 =	sge.u32 s12, s7  }
0x22: {  	s14 =	sxor.u32 @!p0 $0x1, s12  }
0x23: {  	s14 =	smul.u32 @!p0 $0x640, s14  }
0x24: {  	s31 =	sadd.s32 $0xFFFFFFFF, s12;
	s15 =	sshrl.u32 @!p0 s11, $0x3  }
0x25: {  	s16 =	sand.u32 @!p0 $0x7, s11;
	s15 =	sadd.s32 @!p0 s3, s15;
	s14 =	sshra.s32 @!p0 s14, $0x2  }
0x26: {  	[tilespmem:s14], [sflag:$0x2] =	stream.linear.gather @!p0 [hbm4b:s15+s16], $0x190, $0x38;
	[tilespmem:$0x640] =	vst v63  }
0x27: {  	p0 =	sge.u32 s31, s7  }
.Ltmp2:
0x28: {  	_ = 	snop;
	(pc) =	sbr.rel @p0 .LBB2_5-.Ltmp2, $1  }
0x29: {  	_ =	sdelay $0x3  }
0x2a: {  	s14 =	sand.u32 $0x1, s12  }
0x2b: {  	_ =	swait.ge [sflag:s6], $0x190;
	p0 =	seq.s32 s14, $0x1;
	s14 =	simm.s32 $0x190  }
0x2c: {  	[sflag:s6] =	ssyncset.done $0x0;
	s14 =	simm.s32 @!p0 $0x0  }
0x2d: {  	[sflag:s6] =	ssyncadd.s32 $0xFFFFFE70;
	(ifvalue) =	ssetifvalue $0x7FFFFFFF;
	v0 =	vld.msk [tilespmem:s14+$0x0 ss:$0x1], $0xffff;
	_ =	sdelay $0x4  }
0x2e: {  	s15 =	sadd.s32 $0x10, s14;
	vm1 =	vgt.s32 v0, $0x0  }
0x2f: {  	v2 =	vld.msk [tilespmem:s15+$0x0 ss:$0x1], $0xffff;
	v1 =	vnsel vm1, $0x0, v0  }
0x30: {  	v1 =	vmin.u32 v1, $0x4E1F;
	_ =	sdelay $0x2  }
0x31: {  	s17 =	simm.s32 $0x20;
	s14 =	sadd.s32 $0x320, s14;
	s16 =	sadd.s32 $0x10, s15  }
0x32: {  	s15 =	sadd.s32 $0x10, s14;
	s18 =	smov.u32 s14;
	v0 =	vld.msk [tilespmem:s16+$0x0 ss:$0x1], $0xffff;
	vm1 =	vgt.s32 v2, $0x0;
	(ifvalue) =	ssetifvalue $0x7FFFFFFF  }
.LBB2_3:
0x33: {  	[tilespmem:s18], [sflag:$0x1] =	stream.indirect_vreg.gather [hbm4b:s2+s10], $0x1, v1, vm0, $0x4038;
	[tilespmem:$0x640] =	vst v63  }
0x34: {  	s17 =	sadd.s32 $0x10, s17  }
0x35: {  	v2 =	vnsel vm1, $0x0, v2;
	p0 =	slt.u32 s17, $0x180  }
.Ltmp3:
0x36: {  	s18 =	smov.u32 s15;
	v1 =	vmin.u32 v2, $0x4E1F;
	(pc) =	sbr.rel @p0 .LBB2_3-.Ltmp3, $3  }
0x37: {  	_ =	sdelay $0x1  }
0x38: {  	s16 =	sadd.s32 $0x10, s16  }
0x39: {  	vm1 =	vgt.s32 v0, $0x0;
	s15 =	sadd.s32 $0x10, s15;
	v2 =	vmov v0;
	(ifvalue) =	ssetifvalue $0x7FFFFFFF;
	v0 =	vld.msk [tilespmem:s16+$0x0 ss:$0x1], $0xffff  }
.Ltmp4:
0x3a: {  	_ = 	snop;
	(pc) =	sbr.rel .LBB2_4-.Ltmp4, $1  }
0x3b: {  	_ =	sdelay $0x3  }
.LBB2_6:
0x3c: {  	_ =	sfence.sel $0x180000  }
0x3d: {  	s2 =	simm.s32 $0x2;
	[bflag:$0x0] =	sbarrier.arrive $0xFFFF  }
0x3e: {  	s30 =	simm.s32 $0x3;
	[sflag:s2] =	ssyncpa.u1 $0x1  }
0x3f: {  	s31 =	simm.s32 $0x1;
	[sflag:s30] =	ssyncpa.u1 $0x1  }
0x40: {  	[sflag:s31] =	ssyncpa.u1 $0x1  }
0x41: {  	p0 =	sne.s32 s1, $0x0;
	_ =	strace $0x90000059  }
0x42: {  	s0 =	sadd.s32 @!p0 $0x100000, s0;
	[bflag:$0x2] =	sbarrier.arrive $0xFFFF  }
0x43: {  	[sflag:s0] =	ssyncadd.tile.s32 @!p0 $0x1;
	_ =	shalt  }
.Lfunc_end2:
_tile_overlayer_lowered:
.L_overlay_start_2:
0x44: {  	(tag) =	ssettag $0x2  }
0x45: {  	s0 =	rddreg [dreg:$0x0];
	s2 =	stileid.u32  }
0x46: {  	s1 =	rddreg [dreg:$0x1];
	p0 =	sne.s32 s2, $0x0  }
0x47: {  	s3 =	rddreg [dreg:$0x2];
	[bflag:$0x3] =	sbarrier.arrive $0xFFFF;
	s2 =	simm.s32 @!p0 $0x1C01  }
0x48: {  	[timem:s3], [sflag:s2] =	dma.local @!p0 [hbm:s0], s1  }
0x49: {  	s0 =	simm.s32 @!p0 $0x1  }
0x4a: {  	_ =	swait.ge @!p0 [sflag:s0], s1  }
0x4b: {  	s1 =	ssub.s32 @!p0 $0x0, s1;
	[sflag:s0] =	ssyncset.done @!p0 $0x0  }
0x4c: {  	[sflag:s0] =	ssyncadd.s32 @!p0 s1  }
0x4d: {  	[bflag:$0x3] =	sbarrier.arrive $0xFFFF  }
0x4e: {  	_ =	shalt  }

// kernel: gather_offload_async_start.4
scs
__scs_entry_jumppad:
0x0: {  	(pc) =	sbr.rel $0x88, $3  }
0x1: {  	(tag) =	ssettag $0x0;
	lr =	simm.s32 $0x1  }
0x2: {  	[smem:$0x3F91] =	sst lr;
	_ =	strace $0xD0000000  }
0x3: {  	_ = 	snop  }
0x4: {  	_ = 	snop  }
0x5: {  	_ = 	snop  }
0x6: {  	_ = 	snop  }
0x7: {  	_ = 	snop  }
__scs_overlays_trampoline_lowered:
0x8: {  	[smem:$0x3FA0] =	sst s0  }
0x9: {  	[smem:$0x3FA1] =	sst s1  }
0xa: {  	[smem:$0x3FA2] =	sst s2  }
0xb: {  	[smem:$0x3FA3] =	sst s3  }
0xc: {  	[smem:$0x3FA4] =	sst s4  }
0xd: {  	[smem:$0x3FA5] =	sst s5  }
0xe: {  	[smem:$0x3FA6] =	sst s6  }
0xf: {  	[smem:$0x3FA7] =	sst s7  }
0x10: {  	[smem:$0x3FA8] =	sst s8  }
0x11: {  	[smem:$0x3FA9] =	sst s9;
	s0 =	simm.s32 @!p0 $0x0  }
0x12: {  	s1 =	sld [smem:$0x3F8F];
	s0 =	simm.s32 @p0 $0x1  }
0x13: {  	[smem:$0x3FAA] =	sst s0;
	s0 =	simm.s32 @!p1 $0x0  }
0x14: {  	s2 =	sld [smem:$0x3F8E];
	s0 =	simm.s32 @p1 $0x1  }
0x15: {  	[smem:$0x3FAB] =	sst s0;
	s0 =	simm.s32 @!p2 $0x0  }
0x16: {  	s3 =	sld [smem:$0x3FDB];
	s0 =	simm.s32 @p2 $0x1  }
0x17: {  	s4 =	simm.s32 $0x1BF5;
	[smem:$0x3FAD] =	sst s0  }
0x18: {  	s0 =	sld [smem:$0x3F90];
	_ =	swait.ge [sflag:s4], $0x0  }
0x19: {  	s7 =	sld [smem:$0x3F91]  }
0x1a: {  	s8 =	sadd.s32 $0xFFFFE003, lr  }
0x1b: {  	s9 =	sadd.s32 $0xFFFFFEF7, lr;
	s5 =	simm.s32 $0xFFFFFFFF;
	p2 =	slt.u32 s8, $0xFFFFF086  }
0x1c: {  	p1 =	slt.u32 s9, $0xF7A;
	s5 =	simm.s32 @!p2 $0x0  }
0x1d: {  	s5 =	simm.s32 @p1 $0x1;
	p0 =	seq.s32 s7, s2  }
0x1e: {  	s7 =	smul.u32 @!p0 $0xF7A, s2;
	p2 =	seq.s32 @!p0 s5, $0x0  }
0x1f: {  	s9 =	smul.u32 $0xF7A, s1;
	s8 =	simm.s32 @!p0 $0x1BF5;
	p2 =	por !p2, p0  }
0x20: {  	[sflag:s8] =	ssyncset.s32 @!p0 $0xFFFFF086;
	s6 =	sadd.s32 @!p0 s3, s7;
	s7 =	simm.s32 @!p0 $0x108  }
0x21: {  	s3 =	sadd.s32 s3, s9;
	s6 =	sadd.s32 @!p0 $0x88, s6;
	s7 =	simm.s32 @p2 $0x1082  }
0x22: {  	[simem:s7], [sflag:s8] =	dma.local @!p0 [hbm:s6], $0xF7A  }
0x23: {  	s9 =	sor.u32 $0xD0000000, s2;
	s6 =	simm.s32 $0x108;
	_ =	swait.ge @!p0 [sflag:s8], $0x0  }
0x24: {  	s3 =	sadd.s32 $0x88, s3;
	s6 =	simm.s32 @!p1 $0x1082;
	[sflag:s4] =	ssyncset.s32 $0xFFFFF086  }
0x25: {  	[simem:s6], [sflag:s4] =	dma.local [hbm:s3], $0xF7A  }
0x26: {  	[smem:$0x3F91] =	sst s1;
	(tag) =	ssettag s2;
	_ =	strace s9  }
0x27: {  	s1 =	sld [smem:$0x3FA1]  }
0x28: {  	s2 =	sld [smem:$0x3FA2]  }
0x29: {  	s4 =	sld [smem:$0x3FA4]  }
0x2a: {  	p0 =	seq.s32 s5, $0x0;
	s5 =	sld [smem:$0x3FA5]  }
0x2b: {  	s6 =	sld [smem:$0x3FA6]  }
0x2c: {  	s7 =	sld [smem:$0x3FA7]  }
0x2d: {  	s3 =	simm.s32 $0x108;
	s8 =	sld [smem:$0x3FA8]  }
0x2e: {  	s3 =	simm.s32 @!p0 $0x1082;
	s9 =	sld [smem:$0x3FA9]  }
0x2f: {  	lr =	sadd.s32 s0, s3;
	s0 =	sld [smem:$0x3FA0]  }
0x30: {  	s3 =	sld [smem:$0x3FA3]  }
0x31: {  	[smem:$0x3FAC] =	sst s10  }
0x32: {  	s10 =	sld [smem:$0x3FAA];
	_ =	sdelay $0x3  }
0x33: {  	p0 =	seq.s32 s10, $0x1;
	s10 =	sld [smem:$0x3FAC];
	_ =	sdelay $0x3  }
0x34: {  	[smem:$0x3FAC] =	sst s10  }
0x35: {  	s10 =	sld [smem:$0x3FAB];
	_ =	sdelay $0x3  }
0x36: {  	p1 =	seq.s32 s10, $0x1;
	s10 =	sld [smem:$0x3FAC];
	_ =	sdelay $0x3  }
0x37: {  	[smem:$0x3FAC] =	sst s10  }
0x38: {  	s10 =	sld [smem:$0x3FAD]  }
0x39: {  	_ = 	snop;
	(pc) =	sbr.ind lr, $3  }
0x3a: {  	_ = 	snop  }
0x3b: {  	_ = 	snop  }
0x3c: {  	p2 =	seq.s32 s10, $0x1;
	s10 =	sld [smem:$0x3FAC]  }
0x3d: {  	_ =	shalt  }
0x3e: {  	_ =	shalt  }
0x3f: {  	_ =	shalt  }
0x40: {  	_ =	shalt  }
0x41: {  	_ =	shalt  }
0x42: {  	_ =	shalt  }
0x43: {  	_ =	shalt  }
0x44: {  	_ =	shalt  }
0x45: {  	_ =	shalt  }
0x46: {  	_ =	shalt  }
0x47: {  	_ =	shalt  }
0x48: {  	_ =	shalt  }
0x49: {  	_ =	shalt  }
0x4a: {  	_ =	shalt  }
0x4b: {  	_ =	shalt  }
0x4c: {  	_ =	shalt  }
0x4d: {  	_ =	shalt  }
0x4e: {  	_ =	shalt  }
0x4f: {  	_ =	shalt  }
0x50: {  	_ =	shalt  }
0x51: {  	_ =	shalt  }
0x52: {  	_ =	shalt  }
0x53: {  	_ =	shalt  }
0x54: {  	_ =	shalt  }
0x55: {  	_ =	shalt  }
0x56: {  	_ =	shalt  }
0x57: {  	_ =	shalt  }
0x58: {  	_ =	shalt  }
0x59: {  	_ =	shalt  }
0x5a: {  	_ =	shalt  }
0x5b: {  	_ =	shalt  }
0x5c: {  	_ =	shalt  }
0x5d: {  	_ =	shalt  }
0x5e: {  	_ =	shalt  }
0x5f: {  	_ =	shalt  }
0x60: {  	_ =	shalt  }
0x61: {  	_ =	shalt  }
0x62: {  	_ =	shalt  }
0x63: {  	_ =	shalt  }
0x64: {  	_ =	shalt  }
0x65: {  	_ =	shalt  }
0x66: {  	_ =	shalt  }
0x67: {  	_ =	shalt  }
0x68: {  	_ =	shalt  }
0x69: {  	_ =	shalt  }
0x6a: {  	_ =	shalt  }
0x6b: {  	_ =	shalt  }
0x6c: {  	_ =	shalt  }
0x6d: {  	_ =	shalt  }
0x6e: {  	_ =	shalt  }
0x6f: {  	_ =	shalt  }
0x70: {  	_ =	shalt  }
0x71: {  	_ =	shalt  }
0x72: {  	_ =	shalt  }
0x73: {  	_ =	shalt  }
0x74: {  	_ =	shalt  }
0x75: {  	_ =	shalt  }
0x76: {  	_ =	shalt  }
0x77: {  	_ =	shalt  }
0x78: {  	_ =	shalt  }
0x79: {  	_ =	shalt  }
0x7a: {  	_ =	shalt  }
0x7b: {  	_ =	shalt  }
0x7c: {  	_ =	shalt  }
0x7d: {  	_ =	shalt  }
0x7e: {  	_ =	shalt  }
0x7f: {  	_ =	shalt  }
0x80: {  	_ =	shalt  }
0x81: {  	_ =	shalt  }
0x82: {  	_ =	shalt  }
0x83: {  	_ =	shalt  }
0x84: {  	_ =	shalt  }
0x85: {  	_ =	shalt  }
0x86: {  	_ =	shalt  }
0x87: {  	_ =	shalt  }
.Lfunc_end0:
.L_simem_size_0:
called_computation.6_lowered:
.L_overlay_start_0:
0x88: {  	s2 =	sld [smem:$0x3FD9]  }
0x89: {  	s3 =	sld [smem:$0x3FFE];
	_ =	sdelay $0x1  }
0x8a: {  	s1 =	srdreg.scid  }
0x8b: {  	s0 =	sand.u32 $0x1, s1  }
0x8c: {  	s16 =	sshll.u32 s0, $0xA;
	s2 =	sadd.s32 s3, s2  }
0x8d: {  	s2 =	sadd.s32 s2, s16  }
0x8e: {  	[smem:$0x3FB8] =	sst s2  }
0x8f: {  	_ = 	snop  }
0x90: {  	(tm) =	ssettm $0x1  }
0x91: {  	s17 =	sld [smem:$0x3FFB];
	_ =	sdelay $0x3  }
0x92: {  	_ =	strace s17  }
0x93: {  	s2 =	sld [smem:$0x3FFC];
	_ =	sdelay $0x3  }
0x94: {  	_ =	strace s2  }
0x95: {  	s2 =	sld [smem:$0x3FFD];
	_ =	sdelay $0x3  }
0x96: {  	_ =	strace s2  }
0x97: {  	_ =	strace $0x8FFFFFFF  }
0x98: {  	s18 =	sld [smem:$0x3FDB];
	_ =	sdelay $0x1  }
0x99: {  	s19 =	simm.s32 $_scs_section_size  }
0x9a: {  	s4 =	simm.s32 $_size__tile_overlayer_lowered;
	s5 =	simm.s32 $_tile_overlayer_lowered  }
0x9b: {  	s22 =	simm.s32 $0x1BFF;
	s21 =	sshll.u32 s5, $0x1;
	s2 =	sadd.s32 s19, s18  }
0x9c: {  	s6 =	simm.s32 $0x0;
	s20 =	sshll.u32 s4, $0x1;
	s4 =	sadd.s32 s21, s2  }
0x9d: {  	[timem:s6], [sflag:s22] =	dma.local [hbm:s4], s20  }
0x9e: {  	_ =	swait.ge [sflag:s22], s20  }
0x9f: {  	s3 =	ssub.s32 $0x0, s20;
	[sflag:s22] =	ssyncset.done $0x0  }
0xa0: {  	[sflag:s22] =	ssyncadd.s32 s3;
	_ =	sdelay $0x1  }
0xa1: {  	s23 =	simm.s32 $0x1B8B  }
0xa2: {  	_ =	swait.ge [sflag:s23], $0x1  }
0xa3: {  	[sflag:s23] =	ssyncset.done $0x0  }
0xa4: {  	s25 =	simm.s32 $0x1B8E;
	s24 =	sld [smem:$0x3FFE];
	[sflag:s23] =	ssyncadd.s32 $0xFFFFFFFF  }
0xa5: {  	s26 =	simm.s32 $execute0_lowered;
	[smem:$0x3FD2] =	sst s25  }
0xa6: {  	s4 =	sshll.u32 s26, $0x1;
	_ =	strace $0x8000005B;
	[dreg:$0x1] =	wrdreg $0xFFFFFFFF  }
0xa7: {  	s28 =	simm.s32 $_size_execute0_lowered;
	s2 =	sadd.s32 s2, s4;
	[dreg:$0x0] =	wrdreg $0x0  }
0xa8: {  	s4 =	sshll.u32 s28, $0x1;
	[dreg:$0x2] =	wrdreg s2  }
0xa9: {  	[dreg:$0x3] =	wrdreg s4  }
0xaa: {  	[dreg:$0x4] =	wrdreg $0xC0  }
0xab: {  	_ =	task [dreg:s6], $0x5FFFF  }
0xac: {  	[dreg:$0x1] =	wrdreg $0xFFFFFFFF  }
0xad: {  	[dreg:$0x0] =	wrdreg $0x60  }
0xae: {  	[dreg:$0x2] =	wrdreg s24  }
0xaf: {  	[dreg:$0x3] =	wrdreg $0x9  }
0xb0: {  	_ =	task.clear_ibuf [dreg:s6], $0x4FFFF;
	_ =	strace $0x9000005B  }
0xb1: {  	s29 =	simm.s32 $0x9;
	_ =	strace $0x8000005D  }
0xb2: {  	_ =	swait.ge [sflag:s29], $0x1  }
0xb3: {  	[sflag:s29] =	ssyncadd.s32 $0xFFFFFFFF  }
0xb4: {  	_ =	strace $0x9000005D  }
0xb5: {  	_ =	sfence  }
0xb6: {  	s30 =	sld [smem:$0x0];
	_ =	sdelay $0x2  }
0xb7: {  	s31 =	sshll.u32 s1, $0xD;
	s1 =	sshrl.u32 s1, $0x2  }
0xb8: {  	s3 =	sand.u32 $0x4000, s31;
	s1 =	sadd.s32 s1, s30  }
0xb9: {  	s0 =	sor.u32 s3, s0;
	s1 =	sshll.u32 s1, $0x11  }
0xba: {  	s0 =	sor.u32 s1, s0  }
0xbb: {  	s0 =	sadd.s32 $0x8F2B, s0  }
0xbc: {  	[sflag:s0] =	ssyncadd.remote.s32 $0x1  }
0xbd: {  	_ =	sfence.sel $0xFFFF  }
0xbe: {  	[dreg:$0x0] =	wrdreg $0xFFFFFFFF;
	(pc) =	sbr.abs _section_cstart, $3  }
0xbf: {  	[dreg:$0x1] =	wrdreg $0xFFFFFFFF  }
0xc0: {  	_ =	task.clear_ibuf [dreg:s6], $0x2FFFF;
	_ =	strace $0x9FFFFFFF  }
0xc1: {  	(tm) =	ssettm $0x7FFFFFFF  }
tec
execute0_lowered:
.L_overlay_start_1:
0x0: {  	(tag) =	ssettag $0x1  }
0x1: {  	s2 =	rddreg [dreg:$0x0]  }
0x2: {  	s0 =	rddreg [dreg:$0x1];
	s1 =	stileid.u32  }
0x3: {  	s3 =	srdreg.scid;
	_ =	strace $0x8000005C;
	s4 =	simm.s32 $0x1  }
0x4: {  	s7 =	simm.s32 $0x1;
	s8 =	simm.s32 $0x1;
	s9 =	simm.s32 $0x3  }
0x5: {  	s10 =	simm.s32 $0x0;
	s5 =	sand.u32 $0x1, s3;
	s6 =	sshll.u32 s1, $0x1  }
0x6: {  	s13 =	simm.s32 $0x0;
	s12 =	simm.s32 $0x0;
	s5 =	sor.u32 s6, s5  }
.Ltmp0:
0x7: {  	[sflag:s4] =	ssyncpa.u1 $0x0;
	p0 =	slt.u32 s5, $0x13;
	(pc) =	sbr.rel .LBB2_1-.Ltmp0, $4  }
0x8: {  	s6 =	simm.s32 $0x2;
	s7 =	simm.s32 @!p0 $0x0;
	p0 =	sne.s32 s5, $0x12  }
0x9: {  	[sflag:s6] =	ssyncpa.u1 $0x0;
	s5 =	smul.u32 $0x190, s5;
	s8 =	simm.s32 @!p0 $0x0  }
0xa: {  	s3 =	sadd.s32 $0x1E00, s2;
	[sflag:s9] =	ssyncpa.u1 $0x0;
	s7 =	sadd.s32 s8, s7  }
0xb: {  	vm0 =	vmmov $0xffff;
	s8 =	sadd.s32 $0x2800, s2;
	s11 =	smov.u32 s5;
	s9 =	sadd.s32 $0x1, s7  }
.LBB2_4:
0xc: {  	v2 =	vnsel vm1, $0x0, v2  }
0xd: {  	vm1 =	vgt.s32 v0, $0x0;
	v2 =	vmin.u32 v2, $0x4E1F  }
0xe: {  	v0 =	vnsel vm1, $0x0, v0  }
0xf: {  	v0 =	vmin.u32 v0, $0x4E1F  }
0x10: {  	[tilespmem:s18], [sflag:$0x1] =	stream.indirect_vreg.gather [hbm4b:s2+s10], $0x1, v1, vm0, $0x4038;
	[tilespmem:$0x640] =	vst v63  }
0x11: {  	(ifvalue) =	ssetifvalue $0x7FFFFFFF  }
0x12: {  	[tilespmem:s15], [sflag:$0x1] =	stream.indirect_vreg.gather [hbm4b:s2+s10], $0x1, v2, vm0, $0x4038;
	[tilespmem:$0x640] =	vst v63  }
0x13: {  	s29 =	sadd.s32 $0x10, s15;
	(ifvalue) =	ssetifvalue $0x7FFFFFFF  }
0x14: {  	[tilespmem:s29], [sflag:$0x1] =	stream.indirect_vreg.gather [hbm4b:s2+s10], $0x1, v0, vm0, $0x4038;
	[tilespmem:$0x640] =	vst v63  }
0x15: {  	_ =	swait.ge [sflag:s4], $0x190  }
0x16: {  	s30 =	sshrl.u32 s13, $0x3;
	[sflag:s4] =	ssyncset.done $0x0  }
0x17: {  	s31 =	sand.u32 $0x7, s13;
	s15 =	sadd.s32 s8, s30;
	[sflag:s4] =	ssyncadd.s32 $0xFFFFFE70  }
0x18: {  	[hbm4b:s15+s31] =	stream.linear.scatter [tilespmem:s14], [sflag:$0x3], $0x190, $0x38;
	[tilespmem:$0x640] =	vst v63  }
.LBB2_5:
0x19: {  	s15 =	sadd.s32 $0x3200, s11  }
0x1a: {  	p1 =	sgt.s32 s15, $0x4E1F  }
0x1b: {  	s15 =	smov.u32 @p1 s5;
	p1 =	sne.s32 s12, s9  }
.Ltmp1:
0x1c: {  	p0 =	slt.u32 s12, $0x2;
	(pc) =	sbr.rel @!p1 .LBB2_6-.Ltmp1, $4  }
0x1d: {  	s14 =	simm.s32 @!p0 $0x3  }
0x1e: {  	_ =	swait.ge @!p0 [sflag:s14], $0x190  }
0x1f: {  	s16 =	sadd.s32 $0x1, s12;
	s13 =	smov.u32 s11;
	[sflag:s14] =	ssyncset.done @!p0 $0x0  }
0x20: {  	s12 =	smov.u32 s16;
	s11 =	smov.u32 s15;
	[sflag:s14] =	ssyncadd.s32 @!p0 $0xFFFFFE70  }
.LBB2_1:
0x21: {  	p0 =	sge.u32 s12, s7  }
0x22: {  	s14 =	sxor.u32 @!p0 $0x1, s12  }
0x23: {  	s14 =	smul.u32 @!p0 $0x640, s14  }
0x24: {  	s31 =	sadd.s32 $0xFFFFFFFF, s12;
	s15 =	sshrl.u32 @!p0 s11, $0x3  }
0x25: {  	s16 =	sand.u32 @!p0 $0x7, s11;
	s15 =	sadd.s32 @!p0 s3, s15;
	s14 =	sshra.s32 @!p0 s14, $0x2  }
0x26: {  	[tilespmem:s14], [sflag:$0x2] =	stream.linear.gather @!p0 [hbm4b:s15+s16], $0x190, $0x38;
	[tilespmem:$0x640] =	vst v63  }
0x27: {  	p0 =	sge.u32 s31, s7  }
.Ltmp2:
0x28: {  	_ = 	snop;
	(pc) =	sbr.rel @p0 .LBB2_5-.Ltmp2, $1  }
0x29: {  	_ =	sdelay $0x3  }
0x2a: {  	s14 =	sand.u32 $0x1, s12  }
0x2b: {  	_ =	swait.ge [sflag:s6], $0x190;
	p0 =	seq.s32 s14, $0x1;
	s14 =	simm.s32 $0x190  }
0x2c: {  	[sflag:s6] =	ssyncset.done $0x0;
	s14 =	simm.s32 @!p0 $0x0  }
0x2d: {  	[sflag:s6] =	ssyncadd.s32 $0xFFFFFE70;
	(ifvalue) =	ssetifvalue $0x7FFFFFFF;
	v0 =	vld.msk [tilespmem:s14+$0x0 ss:$0x1], $0xffff;
	_ =	sdelay $0x4  }
0x2e: {  	s15 =	sadd.s32 $0x10, s14;
	vm1 =	vgt.s32 v0, $0x0  }
0x2f: {  	v2 =	vld.msk [tilespmem:s15+$0x0 ss:$0x1], $0xffff;
	v1 =	vnsel vm1, $0x0, v0  }
0x30: {  	v1 =	vmin.u32 v1, $0x4E1F;
	_ =	sdelay $0x2  }
0x31: {  	s17 =	simm.s32 $0x20;
	s14 =	sadd.s32 $0x320, s14;
	s16 =	sadd.s32 $0x10, s15  }
0x32: {  	s15 =	sadd.s32 $0x10, s14;
	s18 =	smov.u32 s14;
	v0 =	vld.msk [tilespmem:s16+$0x0 ss:$0x1], $0xffff;
	vm1 =	vgt.s32 v2, $0x0;
	(ifvalue) =	ssetifvalue $0x7FFFFFFF  }
.LBB2_3:
0x33: {  	[tilespmem:s18], [sflag:$0x1] =	stream.indirect_vreg.gather [hbm4b:s2+s10], $0x1, v1, vm0, $0x4038;
	[tilespmem:$0x640] =	vst v63  }
0x34: {  	s17 =	sadd.s32 $0x10, s17  }
0x35: {  	v2 =	vnsel vm1, $0x0, v2;
	p0 =	slt.u32 s17, $0x180  }
.Ltmp3:
0x36: {  	s18 =	smov.u32 s15;
	v1 =	vmin.u32 v2, $0x4E1F;
	(pc) =	sbr.rel @p0 .LBB2_3-.Ltmp3, $3  }
0x37: {  	_ =	sdelay $0x1  }
0x38: {  	s16 =	sadd.s32 $0x10, s16  }
0x39: {  	vm1 =	vgt.s32 v0, $0x0;
	s15 =	sadd.s32 $0x10, s15;
	v2 =	vmov v0;
	(ifvalue) =	ssetifvalue $0x7FFFFFFF;
	v0 =	vld.msk [tilespmem:s16+$0x0 ss:$0x1], $0xffff  }
.Ltmp4:
0x3a: {  	_ = 	snop;
	(pc) =	sbr.rel .LBB2_4-.Ltmp4, $1  }
0x3b: {  	_ =	sdelay $0x3  }
.LBB2_6:
0x3c: {  	_ =	sfence.sel $0x180000  }
0x3d: {  	s2 =	simm.s32 $0x2;
	[bflag:$0x0] =	sbarrier.arrive $0xFFFF  }
0x3e: {  	s30 =	simm.s32 $0x3;
	[sflag:s2] =	ssyncpa.u1 $0x1  }
0x3f: {  	s31 =	simm.s32 $0x1;
	[sflag:s30] =	ssyncpa.u1 $0x1  }
0x40: {  	[sflag:s31] =	ssyncpa.u1 $0x1  }
0x41: {  	p0 =	sne.s32 s1, $0x0;
	_ =	strace $0x9000005C  }
0x42: {  	s0 =	sadd.s32 @!p0 $0x100000, s0;
	[bflag:$0x2] =	sbarrier.arrive $0xFFFF  }
0x43: {  	[sflag:s0] =	ssyncadd.tile.s32 @!p0 $0x1;
	_ =	shalt  }
.Lfunc_end2:
_tile_overlayer_lowered:
.L_overlay_start_2:
0x44: {  	(tag) =	ssettag $0x2  }
0x45: {  	s0 =	rddreg [dreg:$0x0];
	s2 =	stileid.u32  }
0x46: {  	s1 =	rddreg [dreg:$0x1];
	p0 =	sne.s32 s2, $0x0  }
0x47: {  	s3 =	rddreg [dreg:$0x2];
	[bflag:$0x3] =	sbarrier.arrive $0xFFFF;
	s2 =	simm.s32 @!p0 $0x1C01  }
0x48: {  	[timem:s3], [sflag:s2] =	dma.local @!p0 [hbm:s0], s1  }
0x49: {  	s0 =	simm.s32 @!p0 $0x1  }
0x4a: {  	_ =	swait.ge @!p0 [sflag:s0], s1  }
0x4b: {  	s1 =	ssub.s32 @!p0 $0x0, s1;
	[sflag:s0] =	ssyncset.done @!p0 $0x0  }
0x4c: {  	[sflag:s0] =	ssyncadd.s32 @!p0 s1  }
0x4d: {  	[bflag:$0x3] =	sbarrier.arrive $0xFFFF  }
0x4e: {  	_ =	shalt  }

// kernel: gather_offload_async_start.5
scs
__scs_entry_jumppad:
0x0: {  	(pc) =	sbr.rel $0x88, $3  }
0x1: {  	(tag) =	ssettag $0x0;
	lr =	simm.s32 $0x1  }
0x2: {  	[smem:$0x3F91] =	sst lr;
	_ =	strace $0xD0000000  }
0x3: {  	_ = 	snop  }
0x4: {  	_ = 	snop  }
0x5: {  	_ = 	snop  }
0x6: {  	_ = 	snop  }
0x7: {  	_ = 	snop  }
__scs_overlays_trampoline_lowered:
0x8: {  	[smem:$0x3FA0] =	sst s0  }
0x9: {  	[smem:$0x3FA1] =	sst s1  }
0xa: {  	[smem:$0x3FA2] =	sst s2  }
0xb: {  	[smem:$0x3FA3] =	sst s3  }
0xc: {  	[smem:$0x3FA4] =	sst s4  }
0xd: {  	[smem:$0x3FA5] =	sst s5  }
0xe: {  	[smem:$0x3FA6] =	sst s6  }
0xf: {  	[smem:$0x3FA7] =	sst s7  }
0x10: {  	[smem:$0x3FA8] =	sst s8  }
0x11: {  	[smem:$0x3FA9] =	sst s9;
	s0 =	simm.s32 @!p0 $0x0  }
0x12: {  	s1 =	sld [smem:$0x3F8F];
	s0 =	simm.s32 @p0 $0x1  }
0x13: {  	[smem:$0x3FAA] =	sst s0;
	s0 =	simm.s32 @!p1 $0x0  }
0x14: {  	s2 =	sld [smem:$0x3F8E];
	s0 =	simm.s32 @p1 $0x1  }
0x15: {  	[smem:$0x3FAB] =	sst s0;
	s0 =	simm.s32 @!p2 $0x0  }
0x16: {  	s3 =	sld [smem:$0x3FDB];
	s0 =	simm.s32 @p2 $0x1  }
0x17: {  	s4 =	simm.s32 $0x1BF5;
	[smem:$0x3FAD] =	sst s0  }
0x18: {  	s0 =	sld [smem:$0x3F90];
	_ =	swait.ge [sflag:s4], $0x0  }
0x19: {  	s7 =	sld [smem:$0x3F91]  }
0x1a: {  	s8 =	sadd.s32 $0xFFFFE003, lr  }
0x1b: {  	s9 =	sadd.s32 $0xFFFFFEF7, lr;
	s5 =	simm.s32 $0xFFFFFFFF;
	p2 =	slt.u32 s8, $0xFFFFF086  }
0x1c: {  	p1 =	slt.u32 s9, $0xF7A;
	s5 =	simm.s32 @!p2 $0x0  }
0x1d: {  	s5 =	simm.s32 @p1 $0x1;
	p0 =	seq.s32 s7, s2  }
0x1e: {  	s7 =	smul.u32 @!p0 $0xF7A, s2;
	p2 =	seq.s32 @!p0 s5, $0x0  }
0x1f: {  	s9 =	smul.u32 $0xF7A, s1;
	s8 =	simm.s32 @!p0 $0x1BF5;
	p2 =	por !p2, p0  }
0x20: {  	[sflag:s8] =	ssyncset.s32 @!p0 $0xFFFFF086;
	s6 =	sadd.s32 @!p0 s3, s7;
	s7 =	simm.s32 @!p0 $0x108  }
0x21: {  	s3 =	sadd.s32 s3, s9;
	s6 =	sadd.s32 @!p0 $0x88, s6;
	s7 =	simm.s32 @p2 $0x1082  }
0x22: {  	[simem:s7], [sflag:s8] =	dma.local @!p0 [hbm:s6], $0xF7A  }
0x23: {  	s9 =	sor.u32 $0xD0000000, s2;
	s6 =	simm.s32 $0x108;
	_ =	swait.ge @!p0 [sflag:s8], $0x0  }
0x24: {  	s3 =	sadd.s32 $0x88, s3;
	s6 =	simm.s32 @!p1 $0x1082;
	[sflag:s4] =	ssyncset.s32 $0xFFFFF086  }
0x25: {  	[simem:s6], [sflag:s4] =	dma.local [hbm:s3], $0xF7A  }
0x26: {  	[smem:$0x3F91] =	sst s1;
	(tag) =	ssettag s2;
	_ =	strace s9  }
0x27: {  	s1 =	sld [smem:$0x3FA1]  }
0x28: {  	s2 =	sld [smem:$0x3FA2]  }
0x29: {  	s4 =	sld [smem:$0x3FA4]  }
0x2a: {  	p0 =	seq.s32 s5, $0x0;
	s5 =	sld [smem:$0x3FA5]  }
0x2b: {  	s6 =	sld [smem:$0x3FA6]  }
0x2c: {  	s7 =	sld [smem:$0x3FA7]  }
0x2d: {  	s3 =	simm.s32 $0x108;
	s8 =	sld [smem:$0x3FA8]  }
0x2e: {  	s3 =	simm.s32 @!p0 $0x1082;
	s9 =	sld [smem:$0x3FA9]  }
0x2f: {  	lr =	sadd.s32 s0, s3;
	s0 =	sld [smem:$0x3FA0]  }
0x30: {  	s3 =	sld [smem:$0x3FA3]  }
0x31: {  	[smem:$0x3FAC] =	sst s10  }
0x32: {  	s10 =	sld [smem:$0x3FAA];
	_ =	sdelay $0x3  }
0x33: {  	p0 =	seq.s32 s10, $0x1;
	s10 =	sld [smem:$0x3FAC];
	_ =	sdelay $0x3  }
0x34: {  	[smem:$0x3FAC] =	sst s10  }
0x35: {  	s10 =	sld [smem:$0x3FAB];
	_ =	sdelay $0x3  }
0x36: {  	p1 =	seq.s32 s10, $0x1;
	s10 =	sld [smem:$0x3FAC];
	_ =	sdelay $0x3  }
0x37: {  	[smem:$0x3FAC] =	sst s10  }
0x38: {  	s10 =	sld [smem:$0x3FAD]  }
0x39: {  	_ = 	snop;
	(pc) =	sbr.ind lr, $3  }
0x3a: {  	_ = 	snop  }
0x3b: {  	_ = 	snop  }
0x3c: {  	p2 =	seq.s32 s10, $0x1;
	s10 =	sld [smem:$0x3FAC]  }
0x3d: {  	_ =	shalt  }
0x3e: {  	_ =	shalt  }
0x3f: {  	_ =	shalt  }
0x40: {  	_ =	shalt  }
0x41: {  	_ =	shalt  }
0x42: {  	_ =	shalt  }
0x43: {  	_ =	shalt  }
0x44: {  	_ =	shalt  }
0x45: {  	_ =	shalt  }
0x46: {  	_ =	shalt  }
0x47: {  	_ =	shalt  }
0x48: {  	_ =	shalt  }
0x49: {  	_ =	shalt  }
0x4a: {  	_ =	shalt  }
0x4b: {  	_ =	shalt  }
0x4c: {  	_ =	shalt  }
0x4d: {  	_ =	shalt  }
0x4e: {  	_ =	shalt  }
0x4f: {  	_ =	shalt  }
0x50: {  	_ =	shalt  }
0x51: {  	_ =	shalt  }
0x52: {  	_ =	shalt  }
0x53: {  	_ =	shalt  }
0x54: {  	_ =	shalt  }
0x55: {  	_ =	shalt  }
0x56: {  	_ =	shalt  }
0x57: {  	_ =	shalt  }
0x58: {  	_ =	shalt  }
0x59: {  	_ =	shalt  }
0x5a: {  	_ =	shalt  }
0x5b: {  	_ =	shalt  }
0x5c: {  	_ =	shalt  }
0x5d: {  	_ =	shalt  }
0x5e: {  	_ =	shalt  }
0x5f: {  	_ =	shalt  }
0x60: {  	_ =	shalt  }
0x61: {  	_ =	shalt  }
0x62: {  	_ =	shalt  }
0x63: {  	_ =	shalt  }
0x64: {  	_ =	shalt  }
0x65: {  	_ =	shalt  }
0x66: {  	_ =	shalt  }
0x67: {  	_ =	shalt  }
0x68: {  	_ =	shalt  }
0x69: {  	_ =	shalt  }
0x6a: {  	_ =	shalt  }
0x6b: {  	_ =	shalt  }
0x6c: {  	_ =	shalt  }
0x6d: {  	_ =	shalt  }
0x6e: {  	_ =	shalt  }
0x6f: {  	_ =	shalt  }
0x70: {  	_ =	shalt  }
0x71: {  	_ =	shalt  }
0x72: {  	_ =	shalt  }
0x73: {  	_ =	shalt  }
0x74: {  	_ =	shalt  }
0x75: {  	_ =	shalt  }
0x76: {  	_ =	shalt  }
0x77: {  	_ =	shalt  }
0x78: {  	_ =	shalt  }
0x79: {  	_ =	shalt  }
0x7a: {  	_ =	shalt  }
0x7b: {  	_ =	shalt  }
0x7c: {  	_ =	shalt  }
0x7d: {  	_ =	shalt  }
0x7e: {  	_ =	shalt  }
0x7f: {  	_ =	shalt  }
0x80: {  	_ =	shalt  }
0x81: {  	_ =	shalt  }
0x82: {  	_ =	shalt  }
0x83: {  	_ =	shalt  }
0x84: {  	_ =	shalt  }
0x85: {  	_ =	shalt  }
0x86: {  	_ =	shalt  }
0x87: {  	_ =	shalt  }
.Lfunc_end0:
.L_simem_size_0:
called_computation.7_lowered:
.L_overlay_start_0:
0x88: {  	s2 =	sld [smem:$0x3FD9]  }
0x89: {  	s3 =	sld [smem:$0x3FFE];
	_ =	sdelay $0x1  }
0x8a: {  	s1 =	srdreg.scid  }
0x8b: {  	s0 =	sand.u32 $0x1, s1  }
0x8c: {  	s16 =	sshll.u32 s0, $0xA;
	s2 =	sadd.s32 s3, s2  }
0x8d: {  	s2 =	sadd.s32 s2, s16  }
0x8e: {  	[smem:$0x3FB8] =	sst s2  }
0x8f: {  	_ = 	snop  }
0x90: {  	(tm) =	ssettm $0x1  }
0x91: {  	s17 =	sld [smem:$0x3FFB];
	_ =	sdelay $0x3  }
0x92: {  	_ =	strace s17  }
0x93: {  	s2 =	sld [smem:$0x3FFC];
	_ =	sdelay $0x3  }
0x94: {  	_ =	strace s2  }
0x95: {  	s2 =	sld [smem:$0x3FFD];
	_ =	sdelay $0x3  }
0x96: {  	_ =	strace s2  }
0x97: {  	_ =	strace $0x8FFFFFFF  }
0x98: {  	s18 =	sld [smem:$0x3FDB];
	_ =	sdelay $0x1  }
0x99: {  	s19 =	simm.s32 $_scs_section_size  }
0x9a: {  	s4 =	simm.s32 $_size__tile_overlayer_lowered;
	s5 =	simm.s32 $_tile_overlayer_lowered  }
0x9b: {  	s22 =	simm.s32 $0x1BFF;
	s21 =	sshll.u32 s5, $0x1;
	s2 =	sadd.s32 s19, s18  }
0x9c: {  	s6 =	simm.s32 $0x0;
	s20 =	sshll.u32 s4, $0x1;
	s4 =	sadd.s32 s21, s2  }
0x9d: {  	[timem:s6], [sflag:s22] =	dma.local [hbm:s4], s20  }
0x9e: {  	_ =	swait.ge [sflag:s22], s20  }
0x9f: {  	s3 =	ssub.s32 $0x0, s20;
	[sflag:s22] =	ssyncset.done $0x0  }
0xa0: {  	[sflag:s22] =	ssyncadd.s32 s3;
	_ =	sdelay $0x1  }
0xa1: {  	s23 =	simm.s32 $0x1B8B  }
0xa2: {  	_ =	swait.ge [sflag:s23], $0x1  }
0xa3: {  	[sflag:s23] =	ssyncset.done $0x0  }
0xa4: {  	s25 =	simm.s32 $0x1B8E;
	s24 =	sld [smem:$0x3FFE];
	[sflag:s23] =	ssyncadd.s32 $0xFFFFFFFF  }
0xa5: {  	s26 =	simm.s32 $execute0_lowered;
	[smem:$0x3FD2] =	sst s25  }
0xa6: {  	s4 =	sshll.u32 s26, $0x1;
	_ =	strace $0x8000005E;
	[dreg:$0x1] =	wrdreg $0xFFFFFFFF  }
0xa7: {  	s28 =	simm.s32 $_size_execute0_lowered;
	s2 =	sadd.s32 s2, s4;
	[dreg:$0x0] =	wrdreg $0x0  }
0xa8: {  	s4 =	sshll.u32 s28, $0x1;
	[dreg:$0x2] =	wrdreg s2  }
0xa9: {  	[dreg:$0x3] =	wrdreg s4  }
0xaa: {  	[dreg:$0x4] =	wrdreg $0xC0  }
0xab: {  	_ =	task [dreg:s6], $0x5FFFF  }
0xac: {  	[dreg:$0x1] =	wrdreg $0xFFFFFFFF  }
0xad: {  	[dreg:$0x0] =	wrdreg $0x60  }
0xae: {  	[dreg:$0x2] =	wrdreg s24  }
0xaf: {  	[dreg:$0x3] =	wrdreg $0x9  }
0xb0: {  	_ =	task.clear_ibuf [dreg:s6], $0x4FFFF;
	_ =	strace $0x9000005E  }
0xb1: {  	s29 =	simm.s32 $0x9;
	_ =	strace $0x80000060  }
0xb2: {  	_ =	swait.ge [sflag:s29], $0x1  }
0xb3: {  	[sflag:s29] =	ssyncadd.s32 $0xFFFFFFFF  }
0xb4: {  	_ =	strace $0x90000060  }
0xb5: {  	_ =	sfence  }
0xb6: {  	s30 =	sld [smem:$0x0];
	_ =	sdelay $0x2  }
0xb7: {  	s31 =	sshll.u32 s1, $0xD;
	s1 =	sshrl.u32 s1, $0x2  }
0xb8: {  	s3 =	sand.u32 $0x4000, s31;
	s1 =	sadd.s32 s1, s30  }
0xb9: {  	s0 =	sor.u32 s3, s0;
	s1 =	sshll.u32 s1, $0x11  }
0xba: {  	s0 =	sor.u32 s1, s0  }
0xbb: {  	s0 =	sadd.s32 $0x8F2B, s0  }
0xbc: {  	[sflag:s0] =	ssyncadd.remote.s32 $0x1  }
0xbd: {  	_ =	sfence.sel $0xFFFF  }
0xbe: {  	[dreg:$0x0] =	wrdreg $0xFFFFFFFF;
	(pc) =	sbr.abs _section_cstart, $3  }
0xbf: {  	[dreg:$0x1] =	wrdreg $0xFFFFFFFF  }
0xc0: {  	_ =	task.clear_ibuf [dreg:s6], $0x2FFFF;
	_ =	strace $0x9FFFFFFF  }
0xc1: {  	(tm) =	ssettm $0x7FFFFFFF  }
tec
execute0_lowered:
.L_overlay_start_1:
0x0: {  	(tag) =	ssettag $0x1  }
0x1: {  	s2 =	rddreg [dreg:$0x0]  }
0x2: {  	s0 =	rddreg [dreg:$0x1];
	s1 =	stileid.u32  }
0x3: {  	s3 =	srdreg.scid;
	_ =	strace $0x8000005F;
	s4 =	simm.s32 $0x1  }
0x4: {  	s7 =	simm.s32 $0x1;
	s8 =	simm.s32 $0x1;
	s9 =	simm.s32 $0x3  }
0x5: {  	s10 =	simm.s32 $0x0;
	s5 =	sand.u32 $0x1, s3;
	s6 =	sshll.u32 s1, $0x1  }
0x6: {  	s13 =	simm.s32 $0x0;
	s12 =	simm.s32 $0x0;
	s5 =	sor.u32 s6, s5  }
.Ltmp0:
0x7: {  	[sflag:s4] =	ssyncpa.u1 $0x0;
	p0 =	slt.u32 s5, $0x13;
	(pc) =	sbr.rel .LBB2_1-.Ltmp0, $4  }
0x8: {  	s6 =	simm.s32 $0x2;
	s7 =	simm.s32 @!p0 $0x0;
	p0 =	sne.s32 s5, $0x12  }
0x9: {  	[sflag:s6] =	ssyncpa.u1 $0x0;
	s5 =	smul.u32 $0x190, s5;
	s8 =	simm.s32 @!p0 $0x0  }
0xa: {  	s3 =	sadd.s32 $0x3200, s2;
	[sflag:s9] =	ssyncpa.u1 $0x0;
	s7 =	sadd.s32 s8, s7  }
0xb: {  	vm0 =	vmmov $0xffff;
	s8 =	sadd.s32 $0x1E00, s2;
	s11 =	smov.u32 s5;
	s9 =	sadd.s32 $0x1, s7  }
.LBB2_4:
0xc: {  	v2 =	vnsel vm1, $0x0, v2  }
0xd: {  	vm1 =	vgt.s32 v0, $0x0;
	v2 =	vmin.u32 v2, $0x4E1F  }
0xe: {  	v0 =	vnsel vm1, $0x0, v0  }
0xf: {  	v0 =	vmin.u32 v0, $0x4E1F  }
0x10: {  	[tilespmem:s18], [sflag:$0x1] =	stream.indirect_vreg.gather [hbm4b:s3+s10], $0x1, v1, vm0, $0x4038;
	[tilespmem:$0x640] =	vst v63  }
0x11: {  	(ifvalue) =	ssetifvalue $0x7FFFFFFF  }
0x12: {  	[tilespmem:s15], [sflag:$0x1] =	stream.indirect_vreg.gather [hbm4b:s3+s10], $0x1, v2, vm0, $0x4038;
	[tilespmem:$0x640] =	vst v63  }
0x13: {  	s29 =	sadd.s32 $0x10, s15;
	(ifvalue) =	ssetifvalue $0x7FFFFFFF  }
0x14: {  	[tilespmem:s29], [sflag:$0x1] =	stream.indirect_vreg.gather [hbm4b:s3+s10], $0x1, v0, vm0, $0x4038;
	[tilespmem:$0x640] =	vst v63  }
0x15: {  	_ =	swait.ge [sflag:s4], $0x190  }
0x16: {  	s30 =	sshrl.u32 s13, $0x3;
	[sflag:s4] =	ssyncset.done $0x0  }
0x17: {  	s31 =	sand.u32 $0x7, s13;
	s15 =	sadd.s32 s2, s30;
	[sflag:s4] =	ssyncadd.s32 $0xFFFFFE70  }
0x18: {  	[hbm4b:s15+s31] =	stream.linear.scatter [tilespmem:s14], [sflag:$0x3], $0x190, $0x38;
	[tilespmem:$0x640] =	vst v63  }
.LBB2_5:
0x19: {  	s15 =	sadd.s32 $0x3200, s11  }
0x1a: {  	p1 =	sgt.s32 s15, $0x4E1F  }
0x1b: {  	s15 =	smov.u32 @p1 s5;
	p1 =	sne.s32 s12, s9  }
.Ltmp1:
0x1c: {  	p0 =	slt.u32 s12, $0x2;
	(pc) =	sbr.rel @!p1 .LBB2_6-.Ltmp1, $4  }
0x1d: {  	s14 =	simm.s32 @!p0 $0x3  }
0x1e: {  	_ =	swait.ge @!p0 [sflag:s14], $0x190  }
0x1f: {  	s16 =	sadd.s32 $0x1, s12;
	s13 =	smov.u32 s11;
	[sflag:s14] =	ssyncset.done @!p0 $0x0  }
0x20: {  	s12 =	smov.u32 s16;
	s11 =	smov.u32 s15;
	[sflag:s14] =	ssyncadd.s32 @!p0 $0xFFFFFE70  }
.LBB2_1:
0x21: {  	p0 =	sge.u32 s12, s7  }
0x22: {  	s14 =	sxor.u32 @!p0 $0x1, s12  }
0x23: {  	s14 =	smul.u32 @!p0 $0x640, s14  }
0x24: {  	s31 =	sadd.s32 $0xFFFFFFFF, s12;
	s15 =	sshrl.u32 @!p0 s11, $0x3  }
0x25: {  	s16 =	sand.u32 @!p0 $0x7, s11;
	s15 =	sadd.s32 @!p0 s8, s15;
	s14 =	sshra.s32 @!p0 s14, $0x2  }
0x26: {  	[tilespmem:s14], [sflag:$0x2] =	stream.linear.gather @!p0 [hbm4b:s15+s16], $0x190, $0x38;
	[tilespmem:$0x640] =	vst v63  }
0x27: {  	p0 =	sge.u32 s31, s7  }
.Ltmp2:
0x28: {  	_ = 	snop;
	(pc) =	sbr.rel @p0 .LBB2_5-.Ltmp2, $1  }
0x29: {  	_ =	sdelay $0x3  }
0x2a: {  	s14 =	sand.u32 $0x1, s12  }
0x2b: {  	_ =	swait.ge [sflag:s6], $0x190;
	p0 =	seq.s32 s14, $0x1;
	s14 =	simm.s32 $0x190  }
0x2c: {  	[sflag:s6] =	ssyncset.done $0x0;
	s14 =	simm.s32 @!p0 $0x0  }
0x2d: {  	[sflag:s6] =	ssyncadd.s32 $0xFFFFFE70;
	(ifvalue) =	ssetifvalue $0x7FFFFFFF;
	v0 =	vld.msk [tilespmem:s14+$0x0 ss:$0x1], $0xffff;
	_ =	sdelay $0x4  }
0x2e: {  	s15 =	sadd.s32 $0x10, s14;
	vm1 =	vgt.s32 v0, $0x0  }
0x2f: {  	v2 =	vld.msk [tilespmem:s15+$0x0 ss:$0x1], $0xffff;
	v1 =	vnsel vm1, $0x0, v0  }
0x30: {  	v1 =	vmin.u32 v1, $0x4E1F;
	_ =	sdelay $0x2  }
0x31: {  	s17 =	simm.s32 $0x20;
	s14 =	sadd.s32 $0x320, s14;
	s16 =	sadd.s32 $0x10, s15  }
0x32: {  	s15 =	sadd.s32 $0x10, s14;
	s18 =	smov.u32 s14;
	v0 =	vld.msk [tilespmem:s16+$0x0 ss:$0x1], $0xffff;
	vm1 =	vgt.s32 v2, $0x0;
	(ifvalue) =	ssetifvalue $0x7FFFFFFF  }
.LBB2_3:
0x33: {  	[tilespmem:s18], [sflag:$0x1] =	stream.indirect_vreg.gather [hbm4b:s3+s10], $0x1, v1, vm0, $0x4038;
	[tilespmem:$0x640] =	vst v63  }
0x34: {  	s17 =	sadd.s32 $0x10, s17  }
0x35: {  	v2 =	vnsel vm1, $0x0, v2;
	p0 =	slt.u32 s17, $0x180  }
.Ltmp3:
0x36: {  	s18 =	smov.u32 s15;
	v1 =	vmin.u32 v2, $0x4E1F;
	(pc) =	sbr.rel @p0 .LBB2_3-.Ltmp3, $3  }
0x37: {  	_ =	sdelay $0x1  }
0x38: {  	s16 =	sadd.s32 $0x10, s16  }
0x39: {  	vm1 =	vgt.s32 v0, $0x0;
	s15 =	sadd.s32 $0x10, s15;
	v2 =	vmov v0;
	(ifvalue) =	ssetifvalue $0x7FFFFFFF;
	v0 =	vld.msk [tilespmem:s16+$0x0 ss:$0x1], $0xffff  }
.Ltmp4:
0x3a: {  	_ = 	snop;
	(pc) =	sbr.rel .LBB2_4-.Ltmp4, $1  }
0x3b: {  	_ =	sdelay $0x3  }
.LBB2_6:
0x3c: {  	_ =	sfence.sel $0x180000  }
0x3d: {  	s2 =	simm.s32 $0x2;
	[bflag:$0x0] =	sbarrier.arrive $0xFFFF  }
0x3e: {  	s30 =	simm.s32 $0x3;
	[sflag:s2] =	ssyncpa.u1 $0x1  }
0x3f: {  	s31 =	simm.s32 $0x1;
	[sflag:s30] =	ssyncpa.u1 $0x1  }
0x40: {  	[sflag:s31] =	ssyncpa.u1 $0x1  }
0x41: {  	p0 =	sne.s32 s1, $0x0;
	_ =	strace $0x9000005F  }
0x42: {  	s0 =	sadd.s32 @!p0 $0x100000, s0;
	[bflag:$0x2] =	sbarrier.arrive $0xFFFF  }
0x43: {  	[sflag:s0] =	ssyncadd.tile.s32 @!p0 $0x1;
	_ =	shalt  }
.Lfunc_end2:
_tile_overlayer_lowered:
.L_overlay_start_2:
0x44: {  	(tag) =	ssettag $0x2  }
0x45: {  	s0 =	rddreg [dreg:$0x0];
	s2 =	stileid.u32  }
0x46: {  	s1 =	rddreg [dreg:$0x1];
	p0 =	sne.s32 s2, $0x0  }
0x47: {  	s3 =	rddreg [dreg:$0x2];
	[bflag:$0x3] =	sbarrier.arrive $0xFFFF;
	s2 =	simm.s32 @!p0 $0x1C01  }
0x48: {  	[timem:s3], [sflag:s2] =	dma.local @!p0 [hbm:s0], s1  }
0x49: {  	s0 =	simm.s32 @!p0 $0x1  }
0x4a: {  	_ =	swait.ge @!p0 [sflag:s0], s1  }
0x4b: {  	s1 =	ssub.s32 @!p0 $0x0, s1;
	[sflag:s0] =	ssyncset.done @!p0 $0x0  }
0x4c: {  	[sflag:s0] =	ssyncadd.s32 @!p0 s1  }
0x4d: {  	[bflag:$0x3] =	sbarrier.arrive $0xFFFF  }
0x4e: {  	_ =	shalt  }

// kernel: gather_offload_async_start
scs
__scs_entry_jumppad:
0x0: {  	(pc) =	sbr.rel $0x88, $3  }
0x1: {  	(tag) =	ssettag $0x0;
	lr =	simm.s32 $0x1  }
0x2: {  	[smem:$0x3F91] =	sst lr;
	_ =	strace $0xD0000000  }
0x3: {  	_ = 	snop  }
0x4: {  	_ = 	snop  }
0x5: {  	_ = 	snop  }
0x6: {  	_ = 	snop  }
0x7: {  	_ = 	snop  }
__scs_overlays_trampoline_lowered:
0x8: {  	[smem:$0x3FA0] =	sst s0  }
0x9: {  	[smem:$0x3FA1] =	sst s1  }
0xa: {  	[smem:$0x3FA2] =	sst s2  }
0xb: {  	[smem:$0x3FA3] =	sst s3  }
0xc: {  	[smem:$0x3FA4] =	sst s4  }
0xd: {  	[smem:$0x3FA5] =	sst s5  }
0xe: {  	[smem:$0x3FA6] =	sst s6  }
0xf: {  	[smem:$0x3FA7] =	sst s7  }
0x10: {  	[smem:$0x3FA8] =	sst s8  }
0x11: {  	[smem:$0x3FA9] =	sst s9;
	s0 =	simm.s32 @!p0 $0x0  }
0x12: {  	s1 =	sld [smem:$0x3F8F];
	s0 =	simm.s32 @p0 $0x1  }
0x13: {  	[smem:$0x3FAA] =	sst s0;
	s0 =	simm.s32 @!p1 $0x0  }
0x14: {  	s2 =	sld [smem:$0x3F8E];
	s0 =	simm.s32 @p1 $0x1  }
0x15: {  	[smem:$0x3FAB] =	sst s0;
	s0 =	simm.s32 @!p2 $0x0  }
0x16: {  	s3 =	sld [smem:$0x3FDB];
	s0 =	simm.s32 @p2 $0x1  }
0x17: {  	s4 =	simm.s32 $0x1BF5;
	[smem:$0x3FAD] =	sst s0  }
0x18: {  	s0 =	sld [smem:$0x3F90];
	_ =	swait.ge [sflag:s4], $0x0  }
0x19: {  	s7 =	sld [smem:$0x3F91]  }
0x1a: {  	s8 =	sadd.s32 $0xFFFFE003, lr  }
0x1b: {  	s9 =	sadd.s32 $0xFFFFFEF7, lr;
	s5 =	simm.s32 $0xFFFFFFFF;
	p2 =	slt.u32 s8, $0xFFFFF086  }
0x1c: {  	p1 =	slt.u32 s9, $0xF7A;
	s5 =	simm.s32 @!p2 $0x0  }
0x1d: {  	s5 =	simm.s32 @p1 $0x1;
	p0 =	seq.s32 s7, s2  }
0x1e: {  	s7 =	smul.u32 @!p0 $0xF7A, s2;
	p2 =	seq.s32 @!p0 s5, $0x0  }
0x1f: {  	s9 =	smul.u32 $0xF7A, s1;
	s8 =	simm.s32 @!p0 $0x1BF5;
	p2 =	por !p2, p0  }
0x20: {  	[sflag:s8] =	ssyncset.s32 @!p0 $0xFFFFF086;
	s6 =	sadd.s32 @!p0 s3, s7;
	s7 =	simm.s32 @!p0 $0x108  }
0x21: {  	s3 =	sadd.s32 s3, s9;
	s6 =	sadd.s32 @!p0 $0x88, s6;
	s7 =	simm.s32 @p2 $0x1082  }
0x22: {  	[simem:s7], [sflag:s8] =	dma.local @!p0 [hbm:s6], $0xF7A  }
0x23: {  	s9 =	sor.u32 $0xD0000000, s2;
	s6 =	simm.s32 $0x108;
	_ =	swait.ge @!p0 [sflag:s8], $0x0  }
0x24: {  	s3 =	sadd.s32 $0x88, s3;
	s6 =	simm.s32 @!p1 $0x1082;
	[sflag:s4] =	ssyncset.s32 $0xFFFFF086  }
0x25: {  	[simem:s6], [sflag:s4] =	dma.local [hbm:s3], $0xF7A  }
0x26: {  	[smem:$0x3F91] =	sst s1;
	(tag) =	ssettag s2;
	_ =	strace s9  }
0x27: {  	s1 =	sld [smem:$0x3FA1]  }
0x28: {  	s2 =	sld [smem:$0x3FA2]  }
0x29: {  	s4 =	sld [smem:$0x3FA4]  }
0x2a: {  	p0 =	seq.s32 s5, $0x0;
	s5 =	sld [smem:$0x3FA5]  }
0x2b: {  	s6 =	sld [smem:$0x3FA6]  }
0x2c: {  	s7 =	sld [smem:$0x3FA7]  }
0x2d: {  	s3 =	simm.s32 $0x108;
	s8 =	sld [smem:$0x3FA8]  }
0x2e: {  	s3 =	simm.s32 @!p0 $0x1082;
	s9 =	sld [smem:$0x3FA9]  }
0x2f: {  	lr =	sadd.s32 s0, s3;
	s0 =	sld [smem:$0x3FA0]  }
0x30: {  	s3 =	sld [smem:$0x3FA3]  }
0x31: {  	[smem:$0x3FAC] =	sst s10  }
0x32: {  	s10 =	sld [smem:$0x3FAA];
	_ =	sdelay $0x3  }
0x33: {  	p0 =	seq.s32 s10, $0x1;
	s10 =	sld [smem:$0x3FAC];
	_ =	sdelay $0x3  }
0x34: {  	[smem:$0x3FAC] =	sst s10  }
0x35: {  	s10 =	sld [smem:$0x3FAB];
	_ =	sdelay $0x3  }
0x36: {  	p1 =	seq.s32 s10, $0x1;
	s10 =	sld [smem:$0x3FAC];
	_ =	sdelay $0x3  }
0x37: {  	[smem:$0x3FAC] =	sst s10  }
0x38: {  	s10 =	sld [smem:$0x3FAD]  }
0x39: {  	_ = 	snop;
	(pc) =	sbr.ind lr, $3  }
0x3a: {  	_ = 	snop  }
0x3b: {  	_ = 	snop  }
0x3c: {  	p2 =	seq.s32 s10, $0x1;
	s10 =	sld [smem:$0x3FAC]  }
0x3d: {  	_ =	shalt  }
0x3e: {  	_ =	shalt  }
0x3f: {  	_ =	shalt  }
0x40: {  	_ =	shalt  }
0x41: {  	_ =	shalt  }
0x42: {  	_ =	shalt  }
0x43: {  	_ =	shalt  }
0x44: {  	_ =	shalt  }
0x45: {  	_ =	shalt  }
0x46: {  	_ =	shalt  }
0x47: {  	_ =	shalt  }
0x48: {  	_ =	shalt  }
0x49: {  	_ =	shalt  }
0x4a: {  	_ =	shalt  }
0x4b: {  	_ =	shalt  }
0x4c: {  	_ =	shalt  }
0x4d: {  	_ =	shalt  }
0x4e: {  	_ =	shalt  }
0x4f: {  	_ =	shalt  }
0x50: {  	_ =	shalt  }
0x51: {  	_ =	shalt  }
0x52: {  	_ =	shalt  }
0x53: {  	_ =	shalt  }
0x54: {  	_ =	shalt  }
0x55: {  	_ =	shalt  }
0x56: {  	_ =	shalt  }
0x57: {  	_ =	shalt  }
0x58: {  	_ =	shalt  }
0x59: {  	_ =	shalt  }
0x5a: {  	_ =	shalt  }
0x5b: {  	_ =	shalt  }
0x5c: {  	_ =	shalt  }
0x5d: {  	_ =	shalt  }
0x5e: {  	_ =	shalt  }
0x5f: {  	_ =	shalt  }
0x60: {  	_ =	shalt  }
0x61: {  	_ =	shalt  }
0x62: {  	_ =	shalt  }
0x63: {  	_ =	shalt  }
0x64: {  	_ =	shalt  }
0x65: {  	_ =	shalt  }
0x66: {  	_ =	shalt  }
0x67: {  	_ =	shalt  }
0x68: {  	_ =	shalt  }
0x69: {  	_ =	shalt  }
0x6a: {  	_ =	shalt  }
0x6b: {  	_ =	shalt  }
0x6c: {  	_ =	shalt  }
0x6d: {  	_ =	shalt  }
0x6e: {  	_ =	shalt  }
0x6f: {  	_ =	shalt  }
0x70: {  	_ =	shalt  }
0x71: {  	_ =	shalt  }
0x72: {  	_ =	shalt  }
0x73: {  	_ =	shalt  }
0x74: {  	_ =	shalt  }
0x75: {  	_ =	shalt  }
0x76: {  	_ =	shalt  }
0x77: {  	_ =	shalt  }
0x78: {  	_ =	shalt  }
0x79: {  	_ =	shalt  }
0x7a: {  	_ =	shalt  }
0x7b: {  	_ =	shalt  }
0x7c: {  	_ =	shalt  }
0x7d: {  	_ =	shalt  }
0x7e: {  	_ =	shalt  }
0x7f: {  	_ =	shalt  }
0x80: {  	_ =	shalt  }
0x81: {  	_ =	shalt  }
0x82: {  	_ =	shalt  }
0x83: {  	_ =	shalt  }
0x84: {  	_ =	shalt  }
0x85: {  	_ =	shalt  }
0x86: {  	_ =	shalt  }
0x87: {  	_ =	shalt  }
.Lfunc_end0:
.L_simem_size_0:
called_computation.2_lowered:
.L_overlay_start_0:
0x88: {  	s2 =	sld [smem:$0x3FD9]  }
0x89: {  	s3 =	sld [smem:$0x3FFE];
	_ =	sdelay $0x1  }
0x8a: {  	s1 =	srdreg.scid  }
0x8b: {  	s0 =	sand.u32 $0x1, s1  }
0x8c: {  	s16 =	sshll.u32 s0, $0xA;
	s2 =	sadd.s32 s3, s2  }
0x8d: {  	s2 =	sadd.s32 s2, s16  }
0x8e: {  	[smem:$0x3FB8] =	sst s2  }
0x8f: {  	_ = 	snop  }
0x90: {  	(tm) =	ssettm $0x1  }
0x91: {  	s17 =	sld [smem:$0x3FFB];
	_ =	sdelay $0x3  }
0x92: {  	_ =	strace s17  }
0x93: {  	s2 =	sld [smem:$0x3FFC];
	_ =	sdelay $0x3  }
0x94: {  	_ =	strace s2  }
0x95: {  	s2 =	sld [smem:$0x3FFD];
	_ =	sdelay $0x3  }
0x96: {  	_ =	strace s2  }
0x97: {  	_ =	strace $0x8FFFFFFF  }
0x98: {  	s18 =	sld [smem:$0x3FDB];
	_ =	sdelay $0x1  }
0x99: {  	s19 =	simm.s32 $_scs_section_size  }
0x9a: {  	s4 =	simm.s32 $_size__tile_overlayer_lowered;
	s5 =	simm.s32 $_tile_overlayer_lowered  }
0x9b: {  	s22 =	simm.s32 $0x1BFF;
	s21 =	sshll.u32 s5, $0x1;
	s2 =	sadd.s32 s19, s18  }
0x9c: {  	s6 =	simm.s32 $0x0;
	s20 =	sshll.u32 s4, $0x1;
	s4 =	sadd.s32 s21, s2  }
0x9d: {  	[timem:s6], [sflag:s22] =	dma.local [hbm:s4], s20  }
0x9e: {  	_ =	swait.ge [sflag:s22], s20  }
0x9f: {  	s3 =	ssub.s32 $0x0, s20;
	[sflag:s22] =	ssyncset.done $0x0  }
0xa0: {  	[sflag:s22] =	ssyncadd.s32 s3;
	_ =	sdelay $0x1  }
0xa1: {  	s23 =	simm.s32 $0x1B8B  }
0xa2: {  	_ =	swait.ge [sflag:s23], $0x1  }
0xa3: {  	[sflag:s23] =	ssyncset.done $0x0  }
0xa4: {  	s25 =	simm.s32 $0x1B8E;
	s24 =	sld [smem:$0x3FFE];
	[sflag:s23] =	ssyncadd.s32 $0xFFFFFFFF  }
0xa5: {  	s26 =	simm.s32 $execute0_lowered;
	[smem:$0x3FD2] =	sst s25  }
0xa6: {  	s4 =	sshll.u32 s26, $0x1;
	_ =	strace $0x80000049;
	[dreg:$0x1] =	wrdreg $0xFFFFFFFF  }
0xa7: {  	s28 =	simm.s32 $_size_execute0_lowered;
	s2 =	sadd.s32 s2, s4;
	[dreg:$0x0] =	wrdreg $0x0  }
0xa8: {  	s4 =	sshll.u32 s28, $0x1;
	[dreg:$0x2] =	wrdreg s2  }
0xa9: {  	[dreg:$0x3] =	wrdreg s4  }
0xaa: {  	[dreg:$0x4] =	wrdreg $0xC0  }
0xab: {  	_ =	task [dreg:s6], $0x5FFFF  }
0xac: {  	[dreg:$0x1] =	wrdreg $0xFFFFFFFF  }
0xad: {  	[dreg:$0x0] =	wrdreg $0x60  }
0xae: {  	[dreg:$0x2] =	wrdreg s24  }
0xaf: {  	[dreg:$0x3] =	wrdreg $0x9  }
0xb0: {  	_ =	task.clear_ibuf [dreg:s6], $0x4FFFF;
	_ =	strace $0x90000049  }
0xb1: {  	s29 =	simm.s32 $0x9;
	_ =	strace $0x8000004B  }
0xb2: {  	_ =	swait.ge [sflag:s29], $0x1  }
0xb3: {  	[sflag:s29] =	ssyncadd.s32 $0xFFFFFFFF  }
0xb4: {  	_ =	strace $0x9000004B  }
0xb5: {  	_ =	sfence  }
0xb6: {  	s30 =	sld [smem:$0x0];
	_ =	sdelay $0x2  }
0xb7: {  	s31 =	sshll.u32 s1, $0xD;
	s1 =	sshrl.u32 s1, $0x2  }
0xb8: {  	s3 =	sand.u32 $0x4000, s31;
	s1 =	sadd.s32 s1, s30  }
0xb9: {  	s0 =	sor.u32 s3, s0;
	s1 =	sshll.u32 s1, $0x11  }
0xba: {  	s0 =	sor.u32 s1, s0  }
0xbb: {  	s0 =	sadd.s32 $0x8F2B, s0  }
0xbc: {  	[sflag:s0] =	ssyncadd.remote.s32 $0x1  }
0xbd: {  	_ =	sfence.sel $0xFFFF  }
0xbe: {  	[dreg:$0x0] =	wrdreg $0xFFFFFFFF;
	(pc) =	sbr.abs _section_cstart, $3  }
0xbf: {  	[dreg:$0x1] =	wrdreg $0xFFFFFFFF  }
0xc0: {  	_ =	task.clear_ibuf [dreg:s6], $0x2FFFF;
	_ =	strace $0x9FFFFFFF  }
0xc1: {  	(tm) =	ssettm $0x7FFFFFFF  }
tec
execute0_lowered:
.L_overlay_start_1:
0x0: {  	(tag) =	ssettag $0x1  }
0x1: {  	s8 =	rddreg [dreg:$0x0]  }
0x2: {  	s0 =	rddreg [dreg:$0x1];
	_ =	strace $0x8000004A;
	s1 =	stileid.u32  }
0x3: {  	s3 =	srdreg.scid;
	s4 =	simm.s32 $0x1;
	s7 =	simm.s32 $0x1  }
0x4: {  	s9 =	simm.s32 $0x1;
	s10 =	simm.s32 $0x3;
	s13 =	simm.s32 $0x0  }
0x5: {  	s12 =	simm.s32 $0x0;
	s5 =	sand.u32 $0x1, s3;
	s6 =	sshll.u32 s1, $0x1  }
0x6: {  	s2 =	sadd.s32 $0xF000, s8;
	s3 =	sadd.s32 $0x14000, s8;
	s5 =	sor.u32 s6, s5  }
.Ltmp0:
0x7: {  	[sflag:s4] =	ssyncpa.u1 $0x0;
	p0 =	slt.u32 s5, $0x9;
	(pc) =	sbr.rel .LBB2_1-.Ltmp0, $4  }
0x8: {  	s6 =	simm.s32 $0x2;
	s7 =	simm.s32 @!p0 $0x0;
	p0 =	sne.s32 s5, $0x8  }
0x9: {  	[sflag:s6] =	ssyncpa.u1 $0x0;
	s5 =	smul.u32 $0xFA0, s5;
	s9 =	simm.s32 @!p0 $0x0  }
0xa: {  	s8 =	sadd.s32 $0x6C400, s8;
	[sflag:s10] =	ssyncpa.u1 $0x0;
	s7 =	sadd.s32 s9, s7  }
0xb: {  	vm0 =	vmmov $0xffff;
	s10 =	simm.s32 $0x0;
	s11 =	smov.u32 s5;
	s9 =	sadd.s32 $0x1, s7  }
.LBB2_4:
0xc: {  	v2 =	vnsel vm1, $0x0, v2  }
0xd: {  	vm1 =	vgt.s32 v0, $0x0;
	v2 =	vmin.u32 v2, $0x270FF  }
0xe: {  	v0 =	vnsel vm1, $0x0, v0  }
0xf: {  	v0 =	vmin.u32 v0, $0x270FF  }
0x10: {  	[tilespmem:s18], [sflag:$0x1] =	stream.indirect_vreg.gather [hbm4b:s2+s10], $0x1, v1, vm0, $0x4038;
	[tilespmem:$0x3E80] =	vst v63  }
0x11: {  	(ifvalue) =	ssetifvalue $0x7FFFFFFF  }
0x12: {  	[tilespmem:s15], [sflag:$0x1] =	stream.indirect_vreg.gather [hbm4b:s2+s10], $0x1, v2, vm0, $0x4038;
	[tilespmem:$0x3E80] =	vst v63  }
0x13: {  	s29 =	sadd.s32 $0x10, s15;
	(ifvalue) =	ssetifvalue $0x7FFFFFFF  }
0x14: {  	[tilespmem:s29], [sflag:$0x1] =	stream.indirect_vreg.gather [hbm4b:s2+s10], $0x1, v0, vm0, $0x4038;
	[tilespmem:$0x3E80] =	vst v63  }
0x15: {  	_ =	swait.ge [sflag:s4], $0xFA0  }
0x16: {  	s30 =	sshrl.u32 s13, $0x3;
	[sflag:s4] =	ssyncset.done $0x0  }
0x17: {  	s31 =	sand.u32 $0x7, s13;
	s15 =	sadd.s32 s8, s30;
	[sflag:s4] =	ssyncadd.s32 $0xFFFFF060  }
0x18: {  	[hbm4b:s15+s31] =	stream.linear.scatter [tilespmem:s14], [sflag:$0x3], $0xFA0, $0x38;
	[tilespmem:$0x3E80] =	vst v63  }
.LBB2_5:
0x19: {  	s15 =	sadd.s32 $0x1F400, s11  }
0x1a: {  	p1 =	sgt.s32 s15, $0x270FF  }
0x1b: {  	s15 =	smov.u32 @p1 s5;
	p1 =	sne.s32 s12, s9  }
.Ltmp1:
0x1c: {  	p0 =	slt.u32 s12, $0x2;
	(pc) =	sbr.rel @!p1 .LBB2_6-.Ltmp1, $4  }
0x1d: {  	s14 =	simm.s32 @!p0 $0x3  }
0x1e: {  	_ =	swait.ge @!p0 [sflag:s14], $0xFA0  }
0x1f: {  	s16 =	sadd.s32 $0x1, s12;
	s13 =	smov.u32 s11;
	[sflag:s14] =	ssyncset.done @!p0 $0x0  }
0x20: {  	s12 =	smov.u32 s16;
	s11 =	smov.u32 s15;
	[sflag:s14] =	ssyncadd.s32 @!p0 $0xFFFFF060  }
.LBB2_1:
0x21: {  	p0 =	sge.u32 s12, s7  }
0x22: {  	s14 =	sxor.u32 @!p0 $0x1, s12  }
0x23: {  	s14 =	smul.u32 @!p0 $0x3E80, s14  }
0x24: {  	s31 =	sadd.s32 $0xFFFFFFFF, s12;
	s15 =	sshrl.u32 @!p0 s11, $0x3  }
0x25: {  	s16 =	sand.u32 @!p0 $0x7, s11;
	s15 =	sadd.s32 @!p0 s3, s15;
	s14 =	sshra.s32 @!p0 s14, $0x2  }
0x26: {  	[tilespmem:s14], [sflag:$0x2] =	stream.linear.gather @!p0 [hbm4b:s15+s16], $0xFA0, $0x38;
	[tilespmem:$0x3E80] =	vst v63  }
0x27: {  	p0 =	sge.u32 s31, s7  }
.Ltmp2:
0x28: {  	_ = 	snop;
	(pc) =	sbr.rel @p0 .LBB2_5-.Ltmp2, $1  }
0x29: {  	_ =	sdelay $0x3  }
0x2a: {  	s14 =	sand.u32 $0x1, s12  }
0x2b: {  	_ =	swait.ge [sflag:s6], $0xFA0;
	p0 =	seq.s32 s14, $0x1;
	s14 =	simm.s32 $0xFA0  }
0x2c: {  	[sflag:s6] =	ssyncset.done $0x0;
	s14 =	simm.s32 @!p0 $0x0  }
0x2d: {  	[sflag:s6] =	ssyncadd.s32 $0xFFFFF060;
	(ifvalue) =	ssetifvalue $0x7FFFFFFF;
	v0 =	vld.msk [tilespmem:s14+$0x0 ss:$0x1], $0xffff;
	_ =	sdelay $0x4  }
0x2e: {  	s15 =	sadd.s32 $0x10, s14;
	vm1 =	vgt.s32 v0, $0x0  }
0x2f: {  	v2 =	vld.msk [tilespmem:s15+$0x0 ss:$0x1], $0xffff;
	v1 =	vnsel vm1, $0x0, v0  }
0x30: {  	v1 =	vmin.u32 v1, $0x270FF;
	_ =	sdelay $0x2  }
0x31: {  	s17 =	simm.s32 $0x20;
	s14 =	sadd.s32 $0x1F40, s14;
	s16 =	sadd.s32 $0x10, s15  }
0x32: {  	s15 =	sadd.s32 $0x10, s14;
	s18 =	smov.u32 s14;
	v0 =	vld.msk [tilespmem:s16+$0x0 ss:$0x1], $0xffff;
	vm1 =	vgt.s32 v2, $0x0;
	(ifvalue) =	ssetifvalue $0x7FFFFFFF  }
.LBB2_3:
0x33: {  	[tilespmem:s18], [sflag:$0x1] =	stream.indirect_vreg.gather [hbm4b:s2+s10], $0x1, v1, vm0, $0x4038;
	[tilespmem:$0x3E80] =	vst v63  }
0x34: {  	s17 =	sadd.s32 $0x10, s17  }
0x35: {  	v2 =	vnsel vm1, $0x0, v2;
	p0 =	slt.u32 s17, $0xF90  }
.Ltmp3:
0x36: {  	s18 =	smov.u32 s15;
	v1 =	vmin.u32 v2, $0x270FF;
	(pc) =	sbr.rel @p0 .LBB2_3-.Ltmp3, $3  }
0x37: {  	_ =	sdelay $0x1  }
0x38: {  	s16 =	sadd.s32 $0x10, s16  }
0x39: {  	vm1 =	vgt.s32 v0, $0x0;
	s15 =	sadd.s32 $0x10, s15;
	v2 =	vmov v0;
	(ifvalue) =	ssetifvalue $0x7FFFFFFF;
	v0 =	vld.msk [tilespmem:s16+$0x0 ss:$0x1], $0xffff  }
.Ltmp4:
0x3a: {  	_ = 	snop;
	(pc) =	sbr.rel .LBB2_4-.Ltmp4, $1  }
0x3b: {  	_ =	sdelay $0x3  }
.LBB2_6:
0x3c: {  	_ =	sfence.sel $0x180000  }
0x3d: {  	s2 =	simm.s32 $0x2;
	[bflag:$0x0] =	sbarrier.arrive $0xFFFF  }
0x3e: {  	s30 =	simm.s32 $0x3;
	[sflag:s2] =	ssyncpa.u1 $0x1  }
0x3f: {  	s31 =	simm.s32 $0x1;
	[sflag:s30] =	ssyncpa.u1 $0x1  }
0x40: {  	[sflag:s31] =	ssyncpa.u1 $0x1  }
0x41: {  	p0 =	sne.s32 s1, $0x0;
	_ =	strace $0x9000004A  }
0x42: {  	s0 =	sadd.s32 @!p0 $0x100000, s0;
	[bflag:$0x2] =	sbarrier.arrive $0xFFFF  }
0x43: {  	[sflag:s0] =	ssyncadd.tile.s32 @!p0 $0x1;
	_ =	shalt  }
.Lfunc_end2:
_tile_overlayer_lowered:
.L_overlay_start_2:
0x44: {  	(tag) =	ssettag $0x2  }
0x45: {  	s0 =	rddreg [dreg:$0x0];
	s2 =	stileid.u32  }
0x46: {  	s1 =	rddreg [dreg:$0x1];
	p0 =	sne.s32 s2, $0x0  }
0x47: {  	s3 =	rddreg [dreg:$0x2];
	[bflag:$0x3] =	sbarrier.arrive $0xFFFF;
	s2 =	simm.s32 @!p0 $0x1C01  }
0x48: {  	[timem:s3], [sflag:s2] =	dma.local @!p0 [hbm:s0], s1  }
0x49: {  	s0 =	simm.s32 @!p0 $0x1  }
0x4a: {  	_ =	swait.ge @!p0 [sflag:s0], s1  }
0x4b: {  	s1 =	ssub.s32 @!p0 $0x0, s1;
	[sflag:s0] =	ssyncset.done @!p0 $0x0  }
0x4c: {  	[sflag:s0] =	ssyncadd.s32 @!p0 s1  }
0x4d: {  	[bflag:$0x3] =	sbarrier.arrive $0xFFFF  }
0x4e: {  	_ =	shalt  }

// kernel: kernel.14.cloned.1.call-start
scs
__scs_entry_jumppad:
0x0: {  	(pc) =	sbr.rel $0x88, $3  }
0x1: {  	(tag) =	ssettag $0x0;
	lr =	simm.s32 $0x1  }
0x2: {  	[smem:$0x3F91] =	sst lr;
	_ =	strace $0xD0000000  }
0x3: {  	_ = 	snop  }
0x4: {  	_ = 	snop  }
0x5: {  	_ = 	snop  }
0x6: {  	_ = 	snop  }
0x7: {  	_ = 	snop  }
__scs_overlays_trampoline_lowered:
0x8: {  	[smem:$0x3FA0] =	sst s0  }
0x9: {  	[smem:$0x3FA1] =	sst s1  }
0xa: {  	[smem:$0x3FA2] =	sst s2  }
0xb: {  	[smem:$0x3FA3] =	sst s3  }
0xc: {  	[smem:$0x3FA4] =	sst s4  }
0xd: {  	[smem:$0x3FA5] =	sst s5  }
0xe: {  	[smem:$0x3FA6] =	sst s6  }
0xf: {  	[smem:$0x3FA7] =	sst s7  }
0x10: {  	[smem:$0x3FA8] =	sst s8  }
0x11: {  	[smem:$0x3FA9] =	sst s9;
	s0 =	simm.s32 @!p0 $0x0  }
0x12: {  	s1 =	sld [smem:$0x3F8F];
	s0 =	simm.s32 @p0 $0x1  }
0x13: {  	[smem:$0x3FAA] =	sst s0;
	s0 =	simm.s32 @!p1 $0x0  }
0x14: {  	s2 =	sld [smem:$0x3F8E];
	s0 =	simm.s32 @p1 $0x1  }
0x15: {  	[smem:$0x3FAB] =	sst s0;
	s0 =	simm.s32 @!p2 $0x0  }
0x16: {  	s3 =	sld [smem:$0x3FDB];
	s0 =	simm.s32 @p2 $0x1  }
0x17: {  	s4 =	simm.s32 $0x1BF5;
	[smem:$0x3FAD] =	sst s0  }
0x18: {  	s0 =	sld [smem:$0x3F90];
	_ =	swait.ge [sflag:s4], $0x0  }
0x19: {  	s7 =	sld [smem:$0x3F91]  }
0x1a: {  	s8 =	sadd.s32 $0xFFFFE003, lr  }
0x1b: {  	s9 =	sadd.s32 $0xFFFFFEF7, lr;
	s5 =	simm.s32 $0xFFFFFFFF;
	p2 =	slt.u32 s8, $0xFFFFF086  }
0x1c: {  	p1 =	slt.u32 s9, $0xF7A;
	s5 =	simm.s32 @!p2 $0x0  }
0x1d: {  	s5 =	simm.s32 @p1 $0x1;
	p0 =	seq.s32 s7, s2  }
0x1e: {  	s7 =	smul.u32 @!p0 $0xF7A, s2;
	p2 =	seq.s32 @!p0 s5, $0x0  }
0x1f: {  	s9 =	smul.u32 $0xF7A, s1;
	s8 =	simm.s32 @!p0 $0x1BF5;
	p2 =	por !p2, p0  }
0x20: {  	[sflag:s8] =	ssyncset.s32 @!p0 $0xFFFFF086;
	s6 =	sadd.s32 @!p0 s3, s7;
	s7 =	simm.s32 @!p0 $0x108  }
0x21: {  	s3 =	sadd.s32 s3, s9;
	s6 =	sadd.s32 @!p0 $0x88, s6;
	s7 =	simm.s32 @p2 $0x1082  }
0x22: {  	[simem:s7], [sflag:s8] =	dma.local @!p0 [hbm:s6], $0xF7A  }
0x23: {  	s9 =	sor.u32 $0xD0000000, s2;
	s6 =	simm.s32 $0x108;
	_ =	swait.ge @!p0 [sflag:s8], $0x0  }
0x24: {  	s3 =	sadd.s32 $0x88, s3;
	s6 =	simm.s32 @!p1 $0x1082;
	[sflag:s4] =	ssyncset.s32 $0xFFFFF086  }
0x25: {  	[simem:s6], [sflag:s4] =	dma.local [hbm:s3], $0xF7A  }
0x26: {  	[smem:$0x3F91] =	sst s1;
	(tag) =	ssettag s2;
	_ =	strace s9  }
0x27: {  	s1 =	sld [smem:$0x3FA1]  }
0x28: {  	s2 =	sld [smem:$0x3FA2]  }
0x29: {  	s4 =	sld [smem:$0x3FA4]  }
0x2a: {  	p0 =	seq.s32 s5, $0x0;
	s5 =	sld [smem:$0x3FA5]  }
0x2b: {  	s6 =	sld [smem:$0x3FA6]  }
0x2c: {  	s7 =	sld [smem:$0x3FA7]  }
0x2d: {  	s3 =	simm.s32 $0x108;
	s8 =	sld [smem:$0x3FA8]  }
0x2e: {  	s3 =	simm.s32 @!p0 $0x1082;
	s9 =	sld [smem:$0x3FA9]  }
0x2f: {  	lr =	sadd.s32 s0, s3;
	s0 =	sld [smem:$0x3FA0]  }
0x30: {  	s3 =	sld [smem:$0x3FA3]  }
0x31: {  	[smem:$0x3FAC] =	sst s10  }
0x32: {  	s10 =	sld [smem:$0x3FAA];
	_ =	sdelay $0x3  }
0x33: {  	p0 =	seq.s32 s10, $0x1;
	s10 =	sld [smem:$0x3FAC];
	_ =	sdelay $0x3  }
0x34: {  	[smem:$0x3FAC] =	sst s10  }
0x35: {  	s10 =	sld [smem:$0x3FAB];
	_ =	sdelay $0x3  }
0x36: {  	p1 =	seq.s32 s10, $0x1;
	s10 =	sld [smem:$0x3FAC];
	_ =	sdelay $0x3  }
0x37: {  	[smem:$0x3FAC] =	sst s10  }
0x38: {  	s10 =	sld [smem:$0x3FAD]  }
0x39: {  	_ = 	snop;
	(pc) =	sbr.ind lr, $3  }
0x3a: {  	_ = 	snop  }
0x3b: {  	_ = 	snop  }
0x3c: {  	p2 =	seq.s32 s10, $0x1;
	s10 =	sld [smem:$0x3FAC]  }
0x3d: {  	_ =	shalt  }
0x3e: {  	_ =	shalt  }
0x3f: {  	_ =	shalt  }
0x40: {  	_ =	shalt  }
0x41: {  	_ =	shalt  }
0x42: {  	_ =	shalt  }
0x43: {  	_ =	shalt  }
0x44: {  	_ =	shalt  }
0x45: {  	_ =	shalt  }
0x46: {  	_ =	shalt  }
0x47: {  	_ =	shalt  }
0x48: {  	_ =	shalt  }
0x49: {  	_ =	shalt  }
0x4a: {  	_ =	shalt  }
0x4b: {  	_ =	shalt  }
0x4c: {  	_ =	shalt  }
0x4d: {  	_ =	shalt  }
0x4e: {  	_ =	shalt  }
0x4f: {  	_ =	shalt  }
0x50: {  	_ =	shalt  }
0x51: {  	_ =	shalt  }
0x52: {  	_ =	shalt  }
0x53: {  	_ =	shalt  }
0x54: {  	_ =	shalt  }
0x55: {  	_ =	shalt  }
0x56: {  	_ =	shalt  }
0x57: {  	_ =	shalt  }
0x58: {  	_ =	shalt  }
0x59: {  	_ =	shalt  }
0x5a: {  	_ =	shalt  }
0x5b: {  	_ =	shalt  }
0x5c: {  	_ =	shalt  }
0x5d: {  	_ =	shalt  }
0x5e: {  	_ =	shalt  }
0x5f: {  	_ =	shalt  }
0x60: {  	_ =	shalt  }
0x61: {  	_ =	shalt  }
0x62: {  	_ =	shalt  }
0x63: {  	_ =	shalt  }
0x64: {  	_ =	shalt  }
0x65: {  	_ =	shalt  }
0x66: {  	_ =	shalt  }
0x67: {  	_ =	shalt  }
0x68: {  	_ =	shalt  }
0x69: {  	_ =	shalt  }
0x6a: {  	_ =	shalt  }
0x6b: {  	_ =	shalt  }
0x6c: {  	_ =	shalt  }
0x6d: {  	_ =	shalt  }
0x6e: {  	_ =	shalt  }
0x6f: {  	_ =	shalt  }
0x70: {  	_ =	shalt  }
0x71: {  	_ =	shalt  }
0x72: {  	_ =	shalt  }
0x73: {  	_ =	shalt  }
0x74: {  	_ =	shalt  }
0x75: {  	_ =	shalt  }
0x76: {  	_ =	shalt  }
0x77: {  	_ =	shalt  }
0x78: {  	_ =	shalt  }
0x79: {  	_ =	shalt  }
0x7a: {  	_ =	shalt  }
0x7b: {  	_ =	shalt  }
0x7c: {  	_ =	shalt  }
0x7d: {  	_ =	shalt  }
0x7e: {  	_ =	shalt  }
0x7f: {  	_ =	shalt  }
0x80: {  	_ =	shalt  }
0x81: {  	_ =	shalt  }
0x82: {  	_ =	shalt  }
0x83: {  	_ =	shalt  }
0x84: {  	_ =	shalt  }
0x85: {  	_ =	shalt  }
0x86: {  	_ =	shalt  }
0x87: {  	_ =	shalt  }
.Lfunc_end0:
.L_simem_size_0:
called_computation.8_lowered:
.L_overlay_start_0:
0x88: {  	s2 =	sld [smem:$0x3FD9]  }
0x89: {  	s3 =	sld [smem:$0x3FFE];
	_ =	sdelay $0x1  }
0x8a: {  	s1 =	srdreg.scid  }
0x8b: {  	s0 =	sand.u32 $0x1, s1  }
0x8c: {  	s17 =	sshll.u32 s0, $0xA;
	s2 =	sadd.s32 s3, s2  }
0x8d: {  	s2 =	sadd.s32 s2, s17  }
0x8e: {  	[smem:$0x3FB8] =	sst s2  }
0x8f: {  	_ = 	snop  }
0x90: {  	s18 =	sld [smem:$0x3FD0];
	(tm) =	ssettm $0x1  }
0x91: {  	s19 =	sld [smem:$0x3FFB];
	_ =	sdelay $0x3  }
0x92: {  	_ =	strace s19  }
0x93: {  	s2 =	sld [smem:$0x3FFC];
	_ =	sdelay $0x3  }
0x94: {  	_ =	strace s2  }
0x95: {  	s2 =	sld [smem:$0x3FFD];
	_ =	sdelay $0x3  }
0x96: {  	_ =	strace s2  }
0x97: {  	_ =	strace $0x8FFFFFFF  }
0x98: {  	s20 =	sld [smem:$0x3FDB];
	_ =	sdelay $0x1  }
0x99: {  	s4 =	simm.s32 $_scs_section_size  }
0x9a: {  	s5 =	simm.s32 $_size__tile_overlayer_lowered;
	s6 =	simm.s32 $_tile_overlayer_lowered  }
0x9b: {  	s7 =	simm.s32 $0x1BFF;
	s21 =	sshll.u32 s6, $0x1;
	s4 =	sadd.s32 s4, s20  }
0x9c: {  	s22 =	simm.s32 $0x0;
	s5 =	sshll.u32 s5, $0x1;
	s6 =	sadd.s32 s21, s4  }
0x9d: {  	[timem:s22], [sflag:s7] =	dma.local [hbm:s6], s5  }
0x9e: {  	_ =	swait.ge [sflag:s7], s5  }
0x9f: {  	s5 =	ssub.s32 $0x0, s5;
	[sflag:s7] =	ssyncset.done $0x0  }
0xa0: {  	[sflag:s7] =	ssyncadd.s32 s5;
	_ =	sdelay $0x1  }
0xa1: {  	s23 =	simm.s32 $0x1B8B  }
0xa2: {  	_ =	swait.ge [sflag:s23], $0x1  }
0xa3: {  	[sflag:s23] =	ssyncset.done $0x0  }
0xa4: {  	[sflag:s23] =	ssyncadd.s32 $0xFFFFFFFF  }
0xa5: {  	s5 =	sld [smem:$0x0]  }
0xa6: {  	s6 =	sand.u32 $0xFFFFFFFE, s1  }
0xa7: {  	p0 =	sne.s32 s1, s6  }
0xa8: {  	s6 =	sshll.u32 @p0 s6, $0xE  }
0xa9: {  	s6 =	sadd.s32 @p0 $0x11B8D, s6;
	s7 =	sshll.u32 @p0 s5, $0x11  }
0xaa: {  	s6 =	sor.u32 @p0 s7, s6  }
0xab: {  	[sflag:s6] =	ssyncadd.remote.s32 @p0 $0x1;
	_ =	sdelay $0x1  }
0xac: {  	s6 =	simm.s32 @p0 $0x1B8D  }
0xad: {  	_ =	swait.eq @p0 [sflag:s6], $0x1  }
0xae: {  	[sflag:s6] =	ssyncadd.s32 @p0 $0xFFFFFFFF  }
0xaf: {  	s7 =	sshll.u32 @!p0 s1, $0xE  }
0xb0: {  	s7 =	sor.u32 @!p0 $0x4000, s7;
	s6 =	simm.s32 @!p0 $0x1B8D  }
0xb1: {  	s5 =	sshll.u32 @!p0 s5, $0x11;
	s7 =	sadd.s32 @!p0 $0x11B8D, s7;
	_ =	swait.eq @!p0 [sflag:s6], $0x1  }
0xb2: {  	s5 =	sor.u32 @!p0 s5, s7;
	[sflag:s6] =	ssyncadd.s32 @!p0 $0xFFFFFFFF  }
0xb3: {  	s25 =	simm.s32 $0x1B8E;
	s24 =	sld [smem:$0x3FFE];
	[sflag:s5] =	ssyncadd.remote.s32 @!p0 $0x1  }
0xb4: {  	s26 =	simm.s32 $execute0_lowered;
	[smem:$0x3FD2] =	sst s25  }
0xb5: {  	s6 =	sshll.u32 s26, $0x1;
	_ =	strace $0x80000052;
	[dreg:$0x1] =	wrdreg $0xFFFFFFFF  }
0xb6: {  	s28 =	simm.s32 $_size_execute0_lowered;
	s4 =	sadd.s32 s4, s6;
	[dreg:$0x0] =	wrdreg $0x0  }
0xb7: {  	s6 =	sshll.u32 s28, $0x1;
	[dreg:$0x2] =	wrdreg s4  }
0xb8: {  	[dreg:$0x3] =	wrdreg s6  }
0xb9: {  	[dreg:$0x4] =	wrdreg $0xC0  }
0xba: {  	_ =	task [dreg:s22], $0x5FFFF  }
0xbb: {  	[dreg:$0x1] =	wrdreg $0xFFFFFFFF  }
0xbc: {  	[dreg:$0x0] =	wrdreg $0x60  }
0xbd: {  	[dreg:$0x2] =	wrdreg s18  }
0xbe: {  	[dreg:$0x3] =	wrdreg s24  }
0xbf: {  	[dreg:$0x4] =	wrdreg $0xA  }
0xc0: {  	_ =	task.clear_ibuf [dreg:s22], $0x5FFFF;
	_ =	strace $0x90000052  }
0xc1: {  	s29 =	simm.s32 $0xA;
	_ =	strace $0x80000054  }
0xc2: {  	_ =	swait.ge [sflag:s29], $0x1  }
0xc3: {  	[sflag:s29] =	ssyncadd.s32 $0xFFFFFFFF  }
0xc4: {  	_ =	strace $0x90000054  }
0xc5: {  	_ =	sfence  }
0xc6: {  	s30 =	sld [smem:$0x0];
	_ =	sdelay $0x2  }
0xc7: {  	s31 =	sshll.u32 s1, $0xD;
	s1 =	sshrl.u32 s1, $0x2  }
0xc8: {  	s4 =	sand.u32 $0x4000, s31;
	s1 =	sadd.s32 s1, s30  }
0xc9: {  	s0 =	sor.u32 s4, s0;
	s1 =	sshll.u32 s1, $0x11  }
0xca: {  	s0 =	sor.u32 s1, s0  }
0xcb: {  	s0 =	sadd.s32 $0x8F2B, s0  }
0xcc: {  	[sflag:s0] =	ssyncadd.remote.s32 $0x1  }
0xcd: {  	_ =	sfence.sel $0xFFFF  }
0xce: {  	[dreg:$0x0] =	wrdreg $0xFFFFFFFF;
	(pc) =	sbr.abs _section_cstart, $3  }
0xcf: {  	[dreg:$0x1] =	wrdreg $0xFFFFFFFF  }
0xd0: {  	_ =	task.clear_ibuf [dreg:s22], $0x2FFFF;
	_ =	strace $0x9FFFFFFF  }
0xd1: {  	(tm) =	ssettm $0x7FFFFFFF  }
tec
execute0_lowered:
.L_overlay_start_1:
0x0: {  	(tag) =	ssettag $0x1  }
0x1: {  	s0 =	srdreg.scid;
	s2 =	rddreg [dreg:$0x0]  }
0x2: {  	s8 =	stileid.u32;
	s4 =	rddreg [dreg:$0x1];
	s3 =	simm.s32 $0x0  }
0x3: {  	s21 =	simm.s32 $0x3;
	s12 =	simm.s32 $0x13680;
	[smem:$0x7FF] =	sst s3  }
0x4: {  	s13 =	simm.s32 $0x13E80;
	_ =	strace $0x80000053;
	[dreg:$0x4] =	wrdreg s12  }
0x5: {  	s23 =	simm.s32 $0x1E80;
	s14 =	simm.s32 $0x14680;
	[dreg:$0x5] =	wrdreg s13  }
0x6: {  	s24 =	simm.s32 $0x2680;
	s15 =	simm.s32 $0x14E80;
	[dreg:$0x6] =	wrdreg s14  }
0x7: {  	s16 =	simm.s32 $0x15680;
	s17 =	simm.s32 $0x15E80;
	[dreg:$0x7] =	wrdreg s15  }
0x8: {  	s18 =	simm.s32 $0x16680;
	s19 =	simm.s32 $0x16E80;
	[dreg:$0x8] =	wrdreg s16  }
0x9: {  	s20 =	simm.s32 $0x17680;
	s22 =	simm.s32 $0x17E80;
	[dreg:$0x9] =	wrdreg s17  }
0xa: {  	s25 =	simm.s32 $0x18680;
	s26 =	simm.s32 $0x18E80;
	[dreg:$0xa] =	wrdreg s18  }
0xb: {  	s28 =	simm.s32 $0x3E80;
	s29 =	simm.s32 $0x4680;
	[dreg:$0xb] =	wrdreg s19  }
0xc: {  	s30 =	simm.s32 $0x4E80;
	s31 =	simm.s32 $0x5680;
	[dreg:$0xc] =	wrdreg s20  }
0xd: {  	s0 =	sand.u32 $0x1, s0;
	s1 =	sshll.u32 s8, $0x1;
	[dreg:$0xd] =	wrdreg s22  }
0xe: {  	s8 =	smul.u32 $0x58800, s8;
	s1 =	sor.u32 s0, s1;
	[dreg:$0xe] =	wrdreg s25  }
0xf: {  	s6 =	ssub.s32 $0x2, s0;
	s0 =	smul.u32 $0x2C400, s0;
	[dreg:$0xf] =	wrdreg s26  }
0x10: {  	s18 =	simm.s32 $0x1;
	s19 =	simm.s32 $0x2;
	s26 =	simm.s32 $0x3680  }
0x11: {  	s22 =	simm.s32 $0x8E80;
	s12 =	simm.s32 $0xA680;
	s13 =	simm.s32 $0xAE80  }
0x12: {  	s14 =	simm.s32 $0xB680;
	s15 =	simm.s32 $0xBE80;
	s5 =	smul.u32 $0x1620, s1  }
0x13: {  	s16 =	simm.s32 $0xC680;
	s1 =	smul.u32 $0x162000, s1;
	s7 =	sshrl.u32 s6, $0x1  }
0x14: {  	s17 =	simm.s32 $0xCE80;
	s25 =	simm.s32 $0x2E80;
	s6 =	ssub.s32 s6, s7  }
0x15: {  	s7 =	simm.s32 $0x8680;
	s5 =	sshrl.u32 s5, $0x3;
	s1 =	sshrl.u32 s1, $0x3  }
0x16: {  	s11 =	smax.u32 s6, $0x1;
	s5 =	sadd.s32 s5, s4;
	s4 =	sadd.s32 $0x80E00, s4  }
0x17: {  	[dreg:$0x14] =	wrdreg s11;
	s1 =	sadd.s32 s4, s1;
	s5 =	sadd.s32 $0x7B400, s5  }
0x18: {  	s6 =	simm.s32 $0x7E80;
	[dreg:$0x10] =	wrdreg s5;
	s9 =	sadd.s32 $0x2A000, s1  }
0x19: {  	s11 =	simm.s32 $0x9E80;
	s10 =	sadd.s32 $0x2AC00, s1;
	[dreg:$0x11] =	wrdreg s9  }
0x1a: {  	s4 =	sadd.s32 s8, s4;
	s1 =	sadd.s32 $0x2B800, s1;
	[dreg:$0x12] =	wrdreg s10  }
0x1b: {  	v2 =	vlaneseq.u32;
	s8 =	simm.s32 $0x7680;
	s0 =	sadd.s32 s0, s4;
	[dreg:$0x13] =	wrdreg s1  }
0x1c: {  	vm0 =	vmmov $0xffff;
	v1 =	vshrl.u32 v2, $0x3;
	s5 =	simm.s32 $0xD680;
	s4 =	simm.s32 $0x6E80;
	[dreg:$0x3] =	wrdreg s0  }
0x1d: {  	v0 =	vand.u32 $0x7, v2;
	v2 =	vor.u32 $0x8, v2;
	v1 =	vmul.u32 $0x8, v1;
	s10 =	simm.s32 $0x1680;
	s0 =	simm.s32 $0x0;
	s9 =	simm.s32 $0x9680  }
.LBB2_1:
0x1e: {  	[dreg:$0x15] =	wrdreg s0  }
0x1f: {  	s20 =	rddreg [dreg:$0x10]  }
0x20: {  	[tilespmem:s3], [sflag:$0x3] =	stream.linear.gather [hbm4b:s20+s3], $0x1620, $0x38;
	[tilespmem:$0x19680] =	vst v63  }
0x21: {  	_ =	swait.ge [sflag:s21], $0x1620  }
0x22: {  	s0 =	simm.s32 $0x6680;
	s1 =	simm.s32 $0x5E80;
	[sflag:s21] =	ssyncset.done $0x0  }
0x23: {  	s20 =	simm.s32 $0xC0;
	[sflag:s21] =	ssyncadd.s32 $0xFFFFE9E0;
	s21 =	simm.s32 $0x0  }
.LBB2_2:
0x24: {  	v3 =	vld [tilespmem:s20+$0xFFFFFF40];
	_ =	sdelay $0x4  }
0x25: {  	v4 =	vshll.u32 v3, $0x1  }
0x26: {  	v3 =	vand.u32 $0x7, v3;
	v4 =	vand.u32 $0xFFFFFFF0, v4  }
0x27: {  	v3 =	vor.u32 v3, v4  }
0x28: {  	v4 =	vperm.xlane v3, v0;
	_ =	sdelay $0x1  }
0x29: {  	v3 =	vperm.xlane v3, v2;
	v4 =	vadd.s32 v1, v4;
	_ =	sdelay $0x1  }
0x2a: {  	v3 =	vadd.s32 v1, v3;
	_ =	sdelay $0x2  }
0x2b: {  	[tilespmem:s10], [sflag:$0x1] =	stream.indirect_vreg.gather [hbm4b:s2+s3], $0x80, v4, vm0, $0xb8;
	[tilespmem:$0x19680] =	vst v63  }
0x2c: {  	_ = 	snop  }
0x2d: {  	[tilespmem:s23], [sflag:$0x1] =	stream.indirect_vreg.gather [hbm4b:s2+s3], $0x80, v3, vm0, $0xb8;
	[tilespmem:$0x19680] =	vst v63  }
0x2e: {  	v3 =	vld [tilespmem:s20+$0xFFFFFF50];
	_ =	sdelay $0x4  }
0x2f: {  	v41 =	vshll.u32 v3, $0x1  }
0x30: {  	v3 =	vand.u32 $0x7, v3;
	v4 =	vand.u32 $0xFFFFFFF0, v41  }
0x31: {  	v3 =	vor.u32 v3, v4  }
0x32: {  	v4 =	vperm.xlane v3, v0;
	_ =	sdelay $0x1  }
0x33: {  	v3 =	vperm.xlane v3, v2;
	v4 =	vadd.s32 v1, v4;
	_ =	sdelay $0x1  }
0x34: {  	v3 =	vadd.s32 v1, v3;
	_ =	sdelay $0x2  }
0x35: {  	[tilespmem:s24], [sflag:$0x1] =	stream.indirect_vreg.gather [hbm4b:s2+s3], $0x80, v4, vm0, $0xb8;
	[tilespmem:$0x19680] =	vst v63  }
0x36: {  	_ = 	snop  }
0x37: {  	[tilespmem:s25], [sflag:$0x1] =	stream.indirect_vreg.gather [hbm4b:s2+s3], $0x80, v3, vm0, $0xb8;
	[tilespmem:$0x19680] =	vst v63  }
0x38: {  	v3 =	vld [tilespmem:s20+$0xFFFFFF60];
	_ =	sdelay $0x4  }
0x39: {  	v42 =	vshll.u32 v3, $0x1  }
0x3a: {  	v3 =	vand.u32 $0x7, v3;
	v4 =	vand.u32 $0xFFFFFFF0, v42  }
0x3b: {  	v3 =	vor.u32 v3, v4  }
0x3c: {  	v4 =	vperm.xlane v3, v0;
	_ =	sdelay $0x1  }
0x3d: {  	v3 =	vperm.xlane v3, v2;
	v4 =	vadd.s32 v1, v4;
	_ =	sdelay $0x1  }
0x3e: {  	v3 =	vadd.s32 v1, v3;
	_ =	sdelay $0x2  }
0x3f: {  	[tilespmem:s26], [sflag:$0x1] =	stream.indirect_vreg.gather [hbm4b:s2+s3], $0x80, v4, vm0, $0xb8;
	[tilespmem:$0x19680] =	vst v63  }
0x40: {  	_ = 	snop  }
0x41: {  	[tilespmem:s28], [sflag:$0x1] =	stream.indirect_vreg.gather [hbm4b:s2+s3], $0x80, v3, vm0, $0xb8;
	[tilespmem:$0x19680] =	vst v63  }
0x42: {  	v3 =	vld [tilespmem:s20+$0xFFFFFF70];
	_ =	sdelay $0x4  }
0x43: {  	v43 =	vshll.u32 v3, $0x1  }
0x44: {  	v3 =	vand.u32 $0x7, v3;
	v4 =	vand.u32 $0xFFFFFFF0, v43  }
0x45: {  	v3 =	vor.u32 v3, v4  }
0x46: {  	v4 =	vperm.xlane v3, v0;
	_ =	sdelay $0x1  }
0x47: {  	v3 =	vperm.xlane v3, v2;
	v4 =	vadd.s32 v1, v4;
	_ =	sdelay $0x1  }
0x48: {  	v3 =	vadd.s32 v1, v3;
	_ =	sdelay $0x2  }
0x49: {  	[tilespmem:s29], [sflag:$0x1] =	stream.indirect_vreg.gather [hbm4b:s2+s3], $0x80, v4, vm0, $0xb8;
	[tilespmem:$0x19680] =	vst v63  }
0x4a: {  	_ = 	snop  }
0x4b: {  	[tilespmem:s30], [sflag:$0x1] =	stream.indirect_vreg.gather [hbm4b:s2+s3], $0x80, v3, vm0, $0xb8;
	[tilespmem:$0x19680] =	vst v63  }
0x4c: {  	v3 =	vld [tilespmem:s20+$0xFFFFFF80];
	_ =	sdelay $0x4  }
0x4d: {  	v44 =	vshll.u32 v3, $0x1  }
0x4e: {  	v3 =	vand.u32 $0x7, v3;
	v4 =	vand.u32 $0xFFFFFFF0, v44  }
0x4f: {  	v3 =	vor.u32 v3, v4  }
0x50: {  	v4 =	vperm.xlane v3, v0;
	_ =	sdelay $0x1  }
0x51: {  	v3 =	vperm.xlane v3, v2;
	v4 =	vadd.s32 v1, v4;
	_ =	sdelay $0x1  }
0x52: {  	v3 =	vadd.s32 v1, v3;
	_ =	sdelay $0x2  }
0x53: {  	[tilespmem:s31], [sflag:$0x1] =	stream.indirect_vreg.gather [hbm4b:s2+s3], $0x80, v4, vm0, $0xb8;
	[tilespmem:$0x19680] =	vst v63  }
0x54: {  	_ = 	snop  }
0x55: {  	[tilespmem:s1], [sflag:$0x1] =	stream.indirect_vreg.gather [hbm4b:s2+s3], $0x80, v3, vm0, $0xb8;
	[tilespmem:$0x19680] =	vst v63  }
0x56: {  	v3 =	vld [tilespmem:s20+$0xFFFFFF90];
	_ =	sdelay $0x4  }
0x57: {  	v45 =	vshll.u32 v3, $0x1  }
0x58: {  	v3 =	vand.u32 $0x7, v3;
	v4 =	vand.u32 $0xFFFFFFF0, v45  }
0x59: {  	v3 =	vor.u32 v3, v4  }
0x5a: {  	v4 =	vperm.xlane v3, v0;
	_ =	sdelay $0x1  }
0x5b: {  	v3 =	vperm.xlane v3, v2;
	v4 =	vadd.s32 v1, v4;
	_ =	sdelay $0x1  }
0x5c: {  	v3 =	vadd.s32 v1, v3;
	_ =	sdelay $0x2  }
0x5d: {  	[tilespmem:s0], [sflag:$0x1] =	stream.indirect_vreg.gather [hbm4b:s2+s3], $0x80, v4, vm0, $0xb8;
	[tilespmem:$0x19680] =	vst v63  }
0x5e: {  	_ = 	snop  }
0x5f: {  	[tilespmem:s4], [sflag:$0x1] =	stream.indirect_vreg.gather [hbm4b:s2+s3], $0x80, v3, vm0, $0xb8;
	[tilespmem:$0x19680] =	vst v63  }
0x60: {  	v3 =	vld [tilespmem:s20+$0xFFFFFFA0];
	_ =	sdelay $0x4  }
0x61: {  	v46 =	vshll.u32 v3, $0x1  }
0x62: {  	v3 =	vand.u32 $0x7, v3;
	v4 =	vand.u32 $0xFFFFFFF0, v46  }
0x63: {  	v3 =	vor.u32 v3, v4  }
0x64: {  	v4 =	vperm.xlane v3, v0;
	_ =	sdelay $0x1  }
0x65: {  	v3 =	vperm.xlane v3, v2;
	v4 =	vadd.s32 v1, v4;
	_ =	sdelay $0x1  }
0x66: {  	v3 =	vadd.s32 v1, v3;
	_ =	sdelay $0x2  }
0x67: {  	[tilespmem:s8], [sflag:$0x1] =	stream.indirect_vreg.gather [hbm4b:s2+s3], $0x80, v4, vm0, $0xb8;
	[tilespmem:$0x19680] =	vst v63  }
0x68: {  	_ = 	snop  }
0x69: {  	[tilespmem:s6], [sflag:$0x1] =	stream.indirect_vreg.gather [hbm4b:s2+s3], $0x80, v3, vm0, $0xb8;
	[tilespmem:$0x19680] =	vst v63  }
0x6a: {  	v3 =	vld [tilespmem:s20+$0xFFFFFFB0];
	_ =	sdelay $0x4  }
0x6b: {  	v47 =	vshll.u32 v3, $0x1  }
0x6c: {  	v3 =	vand.u32 $0x7, v3;
	v4 =	vand.u32 $0xFFFFFFF0, v47  }
0x6d: {  	v3 =	vor.u32 v3, v4  }
0x6e: {  	v4 =	vperm.xlane v3, v0;
	_ =	sdelay $0x1  }
0x6f: {  	v3 =	vperm.xlane v3, v2;
	v4 =	vadd.s32 v1, v4;
	_ =	sdelay $0x1  }
0x70: {  	v3 =	vadd.s32 v1, v3;
	_ =	sdelay $0x2  }
0x71: {  	[tilespmem:s7], [sflag:$0x1] =	stream.indirect_vreg.gather [hbm4b:s2+s3], $0x80, v4, vm0, $0xb8;
	[tilespmem:$0x19680] =	vst v63  }
0x72: {  	_ = 	snop  }
0x73: {  	[tilespmem:s22], [sflag:$0x1] =	stream.indirect_vreg.gather [hbm4b:s2+s3], $0x80, v3, vm0, $0xb8;
	[tilespmem:$0x19680] =	vst v63  }
0x74: {  	v3 =	vld [tilespmem:s20+$0xFFFFFFC0];
	_ =	sdelay $0x4  }
0x75: {  	v48 =	vshll.u32 v3, $0x1  }
0x76: {  	v3 =	vand.u32 $0x7, v3;
	v4 =	vand.u32 $0xFFFFFFF0, v48  }
0x77: {  	v3 =	vor.u32 v3, v4  }
0x78: {  	v4 =	vperm.xlane v3, v0;
	_ =	sdelay $0x1  }
0x79: {  	v3 =	vperm.xlane v3, v2;
	v4 =	vadd.s32 v1, v4;
	_ =	sdelay $0x1  }
0x7a: {  	v3 =	vadd.s32 v1, v3;
	_ =	sdelay $0x2  }
0x7b: {  	[tilespmem:s9], [sflag:$0x1] =	stream.indirect_vreg.gather [hbm4b:s2+s3], $0x80, v4, vm0, $0xb8;
	[tilespmem:$0x19680] =	vst v63  }
0x7c: {  	_ = 	snop  }
0x7d: {  	[tilespmem:s11], [sflag:$0x1] =	stream.indirect_vreg.gather [hbm4b:s2+s3], $0x80, v3, vm0, $0xb8;
	[tilespmem:$0x19680] =	vst v63  }
0x7e: {  	v3 =	vld [tilespmem:s20+$0xFFFFFFD0];
	_ =	sdelay $0x4  }
0x7f: {  	v49 =	vshll.u32 v3, $0x1  }
0x80: {  	v3 =	vand.u32 $0x7, v3;
	v4 =	vand.u32 $0xFFFFFFF0, v49  }
0x81: {  	v3 =	vor.u32 v3, v4  }
0x82: {  	v4 =	vperm.xlane v3, v0;
	_ =	sdelay $0x1  }
0x83: {  	v3 =	vperm.xlane v3, v2;
	v4 =	vadd.s32 v1, v4;
	_ =	sdelay $0x1  }
0x84: {  	v3 =	vadd.s32 v1, v3;
	_ =	sdelay $0x2  }
0x85: {  	[tilespmem:s12], [sflag:$0x1] =	stream.indirect_vreg.gather [hbm4b:s2+s3], $0x80, v4, vm0, $0xb8;
	[tilespmem:$0x19680] =	vst v63  }
0x86: {  	_ = 	snop  }
0x87: {  	[tilespmem:s13], [sflag:$0x1] =	stream.indirect_vreg.gather [hbm4b:s2+s3], $0x80, v3, vm0, $0xb8;
	[tilespmem:$0x19680] =	vst v63  }
0x88: {  	v3 =	vld [tilespmem:s20+$0xFFFFFFE0];
	_ =	sdelay $0x4  }
0x89: {  	v50 =	vshll.u32 v3, $0x1  }
0x8a: {  	v3 =	vand.u32 $0x7, v3;
	v4 =	vand.u32 $0xFFFFFFF0, v50  }
0x8b: {  	v3 =	vor.u32 v3, v4  }
0x8c: {  	v4 =	vperm.xlane v3, v0;
	_ =	sdelay $0x1  }
0x8d: {  	v3 =	vperm.xlane v3, v2;
	v4 =	vadd.s32 v1, v4;
	_ =	sdelay $0x1  }
0x8e: {  	v3 =	vadd.s32 v1, v3;
	_ =	sdelay $0x2  }
0x8f: {  	[tilespmem:s14], [sflag:$0x1] =	stream.indirect_vreg.gather [hbm4b:s2+s3], $0x80, v4, vm0, $0xb8;
	[tilespmem:$0x19680] =	vst v63  }
0x90: {  	_ = 	snop  }
0x91: {  	[tilespmem:s15], [sflag:$0x1] =	stream.indirect_vreg.gather [hbm4b:s2+s3], $0x80, v3, vm0, $0xb8;
	[tilespmem:$0x19680] =	vst v63  }
0x92: {  	v3 =	vld [tilespmem:s20+$0xFFFFFFF0];
	_ =	sdelay $0x4  }
0x93: {  	v51 =	vshll.u32 v3, $0x1  }
0x94: {  	v3 =	vand.u32 $0x7, v3;
	v4 =	vand.u32 $0xFFFFFFF0, v51  }
0x95: {  	v3 =	vor.u32 v3, v4  }
0x96: {  	v4 =	vperm.xlane v3, v0;
	_ =	sdelay $0x1  }
0x97: {  	v3 =	vperm.xlane v3, v2;
	v4 =	vadd.s32 v1, v4;
	_ =	sdelay $0x1  }
0x98: {  	v3 =	vadd.s32 v1, v3;
	_ =	sdelay $0x2  }
0x99: {  	[tilespmem:s16], [sflag:$0x1] =	stream.indirect_vreg.gather [hbm4b:s2+s3], $0x80, v4, vm0, $0xb8;
	[tilespmem:$0x19680] =	vst v63  }
0x9a: {  	_ = 	snop  }
0x9b: {  	[tilespmem:s17], [sflag:$0x1] =	stream.indirect_vreg.gather [hbm4b:s2+s3], $0x80, v3, vm0, $0xb8;
	[tilespmem:$0x19680] =	vst v63  }
0x9c: {  	v3 =	vld [tilespmem:s20+$0x0];
	_ =	sdelay $0x4  }
0x9d: {  	v52 =	vshll.u32 v3, $0x1  }
0x9e: {  	v3 =	vand.u32 $0x7, v3;
	v4 =	vand.u32 $0xFFFFFFF0, v52  }
0x9f: {  	v3 =	vor.u32 v3, v4  }
0xa0: {  	v4 =	vperm.xlane v3, v0;
	_ =	sdelay $0x1  }
0xa1: {  	v3 =	vperm.xlane v3, v2;
	v4 =	vadd.s32 v1, v4;
	_ =	sdelay $0x1  }
0xa2: {  	v3 =	vadd.s32 v1, v3;
	_ =	sdelay $0x2  }
0xa3: {  	[tilespmem:s5], [sflag:$0x1] =	stream.indirect_vreg.gather [hbm4b:s2+s3], $0x80, v4, vm0, $0xb8;
	[tilespmem:$0x19680] =	vst v63  }
0xa4: {  	s24 =	simm.s32 $0xDE80  }
0xa5: {  	[tilespmem:s24], [sflag:$0x1] =	stream.indirect_vreg.gather [hbm4b:s2+s3], $0x80, v3, vm0, $0xb8;
	[tilespmem:$0x19680] =	vst v63  }
0xa6: {  	v3 =	vld [tilespmem:s20+$0x10];
	_ =	sdelay $0x4  }
0xa7: {  	v53 =	vshll.u32 v3, $0x1  }
0xa8: {  	v3 =	vand.u32 $0x7, v3;
	v4 =	vand.u32 $0xFFFFFFF0, v53  }
0xa9: {  	v3 =	vor.u32 v3, v4  }
0xaa: {  	v4 =	vperm.xlane v3, v0;
	_ =	sdelay $0x1  }
0xab: {  	v3 =	vperm.xlane v3, v2;
	v4 =	vadd.s32 v1, v4;
	_ =	sdelay $0x1  }
0xac: {  	v3 =	vadd.s32 v1, v3;
	_ =	sdelay $0x1  }
0xad: {  	s24 =	simm.s32 $0xE680  }
0xae: {  	[tilespmem:s24], [sflag:$0x1] =	stream.indirect_vreg.gather [hbm4b:s2+s3], $0x80, v4, vm0, $0xb8;
	[tilespmem:$0x19680] =	vst v63  }
0xaf: {  	s24 =	simm.s32 $0xEE80  }
0xb0: {  	[tilespmem:s24], [sflag:$0x1] =	stream.indirect_vreg.gather [hbm4b:s2+s3], $0x80, v3, vm0, $0xb8;
	[tilespmem:$0x19680] =	vst v63  }
0xb1: {  	v3 =	vld [tilespmem:s20+$0x20];
	_ =	sdelay $0x4  }
0xb2: {  	v54 =	vshll.u32 v3, $0x1  }
0xb3: {  	v3 =	vand.u32 $0x7, v3;
	v4 =	vand.u32 $0xFFFFFFF0, v54  }
0xb4: {  	v3 =	vor.u32 v3, v4  }
0xb5: {  	v4 =	vperm.xlane v3, v0;
	_ =	sdelay $0x1  }
0xb6: {  	v3 =	vperm.xlane v3, v2;
	v4 =	vadd.s32 v1, v4;
	_ =	sdelay $0x1  }
0xb7: {  	v3 =	vadd.s32 v1, v3;
	_ =	sdelay $0x1  }
0xb8: {  	s24 =	simm.s32 $0xF680  }
0xb9: {  	[tilespmem:s24], [sflag:$0x1] =	stream.indirect_vreg.gather [hbm4b:s2+s3], $0x80, v4, vm0, $0xb8;
	[tilespmem:$0x19680] =	vst v63  }
0xba: {  	s24 =	simm.s32 $0xFE80  }
0xbb: {  	[tilespmem:s24], [sflag:$0x1] =	stream.indirect_vreg.gather [hbm4b:s2+s3], $0x80, v3, vm0, $0xb8;
	[tilespmem:$0x19680] =	vst v63  }
0xbc: {  	v3 =	vld [tilespmem:s20+$0x30];
	_ =	sdelay $0x4  }
0xbd: {  	v55 =	vshll.u32 v3, $0x1  }
0xbe: {  	v3 =	vand.u32 $0x7, v3;
	v4 =	vand.u32 $0xFFFFFFF0, v55  }
0xbf: {  	v3 =	vor.u32 v3, v4  }
0xc0: {  	v4 =	vperm.xlane v3, v0;
	_ =	sdelay $0x1  }
0xc1: {  	v3 =	vperm.xlane v3, v2;
	v4 =	vadd.s32 v1, v4;
	_ =	sdelay $0x1  }
0xc2: {  	v3 =	vadd.s32 v1, v3;
	_ =	sdelay $0x1  }
0xc3: {  	s24 =	simm.s32 $0x10680  }
0xc4: {  	[tilespmem:s24], [sflag:$0x1] =	stream.indirect_vreg.gather [hbm4b:s2+s3], $0x80, v4, vm0, $0xb8;
	[tilespmem:$0x19680] =	vst v63  }
0xc5: {  	s24 =	simm.s32 $0x10E80  }
0xc6: {  	[tilespmem:s24], [sflag:$0x1] =	stream.indirect_vreg.gather [hbm4b:s2+s3], $0x80, v3, vm0, $0xb8;
	[tilespmem:$0x19680] =	vst v63  }
0xc7: {  	v3 =	vld [tilespmem:s20+$0x40];
	_ =	sdelay $0x4  }
0xc8: {  	v56 =	vshll.u32 v3, $0x1  }
0xc9: {  	v3 =	vand.u32 $0x7, v3;
	v4 =	vand.u32 $0xFFFFFFF0, v56  }
0xca: {  	v3 =	vor.u32 v3, v4  }
0xcb: {  	v4 =	vperm.xlane v3, v0;
	_ =	sdelay $0x1  }
0xcc: {  	v3 =	vperm.xlane v3, v2;
	v4 =	vadd.s32 v1, v4;
	_ =	sdelay $0x1  }
0xcd: {  	v3 =	vadd.s32 v1, v3;
	_ =	sdelay $0x1  }
0xce: {  	s24 =	simm.s32 $0x11680  }
0xcf: {  	[tilespmem:s24], [sflag:$0x1] =	stream.indirect_vreg.gather [hbm4b:s2+s3], $0x80, v4, vm0, $0xb8;
	[tilespmem:$0x19680] =	vst v63  }
0xd0: {  	s24 =	simm.s32 $0x11E80  }
0xd1: {  	[tilespmem:s24], [sflag:$0x1] =	stream.indirect_vreg.gather [hbm4b:s2+s3], $0x80, v3, vm0, $0xb8;
	[tilespmem:$0x19680] =	vst v63  }
0xd2: {  	v3 =	vld [tilespmem:s20+$0x50];
	_ =	sdelay $0x4  }
0xd3: {  	v57 =	vshll.u32 v3, $0x1  }
0xd4: {  	v3 =	vand.u32 $0x7, v3;
	v4 =	vand.u32 $0xFFFFFFF0, v57  }
0xd5: {  	v3 =	vor.u32 v3, v4  }
0xd6: {  	v4 =	vperm.xlane v3, v0;
	_ =	sdelay $0x1  }
0xd7: {  	v3 =	vperm.xlane v3, v2;
	v4 =	vadd.s32 v1, v4;
	_ =	sdelay $0x1  }
0xd8: {  	v3 =	vadd.s32 v1, v3;
	_ =	sdelay $0x1  }
0xd9: {  	s24 =	simm.s32 $0x12680  }
0xda: {  	[tilespmem:s24], [sflag:$0x1] =	stream.indirect_vreg.gather [hbm4b:s2+s3], $0x80, v4, vm0, $0xb8;
	[tilespmem:$0x19680] =	vst v63  }
0xdb: {  	s24 =	simm.s32 $0x12E80  }
0xdc: {  	[tilespmem:s24], [sflag:$0x1] =	stream.indirect_vreg.gather [hbm4b:s2+s3], $0x80, v3, vm0, $0xb8;
	[tilespmem:$0x19680] =	vst v63  }
0xdd: {  	v3 =	vld [tilespmem:s20+$0x60];
	_ =	sdelay $0x4  }
0xde: {  	v58 =	vshll.u32 v3, $0x1  }
0xdf: {  	v3 =	vand.u32 $0x7, v3;
	v4 =	vand.u32 $0xFFFFFFF0, v58  }
0xe0: {  	v3 =	vor.u32 v3, v4  }
0xe1: {  	v4 =	vperm.xlane v3, v0;
	_ =	sdelay $0x1  }
0xe2: {  	v3 =	vperm.xlane v3, v2;
	v4 =	vadd.s32 v1, v4;
	_ =	sdelay $0x1  }
0xe3: {  	v3 =	vadd.s32 v1, v3;
	_ =	sdelay $0x1  }
0xe4: {  	s23 =	rddreg [dreg:$0x4]  }
0xe5: {  	[tilespmem:s23], [sflag:$0x1] =	stream.indirect_vreg.gather [hbm4b:s2+s3], $0x80, v4, vm0, $0xb8;
	[tilespmem:$0x19680] =	vst v63  }
0xe6: {  	s24 =	rddreg [dreg:$0x5]  }
0xe7: {  	[tilespmem:s24], [sflag:$0x1] =	stream.indirect_vreg.gather [hbm4b:s2+s3], $0x80, v3, vm0, $0xb8;
	[tilespmem:$0x19680] =	vst v63  }
0xe8: {  	v3 =	vld [tilespmem:s20+$0x70];
	_ =	sdelay $0x4  }
0xe9: {  	v59 =	vshll.u32 v3, $0x1  }
0xea: {  	v3 =	vand.u32 $0x7, v3;
	v4 =	vand.u32 $0xFFFFFFF0, v59  }
0xeb: {  	v3 =	vor.u32 v3, v4  }
0xec: {  	v4 =	vperm.xlane v3, v0;
	_ =	sdelay $0x1  }
0xed: {  	v3 =	vperm.xlane v3, v2;
	v4 =	vadd.s32 v1, v4;
	_ =	sdelay $0x1  }
0xee: {  	v3 =	vadd.s32 v1, v3;
	_ =	sdelay $0x1  }
0xef: {  	s23 =	rddreg [dreg:$0x6]  }
0xf0: {  	[tilespmem:s23], [sflag:$0x1] =	stream.indirect_vreg.gather [hbm4b:s2+s3], $0x80, v4, vm0, $0xb8;
	[tilespmem:$0x19680] =	vst v63  }
0xf1: {  	s24 =	rddreg [dreg:$0x7]  }
0xf2: {  	[tilespmem:s24], [sflag:$0x1] =	stream.indirect_vreg.gather [hbm4b:s2+s3], $0x80, v3, vm0, $0xb8;
	[tilespmem:$0x19680] =	vst v63  }
0xf3: {  	v3 =	vld [tilespmem:s20+$0x80];
	_ =	sdelay $0x4  }
0xf4: {  	v60 =	vshll.u32 v3, $0x1  }
0xf5: {  	v3 =	vand.u32 $0x7, v3;
	v4 =	vand.u32 $0xFFFFFFF0, v60  }
0xf6: {  	v3 =	vor.u32 v3, v4  }
0xf7: {  	v4 =	vperm.xlane v3, v0;
	_ =	sdelay $0x1  }
0xf8: {  	v3 =	vperm.xlane v3, v2;
	v4 =	vadd.s32 v1, v4;
	_ =	sdelay $0x1  }
0xf9: {  	v3 =	vadd.s32 v1, v3;
	_ =	sdelay $0x1  }
0xfa: {  	s23 =	rddreg [dreg:$0x8]  }
0xfb: {  	[tilespmem:s23], [sflag:$0x1] =	stream.indirect_vreg.gather [hbm4b:s2+s3], $0x80, v4, vm0, $0xb8;
	[tilespmem:$0x19680] =	vst v63  }
0xfc: {  	s24 =	rddreg [dreg:$0x9]  }
0xfd: {  	[tilespmem:s24], [sflag:$0x1] =	stream.indirect_vreg.gather [hbm4b:s2+s3], $0x80, v3, vm0, $0xb8;
	[tilespmem:$0x19680] =	vst v63  }
0xfe: {  	v3 =	vld [tilespmem:s20+$0x90];
	_ =	sdelay $0x4  }
0xff: {  	v61 =	vshll.u32 v3, $0x1  }
0x100: {  	v3 =	vand.u32 $0x7, v3;
	v4 =	vand.u32 $0xFFFFFFF0, v61  }
0x101: {  	v3 =	vor.u32 v3, v4  }
0x102: {  	v4 =	vperm.xlane v3, v0;
	_ =	sdelay $0x1  }
0x103: {  	v3 =	vperm.xlane v3, v2;
	v4 =	vadd.s32 v1, v4;
	_ =	sdelay $0x1  }
0x104: {  	v3 =	vadd.s32 v1, v3;
	_ =	sdelay $0x1  }
0x105: {  	s23 =	rddreg [dreg:$0xa]  }
0x106: {  	[tilespmem:s23], [sflag:$0x1] =	stream.indirect_vreg.gather [hbm4b:s2+s3], $0x80, v4, vm0, $0xb8;
	[tilespmem:$0x19680] =	vst v63  }
0x107: {  	s24 =	rddreg [dreg:$0xb]  }
0x108: {  	[tilespmem:s24], [sflag:$0x1] =	stream.indirect_vreg.gather [hbm4b:s2+s3], $0x80, v3, vm0, $0xb8;
	[tilespmem:$0x19680] =	vst v63  }
0x109: {  	v3 =	vld [tilespmem:s20+$0xA0];
	_ =	sdelay $0x4  }
0x10a: {  	v62 =	vshll.u32 v3, $0x1  }
0x10b: {  	v3 =	vand.u32 $0x7, v3;
	v4 =	vand.u32 $0xFFFFFFF0, v62  }
0x10c: {  	v3 =	vor.u32 v3, v4  }
0x10d: {  	v4 =	vperm.xlane v3, v0;
	_ =	sdelay $0x1  }
0x10e: {  	v3 =	vperm.xlane v3, v2;
	v4 =	vadd.s32 v1, v4;
	_ =	sdelay $0x1  }
0x10f: {  	v3 =	vadd.s32 v1, v3;
	_ =	sdelay $0x1  }
0x110: {  	s23 =	rddreg [dreg:$0xc]  }
0x111: {  	[tilespmem:s23], [sflag:$0x1] =	stream.indirect_vreg.gather [hbm4b:s2+s3], $0x80, v4, vm0, $0xb8;
	[tilespmem:$0x19680] =	vst v63  }
0x112: {  	s24 =	rddreg [dreg:$0xd]  }
0x113: {  	[tilespmem:s24], [sflag:$0x1] =	stream.indirect_vreg.gather [hbm4b:s2+s3], $0x80, v3, vm0, $0xb8;
	[tilespmem:$0x19680] =	vst v63  }
0x114: {  	v3 =	vld [tilespmem:s20+$0xB0];
	_ =	sdelay $0x4  }
0x115: {  	v63 =	vshll.u32 v3, $0x1  }
0x116: {  	v3 =	vand.u32 $0x7, v3;
	v4 =	vand.u32 $0xFFFFFFF0, v63  }
0x117: {  	v3 =	vor.u32 v3, v4  }
0x118: {  	v4 =	vperm.xlane v3, v0;
	_ =	sdelay $0x1  }
0x119: {  	v3 =	vperm.xlane v3, v2;
	v4 =	vadd.s32 v1, v4;
	_ =	sdelay $0x1  }
0x11a: {  	v3 =	vadd.s32 v1, v3;
	_ =	sdelay $0x1  }
0x11b: {  	s23 =	rddreg [dreg:$0xe]  }
0x11c: {  	[tilespmem:s23], [sflag:$0x1] =	stream.indirect_vreg.gather [hbm4b:s2+s3], $0x80, v4, vm0, $0xb8;
	[tilespmem:$0x19680] =	vst v63  }
0x11d: {  	s24 =	rddreg [dreg:$0xf]  }
0x11e: {  	[tilespmem:s24], [sflag:$0x1] =	stream.indirect_vreg.gather [hbm4b:s2+s3], $0x80, v3, vm0, $0xb8;
	[tilespmem:$0x19680] =	vst v63  }
0x11f: {  	_ =	swait.ge [sflag:s18], $0x6000  }
0x120: {  	[sflag:s18] =	ssyncset.done $0x0  }
0x121: {  	[sflag:s18] =	ssyncadd.s32 $0xFFFFA000  }
0x122: {  	_ =	swait.ge [sflag:s18], $0x6000  }
0x123: {  	[sflag:s18] =	ssyncset.done $0x0  }
0x124: {  	[sflag:s18] =	ssyncadd.s32 $0xFFFFA000  }
0x125: {  	_ =	swait.ge [sflag:s18], $0x6000  }
0x126: {  	[sflag:s18] =	ssyncset.done $0x0  }
0x127: {  	[sflag:s18] =	ssyncadd.s32 $0xFFFFA000  }
0x128: {  	_ =	swait.ge [sflag:s18], $0x6000  }
0x129: {  	p0 =	sne.s32 s21, $0x27000;
	s23 =	rddreg [dreg:$0x3];
	[sflag:s18] =	ssyncset.done $0x0  }
.Ltmp0:
0x12a: {  	[sflag:s18] =	ssyncadd.s32 $0xFFFFA000;
	s23 =	sadd.s32 s21, s23;
	(pc) =	sbr.rel @p0 .LBB2_2-.Ltmp0, $4  }
0x12b: {  	[hbm4b:s23+s3] =	stream.linear.scatter [tilespmem:s10], [sflag:$0x2], $0x18000, $0x38;
	[tilespmem:$0x19680] =	vst v63  }
0x12c: {  	_ =	swait.ge [sflag:s19], $0x18000  }
0x12d: {  	s20 =	sadd.s32 $0x180, s20;
	s24 =	simm.s32 $0x2680;
	[sflag:s19] =	ssyncset.done $0x0  }
0x12e: {  	s21 =	sadd.s32 $0x3000, s21;
	s23 =	simm.s32 $0x1E80;
	[sflag:s19] =	ssyncadd.s32 $0xFFFE8000  }
0x12f: {  	v3 =	vld [tilespmem:$0x1500];
	_ =	sdelay $0x4  }
0x130: {  	v4 =	vshll.u32 v3, $0x1  }
0x131: {  	v3 =	vand.u32 $0x7, v3;
	v4 =	vand.u32 $0xFFFFFFF0, v4  }
0x132: {  	v3 =	vor.u32 v3, v4  }
0x133: {  	v4 =	vperm.xlane v3, v0;
	_ =	sdelay $0x1  }
0x134: {  	v3 =	vperm.xlane v3, v2;
	v4 =	vadd.s32 v1, v4;
	_ =	sdelay $0x1  }
0x135: {  	v3 =	vadd.s32 v1, v3;
	_ =	sdelay $0x2  }
0x136: {  	[tilespmem:s10], [sflag:$0x1] =	stream.indirect_vreg.gather [hbm4b:s2+s3], $0x80, v4, vm0, $0xb8;
	[tilespmem:$0x19680] =	vst v63  }
0x137: {  	_ = 	snop  }
0x138: {  	[tilespmem:s23], [sflag:$0x1] =	stream.indirect_vreg.gather [hbm4b:s2+s3], $0x80, v3, vm0, $0xb8;
	[tilespmem:$0x19680] =	vst v63  }
0x139: {  	v3 =	vld [tilespmem:$0x1510];
	_ =	sdelay $0x4  }
0x13a: {  	v47 =	vshll.u32 v3, $0x1  }
0x13b: {  	v3 =	vand.u32 $0x7, v3;
	v4 =	vand.u32 $0xFFFFFFF0, v47  }
0x13c: {  	v3 =	vor.u32 v3, v4  }
0x13d: {  	v4 =	vperm.xlane v3, v0;
	_ =	sdelay $0x1  }
0x13e: {  	v3 =	vperm.xlane v3, v2;
	v4 =	vadd.s32 v1, v4;
	_ =	sdelay $0x1  }
0x13f: {  	v3 =	vadd.s32 v1, v3;
	_ =	sdelay $0x2  }
0x140: {  	[tilespmem:s24], [sflag:$0x1] =	stream.indirect_vreg.gather [hbm4b:s2+s3], $0x80, v4, vm0, $0xb8;
	[tilespmem:$0x19680] =	vst v63  }
0x141: {  	_ = 	snop  }
0x142: {  	[tilespmem:s25], [sflag:$0x1] =	stream.indirect_vreg.gather [hbm4b:s2+s3], $0x80, v3, vm0, $0xb8;
	[tilespmem:$0x19680] =	vst v63  }
0x143: {  	v3 =	vld [tilespmem:$0x1520];
	_ =	sdelay $0x4  }
0x144: {  	v48 =	vshll.u32 v3, $0x1  }
0x145: {  	v3 =	vand.u32 $0x7, v3;
	v4 =	vand.u32 $0xFFFFFFF0, v48  }
0x146: {  	v3 =	vor.u32 v3, v4  }
0x147: {  	v4 =	vperm.xlane v3, v0;
	_ =	sdelay $0x1  }
0x148: {  	v3 =	vperm.xlane v3, v2;
	v4 =	vadd.s32 v1, v4;
	_ =	sdelay $0x1  }
0x149: {  	v3 =	vadd.s32 v1, v3;
	_ =	sdelay $0x2  }
0x14a: {  	[tilespmem:s26], [sflag:$0x1] =	stream.indirect_vreg.gather [hbm4b:s2+s3], $0x80, v4, vm0, $0xb8;
	[tilespmem:$0x19680] =	vst v63  }
0x14b: {  	_ = 	snop  }
0x14c: {  	[tilespmem:s28], [sflag:$0x1] =	stream.indirect_vreg.gather [hbm4b:s2+s3], $0x80, v3, vm0, $0xb8;
	[tilespmem:$0x19680] =	vst v63  }
0x14d: {  	v3 =	vld [tilespmem:$0x1530];
	_ =	sdelay $0x4  }
0x14e: {  	v49 =	vshll.u32 v3, $0x1  }
0x14f: {  	v3 =	vand.u32 $0x7, v3;
	v4 =	vand.u32 $0xFFFFFFF0, v49  }
0x150: {  	v3 =	vor.u32 v3, v4  }
0x151: {  	v4 =	vperm.xlane v3, v0;
	_ =	sdelay $0x1  }
0x152: {  	v3 =	vperm.xlane v3, v2;
	v4 =	vadd.s32 v1, v4;
	_ =	sdelay $0x1  }
0x153: {  	v3 =	vadd.s32 v1, v3;
	_ =	sdelay $0x2  }
0x154: {  	[tilespmem:s29], [sflag:$0x1] =	stream.indirect_vreg.gather [hbm4b:s2+s3], $0x80, v4, vm0, $0xb8;
	[tilespmem:$0x19680] =	vst v63  }
0x155: {  	_ = 	snop  }
0x156: {  	[tilespmem:s30], [sflag:$0x1] =	stream.indirect_vreg.gather [hbm4b:s2+s3], $0x80, v3, vm0, $0xb8;
	[tilespmem:$0x19680] =	vst v63  }
0x157: {  	v3 =	vld [tilespmem:$0x1540];
	_ =	sdelay $0x4  }
0x158: {  	v50 =	vshll.u32 v3, $0x1  }
0x159: {  	v3 =	vand.u32 $0x7, v3;
	v4 =	vand.u32 $0xFFFFFFF0, v50  }
0x15a: {  	v3 =	vor.u32 v3, v4  }
0x15b: {  	v4 =	vperm.xlane v3, v0;
	_ =	sdelay $0x1  }
0x15c: {  	v3 =	vperm.xlane v3, v2;
	v4 =	vadd.s32 v1, v4;
	_ =	sdelay $0x1  }
0x15d: {  	v3 =	vadd.s32 v1, v3;
	_ =	sdelay $0x2  }
0x15e: {  	[tilespmem:s31], [sflag:$0x1] =	stream.indirect_vreg.gather [hbm4b:s2+s3], $0x80, v4, vm0, $0xb8;
	[tilespmem:$0x19680] =	vst v63  }
0x15f: {  	_ = 	snop  }
0x160: {  	[tilespmem:s1], [sflag:$0x1] =	stream.indirect_vreg.gather [hbm4b:s2+s3], $0x80, v3, vm0, $0xb8;
	[tilespmem:$0x19680] =	vst v63  }
0x161: {  	v3 =	vld [tilespmem:$0x1550];
	_ =	sdelay $0x4  }
0x162: {  	v51 =	vshll.u32 v3, $0x1  }
0x163: {  	v3 =	vand.u32 $0x7, v3;
	v4 =	vand.u32 $0xFFFFFFF0, v51  }
0x164: {  	v3 =	vor.u32 v3, v4  }
0x165: {  	v4 =	vperm.xlane v3, v0;
	_ =	sdelay $0x1  }
0x166: {  	v3 =	vperm.xlane v3, v2;
	v4 =	vadd.s32 v1, v4;
	_ =	sdelay $0x1  }
0x167: {  	v3 =	vadd.s32 v1, v3;
	_ =	sdelay $0x2  }
0x168: {  	[tilespmem:s0], [sflag:$0x1] =	stream.indirect_vreg.gather [hbm4b:s2+s3], $0x80, v4, vm0, $0xb8;
	[tilespmem:$0x19680] =	vst v63  }
0x169: {  	_ = 	snop  }
0x16a: {  	[tilespmem:s4], [sflag:$0x1] =	stream.indirect_vreg.gather [hbm4b:s2+s3], $0x80, v3, vm0, $0xb8;
	[tilespmem:$0x19680] =	vst v63  }
0x16b: {  	_ =	swait.ge [sflag:s18], $0x6000  }
0x16c: {  	[sflag:s18] =	ssyncset.done $0x0  }
0x16d: {  	s21 =	simm.s32 $0x3;
	s20 =	rddreg [dreg:$0x11];
	[sflag:s18] =	ssyncadd.s32 $0xFFFFA000  }
0x16e: {  	[hbm4b:s20+s3] =	stream.linear.scatter [tilespmem:s10], [sflag:$0x3], $0x6000, $0x38;
	[tilespmem:$0x19680] =	vst v63  }
0x16f: {  	_ =	swait.ge [sflag:s21], $0x6000  }
0x170: {  	[sflag:s21] =	ssyncset.done $0x0  }
0x171: {  	[sflag:s21] =	ssyncadd.s32 $0xFFFFA000  }
0x172: {  	v3 =	vld [tilespmem:$0x1560];
	_ =	sdelay $0x4  }
0x173: {  	v52 =	vshll.u32 v3, $0x1  }
0x174: {  	v3 =	vand.u32 $0x7, v3;
	v4 =	vand.u32 $0xFFFFFFF0, v52  }
0x175: {  	v3 =	vor.u32 v3, v4  }
0x176: {  	v4 =	vperm.xlane v3, v0;
	_ =	sdelay $0x1  }
0x177: {  	v3 =	vperm.xlane v3, v2;
	v4 =	vadd.s32 v1, v4;
	_ =	sdelay $0x1  }
0x178: {  	v3 =	vadd.s32 v1, v3;
	_ =	sdelay $0x2  }
0x179: {  	[tilespmem:s8], [sflag:$0x1] =	stream.indirect_vreg.gather [hbm4b:s2+s3], $0x80, v4, vm0, $0xb8;
	[tilespmem:$0x19680] =	vst v63  }
0x17a: {  	_ = 	snop  }
0x17b: {  	[tilespmem:s6], [sflag:$0x1] =	stream.indirect_vreg.gather [hbm4b:s2+s3], $0x80, v3, vm0, $0xb8;
	[tilespmem:$0x19680] =	vst v63  }
0x17c: {  	v3 =	vld [tilespmem:$0x1570];
	_ =	sdelay $0x4  }
0x17d: {  	v53 =	vshll.u32 v3, $0x1  }
0x17e: {  	v3 =	vand.u32 $0x7, v3;
	v4 =	vand.u32 $0xFFFFFFF0, v53  }
0x17f: {  	v3 =	vor.u32 v3, v4  }
0x180: {  	v4 =	vperm.xlane v3, v0;
	_ =	sdelay $0x1  }
0x181: {  	v3 =	vperm.xlane v3, v2;
	v4 =	vadd.s32 v1, v4;
	_ =	sdelay $0x1  }
0x182: {  	v3 =	vadd.s32 v1, v3;
	_ =	sdelay $0x2  }
0x183: {  	[tilespmem:s7], [sflag:$0x1] =	stream.indirect_vreg.gather [hbm4b:s2+s3], $0x80, v4, vm0, $0xb8;
	[tilespmem:$0x19680] =	vst v63  }
0x184: {  	_ = 	snop  }
0x185: {  	[tilespmem:s22], [sflag:$0x1] =	stream.indirect_vreg.gather [hbm4b:s2+s3], $0x80, v3, vm0, $0xb8;
	[tilespmem:$0x19680] =	vst v63  }
0x186: {  	v3 =	vld [tilespmem:$0x1580];
	_ =	sdelay $0x4  }
0x187: {  	v54 =	vshll.u32 v3, $0x1  }
0x188: {  	v3 =	vand.u32 $0x7, v3;
	v4 =	vand.u32 $0xFFFFFFF0, v54  }
0x189: {  	v3 =	vor.u32 v3, v4  }
0x18a: {  	v4 =	vperm.xlane v3, v0;
	_ =	sdelay $0x1  }
0x18b: {  	v3 =	vperm.xlane v3, v2;
	v4 =	vadd.s32 v1, v4;
	_ =	sdelay $0x1  }
0x18c: {  	v3 =	vadd.s32 v1, v3;
	_ =	sdelay $0x2  }
0x18d: {  	[tilespmem:s9], [sflag:$0x1] =	stream.indirect_vreg.gather [hbm4b:s2+s3], $0x80, v4, vm0, $0xb8;
	[tilespmem:$0x19680] =	vst v63  }
0x18e: {  	_ = 	snop  }
0x18f: {  	[tilespmem:s11], [sflag:$0x1] =	stream.indirect_vreg.gather [hbm4b:s2+s3], $0x80, v3, vm0, $0xb8;
	[tilespmem:$0x19680] =	vst v63  }
0x190: {  	v3 =	vld [tilespmem:$0x1590];
	_ =	sdelay $0x4  }
0x191: {  	v55 =	vshll.u32 v3, $0x1  }
0x192: {  	v3 =	vand.u32 $0x7, v3;
	v4 =	vand.u32 $0xFFFFFFF0, v55  }
0x193: {  	v3 =	vor.u32 v3, v4  }
0x194: {  	v4 =	vperm.xlane v3, v0;
	_ =	sdelay $0x1  }
0x195: {  	v3 =	vperm.xlane v3, v2;
	v4 =	vadd.s32 v1, v4;
	_ =	sdelay $0x1  }
0x196: {  	v3 =	vadd.s32 v1, v3;
	_ =	sdelay $0x2  }
0x197: {  	[tilespmem:s12], [sflag:$0x1] =	stream.indirect_vreg.gather [hbm4b:s2+s3], $0x80, v4, vm0, $0xb8;
	[tilespmem:$0x19680] =	vst v63  }
0x198: {  	_ = 	snop  }
0x199: {  	[tilespmem:s13], [sflag:$0x1] =	stream.indirect_vreg.gather [hbm4b:s2+s3], $0x80, v3, vm0, $0xb8;
	[tilespmem:$0x19680] =	vst v63  }
0x19a: {  	v3 =	vld [tilespmem:$0x15A0];
	_ =	sdelay $0x4  }
0x19b: {  	v56 =	vshll.u32 v3, $0x1  }
0x19c: {  	v3 =	vand.u32 $0x7, v3;
	v4 =	vand.u32 $0xFFFFFFF0, v56  }
0x19d: {  	v3 =	vor.u32 v3, v4  }
0x19e: {  	v4 =	vperm.xlane v3, v0;
	_ =	sdelay $0x1  }
0x19f: {  	v3 =	vperm.xlane v3, v2;
	v4 =	vadd.s32 v1, v4;
	_ =	sdelay $0x1  }
0x1a0: {  	v3 =	vadd.s32 v1, v3;
	_ =	sdelay $0x2  }
0x1a1: {  	[tilespmem:s14], [sflag:$0x1] =	stream.indirect_vreg.gather [hbm4b:s2+s3], $0x80, v4, vm0, $0xb8;
	[tilespmem:$0x19680] =	vst v63  }
0x1a2: {  	_ = 	snop  }
0x1a3: {  	[tilespmem:s15], [sflag:$0x1] =	stream.indirect_vreg.gather [hbm4b:s2+s3], $0x80, v3, vm0, $0xb8;
	[tilespmem:$0x19680] =	vst v63  }
0x1a4: {  	v3 =	vld [tilespmem:$0x15B0];
	_ =	sdelay $0x4  }
0x1a5: {  	v57 =	vshll.u32 v3, $0x1  }
0x1a6: {  	v3 =	vand.u32 $0x7, v3;
	v4 =	vand.u32 $0xFFFFFFF0, v57  }
0x1a7: {  	v3 =	vor.u32 v3, v4  }
0x1a8: {  	v4 =	vperm.xlane v3, v0;
	_ =	sdelay $0x1  }
0x1a9: {  	v3 =	vperm.xlane v3, v2;
	v4 =	vadd.s32 v1, v4;
	_ =	sdelay $0x1  }
0x1aa: {  	v3 =	vadd.s32 v1, v3;
	_ =	sdelay $0x2  }
0x1ab: {  	[tilespmem:s16], [sflag:$0x1] =	stream.indirect_vreg.gather [hbm4b:s2+s3], $0x80, v4, vm0, $0xb8;
	[tilespmem:$0x19680] =	vst v63  }
0x1ac: {  	_ = 	snop  }
0x1ad: {  	[tilespmem:s17], [sflag:$0x1] =	stream.indirect_vreg.gather [hbm4b:s2+s3], $0x80, v3, vm0, $0xb8;
	[tilespmem:$0x19680] =	vst v63  }
0x1ae: {  	_ =	swait.ge [sflag:s18], $0x6000  }
0x1af: {  	[sflag:s18] =	ssyncset.done $0x0  }
0x1b0: {  	s1 =	rddreg [dreg:$0x12];
	[sflag:s18] =	ssyncadd.s32 $0xFFFFA000  }
0x1b1: {  	[hbm4b:s1+s3] =	stream.linear.scatter [tilespmem:s8], [sflag:$0x3], $0x6000, $0x38;
	[tilespmem:$0x19680] =	vst v63  }
0x1b2: {  	_ =	swait.ge [sflag:s21], $0x6000  }
0x1b3: {  	[sflag:s21] =	ssyncset.done $0x0  }
0x1b4: {  	[sflag:s21] =	ssyncadd.s32 $0xFFFFA000  }
0x1b5: {  	v3 =	vld [tilespmem:$0x15C0];
	_ =	sdelay $0x4  }
0x1b6: {  	v58 =	vshll.u32 v3, $0x1  }
0x1b7: {  	v3 =	vand.u32 $0x7, v3;
	v4 =	vand.u32 $0xFFFFFFF0, v58  }
0x1b8: {  	v3 =	vor.u32 v3, v4  }
0x1b9: {  	v4 =	vperm.xlane v3, v0;
	_ =	sdelay $0x1  }
0x1ba: {  	v3 =	vperm.xlane v3, v2;
	v4 =	vadd.s32 v1, v4;
	_ =	sdelay $0x1  }
0x1bb: {  	v3 =	vadd.s32 v1, v3;
	_ =	sdelay $0x1  }
0x1bc: {  	s0 =	simm.s32 $0xD680  }
0x1bd: {  	[tilespmem:s0], [sflag:$0x1] =	stream.indirect_vreg.gather [hbm4b:s2+s3], $0x80, v4, vm0, $0xb8;
	[tilespmem:$0x19680] =	vst v63  }
0x1be: {  	s20 =	simm.s32 $0xDE80  }
0x1bf: {  	[tilespmem:s20], [sflag:$0x1] =	stream.indirect_vreg.gather [hbm4b:s2+s3], $0x80, v3, vm0, $0xb8;
	[tilespmem:$0x19680] =	vst v63  }
0x1c0: {  	v3 =	vld [tilespmem:$0x15D0];
	_ =	sdelay $0x4  }
0x1c1: {  	v59 =	vshll.u32 v3, $0x1  }
0x1c2: {  	v3 =	vand.u32 $0x7, v3;
	v4 =	vand.u32 $0xFFFFFFF0, v59  }
0x1c3: {  	v3 =	vor.u32 v3, v4  }
0x1c4: {  	v4 =	vperm.xlane v3, v0;
	_ =	sdelay $0x1  }
0x1c5: {  	v3 =	vperm.xlane v3, v2;
	v4 =	vadd.s32 v1, v4;
	_ =	sdelay $0x1  }
0x1c6: {  	v3 =	vadd.s32 v1, v3;
	_ =	sdelay $0x1  }
0x1c7: {  	s20 =	simm.s32 $0xE680  }
0x1c8: {  	[tilespmem:s20], [sflag:$0x1] =	stream.indirect_vreg.gather [hbm4b:s2+s3], $0x80, v4, vm0, $0xb8;
	[tilespmem:$0x19680] =	vst v63  }
0x1c9: {  	s20 =	simm.s32 $0xEE80  }
0x1ca: {  	[tilespmem:s20], [sflag:$0x1] =	stream.indirect_vreg.gather [hbm4b:s2+s3], $0x80, v3, vm0, $0xb8;
	[tilespmem:$0x19680] =	vst v63  }
0x1cb: {  	v3 =	vld [tilespmem:$0x15E0];
	_ =	sdelay $0x4  }
0x1cc: {  	v60 =	vshll.u32 v3, $0x1  }
0x1cd: {  	v3 =	vand.u32 $0x7, v3;
	v4 =	vand.u32 $0xFFFFFFF0, v60  }
0x1ce: {  	v3 =	vor.u32 v3, v4  }
0x1cf: {  	v4 =	vperm.xlane v3, v0;
	_ =	sdelay $0x1  }
0x1d0: {  	v3 =	vperm.xlane v3, v2;
	v4 =	vadd.s32 v1, v4;
	_ =	sdelay $0x1  }
0x1d1: {  	v3 =	vadd.s32 v1, v3;
	_ =	sdelay $0x1  }
0x1d2: {  	s20 =	simm.s32 $0xF680  }
0x1d3: {  	[tilespmem:s20], [sflag:$0x1] =	stream.indirect_vreg.gather [hbm4b:s2+s3], $0x80, v4, vm0, $0xb8;
	[tilespmem:$0x19680] =	vst v63  }
0x1d4: {  	s20 =	simm.s32 $0xFE80  }
0x1d5: {  	[tilespmem:s20], [sflag:$0x1] =	stream.indirect_vreg.gather [hbm4b:s2+s3], $0x80, v3, vm0, $0xb8;
	[tilespmem:$0x19680] =	vst v63  }
0x1d6: {  	v3 =	vld [tilespmem:$0x15F0];
	_ =	sdelay $0x4  }
0x1d7: {  	v61 =	vshll.u32 v3, $0x1  }
0x1d8: {  	v3 =	vand.u32 $0x7, v3;
	v4 =	vand.u32 $0xFFFFFFF0, v61  }
0x1d9: {  	v3 =	vor.u32 v3, v4  }
0x1da: {  	v4 =	vperm.xlane v3, v0;
	_ =	sdelay $0x1  }
0x1db: {  	v3 =	vperm.xlane v3, v2;
	v4 =	vadd.s32 v1, v4;
	_ =	sdelay $0x1  }
0x1dc: {  	v3 =	vadd.s32 v1, v3;
	_ =	sdelay $0x1  }
0x1dd: {  	s20 =	simm.s32 $0x10680  }
0x1de: {  	[tilespmem:s20], [sflag:$0x1] =	stream.indirect_vreg.gather [hbm4b:s2+s3], $0x80, v4, vm0, $0xb8;
	[tilespmem:$0x19680] =	vst v63  }
0x1df: {  	s20 =	simm.s32 $0x10E80  }
0x1e0: {  	[tilespmem:s20], [sflag:$0x1] =	stream.indirect_vreg.gather [hbm4b:s2+s3], $0x80, v3, vm0, $0xb8;
	[tilespmem:$0x19680] =	vst v63  }
0x1e1: {  	v3 =	vld [tilespmem:$0x1600];
	_ =	sdelay $0x4  }
0x1e2: {  	v62 =	vshll.u32 v3, $0x1  }
0x1e3: {  	v3 =	vand.u32 $0x7, v3;
	v4 =	vand.u32 $0xFFFFFFF0, v62  }
0x1e4: {  	v3 =	vor.u32 v3, v4  }
0x1e5: {  	v4 =	vperm.xlane v3, v0;
	_ =	sdelay $0x1  }
0x1e6: {  	v3 =	vperm.xlane v3, v2;
	v4 =	vadd.s32 v1, v4;
	_ =	sdelay $0x1  }
0x1e7: {  	v3 =	vadd.s32 v1, v3;
	_ =	sdelay $0x1  }
0x1e8: {  	s20 =	simm.s32 $0x11680  }
0x1e9: {  	[tilespmem:s20], [sflag:$0x1] =	stream.indirect_vreg.gather [hbm4b:s2+s3], $0x80, v4, vm0, $0xb8;
	[tilespmem:$0x19680] =	vst v63  }
0x1ea: {  	s20 =	simm.s32 $0x11E80  }
0x1eb: {  	[tilespmem:s20], [sflag:$0x1] =	stream.indirect_vreg.gather [hbm4b:s2+s3], $0x80, v3, vm0, $0xb8;
	[tilespmem:$0x19680] =	vst v63  }
0x1ec: {  	v3 =	vld [tilespmem:$0x1610];
	_ =	sdelay $0x4  }
0x1ed: {  	v63 =	vshll.u32 v3, $0x1  }
0x1ee: {  	v3 =	vand.u32 $0x7, v3;
	v4 =	vand.u32 $0xFFFFFFF0, v63  }
0x1ef: {  	v3 =	vor.u32 v3, v4  }
0x1f0: {  	v4 =	vperm.xlane v3, v0;
	_ =	sdelay $0x1  }
0x1f1: {  	v3 =	vperm.xlane v3, v2;
	v4 =	vadd.s32 v1, v4;
	_ =	sdelay $0x1  }
0x1f2: {  	v3 =	vadd.s32 v1, v3;
	_ =	sdelay $0x1  }
0x1f3: {  	s20 =	simm.s32 $0x12680  }
0x1f4: {  	[tilespmem:s20], [sflag:$0x1] =	stream.indirect_vreg.gather [hbm4b:s2+s3], $0x80, v4, vm0, $0xb8;
	[tilespmem:$0x19680] =	vst v63  }
0x1f5: {  	s20 =	simm.s32 $0x12E80  }
0x1f6: {  	[tilespmem:s20], [sflag:$0x1] =	stream.indirect_vreg.gather [hbm4b:s2+s3], $0x80, v3, vm0, $0xb8;
	[tilespmem:$0x19680] =	vst v63  }
0x1f7: {  	_ =	swait.ge [sflag:s18], $0x6000  }
0x1f8: {  	[sflag:s18] =	ssyncset.done $0x0  }
0x1f9: {  	s1 =	rddreg [dreg:$0x13];
	[sflag:s18] =	ssyncadd.s32 $0xFFFFA000  }
0x1fa: {  	[hbm4b:s1+s3] =	stream.linear.scatter [tilespmem:s0], [sflag:$0x3], $0x6000, $0x38;
	[tilespmem:$0x19680] =	vst v63  }
0x1fb: {  	_ =	swait.ge [sflag:s21], $0x6000  }
0x1fc: {  	s20 =	rddreg [dreg:$0x15]  }
0x1fd: {  	s1 =	rddreg [dreg:$0x14];
	s0 =	sadd.s32 $0x1, s20  }
0x1fe: {  	p0 =	sne.s32 s0, s1  }
.Ltmp1:
0x1ff: {  	_ = 	snop;
	(pc) =	sbr.rel @p0 .LBB2_1-.Ltmp1, $3  }
0x200: {  	_ =	sdelay $0x1  }
0x201: {  	[sflag:s21] =	ssyncset.done $0x0  }
0x202: {  	[sflag:s21] =	ssyncadd.s32 $0xFFFFA000  }
0x203: {  	_ =	sfence.sel $0x180000  }
0x204: {  	[bflag:$0x0] =	sbarrier.arrive $0xFFFF  }
0x205: {  	_ =	strace $0x90000053  }
0x206: {  	s0 =	stileid.u32;
	[bflag:$0x2] =	sbarrier.arrive $0xFFFF  }
0x207: {  	p0 =	sne.s32 s0, $0x0;
	s0 =	rddreg [dreg:$0x2]  }
0x208: {  	s0 =	sadd.s32 @!p0 $0x100000, s0  }
0x209: {  	[sflag:s0] =	ssyncadd.tile.s32 @!p0 $0x1;
	_ =	shalt  }
.Lfunc_end2:
_tile_overlayer_lowered:
.L_overlay_start_2:
0x20a: {  	(tag) =	ssettag $0x2  }
0x20b: {  	s0 =	rddreg [dreg:$0x0];
	s2 =	stileid.u32  }
0x20c: {  	s1 =	rddreg [dreg:$0x1];
	p0 =	sne.s32 s2, $0x0  }
0x20d: {  	s3 =	rddreg [dreg:$0x2];
	[bflag:$0x3] =	sbarrier.arrive $0xFFFF;
	s2 =	simm.s32 @!p0 $0x1C03  }
0x20e: {  	[timem:s3], [sflag:s2] =	dma.local @!p0 [hbm:s0], s1  }
0x20f: {  	s0 =	simm.s32 @!p0 $0x3  }
0x210: {  	_ =	swait.ge @!p0 [sflag:s0], s1  }
0x211: {  	s1 =	ssub.s32 @!p0 $0x0, s1;
	[sflag:s0] =	ssyncset.done @!p0 $0x0  }
0x212: {  	[sflag:s0] =	ssyncadd.s32 @!p0 s1  }
0x213: {  	[bflag:$0x3] =	sbarrier.arrive $0xFFFF  }
0x214: {  	_ =	shalt  }

// kernel: kernel.17.cloned.1.call-start
scs
__scs_entry_jumppad:
0x0: {  	(pc) =	sbr.rel $0x88, $3  }
0x1: {  	(tag) =	ssettag $0x0;
	lr =	simm.s32 $0x1  }
0x2: {  	[smem:$0x3F91] =	sst lr;
	_ =	strace $0xD0000000  }
0x3: {  	_ = 	snop  }
0x4: {  	_ = 	snop  }
0x5: {  	_ = 	snop  }
0x6: {  	_ = 	snop  }
0x7: {  	_ = 	snop  }
__scs_overlays_trampoline_lowered:
0x8: {  	[smem:$0x3FA0] =	sst s0  }
0x9: {  	[smem:$0x3FA1] =	sst s1  }
0xa: {  	[smem:$0x3FA2] =	sst s2  }
0xb: {  	[smem:$0x3FA3] =	sst s3  }
0xc: {  	[smem:$0x3FA4] =	sst s4  }
0xd: {  	[smem:$0x3FA5] =	sst s5  }
0xe: {  	[smem:$0x3FA6] =	sst s6  }
0xf: {  	[smem:$0x3FA7] =	sst s7  }
0x10: {  	[smem:$0x3FA8] =	sst s8  }
0x11: {  	[smem:$0x3FA9] =	sst s9;
	s0 =	simm.s32 @!p0 $0x0  }
0x12: {  	s1 =	sld [smem:$0x3F8F];
	s0 =	simm.s32 @p0 $0x1  }
0x13: {  	[smem:$0x3FAA] =	sst s0;
	s0 =	simm.s32 @!p1 $0x0  }
0x14: {  	s2 =	sld [smem:$0x3F8E];
	s0 =	simm.s32 @p1 $0x1  }
0x15: {  	[smem:$0x3FAB] =	sst s0;
	s0 =	simm.s32 @!p2 $0x0  }
0x16: {  	s3 =	sld [smem:$0x3FDB];
	s0 =	simm.s32 @p2 $0x1  }
0x17: {  	s4 =	simm.s32 $0x1BF5;
	[smem:$0x3FAD] =	sst s0  }
0x18: {  	s0 =	sld [smem:$0x3F90];
	_ =	swait.ge [sflag:s4], $0x0  }
0x19: {  	s7 =	sld [smem:$0x3F91]  }
0x1a: {  	s8 =	sadd.s32 $0xFFFFE003, lr  }
0x1b: {  	s9 =	sadd.s32 $0xFFFFFEF7, lr;
	s5 =	simm.s32 $0xFFFFFFFF;
	p2 =	slt.u32 s8, $0xFFFFF086  }
0x1c: {  	p1 =	slt.u32 s9, $0xF7A;
	s5 =	simm.s32 @!p2 $0x0  }
0x1d: {  	s5 =	simm.s32 @p1 $0x1;
	p0 =	seq.s32 s7, s2  }
0x1e: {  	s7 =	smul.u32 @!p0 $0xF7A, s2;
	p2 =	seq.s32 @!p0 s5, $0x0  }
0x1f: {  	s9 =	smul.u32 $0xF7A, s1;
	s8 =	simm.s32 @!p0 $0x1BF5;
	p2 =	por !p2, p0  }
0x20: {  	[sflag:s8] =	ssyncset.s32 @!p0 $0xFFFFF086;
	s6 =	sadd.s32 @!p0 s3, s7;
	s7 =	simm.s32 @!p0 $0x108  }
0x21: {  	s3 =	sadd.s32 s3, s9;
	s6 =	sadd.s32 @!p0 $0x88, s6;
	s7 =	simm.s32 @p2 $0x1082  }
0x22: {  	[simem:s7], [sflag:s8] =	dma.local @!p0 [hbm:s6], $0xF7A  }
0x23: {  	s9 =	sor.u32 $0xD0000000, s2;
	s6 =	simm.s32 $0x108;
	_ =	swait.ge @!p0 [sflag:s8], $0x0  }
0x24: {  	s3 =	sadd.s32 $0x88, s3;
	s6 =	simm.s32 @!p1 $0x1082;
	[sflag:s4] =	ssyncset.s32 $0xFFFFF086  }
0x25: {  	[simem:s6], [sflag:s4] =	dma.local [hbm:s3], $0xF7A  }
0x26: {  	[smem:$0x3F91] =	sst s1;
	(tag) =	ssettag s2;
	_ =	strace s9  }
0x27: {  	s1 =	sld [smem:$0x3FA1]  }
0x28: {  	s2 =	sld [smem:$0x3FA2]  }
0x29: {  	s4 =	sld [smem:$0x3FA4]  }
0x2a: {  	p0 =	seq.s32 s5, $0x0;
	s5 =	sld [smem:$0x3FA5]  }
0x2b: {  	s6 =	sld [smem:$0x3FA6]  }
0x2c: {  	s7 =	sld [smem:$0x3FA7]  }
0x2d: {  	s3 =	simm.s32 $0x108;
	s8 =	sld [smem:$0x3FA8]  }
0x2e: {  	s3 =	simm.s32 @!p0 $0x1082;
	s9 =	sld [smem:$0x3FA9]  }
0x2f: {  	lr =	sadd.s32 s0, s3;
	s0 =	sld [smem:$0x3FA0]  }
0x30: {  	s3 =	sld [smem:$0x3FA3]  }
0x31: {  	[smem:$0x3FAC] =	sst s10  }
0x32: {  	s10 =	sld [smem:$0x3FAA];
	_ =	sdelay $0x3  }
0x33: {  	p0 =	seq.s32 s10, $0x1;
	s10 =	sld [smem:$0x3FAC];
	_ =	sdelay $0x3  }
0x34: {  	[smem:$0x3FAC] =	sst s10  }
0x35: {  	s10 =	sld [smem:$0x3FAB];
	_ =	sdelay $0x3  }
0x36: {  	p1 =	seq.s32 s10, $0x1;
	s10 =	sld [smem:$0x3FAC];
	_ =	sdelay $0x3  }
0x37: {  	[smem:$0x3FAC] =	sst s10  }
0x38: {  	s10 =	sld [smem:$0x3FAD]  }
0x39: {  	_ = 	snop;
	(pc) =	sbr.ind lr, $3  }
0x3a: {  	_ = 	snop  }
0x3b: {  	_ = 	snop  }
0x3c: {  	p2 =	seq.s32 s10, $0x1;
	s10 =	sld [smem:$0x3FAC]  }
0x3d: {  	_ =	shalt  }
0x3e: {  	_ =	shalt  }
0x3f: {  	_ =	shalt  }
0x40: {  	_ =	shalt  }
0x41: {  	_ =	shalt  }
0x42: {  	_ =	shalt  }
0x43: {  	_ =	shalt  }
0x44: {  	_ =	shalt  }
0x45: {  	_ =	shalt  }
0x46: {  	_ =	shalt  }
0x47: {  	_ =	shalt  }
0x48: {  	_ =	shalt  }
0x49: {  	_ =	shalt  }
0x4a: {  	_ =	shalt  }
0x4b: {  	_ =	shalt  }
0x4c: {  	_ =	shalt  }
0x4d: {  	_ =	shalt  }
0x4e: {  	_ =	shalt  }
0x4f: {  	_ =	shalt  }
0x50: {  	_ =	shalt  }
0x51: {  	_ =	shalt  }
0x52: {  	_ =	shalt  }
0x53: {  	_ =	shalt  }
0x54: {  	_ =	shalt  }
0x55: {  	_ =	shalt  }
0x56: {  	_ =	shalt  }
0x57: {  	_ =	shalt  }
0x58: {  	_ =	shalt  }
0x59: {  	_ =	shalt  }
0x5a: {  	_ =	shalt  }
0x5b: {  	_ =	shalt  }
0x5c: {  	_ =	shalt  }
0x5d: {  	_ =	shalt  }
0x5e: {  	_ =	shalt  }
0x5f: {  	_ =	shalt  }
0x60: {  	_ =	shalt  }
0x61: {  	_ =	shalt  }
0x62: {  	_ =	shalt  }
0x63: {  	_ =	shalt  }
0x64: {  	_ =	shalt  }
0x65: {  	_ =	shalt  }
0x66: {  	_ =	shalt  }
0x67: {  	_ =	shalt  }
0x68: {  	_ =	shalt  }
0x69: {  	_ =	shalt  }
0x6a: {  	_ =	shalt  }
0x6b: {  	_ =	shalt  }
0x6c: {  	_ =	shalt  }
0x6d: {  	_ =	shalt  }
0x6e: {  	_ =	shalt  }
0x6f: {  	_ =	shalt  }
0x70: {  	_ =	shalt  }
0x71: {  	_ =	shalt  }
0x72: {  	_ =	shalt  }
0x73: {  	_ =	shalt  }
0x74: {  	_ =	shalt  }
0x75: {  	_ =	shalt  }
0x76: {  	_ =	shalt  }
0x77: {  	_ =	shalt  }
0x78: {  	_ =	shalt  }
0x79: {  	_ =	shalt  }
0x7a: {  	_ =	shalt  }
0x7b: {  	_ =	shalt  }
0x7c: {  	_ =	shalt  }
0x7d: {  	_ =	shalt  }
0x7e: {  	_ =	shalt  }
0x7f: {  	_ =	shalt  }
0x80: {  	_ =	shalt  }
0x81: {  	_ =	shalt  }
0x82: {  	_ =	shalt  }
0x83: {  	_ =	shalt  }
0x84: {  	_ =	shalt  }
0x85: {  	_ =	shalt  }
0x86: {  	_ =	shalt  }
0x87: {  	_ =	shalt  }
.Lfunc_end0:
.L_simem_size_0:
called_computation.9_lowered:
.L_overlay_start_0:
0x88: {  	s2 =	sld [smem:$0x3FD9]  }
0x89: {  	s3 =	sld [smem:$0x3FFE];
	_ =	sdelay $0x1  }
0x8a: {  	s1 =	srdreg.scid  }
0x8b: {  	s0 =	sand.u32 $0x1, s1  }
0x8c: {  	s17 =	sshll.u32 s0, $0xA;
	s2 =	sadd.s32 s3, s2  }
0x8d: {  	s2 =	sadd.s32 s2, s17  }
0x8e: {  	[smem:$0x3FB8] =	sst s2  }
0x8f: {  	_ = 	snop  }
0x90: {  	s18 =	sld [smem:$0x3FD0];
	(tm) =	ssettm $0x1  }
0x91: {  	s19 =	sld [smem:$0x3FFB];
	_ =	sdelay $0x3  }
0x92: {  	_ =	strace s19  }
0x93: {  	s2 =	sld [smem:$0x3FFC];
	_ =	sdelay $0x3  }
0x94: {  	_ =	strace s2  }
0x95: {  	s2 =	sld [smem:$0x3FFD];
	_ =	sdelay $0x3  }
0x96: {  	_ =	strace s2  }
0x97: {  	_ =	strace $0x8FFFFFFF  }
0x98: {  	s20 =	sld [smem:$0x3FDB];
	_ =	sdelay $0x1  }
0x99: {  	s4 =	simm.s32 $_scs_section_size  }
0x9a: {  	s5 =	simm.s32 $_size__tile_overlayer_lowered;
	s6 =	simm.s32 $_tile_overlayer_lowered  }
0x9b: {  	s7 =	simm.s32 $0x1BFF;
	s21 =	sshll.u32 s6, $0x1;
	s4 =	sadd.s32 s4, s20  }
0x9c: {  	s22 =	simm.s32 $0x0;
	s5 =	sshll.u32 s5, $0x1;
	s6 =	sadd.s32 s21, s4  }
0x9d: {  	[timem:s22], [sflag:s7] =	dma.local [hbm:s6], s5  }
0x9e: {  	_ =	swait.ge [sflag:s7], s5  }
0x9f: {  	s5 =	ssub.s32 $0x0, s5;
	[sflag:s7] =	ssyncset.done $0x0  }
0xa0: {  	[sflag:s7] =	ssyncadd.s32 s5;
	_ =	sdelay $0x1  }
0xa1: {  	s23 =	simm.s32 $0x1B8B  }
0xa2: {  	_ =	swait.ge [sflag:s23], $0x1  }
0xa3: {  	[sflag:s23] =	ssyncset.done $0x0  }
0xa4: {  	[sflag:s23] =	ssyncadd.s32 $0xFFFFFFFF  }
0xa5: {  	s5 =	sld [smem:$0x0]  }
0xa6: {  	s6 =	sand.u32 $0xFFFFFFFE, s1  }
0xa7: {  	p0 =	sne.s32 s1, s6  }
0xa8: {  	s6 =	sshll.u32 @p0 s6, $0xE  }
0xa9: {  	s6 =	sadd.s32 @p0 $0x11B8D, s6;
	s7 =	sshll.u32 @p0 s5, $0x11  }
0xaa: {  	s6 =	sor.u32 @p0 s7, s6  }
0xab: {  	[sflag:s6] =	ssyncadd.remote.s32 @p0 $0x1;
	_ =	sdelay $0x1  }
0xac: {  	s6 =	simm.s32 @p0 $0x1B8D  }
0xad: {  	_ =	swait.eq @p0 [sflag:s6], $0x1  }
0xae: {  	[sflag:s6] =	ssyncadd.s32 @p0 $0xFFFFFFFF  }
0xaf: {  	s7 =	sshll.u32 @!p0 s1, $0xE  }
0xb0: {  	s7 =	sor.u32 @!p0 $0x4000, s7;
	s6 =	simm.s32 @!p0 $0x1B8D  }
0xb1: {  	s5 =	sshll.u32 @!p0 s5, $0x11;
	s7 =	sadd.s32 @!p0 $0x11B8D, s7;
	_ =	swait.eq @!p0 [sflag:s6], $0x1  }
0xb2: {  	s5 =	sor.u32 @!p0 s5, s7;
	[sflag:s6] =	ssyncadd.s32 @!p0 $0xFFFFFFFF  }
0xb3: {  	s25 =	simm.s32 $0x1B8E;
	s24 =	sld [smem:$0x3FFE];
	[sflag:s5] =	ssyncadd.remote.s32 @!p0 $0x1  }
0xb4: {  	s26 =	simm.s32 $execute0_lowered;
	[smem:$0x3FD2] =	sst s25  }
0xb5: {  	s6 =	sshll.u32 s26, $0x1;
	_ =	strace $0x80000061;
	[dreg:$0x1] =	wrdreg $0xFFFFFFFF  }
0xb6: {  	s28 =	simm.s32 $_size_execute0_lowered;
	s4 =	sadd.s32 s4, s6;
	[dreg:$0x0] =	wrdreg $0x0  }
0xb7: {  	s6 =	sshll.u32 s28, $0x1;
	[dreg:$0x2] =	wrdreg s4  }
0xb8: {  	[dreg:$0x3] =	wrdreg s6  }
0xb9: {  	[dreg:$0x4] =	wrdreg $0xC0  }
0xba: {  	_ =	task [dreg:s22], $0x5FFFF  }
0xbb: {  	[dreg:$0x1] =	wrdreg $0xFFFFFFFF  }
0xbc: {  	[dreg:$0x0] =	wrdreg $0x60  }
0xbd: {  	[dreg:$0x2] =	wrdreg s18  }
0xbe: {  	[dreg:$0x3] =	wrdreg s24  }
0xbf: {  	[dreg:$0x4] =	wrdreg $0xA  }
0xc0: {  	_ =	task.clear_ibuf [dreg:s22], $0x5FFFF;
	_ =	strace $0x90000061  }
0xc1: {  	s29 =	simm.s32 $0xA;
	_ =	strace $0x80000063  }
0xc2: {  	_ =	swait.ge [sflag:s29], $0x1  }
0xc3: {  	[sflag:s29] =	ssyncadd.s32 $0xFFFFFFFF  }
0xc4: {  	_ =	strace $0x90000063  }
0xc5: {  	_ =	sfence  }
0xc6: {  	s30 =	sld [smem:$0x0];
	_ =	sdelay $0x2  }
0xc7: {  	s31 =	sshll.u32 s1, $0xD;
	s1 =	sshrl.u32 s1, $0x2  }
0xc8: {  	s4 =	sand.u32 $0x4000, s31;
	s1 =	sadd.s32 s1, s30  }
0xc9: {  	s0 =	sor.u32 s4, s0;
	s1 =	sshll.u32 s1, $0x11  }
0xca: {  	s0 =	sor.u32 s1, s0  }
0xcb: {  	s0 =	sadd.s32 $0x8F2B, s0  }
0xcc: {  	[sflag:s0] =	ssyncadd.remote.s32 $0x1  }
0xcd: {  	_ =	sfence.sel $0xFFFF  }
0xce: {  	[dreg:$0x0] =	wrdreg $0xFFFFFFFF;
	(pc) =	sbr.abs _section_cstart, $3  }
0xcf: {  	[dreg:$0x1] =	wrdreg $0xFFFFFFFF  }
0xd0: {  	_ =	task.clear_ibuf [dreg:s22], $0x2FFFF;
	_ =	strace $0x9FFFFFFF  }
0xd1: {  	(tm) =	ssettm $0x7FFFFFFF  }
tec
execute0_lowered:
.L_overlay_start_1:
0x0: {  	(tag) =	ssettag $0x1  }
0x1: {  	s0 =	srdreg.scid  }
0x2: {  	s1 =	stileid.u32;
	s2 =	rddreg [dreg:$0x0]  }
0x3: {  	s5 =	rddreg [dreg:$0x1];
	s4 =	simm.s32 $0x0;
	s22 =	simm.s32 $0x3  }
0x4: {  	s10 =	simm.s32 $0x380;
	s9 =	simm.s32 $0x2;
	s16 =	simm.s32 $0xD380  }
0x5: {  	s31 =	simm.s32 $0xDB80;
	s15 =	simm.s32 $0xE380;
	s30 =	simm.s32 $0xEB80  }
0x6: {  	s14 =	simm.s32 $0xF380;
	s29 =	simm.s32 $0xFB80;
	s13 =	simm.s32 $0x10380  }
0x7: {  	s28 =	simm.s32 $0x10B80;
	s25 =	simm.s32 $0x11380;
	s12 =	simm.s32 $0x11B80  }
0x8: {  	s24 =	simm.s32 $0x12380;
	s26 =	simm.s32 $0x12B80;
	s23 =	simm.s32 $0x13380  }
0x9: {  	s18 =	simm.s32 $0x14380;
	s0 =	sand.u32 $0x1, s0;
	s1 =	sshll.u32 s1, $0x1  }
0xa: {  	s19 =	simm.s32 $0x15380;
	s20 =	simm.s32 $0x16380;
	s1 =	sor.u32 s0, s1  }
0xb: {  	s8 =	simm.s32 $0x16B80;
	s21 =	simm.s32 $0x17380;
	s3 =	smul.u32 $0x380, s1  }
0xc: {  	[smem:$0x7FF] =	sst s4;
	s0 =	ssub.s32 $0x2, s0;
	s1 =	smul.u32 $0x38000, s1  }
0xd: {  	s17 =	simm.s32 $0x17B80;
	_ =	strace $0x80000062;
	s7 =	sshrl.u32 s0, $0x1  }
0xe: {  	s0 =	ssub.s32 s0, s7;
	s6 =	sshrl.u32 s3, $0x3;
	s1 =	sshrl.u32 s1, $0x3  }
0xf: {  	s0 =	smax.u32 s0, $0x1;
	s6 =	sadd.s32 s6, s5;
	s5 =	sadd.s32 $0x5600, s5  }
0x10: {  	v2 =	vlaneseq.u32;
	[dreg:$0x5] =	wrdreg s0;
	s6 =	sadd.s32 $0x4800, s6;
	s1 =	sadd.s32 s5, s1  }
0x11: {  	vm0 =	vmmov $0xffff;
	v1 =	vshrl.u32 v2, $0x3;
	s7 =	simm.s32 $0x15B80;
	[dreg:$0x3] =	wrdreg s6;
	s1 =	sadd.s32 $0x6000, s1  }
0x12: {  	v0 =	vand.u32 $0x7, v2;
	v2 =	vor.u32 $0x8, v2;
	v1 =	vmul.u32 $0x8, v1;
	s0 =	simm.s32 $0x0;
	s6 =	simm.s32 $0x14B80;
	[dreg:$0x4] =	wrdreg s1  }
.LBB2_1:
0x13: {  	[dreg:$0x6] =	wrdreg s0  }
0x14: {  	s11 =	rddreg [dreg:$0x3]  }
0x15: {  	[tilespmem:s4], [sflag:$0x3] =	stream.linear.gather [hbm4b:s11+s4], $0x380, $0x38;
	[tilespmem:$0x18380] =	vst v63  }
0x16: {  	_ =	swait.ge [sflag:s22], $0x380  }
0x17: {  	p0 =	por $0x1, $0x1;
	[sflag:s22] =	ssyncset.done $0x0  }
0x18: {  	s0 =	simm.s32 $0x13B80;
	s11 =	simm.s32 $0x0;
	[sflag:s22] =	ssyncadd.s32 $0xFFFFFC80  }
.LBB2_2:
0x19: {  	s22 =	smul.u32 $0x180, s11;
	_ =	sdelay $0x1  }
0x1a: {  	v3 =	vld [tilespmem:s22+$0x0];
	_ =	sdelay $0x4  }
0x1b: {  	v4 =	vshll.u32 v3, $0x1  }
0x1c: {  	v3 =	vand.u32 $0x7, v3;
	v4 =	vand.u32 $0xFFFFFFF0, v4  }
0x1d: {  	v3 =	vor.u32 v3, v4  }
0x1e: {  	v4 =	vperm.xlane v3, v0;
	_ =	sdelay $0x1  }
0x1f: {  	v3 =	vperm.xlane v3, v2;
	v4 =	vadd.s32 v1, v4;
	_ =	sdelay $0x1  }
0x20: {  	v3 =	vadd.s32 v1, v3;
	_ =	sdelay $0x2  }
0x21: {  	[tilespmem:s10], [sflag:$0x1] =	stream.indirect_vreg.gather [hbm4b:s2+s4], $0x80, v4, vm0, $0xb8;
	[tilespmem:$0x18380] =	vst v63  }
0x22: {  	s1 =	simm.s32 $0xB80  }
0x23: {  	[tilespmem:s1], [sflag:$0x1] =	stream.indirect_vreg.gather [hbm4b:s2+s4], $0x80, v3, vm0, $0xb8;
	[tilespmem:$0x18380] =	vst v63  }
0x24: {  	v3 =	vld [tilespmem:s22+$0x10];
	_ =	sdelay $0x4  }
0x25: {  	v41 =	vshll.u32 v3, $0x1  }
0x26: {  	v3 =	vand.u32 $0x7, v3;
	v4 =	vand.u32 $0xFFFFFFF0, v41  }
0x27: {  	v3 =	vor.u32 v3, v4  }
0x28: {  	v4 =	vperm.xlane v3, v0;
	_ =	sdelay $0x1  }
0x29: {  	v3 =	vperm.xlane v3, v2;
	v4 =	vadd.s32 v1, v4;
	_ =	sdelay $0x1  }
0x2a: {  	v3 =	vadd.s32 v1, v3;
	_ =	sdelay $0x1  }
0x2b: {  	s1 =	simm.s32 $0x1380  }
0x2c: {  	[tilespmem:s1], [sflag:$0x1] =	stream.indirect_vreg.gather [hbm4b:s2+s4], $0x80, v4, vm0, $0xb8;
	[tilespmem:$0x18380] =	vst v63  }
0x2d: {  	s1 =	simm.s32 $0x1B80  }
0x2e: {  	[tilespmem:s1], [sflag:$0x1] =	stream.indirect_vreg.gather [hbm4b:s2+s4], $0x80, v3, vm0, $0xb8;
	[tilespmem:$0x18380] =	vst v63  }
0x2f: {  	v3 =	vld [tilespmem:s22+$0x20];
	_ =	sdelay $0x4  }
0x30: {  	v42 =	vshll.u32 v3, $0x1  }
0x31: {  	v3 =	vand.u32 $0x7, v3;
	v4 =	vand.u32 $0xFFFFFFF0, v42  }
0x32: {  	v3 =	vor.u32 v3, v4  }
0x33: {  	v4 =	vperm.xlane v3, v0;
	_ =	sdelay $0x1  }
0x34: {  	v3 =	vperm.xlane v3, v2;
	v4 =	vadd.s32 v1, v4;
	_ =	sdelay $0x1  }
0x35: {  	v3 =	vadd.s32 v1, v3;
	_ =	sdelay $0x1  }
0x36: {  	s1 =	simm.s32 $0x2380  }
0x37: {  	[tilespmem:s1], [sflag:$0x1] =	stream.indirect_vreg.gather [hbm4b:s2+s4], $0x80, v4, vm0, $0xb8;
	[tilespmem:$0x18380] =	vst v63  }
0x38: {  	s1 =	simm.s32 $0x2B80  }
0x39: {  	[tilespmem:s1], [sflag:$0x1] =	stream.indirect_vreg.gather [hbm4b:s2+s4], $0x80, v3, vm0, $0xb8;
	[tilespmem:$0x18380] =	vst v63  }
0x3a: {  	v3 =	vld [tilespmem:s22+$0x30];
	_ =	sdelay $0x4  }
0x3b: {  	v43 =	vshll.u32 v3, $0x1  }
0x3c: {  	v3 =	vand.u32 $0x7, v3;
	v4 =	vand.u32 $0xFFFFFFF0, v43  }
0x3d: {  	v3 =	vor.u32 v3, v4  }
0x3e: {  	v4 =	vperm.xlane v3, v0;
	_ =	sdelay $0x1  }
0x3f: {  	v3 =	vperm.xlane v3, v2;
	v4 =	vadd.s32 v1, v4;
	_ =	sdelay $0x1  }
0x40: {  	v3 =	vadd.s32 v1, v3;
	_ =	sdelay $0x1  }
0x41: {  	s1 =	simm.s32 $0x3380  }
0x42: {  	[tilespmem:s1], [sflag:$0x1] =	stream.indirect_vreg.gather [hbm4b:s2+s4], $0x80, v4, vm0, $0xb8;
	[tilespmem:$0x18380] =	vst v63  }
0x43: {  	s1 =	simm.s32 $0x3B80  }
0x44: {  	[tilespmem:s1], [sflag:$0x1] =	stream.indirect_vreg.gather [hbm4b:s2+s4], $0x80, v3, vm0, $0xb8;
	[tilespmem:$0x18380] =	vst v63  }
0x45: {  	v3 =	vld [tilespmem:s22+$0x40];
	_ =	sdelay $0x4  }
0x46: {  	v44 =	vshll.u32 v3, $0x1  }
0x47: {  	v3 =	vand.u32 $0x7, v3;
	v4 =	vand.u32 $0xFFFFFFF0, v44  }
0x48: {  	v3 =	vor.u32 v3, v4  }
0x49: {  	v4 =	vperm.xlane v3, v0;
	_ =	sdelay $0x1  }
0x4a: {  	v3 =	vperm.xlane v3, v2;
	v4 =	vadd.s32 v1, v4;
	_ =	sdelay $0x1  }
0x4b: {  	v3 =	vadd.s32 v1, v3;
	_ =	sdelay $0x1  }
0x4c: {  	s1 =	simm.s32 $0x4380  }
0x4d: {  	[tilespmem:s1], [sflag:$0x1] =	stream.indirect_vreg.gather [hbm4b:s2+s4], $0x80, v4, vm0, $0xb8;
	[tilespmem:$0x18380] =	vst v63  }
0x4e: {  	s1 =	simm.s32 $0x4B80  }
0x4f: {  	[tilespmem:s1], [sflag:$0x1] =	stream.indirect_vreg.gather [hbm4b:s2+s4], $0x80, v3, vm0, $0xb8;
	[tilespmem:$0x18380] =	vst v63  }
0x50: {  	v3 =	vld [tilespmem:s22+$0x50];
	_ =	sdelay $0x4  }
0x51: {  	v45 =	vshll.u32 v3, $0x1  }
0x52: {  	v3 =	vand.u32 $0x7, v3;
	v4 =	vand.u32 $0xFFFFFFF0, v45  }
0x53: {  	v3 =	vor.u32 v3, v4  }
0x54: {  	v4 =	vperm.xlane v3, v0;
	_ =	sdelay $0x1  }
0x55: {  	v3 =	vperm.xlane v3, v2;
	v4 =	vadd.s32 v1, v4;
	_ =	sdelay $0x1  }
0x56: {  	v3 =	vadd.s32 v1, v3;
	_ =	sdelay $0x1  }
0x57: {  	s1 =	simm.s32 $0x5380  }
0x58: {  	[tilespmem:s1], [sflag:$0x1] =	stream.indirect_vreg.gather [hbm4b:s2+s4], $0x80, v4, vm0, $0xb8;
	[tilespmem:$0x18380] =	vst v63  }
0x59: {  	s1 =	simm.s32 $0x5B80  }
0x5a: {  	[tilespmem:s1], [sflag:$0x1] =	stream.indirect_vreg.gather [hbm4b:s2+s4], $0x80, v3, vm0, $0xb8;
	[tilespmem:$0x18380] =	vst v63  }
0x5b: {  	v3 =	vld [tilespmem:s22+$0x60];
	_ =	sdelay $0x4  }
0x5c: {  	v46 =	vshll.u32 v3, $0x1  }
0x5d: {  	v3 =	vand.u32 $0x7, v3;
	v4 =	vand.u32 $0xFFFFFFF0, v46  }
0x5e: {  	v3 =	vor.u32 v3, v4  }
0x5f: {  	v4 =	vperm.xlane v3, v0;
	_ =	sdelay $0x1  }
0x60: {  	v3 =	vperm.xlane v3, v2;
	v4 =	vadd.s32 v1, v4;
	_ =	sdelay $0x1  }
0x61: {  	v3 =	vadd.s32 v1, v3;
	_ =	sdelay $0x1  }
0x62: {  	s1 =	simm.s32 $0x6380  }
0x63: {  	[tilespmem:s1], [sflag:$0x1] =	stream.indirect_vreg.gather [hbm4b:s2+s4], $0x80, v4, vm0, $0xb8;
	[tilespmem:$0x18380] =	vst v63  }
0x64: {  	s1 =	simm.s32 $0x6B80  }
0x65: {  	[tilespmem:s1], [sflag:$0x1] =	stream.indirect_vreg.gather [hbm4b:s2+s4], $0x80, v3, vm0, $0xb8;
	[tilespmem:$0x18380] =	vst v63  }
0x66: {  	v3 =	vld [tilespmem:s22+$0x70];
	_ =	sdelay $0x4  }
0x67: {  	v47 =	vshll.u32 v3, $0x1  }
0x68: {  	v3 =	vand.u32 $0x7, v3;
	v4 =	vand.u32 $0xFFFFFFF0, v47  }
0x69: {  	v3 =	vor.u32 v3, v4  }
0x6a: {  	v4 =	vperm.xlane v3, v0;
	_ =	sdelay $0x1  }
0x6b: {  	v3 =	vperm.xlane v3, v2;
	v4 =	vadd.s32 v1, v4;
	_ =	sdelay $0x1  }
0x6c: {  	v3 =	vadd.s32 v1, v3;
	_ =	sdelay $0x1  }
0x6d: {  	s11 =	smul.u32 $0x600, s11;
	s1 =	simm.s32 $0x7380  }
0x6e: {  	[tilespmem:s1], [sflag:$0x1] =	stream.indirect_vreg.gather [hbm4b:s2+s4], $0x80, v4, vm0, $0xb8;
	[tilespmem:$0x18380] =	vst v63  }
0x6f: {  	s11 =	sshra.s32 s11, $0x2;
	s1 =	simm.s32 $0x7B80  }
0x70: {  	[tilespmem:s1], [sflag:$0x1] =	stream.indirect_vreg.gather [hbm4b:s2+s4], $0x80, v3, vm0, $0xb8;
	[tilespmem:$0x18380] =	vst v63  }
0x71: {  	v3 =	vld [tilespmem:s11+$0x80];
	_ =	sdelay $0x4  }
0x72: {  	v48 =	vshll.u32 v3, $0x1  }
0x73: {  	v3 =	vand.u32 $0x7, v3;
	v4 =	vand.u32 $0xFFFFFFF0, v48  }
0x74: {  	v3 =	vor.u32 v3, v4  }
0x75: {  	v4 =	vperm.xlane v3, v0;
	_ =	sdelay $0x1  }
0x76: {  	v3 =	vperm.xlane v3, v2;
	v4 =	vadd.s32 v1, v4;
	_ =	sdelay $0x1  }
0x77: {  	v3 =	vadd.s32 v1, v3;
	_ =	sdelay $0x1  }
0x78: {  	s1 =	simm.s32 $0x8380  }
0x79: {  	[tilespmem:s1], [sflag:$0x1] =	stream.indirect_vreg.gather [hbm4b:s2+s4], $0x80, v4, vm0, $0xb8;
	[tilespmem:$0x18380] =	vst v63  }
0x7a: {  	s1 =	simm.s32 $0x8B80  }
0x7b: {  	[tilespmem:s1], [sflag:$0x1] =	stream.indirect_vreg.gather [hbm4b:s2+s4], $0x80, v3, vm0, $0xb8;
	[tilespmem:$0x18380] =	vst v63  }
0x7c: {  	v3 =	vld [tilespmem:s11+$0x90];
	_ =	sdelay $0x4  }
0x7d: {  	v49 =	vshll.u32 v3, $0x1  }
0x7e: {  	v3 =	vand.u32 $0x7, v3;
	v4 =	vand.u32 $0xFFFFFFF0, v49  }
0x7f: {  	v3 =	vor.u32 v3, v4  }
0x80: {  	v4 =	vperm.xlane v3, v0;
	_ =	sdelay $0x1  }
0x81: {  	v3 =	vperm.xlane v3, v2;
	v4 =	vadd.s32 v1, v4;
	_ =	sdelay $0x1  }
0x82: {  	v3 =	vadd.s32 v1, v3;
	_ =	sdelay $0x1  }
0x83: {  	s1 =	simm.s32 $0x9380  }
0x84: {  	[tilespmem:s1], [sflag:$0x1] =	stream.indirect_vreg.gather [hbm4b:s2+s4], $0x80, v4, vm0, $0xb8;
	[tilespmem:$0x18380] =	vst v63  }
0x85: {  	s1 =	simm.s32 $0x9B80  }
0x86: {  	[tilespmem:s1], [sflag:$0x1] =	stream.indirect_vreg.gather [hbm4b:s2+s4], $0x80, v3, vm0, $0xb8;
	[tilespmem:$0x18380] =	vst v63  }
0x87: {  	v3 =	vld [tilespmem:s11+$0xA0];
	_ =	sdelay $0x4  }
0x88: {  	v50 =	vshll.u32 v3, $0x1  }
0x89: {  	v3 =	vand.u32 $0x7, v3;
	v4 =	vand.u32 $0xFFFFFFF0, v50  }
0x8a: {  	v3 =	vor.u32 v3, v4  }
0x8b: {  	v4 =	vperm.xlane v3, v0;
	_ =	sdelay $0x1  }
0x8c: {  	v3 =	vperm.xlane v3, v2;
	v4 =	vadd.s32 v1, v4;
	_ =	sdelay $0x1  }
0x8d: {  	v3 =	vadd.s32 v1, v3;
	_ =	sdelay $0x1  }
0x8e: {  	s1 =	simm.s32 $0xA380  }
0x8f: {  	[tilespmem:s1], [sflag:$0x1] =	stream.indirect_vreg.gather [hbm4b:s2+s4], $0x80, v4, vm0, $0xb8;
	[tilespmem:$0x18380] =	vst v63  }
0x90: {  	s1 =	simm.s32 $0xAB80  }
0x91: {  	[tilespmem:s1], [sflag:$0x1] =	stream.indirect_vreg.gather [hbm4b:s2+s4], $0x80, v3, vm0, $0xb8;
	[tilespmem:$0x18380] =	vst v63  }
0x92: {  	v3 =	vld [tilespmem:s11+$0xB0];
	_ =	sdelay $0x4  }
0x93: {  	v51 =	vshll.u32 v3, $0x1  }
0x94: {  	v3 =	vand.u32 $0x7, v3;
	v4 =	vand.u32 $0xFFFFFFF0, v51  }
0x95: {  	v3 =	vor.u32 v3, v4  }
0x96: {  	v4 =	vperm.xlane v3, v0;
	_ =	sdelay $0x1  }
0x97: {  	v3 =	vperm.xlane v3, v2;
	v4 =	vadd.s32 v1, v4;
	_ =	sdelay $0x1  }
0x98: {  	v3 =	vadd.s32 v1, v3;
	_ =	sdelay $0x1  }
0x99: {  	s1 =	simm.s32 $0xB380  }
0x9a: {  	[tilespmem:s1], [sflag:$0x1] =	stream.indirect_vreg.gather [hbm4b:s2+s4], $0x80, v4, vm0, $0xb8;
	[tilespmem:$0x18380] =	vst v63  }
0x9b: {  	s1 =	simm.s32 $0xBB80  }
0x9c: {  	[tilespmem:s1], [sflag:$0x1] =	stream.indirect_vreg.gather [hbm4b:s2+s4], $0x80, v3, vm0, $0xb8;
	[tilespmem:$0x18380] =	vst v63  }
0x9d: {  	v3 =	vld [tilespmem:s11+$0xC0];
	_ =	sdelay $0x4  }
0x9e: {  	v52 =	vshll.u32 v3, $0x1  }
0x9f: {  	v3 =	vand.u32 $0x7, v3;
	v4 =	vand.u32 $0xFFFFFFF0, v52  }
0xa0: {  	v3 =	vor.u32 v3, v4  }
0xa1: {  	v4 =	vperm.xlane v3, v0;
	_ =	sdelay $0x1  }
0xa2: {  	v3 =	vperm.xlane v3, v2;
	v4 =	vadd.s32 v1, v4;
	_ =	sdelay $0x1  }
0xa3: {  	v3 =	vadd.s32 v1, v3;
	_ =	sdelay $0x1  }
0xa4: {  	s1 =	simm.s32 $0xC380  }
0xa5: {  	[tilespmem:s1], [sflag:$0x1] =	stream.indirect_vreg.gather [hbm4b:s2+s4], $0x80, v4, vm0, $0xb8;
	[tilespmem:$0x18380] =	vst v63  }
0xa6: {  	s1 =	simm.s32 $0xCB80  }
0xa7: {  	[tilespmem:s1], [sflag:$0x1] =	stream.indirect_vreg.gather [hbm4b:s2+s4], $0x80, v3, vm0, $0xb8;
	[tilespmem:$0x18380] =	vst v63  }
0xa8: {  	v3 =	vld [tilespmem:s11+$0xD0];
	_ =	sdelay $0x4  }
0xa9: {  	v53 =	vshll.u32 v3, $0x1  }
0xaa: {  	v3 =	vand.u32 $0x7, v3;
	v4 =	vand.u32 $0xFFFFFFF0, v53  }
0xab: {  	v3 =	vor.u32 v3, v4  }
0xac: {  	v4 =	vperm.xlane v3, v0;
	_ =	sdelay $0x1  }
0xad: {  	v3 =	vperm.xlane v3, v2;
	v4 =	vadd.s32 v1, v4;
	_ =	sdelay $0x1  }
0xae: {  	v3 =	vadd.s32 v1, v3;
	_ =	sdelay $0x2  }
0xaf: {  	[tilespmem:s16], [sflag:$0x1] =	stream.indirect_vreg.gather [hbm4b:s2+s4], $0x80, v4, vm0, $0xb8;
	[tilespmem:$0x18380] =	vst v63  }
0xb0: {  	_ = 	snop  }
0xb1: {  	[tilespmem:s31], [sflag:$0x1] =	stream.indirect_vreg.gather [hbm4b:s2+s4], $0x80, v3, vm0, $0xb8;
	[tilespmem:$0x18380] =	vst v63  }
0xb2: {  	v3 =	vld [tilespmem:s11+$0xE0];
	_ =	sdelay $0x4  }
0xb3: {  	v54 =	vshll.u32 v3, $0x1  }
0xb4: {  	v3 =	vand.u32 $0x7, v3;
	v4 =	vand.u32 $0xFFFFFFF0, v54  }
0xb5: {  	v3 =	vor.u32 v3, v4  }
0xb6: {  	v4 =	vperm.xlane v3, v0;
	_ =	sdelay $0x1  }
0xb7: {  	v3 =	vperm.xlane v3, v2;
	v4 =	vadd.s32 v1, v4;
	_ =	sdelay $0x1  }
0xb8: {  	v3 =	vadd.s32 v1, v3;
	_ =	sdelay $0x2  }
0xb9: {  	[tilespmem:s15], [sflag:$0x1] =	stream.indirect_vreg.gather [hbm4b:s2+s4], $0x80, v4, vm0, $0xb8;
	[tilespmem:$0x18380] =	vst v63  }
0xba: {  	_ = 	snop  }
0xbb: {  	[tilespmem:s30], [sflag:$0x1] =	stream.indirect_vreg.gather [hbm4b:s2+s4], $0x80, v3, vm0, $0xb8;
	[tilespmem:$0x18380] =	vst v63  }
0xbc: {  	v3 =	vld [tilespmem:s11+$0xF0];
	_ =	sdelay $0x4  }
0xbd: {  	v55 =	vshll.u32 v3, $0x1  }
0xbe: {  	v3 =	vand.u32 $0x7, v3;
	v4 =	vand.u32 $0xFFFFFFF0, v55  }
0xbf: {  	v3 =	vor.u32 v3, v4  }
0xc0: {  	v4 =	vperm.xlane v3, v0;
	_ =	sdelay $0x1  }
0xc1: {  	v3 =	vperm.xlane v3, v2;
	v4 =	vadd.s32 v1, v4;
	_ =	sdelay $0x1  }
0xc2: {  	v3 =	vadd.s32 v1, v3;
	_ =	sdelay $0x2  }
0xc3: {  	[tilespmem:s14], [sflag:$0x1] =	stream.indirect_vreg.gather [hbm4b:s2+s4], $0x80, v4, vm0, $0xb8;
	[tilespmem:$0x18380] =	vst v63  }
0xc4: {  	_ = 	snop  }
0xc5: {  	[tilespmem:s29], [sflag:$0x1] =	stream.indirect_vreg.gather [hbm4b:s2+s4], $0x80, v3, vm0, $0xb8;
	[tilespmem:$0x18380] =	vst v63  }
0xc6: {  	v3 =	vld [tilespmem:s11+$0x100];
	_ =	sdelay $0x4  }
0xc7: {  	v56 =	vshll.u32 v3, $0x1  }
0xc8: {  	v3 =	vand.u32 $0x7, v3;
	v4 =	vand.u32 $0xFFFFFFF0, v56  }
0xc9: {  	v3 =	vor.u32 v3, v4  }
0xca: {  	v4 =	vperm.xlane v3, v0;
	_ =	sdelay $0x1  }
0xcb: {  	v3 =	vperm.xlane v3, v2;
	v4 =	vadd.s32 v1, v4;
	_ =	sdelay $0x1  }
0xcc: {  	v3 =	vadd.s32 v1, v3;
	_ =	sdelay $0x2  }
0xcd: {  	[tilespmem:s13], [sflag:$0x1] =	stream.indirect_vreg.gather [hbm4b:s2+s4], $0x80, v4, vm0, $0xb8;
	[tilespmem:$0x18380] =	vst v63  }
0xce: {  	_ = 	snop  }
0xcf: {  	[tilespmem:s28], [sflag:$0x1] =	stream.indirect_vreg.gather [hbm4b:s2+s4], $0x80, v3, vm0, $0xb8;
	[tilespmem:$0x18380] =	vst v63  }
0xd0: {  	v3 =	vld [tilespmem:s11+$0x110];
	_ =	sdelay $0x4  }
0xd1: {  	v57 =	vshll.u32 v3, $0x1  }
0xd2: {  	v3 =	vand.u32 $0x7, v3;
	v4 =	vand.u32 $0xFFFFFFF0, v57  }
0xd3: {  	v3 =	vor.u32 v3, v4  }
0xd4: {  	v4 =	vperm.xlane v3, v0;
	_ =	sdelay $0x1  }
0xd5: {  	v3 =	vperm.xlane v3, v2;
	v4 =	vadd.s32 v1, v4;
	_ =	sdelay $0x1  }
0xd6: {  	v3 =	vadd.s32 v1, v3;
	_ =	sdelay $0x2  }
0xd7: {  	[tilespmem:s25], [sflag:$0x1] =	stream.indirect_vreg.gather [hbm4b:s2+s4], $0x80, v4, vm0, $0xb8;
	[tilespmem:$0x18380] =	vst v63  }
0xd8: {  	_ = 	snop  }
0xd9: {  	[tilespmem:s12], [sflag:$0x1] =	stream.indirect_vreg.gather [hbm4b:s2+s4], $0x80, v3, vm0, $0xb8;
	[tilespmem:$0x18380] =	vst v63  }
0xda: {  	v3 =	vld [tilespmem:s11+$0x120];
	_ =	sdelay $0x4  }
0xdb: {  	v58 =	vshll.u32 v3, $0x1  }
0xdc: {  	v3 =	vand.u32 $0x7, v3;
	v4 =	vand.u32 $0xFFFFFFF0, v58  }
0xdd: {  	v3 =	vor.u32 v3, v4  }
0xde: {  	v4 =	vperm.xlane v3, v0;
	_ =	sdelay $0x1  }
0xdf: {  	v3 =	vperm.xlane v3, v2;
	v4 =	vadd.s32 v1, v4;
	_ =	sdelay $0x1  }
0xe0: {  	v3 =	vadd.s32 v1, v3;
	_ =	sdelay $0x2  }
0xe1: {  	[tilespmem:s24], [sflag:$0x1] =	stream.indirect_vreg.gather [hbm4b:s2+s4], $0x80, v4, vm0, $0xb8;
	[tilespmem:$0x18380] =	vst v63  }
0xe2: {  	_ = 	snop  }
0xe3: {  	[tilespmem:s26], [sflag:$0x1] =	stream.indirect_vreg.gather [hbm4b:s2+s4], $0x80, v3, vm0, $0xb8;
	[tilespmem:$0x18380] =	vst v63  }
0xe4: {  	v3 =	vld [tilespmem:s11+$0x130];
	_ =	sdelay $0x4  }
0xe5: {  	v59 =	vshll.u32 v3, $0x1  }
0xe6: {  	v3 =	vand.u32 $0x7, v3;
	v4 =	vand.u32 $0xFFFFFFF0, v59  }
0xe7: {  	v3 =	vor.u32 v3, v4  }
0xe8: {  	v4 =	vperm.xlane v3, v0;
	_ =	sdelay $0x1  }
0xe9: {  	v3 =	vperm.xlane v3, v2;
	v4 =	vadd.s32 v1, v4;
	_ =	sdelay $0x1  }
0xea: {  	v3 =	vadd.s32 v1, v3;
	_ =	sdelay $0x2  }
0xeb: {  	[tilespmem:s23], [sflag:$0x1] =	stream.indirect_vreg.gather [hbm4b:s2+s4], $0x80, v4, vm0, $0xb8;
	[tilespmem:$0x18380] =	vst v63  }
0xec: {  	_ = 	snop  }
0xed: {  	[tilespmem:s0], [sflag:$0x1] =	stream.indirect_vreg.gather [hbm4b:s2+s4], $0x80, v3, vm0, $0xb8;
	[tilespmem:$0x18380] =	vst v63  }
0xee: {  	v3 =	vld [tilespmem:s11+$0x140];
	_ =	sdelay $0x4  }
0xef: {  	v60 =	vshll.u32 v3, $0x1  }
0xf0: {  	v3 =	vand.u32 $0x7, v3;
	v4 =	vand.u32 $0xFFFFFFF0, v60  }
0xf1: {  	v3 =	vor.u32 v3, v4  }
0xf2: {  	v4 =	vperm.xlane v3, v0;
	_ =	sdelay $0x1  }
0xf3: {  	v3 =	vperm.xlane v3, v2;
	v4 =	vadd.s32 v1, v4;
	_ =	sdelay $0x1  }
0xf4: {  	v3 =	vadd.s32 v1, v3;
	_ =	sdelay $0x2  }
0xf5: {  	[tilespmem:s18], [sflag:$0x1] =	stream.indirect_vreg.gather [hbm4b:s2+s4], $0x80, v4, vm0, $0xb8;
	[tilespmem:$0x18380] =	vst v63  }
0xf6: {  	_ = 	snop  }
0xf7: {  	[tilespmem:s6], [sflag:$0x1] =	stream.indirect_vreg.gather [hbm4b:s2+s4], $0x80, v3, vm0, $0xb8;
	[tilespmem:$0x18380] =	vst v63  }
0xf8: {  	v3 =	vld [tilespmem:s11+$0x150];
	_ =	sdelay $0x4  }
0xf9: {  	v61 =	vshll.u32 v3, $0x1  }
0xfa: {  	v3 =	vand.u32 $0x7, v3;
	v4 =	vand.u32 $0xFFFFFFF0, v61  }
0xfb: {  	v3 =	vor.u32 v3, v4  }
0xfc: {  	v4 =	vperm.xlane v3, v0;
	_ =	sdelay $0x1  }
0xfd: {  	v3 =	vperm.xlane v3, v2;
	v4 =	vadd.s32 v1, v4;
	_ =	sdelay $0x1  }
0xfe: {  	v3 =	vadd.s32 v1, v3;
	_ =	sdelay $0x2  }
0xff: {  	[tilespmem:s19], [sflag:$0x1] =	stream.indirect_vreg.gather [hbm4b:s2+s4], $0x80, v4, vm0, $0xb8;
	[tilespmem:$0x18380] =	vst v63  }
0x100: {  	_ = 	snop  }
0x101: {  	[tilespmem:s7], [sflag:$0x1] =	stream.indirect_vreg.gather [hbm4b:s2+s4], $0x80, v3, vm0, $0xb8;
	[tilespmem:$0x18380] =	vst v63  }
0x102: {  	v3 =	vld [tilespmem:s11+$0x160];
	_ =	sdelay $0x4  }
0x103: {  	v62 =	vshll.u32 v3, $0x1  }
0x104: {  	v3 =	vand.u32 $0x7, v3;
	v4 =	vand.u32 $0xFFFFFFF0, v62  }
0x105: {  	v3 =	vor.u32 v3, v4  }
0x106: {  	v4 =	vperm.xlane v3, v0;
	_ =	sdelay $0x1  }
0x107: {  	v3 =	vperm.xlane v3, v2;
	v4 =	vadd.s32 v1, v4;
	_ =	sdelay $0x1  }
0x108: {  	v3 =	vadd.s32 v1, v3;
	_ =	sdelay $0x2  }
0x109: {  	[tilespmem:s20], [sflag:$0x1] =	stream.indirect_vreg.gather [hbm4b:s2+s4], $0x80, v4, vm0, $0xb8;
	[tilespmem:$0x18380] =	vst v63  }
0x10a: {  	_ = 	snop  }
0x10b: {  	[tilespmem:s8], [sflag:$0x1] =	stream.indirect_vreg.gather [hbm4b:s2+s4], $0x80, v3, vm0, $0xb8;
	[tilespmem:$0x18380] =	vst v63  }
0x10c: {  	v3 =	vld [tilespmem:s11+$0x170];
	_ =	sdelay $0x4  }
0x10d: {  	v63 =	vshll.u32 v3, $0x1  }
0x10e: {  	v3 =	vand.u32 $0x7, v3;
	v4 =	vand.u32 $0xFFFFFFF0, v63  }
0x10f: {  	v3 =	vor.u32 v3, v4  }
0x110: {  	v4 =	vperm.xlane v3, v0;
	_ =	sdelay $0x1  }
0x111: {  	v3 =	vperm.xlane v3, v2;
	v4 =	vadd.s32 v1, v4;
	_ =	sdelay $0x1  }
0x112: {  	v3 =	vadd.s32 v1, v3;
	_ =	sdelay $0x2  }
0x113: {  	[tilespmem:s21], [sflag:$0x1] =	stream.indirect_vreg.gather [hbm4b:s2+s4], $0x80, v4, vm0, $0xb8;
	[tilespmem:$0x18380] =	vst v63  }
0x114: {  	s11 =	simm.s32 $0x1  }
0x115: {  	[tilespmem:s17], [sflag:$0x1] =	stream.indirect_vreg.gather [hbm4b:s2+s4], $0x80, v3, vm0, $0xb8;
	[tilespmem:$0x18380] =	vst v63  }
0x116: {  	_ =	swait.ge [sflag:s11], $0x8000  }
0x117: {  	[sflag:s11] =	ssyncset.done $0x0  }
0x118: {  	[sflag:s11] =	ssyncadd.s32 $0xFFFF8000  }
0x119: {  	_ =	swait.ge [sflag:s11], $0x8000  }
0x11a: {  	[sflag:s11] =	ssyncset.done $0x0  }
0x11b: {  	[sflag:s11] =	ssyncadd.s32 $0xFFFF8000  }
0x11c: {  	s22 =	sadd.s32 s3, s22;
	_ =	swait.ge [sflag:s11], $0x8000  }
0x11d: {  	p1 =	por p0, p0;
	s22 =	sshll.u32 s22, $0x5;
	[sflag:s11] =	ssyncset.done $0x0  }
.Ltmp0:
0x11e: {  	s22 =	sadd.s32 s5, s22;
	[sflag:s11] =	ssyncadd.s32 $0xFFFF8000;
	(pc) =	sbr.rel @p1 .LBB2_2-.Ltmp0, $4  }
0x11f: {  	[hbm4b:s22+s4] =	stream.linear.scatter [tilespmem:s10], [sflag:$0x2], $0x18000, $0x38;
	[tilespmem:$0x18380] =	vst v63  }
0x120: {  	_ =	swait.ge [sflag:s9], $0x18000  }
0x121: {  	[sflag:s9] =	ssyncset.done $0x0  }
0x122: {  	p0 =	por $0x0, $0x0;
	[sflag:s9] =	ssyncadd.s32 $0xFFFE8000  }
0x123: {  	v3 =	vld [tilespmem:$0x300];
	_ =	sdelay $0x4  }
0x124: {  	v4 =	vshll.u32 v3, $0x1  }
0x125: {  	v3 =	vand.u32 $0x7, v3;
	v4 =	vand.u32 $0xFFFFFFF0, v4  }
0x126: {  	v3 =	vor.u32 v3, v4  }
0x127: {  	v4 =	vperm.xlane v3, v0;
	_ =	sdelay $0x1  }
0x128: {  	v3 =	vperm.xlane v3, v2;
	v4 =	vadd.s32 v1, v4;
	_ =	sdelay $0x1  }
0x129: {  	v3 =	vadd.s32 v1, v3;
	_ =	sdelay $0x2  }
0x12a: {  	[tilespmem:s10], [sflag:$0x1] =	stream.indirect_vreg.gather [hbm4b:s2+s4], $0x80, v4, vm0, $0xb8;
	[tilespmem:$0x18380] =	vst v63  }
0x12b: {  	s0 =	simm.s32 $0xB80  }
0x12c: {  	[tilespmem:s0], [sflag:$0x1] =	stream.indirect_vreg.gather [hbm4b:s2+s4], $0x80, v3, vm0, $0xb8;
	[tilespmem:$0x18380] =	vst v63  }
0x12d: {  	v3 =	vld [tilespmem:$0x310];
	_ =	sdelay $0x4  }
0x12e: {  	v57 =	vshll.u32 v3, $0x1  }
0x12f: {  	v3 =	vand.u32 $0x7, v3;
	v4 =	vand.u32 $0xFFFFFFF0, v57  }
0x130: {  	v3 =	vor.u32 v3, v4  }
0x131: {  	v4 =	vperm.xlane v3, v0;
	_ =	sdelay $0x1  }
0x132: {  	v3 =	vperm.xlane v3, v2;
	v4 =	vadd.s32 v1, v4;
	_ =	sdelay $0x1  }
0x133: {  	v3 =	vadd.s32 v1, v3;
	_ =	sdelay $0x1  }
0x134: {  	s11 =	simm.s32 $0x1380  }
0x135: {  	[tilespmem:s11], [sflag:$0x1] =	stream.indirect_vreg.gather [hbm4b:s2+s4], $0x80, v4, vm0, $0xb8;
	[tilespmem:$0x18380] =	vst v63  }
0x136: {  	s22 =	simm.s32 $0x1B80  }
0x137: {  	[tilespmem:s22], [sflag:$0x1] =	stream.indirect_vreg.gather [hbm4b:s2+s4], $0x80, v3, vm0, $0xb8;
	[tilespmem:$0x18380] =	vst v63  }
0x138: {  	v3 =	vld [tilespmem:$0x320];
	_ =	sdelay $0x4  }
0x139: {  	v58 =	vshll.u32 v3, $0x1  }
0x13a: {  	v3 =	vand.u32 $0x7, v3;
	v4 =	vand.u32 $0xFFFFFFF0, v58  }
0x13b: {  	v3 =	vor.u32 v3, v4  }
0x13c: {  	v4 =	vperm.xlane v3, v0;
	_ =	sdelay $0x1  }
0x13d: {  	v3 =	vperm.xlane v3, v2;
	v4 =	vadd.s32 v1, v4;
	_ =	sdelay $0x1  }
0x13e: {  	v3 =	vadd.s32 v1, v3;
	_ =	sdelay $0x1  }
0x13f: {  	s1 =	simm.s32 $0x2380  }
0x140: {  	[tilespmem:s1], [sflag:$0x1] =	stream.indirect_vreg.gather [hbm4b:s2+s4], $0x80, v4, vm0, $0xb8;
	[tilespmem:$0x18380] =	vst v63  }
0x141: {  	s11 =	simm.s32 $0x2B80  }
0x142: {  	[tilespmem:s11], [sflag:$0x1] =	stream.indirect_vreg.gather [hbm4b:s2+s4], $0x80, v3, vm0, $0xb8;
	[tilespmem:$0x18380] =	vst v63  }
0x143: {  	v3 =	vld [tilespmem:$0x330];
	_ =	sdelay $0x4  }
0x144: {  	v59 =	vshll.u32 v3, $0x1  }
0x145: {  	v3 =	vand.u32 $0x7, v3;
	v4 =	vand.u32 $0xFFFFFFF0, v59  }
0x146: {  	v3 =	vor.u32 v3, v4  }
0x147: {  	v4 =	vperm.xlane v3, v0;
	_ =	sdelay $0x1  }
0x148: {  	v3 =	vperm.xlane v3, v2;
	v4 =	vadd.s32 v1, v4;
	_ =	sdelay $0x1  }
0x149: {  	v3 =	vadd.s32 v1, v3;
	_ =	sdelay $0x1  }
0x14a: {  	s22 =	simm.s32 $0x3380  }
0x14b: {  	[tilespmem:s22], [sflag:$0x1] =	stream.indirect_vreg.gather [hbm4b:s2+s4], $0x80, v4, vm0, $0xb8;
	[tilespmem:$0x18380] =	vst v63  }
0x14c: {  	s1 =	simm.s32 $0x3B80  }
0x14d: {  	[tilespmem:s1], [sflag:$0x1] =	stream.indirect_vreg.gather [hbm4b:s2+s4], $0x80, v3, vm0, $0xb8;
	[tilespmem:$0x18380] =	vst v63  }
0x14e: {  	v3 =	vld [tilespmem:$0x340];
	_ =	sdelay $0x4  }
0x14f: {  	v60 =	vshll.u32 v3, $0x1  }
0x150: {  	v3 =	vand.u32 $0x7, v3;
	v4 =	vand.u32 $0xFFFFFFF0, v60  }
0x151: {  	v3 =	vor.u32 v3, v4  }
0x152: {  	v4 =	vperm.xlane v3, v0;
	_ =	sdelay $0x1  }
0x153: {  	v3 =	vperm.xlane v3, v2;
	v4 =	vadd.s32 v1, v4;
	_ =	sdelay $0x1  }
0x154: {  	v3 =	vadd.s32 v1, v3;
	_ =	sdelay $0x1  }
0x155: {  	s11 =	simm.s32 $0x4380  }
0x156: {  	[tilespmem:s11], [sflag:$0x1] =	stream.indirect_vreg.gather [hbm4b:s2+s4], $0x80, v4, vm0, $0xb8;
	[tilespmem:$0x18380] =	vst v63  }
0x157: {  	s22 =	simm.s32 $0x4B80  }
0x158: {  	[tilespmem:s22], [sflag:$0x1] =	stream.indirect_vreg.gather [hbm4b:s2+s4], $0x80, v3, vm0, $0xb8;
	[tilespmem:$0x18380] =	vst v63  }
0x159: {  	v3 =	vld [tilespmem:$0x350];
	_ =	sdelay $0x4  }
0x15a: {  	v61 =	vshll.u32 v3, $0x1  }
0x15b: {  	v3 =	vand.u32 $0x7, v3;
	v4 =	vand.u32 $0xFFFFFFF0, v61  }
0x15c: {  	v3 =	vor.u32 v3, v4  }
0x15d: {  	v4 =	vperm.xlane v3, v0;
	_ =	sdelay $0x1  }
0x15e: {  	v3 =	vperm.xlane v3, v2;
	v4 =	vadd.s32 v1, v4;
	_ =	sdelay $0x1  }
0x15f: {  	v3 =	vadd.s32 v1, v3;
	_ =	sdelay $0x1  }
0x160: {  	s1 =	simm.s32 $0x5380  }
0x161: {  	[tilespmem:s1], [sflag:$0x1] =	stream.indirect_vreg.gather [hbm4b:s2+s4], $0x80, v4, vm0, $0xb8;
	[tilespmem:$0x18380] =	vst v63  }
0x162: {  	s11 =	simm.s32 $0x5B80  }
0x163: {  	[tilespmem:s11], [sflag:$0x1] =	stream.indirect_vreg.gather [hbm4b:s2+s4], $0x80, v3, vm0, $0xb8;
	[tilespmem:$0x18380] =	vst v63  }
0x164: {  	v3 =	vld [tilespmem:$0x360];
	_ =	sdelay $0x4  }
0x165: {  	v62 =	vshll.u32 v3, $0x1  }
0x166: {  	v3 =	vand.u32 $0x7, v3;
	v4 =	vand.u32 $0xFFFFFFF0, v62  }
0x167: {  	v3 =	vor.u32 v3, v4  }
0x168: {  	v4 =	vperm.xlane v3, v0;
	_ =	sdelay $0x1  }
0x169: {  	v3 =	vperm.xlane v3, v2;
	v4 =	vadd.s32 v1, v4;
	_ =	sdelay $0x1  }
0x16a: {  	v3 =	vadd.s32 v1, v3;
	_ =	sdelay $0x1  }
0x16b: {  	s22 =	simm.s32 $0x6380  }
0x16c: {  	[tilespmem:s22], [sflag:$0x1] =	stream.indirect_vreg.gather [hbm4b:s2+s4], $0x80, v4, vm0, $0xb8;
	[tilespmem:$0x18380] =	vst v63  }
0x16d: {  	s1 =	simm.s32 $0x6B80  }
0x16e: {  	[tilespmem:s1], [sflag:$0x1] =	stream.indirect_vreg.gather [hbm4b:s2+s4], $0x80, v3, vm0, $0xb8;
	[tilespmem:$0x18380] =	vst v63  }
0x16f: {  	v3 =	vld [tilespmem:$0x370];
	_ =	sdelay $0x4  }
0x170: {  	v63 =	vshll.u32 v3, $0x1  }
0x171: {  	v3 =	vand.u32 $0x7, v3;
	v4 =	vand.u32 $0xFFFFFFF0, v63  }
0x172: {  	v3 =	vor.u32 v3, v4  }
0x173: {  	v4 =	vperm.xlane v3, v0;
	_ =	sdelay $0x1  }
0x174: {  	v3 =	vperm.xlane v3, v2;
	v4 =	vadd.s32 v1, v4;
	_ =	sdelay $0x1  }
0x175: {  	v3 =	vadd.s32 v1, v3;
	_ =	sdelay $0x1  }
0x176: {  	s11 =	simm.s32 $0x7380  }
0x177: {  	[tilespmem:s11], [sflag:$0x1] =	stream.indirect_vreg.gather [hbm4b:s2+s4], $0x80, v4, vm0, $0xb8;
	[tilespmem:$0x18380] =	vst v63  }
0x178: {  	s22 =	simm.s32 $0x7B80;
	s1 =	simm.s32 $0x1  }
0x179: {  	[tilespmem:s22], [sflag:$0x1] =	stream.indirect_vreg.gather [hbm4b:s2+s4], $0x80, v3, vm0, $0xb8;
	[tilespmem:$0x18380] =	vst v63  }
0x17a: {  	_ =	swait.ge [sflag:s1], $0x8000  }
0x17b: {  	[sflag:s1] =	ssyncset.done $0x0  }
0x17c: {  	s22 =	simm.s32 $0x3;
	s11 =	rddreg [dreg:$0x4];
	[sflag:s1] =	ssyncadd.s32 $0xFFFF8000  }
0x17d: {  	[hbm4b:s11+s4] =	stream.linear.scatter [tilespmem:s10], [sflag:$0x3], $0x8000, $0x38;
	[tilespmem:$0x18380] =	vst v63  }
0x17e: {  	_ =	swait.ge [sflag:s22], $0x8000  }
0x17f: {  	s11 =	rddreg [dreg:$0x6]  }
0x180: {  	s1 =	rddreg [dreg:$0x5];
	s0 =	sadd.s32 $0x1, s11  }
0x181: {  	p0 =	sne.s32 s0, s1  }
.Ltmp1:
0x182: {  	_ = 	snop;
	(pc) =	sbr.rel @p0 .LBB2_1-.Ltmp1, $3  }
0x183: {  	_ =	sdelay $0x1  }
0x184: {  	[sflag:s22] =	ssyncset.done $0x0  }
0x185: {  	[sflag:s22] =	ssyncadd.s32 $0xFFFF8000  }
0x186: {  	_ =	sfence.sel $0x180000  }
0x187: {  	[bflag:$0x0] =	sbarrier.arrive $0xFFFF  }
0x188: {  	_ =	strace $0x90000062  }
0x189: {  	s0 =	stileid.u32;
	[bflag:$0x2] =	sbarrier.arrive $0xFFFF  }
0x18a: {  	p0 =	sne.s32 s0, $0x0;
	s0 =	rddreg [dreg:$0x2]  }
0x18b: {  	s0 =	sadd.s32 @!p0 $0x100000, s0  }
0x18c: {  	[sflag:s0] =	ssyncadd.tile.s32 @!p0 $0x1;
	_ =	shalt  }
.Lfunc_end2:
_tile_overlayer_lowered:
.L_overlay_start_2:
0x18d: {  	(tag) =	ssettag $0x2  }
0x18e: {  	s0 =	rddreg [dreg:$0x0];
	s2 =	stileid.u32  }
0x18f: {  	s1 =	rddreg [dreg:$0x1];
	p0 =	sne.s32 s2, $0x0  }
0x190: {  	s3 =	rddreg [dreg:$0x2];
	[bflag:$0x3] =	sbarrier.arrive $0xFFFF;
	s2 =	simm.s32 @!p0 $0x1C03  }
0x191: {  	[timem:s3], [sflag:s2] =	dma.local @!p0 [hbm:s0], s1  }
0x192: {  	s0 =	simm.s32 @!p0 $0x3  }
0x193: {  	_ =	swait.ge @!p0 [sflag:s0], s1  }
0x194: {  	s1 =	ssub.s32 @!p0 $0x0, s1;
	[sflag:s0] =	ssyncset.done @!p0 $0x0  }
0x195: {  	[sflag:s0] =	ssyncadd.s32 @!p0 s1  }
0x196: {  	[bflag:$0x3] =	sbarrier.arrive $0xFFFF  }
0x197: {  	_ =	shalt  }

// kernel: kernel.20.cloned.1.call-start
scs
__scs_entry_jumppad:
0x0: {  	(pc) =	sbr.rel $0x88, $3  }
0x1: {  	(tag) =	ssettag $0x0;
	lr =	simm.s32 $0x1  }
0x2: {  	[smem:$0x3F91] =	sst lr;
	_ =	strace $0xD0000000  }
0x3: {  	_ = 	snop  }
0x4: {  	_ = 	snop  }
0x5: {  	_ = 	snop  }
0x6: {  	_ = 	snop  }
0x7: {  	_ = 	snop  }
__scs_overlays_trampoline_lowered:
0x8: {  	[smem:$0x3FA0] =	sst s0  }
0x9: {  	[smem:$0x3FA1] =	sst s1  }
0xa: {  	[smem:$0x3FA2] =	sst s2  }
0xb: {  	[smem:$0x3FA3] =	sst s3  }
0xc: {  	[smem:$0x3FA4] =	sst s4  }
0xd: {  	[smem:$0x3FA5] =	sst s5  }
0xe: {  	[smem:$0x3FA6] =	sst s6  }
0xf: {  	[smem:$0x3FA7] =	sst s7  }
0x10: {  	[smem:$0x3FA8] =	sst s8  }
0x11: {  	[smem:$0x3FA9] =	sst s9;
	s0 =	simm.s32 @!p0 $0x0  }
0x12: {  	s1 =	sld [smem:$0x3F8F];
	s0 =	simm.s32 @p0 $0x1  }
0x13: {  	[smem:$0x3FAA] =	sst s0;
	s0 =	simm.s32 @!p1 $0x0  }
0x14: {  	s2 =	sld [smem:$0x3F8E];
	s0 =	simm.s32 @p1 $0x1  }
0x15: {  	[smem:$0x3FAB] =	sst s0;
	s0 =	simm.s32 @!p2 $0x0  }
0x16: {  	s3 =	sld [smem:$0x3FDB];
	s0 =	simm.s32 @p2 $0x1  }
0x17: {  	s4 =	simm.s32 $0x1BF5;
	[smem:$0x3FAD] =	sst s0  }
0x18: {  	s0 =	sld [smem:$0x3F90];
	_ =	swait.ge [sflag:s4], $0x0  }
0x19: {  	s7 =	sld [smem:$0x3F91]  }
0x1a: {  	s8 =	sadd.s32 $0xFFFFE003, lr  }
0x1b: {  	s9 =	sadd.s32 $0xFFFFFEF7, lr;
	s5 =	simm.s32 $0xFFFFFFFF;
	p2 =	slt.u32 s8, $0xFFFFF086  }
0x1c: {  	p1 =	slt.u32 s9, $0xF7A;
	s5 =	simm.s32 @!p2 $0x0  }
0x1d: {  	s5 =	simm.s32 @p1 $0x1;
	p0 =	seq.s32 s7, s2  }
0x1e: {  	s7 =	smul.u32 @!p0 $0xF7A, s2;
	p2 =	seq.s32 @!p0 s5, $0x0  }
0x1f: {  	s9 =	smul.u32 $0xF7A, s1;
	s8 =	simm.s32 @!p0 $0x1BF5;
	p2 =	por !p2, p0  }
0x20: {  	[sflag:s8] =	ssyncset.s32 @!p0 $0xFFFFF086;
	s6 =	sadd.s32 @!p0 s3, s7;
	s7 =	simm.s32 @!p0 $0x108  }
0x21: {  	s3 =	sadd.s32 s3, s9;
	s6 =	sadd.s32 @!p0 $0x88, s6;
	s7 =	simm.s32 @p2 $0x1082  }
0x22: {  	[simem:s7], [sflag:s8] =	dma.local @!p0 [hbm:s6], $0xF7A  }
0x23: {  	s9 =	sor.u32 $0xD0000000, s2;
	s6 =	simm.s32 $0x108;
	_ =	swait.ge @!p0 [sflag:s8], $0x0  }
0x24: {  	s3 =	sadd.s32 $0x88, s3;
	s6 =	simm.s32 @!p1 $0x1082;
	[sflag:s4] =	ssyncset.s32 $0xFFFFF086  }
0x25: {  	[simem:s6], [sflag:s4] =	dma.local [hbm:s3], $0xF7A  }
0x26: {  	[smem:$0x3F91] =	sst s1;
	(tag) =	ssettag s2;
	_ =	strace s9  }
0x27: {  	s1 =	sld [smem:$0x3FA1]  }
0x28: {  	s2 =	sld [smem:$0x3FA2]  }
0x29: {  	s4 =	sld [smem:$0x3FA4]  }
0x2a: {  	p0 =	seq.s32 s5, $0x0;
	s5 =	sld [smem:$0x3FA5]  }
0x2b: {  	s6 =	sld [smem:$0x3FA6]  }
0x2c: {  	s7 =	sld [smem:$0x3FA7]  }
0x2d: {  	s3 =	simm.s32 $0x108;
	s8 =	sld [smem:$0x3FA8]  }
0x2e: {  	s3 =	simm.s32 @!p0 $0x1082;
	s9 =	sld [smem:$0x3FA9]  }
0x2f: {  	lr =	sadd.s32 s0, s3;
	s0 =	sld [smem:$0x3FA0]  }
0x30: {  	s3 =	sld [smem:$0x3FA3]  }
0x31: {  	[smem:$0x3FAC] =	sst s10  }
0x32: {  	s10 =	sld [smem:$0x3FAA];
	_ =	sdelay $0x3  }
0x33: {  	p0 =	seq.s32 s10, $0x1;
	s10 =	sld [smem:$0x3FAC];
	_ =	sdelay $0x3  }
0x34: {  	[smem:$0x3FAC] =	sst s10  }
0x35: {  	s10 =	sld [smem:$0x3FAB];
	_ =	sdelay $0x3  }
0x36: {  	p1 =	seq.s32 s10, $0x1;
	s10 =	sld [smem:$0x3FAC];
	_ =	sdelay $0x3  }
0x37: {  	[smem:$0x3FAC] =	sst s10  }
0x38: {  	s10 =	sld [smem:$0x3FAD]  }
0x39: {  	_ = 	snop;
	(pc) =	sbr.ind lr, $3  }
0x3a: {  	_ = 	snop  }
0x3b: {  	_ = 	snop  }
0x3c: {  	p2 =	seq.s32 s10, $0x1;
	s10 =	sld [smem:$0x3FAC]  }
0x3d: {  	_ =	shalt  }
0x3e: {  	_ =	shalt  }
0x3f: {  	_ =	shalt  }
0x40: {  	_ =	shalt  }
0x41: {  	_ =	shalt  }
0x42: {  	_ =	shalt  }
0x43: {  	_ =	shalt  }
0x44: {  	_ =	shalt  }
0x45: {  	_ =	shalt  }
0x46: {  	_ =	shalt  }
0x47: {  	_ =	shalt  }
0x48: {  	_ =	shalt  }
0x49: {  	_ =	shalt  }
0x4a: {  	_ =	shalt  }
0x4b: {  	_ =	shalt  }
0x4c: {  	_ =	shalt  }
0x4d: {  	_ =	shalt  }
0x4e: {  	_ =	shalt  }
0x4f: {  	_ =	shalt  }
0x50: {  	_ =	shalt  }
0x51: {  	_ =	shalt  }
0x52: {  	_ =	shalt  }
0x53: {  	_ =	shalt  }
0x54: {  	_ =	shalt  }
0x55: {  	_ =	shalt  }
0x56: {  	_ =	shalt  }
0x57: {  	_ =	shalt  }
0x58: {  	_ =	shalt  }
0x59: {  	_ =	shalt  }
0x5a: {  	_ =	shalt  }
0x5b: {  	_ =	shalt  }
0x5c: {  	_ =	shalt  }
0x5d: {  	_ =	shalt  }
0x5e: {  	_ =	shalt  }
0x5f: {  	_ =	shalt  }
0x60: {  	_ =	shalt  }
0x61: {  	_ =	shalt  }
0x62: {  	_ =	shalt  }
0x63: {  	_ =	shalt  }
0x64: {  	_ =	shalt  }
0x65: {  	_ =	shalt  }
0x66: {  	_ =	shalt  }
0x67: {  	_ =	shalt  }
0x68: {  	_ =	shalt  }
0x69: {  	_ =	shalt  }
0x6a: {  	_ =	shalt  }
0x6b: {  	_ =	shalt  }
0x6c: {  	_ =	shalt  }
0x6d: {  	_ =	shalt  }
0x6e: {  	_ =	shalt  }
0x6f: {  	_ =	shalt  }
0x70: {  	_ =	shalt  }
0x71: {  	_ =	shalt  }
0x72: {  	_ =	shalt  }
0x73: {  	_ =	shalt  }
0x74: {  	_ =	shalt  }
0x75: {  	_ =	shalt  }
0x76: {  	_ =	shalt  }
0x77: {  	_ =	shalt  }
0x78: {  	_ =	shalt  }
0x79: {  	_ =	shalt  }
0x7a: {  	_ =	shalt  }
0x7b: {  	_ =	shalt  }
0x7c: {  	_ =	shalt  }
0x7d: {  	_ =	shalt  }
0x7e: {  	_ =	shalt  }
0x7f: {  	_ =	shalt  }
0x80: {  	_ =	shalt  }
0x81: {  	_ =	shalt  }
0x82: {  	_ =	shalt  }
0x83: {  	_ =	shalt  }
0x84: {  	_ =	shalt  }
0x85: {  	_ =	shalt  }
0x86: {  	_ =	shalt  }
0x87: {  	_ =	shalt  }
.Lfunc_end0:
.L_simem_size_0:
called_computation.10_lowered:
.L_overlay_start_0:
0x88: {  	s2 =	sld [smem:$0x3FD9]  }
0x89: {  	s3 =	sld [smem:$0x3FFE];
	_ =	sdelay $0x1  }
0x8a: {  	s1 =	srdreg.scid  }
0x8b: {  	s0 =	sand.u32 $0x1, s1  }
0x8c: {  	s16 =	sshll.u32 s0, $0xA;
	s2 =	sadd.s32 s3, s2  }
0x8d: {  	s2 =	sadd.s32 s2, s16  }
0x8e: {  	[smem:$0x3FB8] =	sst s2  }
0x8f: {  	_ = 	snop  }
0x90: {  	(tm) =	ssettm $0x1  }
0x91: {  	s17 =	sld [smem:$0x3FFB];
	_ =	sdelay $0x3  }
0x92: {  	_ =	strace s17  }
0x93: {  	s2 =	sld [smem:$0x3FFC];
	_ =	sdelay $0x3  }
0x94: {  	_ =	strace s2  }
0x95: {  	s2 =	sld [smem:$0x3FFD];
	_ =	sdelay $0x3  }
0x96: {  	_ =	strace s2  }
0x97: {  	_ =	strace $0x8FFFFFFF  }
0x98: {  	s18 =	sld [smem:$0x3FDB];
	_ =	sdelay $0x1  }
0x99: {  	s19 =	simm.s32 $_scs_section_size  }
0x9a: {  	s4 =	simm.s32 $_size__tile_overlayer_lowered;
	s5 =	simm.s32 $_tile_overlayer_lowered  }
0x9b: {  	s22 =	simm.s32 $0x1BFF;
	s21 =	sshll.u32 s5, $0x1;
	s2 =	sadd.s32 s19, s18  }
0x9c: {  	s6 =	simm.s32 $0x0;
	s20 =	sshll.u32 s4, $0x1;
	s4 =	sadd.s32 s21, s2  }
0x9d: {  	[timem:s6], [sflag:s22] =	dma.local [hbm:s4], s20  }
0x9e: {  	_ =	swait.ge [sflag:s22], s20  }
0x9f: {  	s3 =	ssub.s32 $0x0, s20;
	[sflag:s22] =	ssyncset.done $0x0  }
0xa0: {  	[sflag:s22] =	ssyncadd.s32 s3;
	_ =	sdelay $0x1  }
0xa1: {  	s23 =	simm.s32 $0x1B8B  }
0xa2: {  	_ =	swait.ge [sflag:s23], $0x1  }
0xa3: {  	[sflag:s23] =	ssyncset.done $0x0  }
0xa4: {  	s25 =	simm.s32 $0x1B8E;
	s24 =	sld [smem:$0x3FFE];
	[sflag:s23] =	ssyncadd.s32 $0xFFFFFFFF  }
0xa5: {  	s26 =	simm.s32 $execute0_lowered;
	[smem:$0x3FD2] =	sst s25  }
0xa6: {  	s4 =	sshll.u32 s26, $0x1;
	_ =	strace $0x80000064;
	[dreg:$0x1] =	wrdreg $0xFFFFFFFF  }
0xa7: {  	s28 =	simm.s32 $_size_execute0_lowered;
	s2 =	sadd.s32 s2, s4;
	[dreg:$0x0] =	wrdreg $0x0  }
0xa8: {  	s4 =	sshll.u32 s28, $0x1;
	[dreg:$0x2] =	wrdreg s2  }
0xa9: {  	[dreg:$0x3] =	wrdreg s4  }
0xaa: {  	[dreg:$0x4] =	wrdreg $0xC0  }
0xab: {  	_ =	task [dreg:s6], $0x5FFFF  }
0xac: {  	[dreg:$0x1] =	wrdreg $0xFFFFFFFF  }
0xad: {  	[dreg:$0x0] =	wrdreg $0x60  }
0xae: {  	[dreg:$0x2] =	wrdreg s24  }
0xaf: {  	[dreg:$0x3] =	wrdreg $0x9  }
0xb0: {  	_ =	task.clear_ibuf [dreg:s6], $0x4FFFF;
	_ =	strace $0x90000064  }
0xb1: {  	s29 =	simm.s32 $0x9;
	_ =	strace $0x80000066  }
0xb2: {  	_ =	swait.ge [sflag:s29], $0x1  }
0xb3: {  	[sflag:s29] =	ssyncadd.s32 $0xFFFFFFFF  }
0xb4: {  	_ =	strace $0x90000066  }
0xb5: {  	_ =	sfence  }
0xb6: {  	s30 =	sld [smem:$0x0];
	_ =	sdelay $0x2  }
0xb7: {  	s31 =	sshll.u32 s1, $0xD;
	s1 =	sshrl.u32 s1, $0x2  }
0xb8: {  	s3 =	sand.u32 $0x4000, s31;
	s1 =	sadd.s32 s1, s30  }
0xb9: {  	s0 =	sor.u32 s3, s0;
	s1 =	sshll.u32 s1, $0x11  }
0xba: {  	s0 =	sor.u32 s1, s0  }
0xbb: {  	s0 =	sadd.s32 $0x8F2B, s0  }
0xbc: {  	[sflag:s0] =	ssyncadd.remote.s32 $0x1  }
0xbd: {  	_ =	sfence.sel $0xFFFF  }
0xbe: {  	[dreg:$0x0] =	wrdreg $0xFFFFFFFF;
	(pc) =	sbr.abs _section_cstart, $3  }
0xbf: {  	[dreg:$0x1] =	wrdreg $0xFFFFFFFF  }
0xc0: {  	_ =	task.clear_ibuf [dreg:s6], $0x2FFFF;
	_ =	strace $0x9FFFFFFF  }
0xc1: {  	(tm) =	ssettm $0x7FFFFFFF  }
tec
execute0_lowered:
.L_overlay_start_1:
0x0: {  	(tag) =	ssettag $0x1  }
0x1: {  	s2 =	stileid.u32  }
0x2: {  	s1 =	rddreg [dreg:$0x0];
	s3 =	sshll.u32 s2, $0x1;
	s2 =	simm.s32 $0x0  }
0x3: {  	s0 =	srdreg.scid;
	s11 =	simm.s32 $0x10280;
	[smem:$0x7FF] =	sst s2  }
0x4: {  	s12 =	simm.s32 $0x10A80;
	_ =	strace $0x80000065;
	[dreg:$0x6] =	wrdreg s11  }
0x5: {  	s13 =	simm.s32 $0x11280;
	s14 =	simm.s32 $0x11A80;
	[dreg:$0x7] =	wrdreg s12  }
0x6: {  	s15 =	simm.s32 $0x12280;
	s16 =	simm.s32 $0x12A80;
	[dreg:$0x8] =	wrdreg s13  }
0x7: {  	s17 =	simm.s32 $0x13280;
	s18 =	simm.s32 $0x13A80;
	[dreg:$0x9] =	wrdreg s14  }
0x8: {  	s19 =	simm.s32 $0x14280;
	s20 =	simm.s32 $0x14A80;
	[dreg:$0xa] =	wrdreg s15  }
0x9: {  	s21 =	simm.s32 $0x15280;
	s22 =	simm.s32 $0x15A80;
	[dreg:$0xb] =	wrdreg s16  }
0xa: {  	s23 =	simm.s32 $0x16280;
	s24 =	simm.s32 $0x16A80;
	[dreg:$0xc] =	wrdreg s17  }
0xb: {  	s25 =	simm.s32 $0x17280;
	s26 =	simm.s32 $0x17A80;
	[dreg:$0xd] =	wrdreg s18  }
0xc: {  	s28 =	simm.s32 $0x5A80;
	s29 =	simm.s32 $0x6280;
	[dreg:$0xe] =	wrdreg s19  }
0xd: {  	s30 =	simm.s32 $0x6A80;
	s31 =	simm.s32 $0x7280;
	[dreg:$0xf] =	wrdreg s20  }
0xe: {  	s7 =	simm.s32 $0x9280;
	s0 =	sand.u32 $0x1, s0;
	[dreg:$0x10] =	wrdreg s21  }
0xf: {  	s8 =	simm.s32 $0x9A80;
	s4 =	sor.u32 s0, s3;
	[dreg:$0x11] =	wrdreg s22  }
0x10: {  	s3 =	sadd.s32 $0xE5600, s1;
	s5 =	smul.u32 $0x50, s4;
	[dreg:$0x12] =	wrdreg s23  }
0x11: {  	s0 =	ssub.s32 $0x2, s0;
	s6 =	smul.u32 $0x28000, s4;
	[dreg:$0x13] =	wrdreg s24  }
0x12: {  	s4 =	smul.u32 $0x5000, s4;
	s9 =	sshrl.u32 s0, $0x1;
	[dreg:$0x14] =	wrdreg s25  }
0x13: {  	[dreg:$0x15] =	wrdreg s26;
	s12 =	simm.s32 $0x1;
	s16 =	simm.s32 $0xA80  }
0x14: {  	s17 =	simm.s32 $0x1280;
	s18 =	simm.s32 $0x1A80;
	s19 =	simm.s32 $0x2280  }
0x15: {  	s20 =	simm.s32 $0x2A80;
	s21 =	simm.s32 $0x3280;
	s23 =	simm.s32 $0x3A80  }
0x16: {  	s24 =	simm.s32 $0x4280;
	s25 =	simm.s32 $0x4A80;
	s26 =	simm.s32 $0x5280  }
0x17: {  	s13 =	simm.s32 $0x8280;
	s11 =	simm.s32 $0xB280;
	s22 =	simm.s32 $0xBA80  }
0x18: {  	s0 =	ssub.s32 s0, s9;
	s9 =	simm.s32 $0xA280;
	s5 =	sadd.s32 s5, s1  }
0x19: {  	s1 =	sadd.s32 $0x3200, s1;
	s6 =	sshrl.u32 s6, $0x3;
	s5 =	sadd.s32 $0x2800, s5  }
0x1a: {  	s4 =	sadd.s32 s1, s4;
	s1 =	sadd.s32 s1, s6;
	[dreg:$0x2] =	wrdreg s5  }
0x1b: {  	v2 =	vlaneseq.u32;
	[dreg:$0x3] =	wrdreg s4;
	s10 =	sadd.s32 $0x3000, s1;
	s1 =	sadd.s32 $0x4000, s1  }
0x1c: {  	vm0 =	vmmov $0xffff;
	v1 =	vshrl.u32 v2, $0x3;
	s4 =	smax.u32 s0, $0x1;
	s5 =	simm.s32 $0x3;
	[dreg:$0x4] =	wrdreg s10  }
0x1d: {  	v0 =	vand.u32 $0x7, v2;
	v2 =	vor.u32 $0x8, v2;
	v1 =	vmul.u32 $0x8, v1;
	[dreg:$0x5] =	wrdreg s1;
	s1 =	simm.s32 $0x7A80;
	s10 =	simm.s32 $0xAA80  }
.LBB2_1:
0x1e: {  	s14 =	rddreg [dreg:$0x2]  }
0x1f: {  	[tilespmem:s2], [sflag:$0x3] =	stream.linear.gather [hbm4b:s14+s2], $0x280, $0x38;
	[tilespmem:$0x18280] =	vst v63  }
0x20: {  	_ =	swait.ge [sflag:s5], $0x280  }
0x21: {  	[sflag:s5] =	ssyncset.done $0x0  }
0x22: {  	[sflag:s5] =	ssyncadd.s32 $0xFFFFFD80  }
0x23: {  	v3 =	vld [tilespmem:$0x0];
	_ =	sdelay $0x4  }
0x24: {  	v4 =	vshll.u32 v3, $0x1  }
0x25: {  	v3 =	vand.u32 $0x7, v3;
	v4 =	vand.u32 $0xFFFFFFF0, v4  }
0x26: {  	v3 =	vor.u32 v3, v4  }
0x27: {  	v4 =	vperm.xlane v3, v0;
	_ =	sdelay $0x1  }
0x28: {  	v3 =	vperm.xlane v3, v2;
	v4 =	vadd.s32 v1, v4;
	_ =	sdelay $0x1  }
0x29: {  	v3 =	vadd.s32 v1, v3;
	_ =	sdelay $0x1  }
0x2a: {  	s0 =	simm.s32 $0x280  }
0x2b: {  	[tilespmem:s0], [sflag:$0x1] =	stream.indirect_vreg.gather [hbm4b:s3+s2], $0x80, v4, vm0, $0xb8;
	[tilespmem:$0x18280] =	vst v63  }
0x2c: {  	_ = 	snop  }
0x2d: {  	[tilespmem:s16], [sflag:$0x1] =	stream.indirect_vreg.gather [hbm4b:s3+s2], $0x80, v3, vm0, $0xb8;
	[tilespmem:$0x18280] =	vst v63  }
0x2e: {  	v3 =	vld [tilespmem:$0x10];
	_ =	sdelay $0x4  }
0x2f: {  	v25 =	vshll.u32 v3, $0x1  }
0x30: {  	v3 =	vand.u32 $0x7, v3;
	v4 =	vand.u32 $0xFFFFFFF0, v25  }
0x31: {  	v3 =	vor.u32 v3, v4  }
0x32: {  	v4 =	vperm.xlane v3, v0;
	_ =	sdelay $0x1  }
0x33: {  	v3 =	vperm.xlane v3, v2;
	v4 =	vadd.s32 v1, v4;
	_ =	sdelay $0x1  }
0x34: {  	v3 =	vadd.s32 v1, v3;
	_ =	sdelay $0x2  }
0x35: {  	[tilespmem:s17], [sflag:$0x1] =	stream.indirect_vreg.gather [hbm4b:s3+s2], $0x80, v4, vm0, $0xb8;
	[tilespmem:$0x18280] =	vst v63  }
0x36: {  	_ = 	snop  }
0x37: {  	[tilespmem:s18], [sflag:$0x1] =	stream.indirect_vreg.gather [hbm4b:s3+s2], $0x80, v3, vm0, $0xb8;
	[tilespmem:$0x18280] =	vst v63  }
0x38: {  	v3 =	vld [tilespmem:$0x20];
	_ =	sdelay $0x4  }
0x39: {  	v26 =	vshll.u32 v3, $0x1  }
0x3a: {  	v3 =	vand.u32 $0x7, v3;
	v4 =	vand.u32 $0xFFFFFFF0, v26  }
0x3b: {  	v3 =	vor.u32 v3, v4  }
0x3c: {  	v4 =	vperm.xlane v3, v0;
	_ =	sdelay $0x1  }
0x3d: {  	v3 =	vperm.xlane v3, v2;
	v4 =	vadd.s32 v1, v4;
	_ =	sdelay $0x1  }
0x3e: {  	v3 =	vadd.s32 v1, v3;
	_ =	sdelay $0x2  }
0x3f: {  	[tilespmem:s19], [sflag:$0x1] =	stream.indirect_vreg.gather [hbm4b:s3+s2], $0x80, v4, vm0, $0xb8;
	[tilespmem:$0x18280] =	vst v63  }
0x40: {  	_ = 	snop  }
0x41: {  	[tilespmem:s20], [sflag:$0x1] =	stream.indirect_vreg.gather [hbm4b:s3+s2], $0x80, v3, vm0, $0xb8;
	[tilespmem:$0x18280] =	vst v63  }
0x42: {  	v3 =	vld [tilespmem:$0x30];
	_ =	sdelay $0x4  }
0x43: {  	v27 =	vshll.u32 v3, $0x1  }
0x44: {  	v3 =	vand.u32 $0x7, v3;
	v4 =	vand.u32 $0xFFFFFFF0, v27  }
0x45: {  	v3 =	vor.u32 v3, v4  }
0x46: {  	v4 =	vperm.xlane v3, v0;
	_ =	sdelay $0x1  }
0x47: {  	v3 =	vperm.xlane v3, v2;
	v4 =	vadd.s32 v1, v4;
	_ =	sdelay $0x1  }
0x48: {  	v3 =	vadd.s32 v1, v3;
	_ =	sdelay $0x2  }
0x49: {  	[tilespmem:s21], [sflag:$0x1] =	stream.indirect_vreg.gather [hbm4b:s3+s2], $0x80, v4, vm0, $0xb8;
	[tilespmem:$0x18280] =	vst v63  }
0x4a: {  	_ = 	snop  }
0x4b: {  	[tilespmem:s23], [sflag:$0x1] =	stream.indirect_vreg.gather [hbm4b:s3+s2], $0x80, v3, vm0, $0xb8;
	[tilespmem:$0x18280] =	vst v63  }
0x4c: {  	v3 =	vld [tilespmem:$0x40];
	_ =	sdelay $0x4  }
0x4d: {  	v28 =	vshll.u32 v3, $0x1  }
0x4e: {  	v3 =	vand.u32 $0x7, v3;
	v4 =	vand.u32 $0xFFFFFFF0, v28  }
0x4f: {  	v3 =	vor.u32 v3, v4  }
0x50: {  	v4 =	vperm.xlane v3, v0;
	_ =	sdelay $0x1  }
0x51: {  	v3 =	vperm.xlane v3, v2;
	v4 =	vadd.s32 v1, v4;
	_ =	sdelay $0x1  }
0x52: {  	v3 =	vadd.s32 v1, v3;
	_ =	sdelay $0x2  }
0x53: {  	[tilespmem:s24], [sflag:$0x1] =	stream.indirect_vreg.gather [hbm4b:s3+s2], $0x80, v4, vm0, $0xb8;
	[tilespmem:$0x18280] =	vst v63  }
0x54: {  	_ = 	snop  }
0x55: {  	[tilespmem:s25], [sflag:$0x1] =	stream.indirect_vreg.gather [hbm4b:s3+s2], $0x80, v3, vm0, $0xb8;
	[tilespmem:$0x18280] =	vst v63  }
0x56: {  	v3 =	vld [tilespmem:$0x50];
	_ =	sdelay $0x4  }
0x57: {  	v29 =	vshll.u32 v3, $0x1  }
0x58: {  	v3 =	vand.u32 $0x7, v3;
	v4 =	vand.u32 $0xFFFFFFF0, v29  }
0x59: {  	v3 =	vor.u32 v3, v4  }
0x5a: {  	v4 =	vperm.xlane v3, v0;
	_ =	sdelay $0x1  }
0x5b: {  	v3 =	vperm.xlane v3, v2;
	v4 =	vadd.s32 v1, v4;
	_ =	sdelay $0x1  }
0x5c: {  	v3 =	vadd.s32 v1, v3;
	_ =	sdelay $0x2  }
0x5d: {  	[tilespmem:s26], [sflag:$0x1] =	stream.indirect_vreg.gather [hbm4b:s3+s2], $0x80, v4, vm0, $0xb8;
	[tilespmem:$0x18280] =	vst v63  }
0x5e: {  	_ = 	snop  }
0x5f: {  	[tilespmem:s28], [sflag:$0x1] =	stream.indirect_vreg.gather [hbm4b:s3+s2], $0x80, v3, vm0, $0xb8;
	[tilespmem:$0x18280] =	vst v63  }
0x60: {  	v3 =	vld [tilespmem:$0x60];
	_ =	sdelay $0x4  }
0x61: {  	v30 =	vshll.u32 v3, $0x1  }
0x62: {  	v3 =	vand.u32 $0x7, v3;
	v4 =	vand.u32 $0xFFFFFFF0, v30  }
0x63: {  	v3 =	vor.u32 v3, v4  }
0x64: {  	v4 =	vperm.xlane v3, v0;
	_ =	sdelay $0x1  }
0x65: {  	v3 =	vperm.xlane v3, v2;
	v4 =	vadd.s32 v1, v4;
	_ =	sdelay $0x1  }
0x66: {  	v3 =	vadd.s32 v1, v3;
	_ =	sdelay $0x2  }
0x67: {  	[tilespmem:s29], [sflag:$0x1] =	stream.indirect_vreg.gather [hbm4b:s3+s2], $0x80, v4, vm0, $0xb8;
	[tilespmem:$0x18280] =	vst v63  }
0x68: {  	_ = 	snop  }
0x69: {  	[tilespmem:s30], [sflag:$0x1] =	stream.indirect_vreg.gather [hbm4b:s3+s2], $0x80, v3, vm0, $0xb8;
	[tilespmem:$0x18280] =	vst v63  }
0x6a: {  	v3 =	vld [tilespmem:$0x70];
	_ =	sdelay $0x4  }
0x6b: {  	v31 =	vshll.u32 v3, $0x1  }
0x6c: {  	v3 =	vand.u32 $0x7, v3;
	v4 =	vand.u32 $0xFFFFFFF0, v31  }
0x6d: {  	v3 =	vor.u32 v3, v4  }
0x6e: {  	v4 =	vperm.xlane v3, v0;
	_ =	sdelay $0x1  }
0x6f: {  	v3 =	vperm.xlane v3, v2;
	v4 =	vadd.s32 v1, v4;
	_ =	sdelay $0x1  }
0x70: {  	v3 =	vadd.s32 v1, v3;
	_ =	sdelay $0x2  }
0x71: {  	[tilespmem:s31], [sflag:$0x1] =	stream.indirect_vreg.gather [hbm4b:s3+s2], $0x80, v4, vm0, $0xb8;
	[tilespmem:$0x18280] =	vst v63  }
0x72: {  	_ = 	snop  }
0x73: {  	[tilespmem:s1], [sflag:$0x1] =	stream.indirect_vreg.gather [hbm4b:s3+s2], $0x80, v3, vm0, $0xb8;
	[tilespmem:$0x18280] =	vst v63  }
0x74: {  	v3 =	vld [tilespmem:$0x80];
	_ =	sdelay $0x4  }
0x75: {  	v32 =	vshll.u32 v3, $0x1  }
0x76: {  	v3 =	vand.u32 $0x7, v3;
	v4 =	vand.u32 $0xFFFFFFF0, v32  }
0x77: {  	v3 =	vor.u32 v3, v4  }
0x78: {  	v4 =	vperm.xlane v3, v0;
	_ =	sdelay $0x1  }
0x79: {  	v3 =	vperm.xlane v3, v2;
	v4 =	vadd.s32 v1, v4;
	_ =	sdelay $0x1  }
0x7a: {  	v3 =	vadd.s32 v1, v3;
	_ =	sdelay $0x2  }
0x7b: {  	[tilespmem:s13], [sflag:$0x1] =	stream.indirect_vreg.gather [hbm4b:s3+s2], $0x80, v4, vm0, $0xb8;
	[tilespmem:$0x18280] =	vst v63  }
0x7c: {  	s6 =	simm.s32 $0x8A80  }
0x7d: {  	[tilespmem:s6], [sflag:$0x1] =	stream.indirect_vreg.gather [hbm4b:s3+s2], $0x80, v3, vm0, $0xb8;
	[tilespmem:$0x18280] =	vst v63  }
0x7e: {  	v3 =	vld [tilespmem:$0x90];
	_ =	sdelay $0x4  }
0x7f: {  	v33 =	vshll.u32 v3, $0x1  }
0x80: {  	v3 =	vand.u32 $0x7, v3;
	v4 =	vand.u32 $0xFFFFFFF0, v33  }
0x81: {  	v3 =	vor.u32 v3, v4  }
0x82: {  	v4 =	vperm.xlane v3, v0;
	_ =	sdelay $0x1  }
0x83: {  	v3 =	vperm.xlane v3, v2;
	v4 =	vadd.s32 v1, v4;
	_ =	sdelay $0x1  }
0x84: {  	v3 =	vadd.s32 v1, v3;
	_ =	sdelay $0x2  }
0x85: {  	[tilespmem:s7], [sflag:$0x1] =	stream.indirect_vreg.gather [hbm4b:s3+s2], $0x80, v4, vm0, $0xb8;
	[tilespmem:$0x18280] =	vst v63  }
0x86: {  	_ = 	snop  }
0x87: {  	[tilespmem:s8], [sflag:$0x1] =	stream.indirect_vreg.gather [hbm4b:s3+s2], $0x80, v3, vm0, $0xb8;
	[tilespmem:$0x18280] =	vst v63  }
0x88: {  	v3 =	vld [tilespmem:$0xA0];
	_ =	sdelay $0x4  }
0x89: {  	v34 =	vshll.u32 v3, $0x1  }
0x8a: {  	v3 =	vand.u32 $0x7, v3;
	v4 =	vand.u32 $0xFFFFFFF0, v34  }
0x8b: {  	v3 =	vor.u32 v3, v4  }
0x8c: {  	v4 =	vperm.xlane v3, v0;
	_ =	sdelay $0x1  }
0x8d: {  	v3 =	vperm.xlane v3, v2;
	v4 =	vadd.s32 v1, v4;
	_ =	sdelay $0x1  }
0x8e: {  	v3 =	vadd.s32 v1, v3;
	_ =	sdelay $0x2  }
0x8f: {  	[tilespmem:s9], [sflag:$0x1] =	stream.indirect_vreg.gather [hbm4b:s3+s2], $0x80, v4, vm0, $0xb8;
	[tilespmem:$0x18280] =	vst v63  }
0x90: {  	_ = 	snop  }
0x91: {  	[tilespmem:s10], [sflag:$0x1] =	stream.indirect_vreg.gather [hbm4b:s3+s2], $0x80, v3, vm0, $0xb8;
	[tilespmem:$0x18280] =	vst v63  }
0x92: {  	v3 =	vld [tilespmem:$0xB0];
	_ =	sdelay $0x4  }
0x93: {  	v35 =	vshll.u32 v3, $0x1  }
0x94: {  	v3 =	vand.u32 $0x7, v3;
	v4 =	vand.u32 $0xFFFFFFF0, v35  }
0x95: {  	v3 =	vor.u32 v3, v4  }
0x96: {  	v4 =	vperm.xlane v3, v0;
	_ =	sdelay $0x1  }
0x97: {  	v3 =	vperm.xlane v3, v2;
	v4 =	vadd.s32 v1, v4;
	_ =	sdelay $0x1  }
0x98: {  	v3 =	vadd.s32 v1, v3;
	_ =	sdelay $0x2  }
0x99: {  	[tilespmem:s11], [sflag:$0x1] =	stream.indirect_vreg.gather [hbm4b:s3+s2], $0x80, v4, vm0, $0xb8;
	[tilespmem:$0x18280] =	vst v63  }
0x9a: {  	_ = 	snop  }
0x9b: {  	[tilespmem:s22], [sflag:$0x1] =	stream.indirect_vreg.gather [hbm4b:s3+s2], $0x80, v3, vm0, $0xb8;
	[tilespmem:$0x18280] =	vst v63  }
0x9c: {  	v3 =	vld [tilespmem:$0xC0];
	_ =	sdelay $0x4  }
0x9d: {  	v36 =	vshll.u32 v3, $0x1  }
0x9e: {  	v3 =	vand.u32 $0x7, v3;
	v4 =	vand.u32 $0xFFFFFFF0, v36  }
0x9f: {  	v3 =	vor.u32 v3, v4  }
0xa0: {  	v4 =	vperm.xlane v3, v0;
	_ =	sdelay $0x1  }
0xa1: {  	v3 =	vperm.xlane v3, v2;
	v4 =	vadd.s32 v1, v4;
	_ =	sdelay $0x1  }
0xa2: {  	v3 =	vadd.s32 v1, v3;
	_ =	sdelay $0x1  }
0xa3: {  	s6 =	simm.s32 $0xC280  }
0xa4: {  	[tilespmem:s6], [sflag:$0x1] =	stream.indirect_vreg.gather [hbm4b:s3+s2], $0x80, v4, vm0, $0xb8;
	[tilespmem:$0x18280] =	vst v63  }
0xa5: {  	s15 =	simm.s32 $0xCA80  }
0xa6: {  	[tilespmem:s15], [sflag:$0x1] =	stream.indirect_vreg.gather [hbm4b:s3+s2], $0x80, v3, vm0, $0xb8;
	[tilespmem:$0x18280] =	vst v63  }
0xa7: {  	v3 =	vld [tilespmem:$0xD0];
	_ =	sdelay $0x4  }
0xa8: {  	v37 =	vshll.u32 v3, $0x1  }
0xa9: {  	v3 =	vand.u32 $0x7, v3;
	v4 =	vand.u32 $0xFFFFFFF0, v37  }
0xaa: {  	v3 =	vor.u32 v3, v4  }
0xab: {  	v4 =	vperm.xlane v3, v0;
	_ =	sdelay $0x1  }
0xac: {  	v3 =	vperm.xlane v3, v2;
	v4 =	vadd.s32 v1, v4;
	_ =	sdelay $0x1  }
0xad: {  	v3 =	vadd.s32 v1, v3;
	_ =	sdelay $0x1  }
0xae: {  	s15 =	simm.s32 $0xD280  }
0xaf: {  	[tilespmem:s15], [sflag:$0x1] =	stream.indirect_vreg.gather [hbm4b:s3+s2], $0x80, v4, vm0, $0xb8;
	[tilespmem:$0x18280] =	vst v63  }
0xb0: {  	s15 =	simm.s32 $0xDA80  }
0xb1: {  	[tilespmem:s15], [sflag:$0x1] =	stream.indirect_vreg.gather [hbm4b:s3+s2], $0x80, v3, vm0, $0xb8;
	[tilespmem:$0x18280] =	vst v63  }
0xb2: {  	v3 =	vld [tilespmem:$0xE0];
	_ =	sdelay $0x4  }
0xb3: {  	v38 =	vshll.u32 v3, $0x1  }
0xb4: {  	v3 =	vand.u32 $0x7, v3;
	v4 =	vand.u32 $0xFFFFFFF0, v38  }
0xb5: {  	v3 =	vor.u32 v3, v4  }
0xb6: {  	v4 =	vperm.xlane v3, v0;
	_ =	sdelay $0x1  }
0xb7: {  	v3 =	vperm.xlane v3, v2;
	v4 =	vadd.s32 v1, v4;
	_ =	sdelay $0x1  }
0xb8: {  	v3 =	vadd.s32 v1, v3;
	_ =	sdelay $0x1  }
0xb9: {  	s15 =	simm.s32 $0xE280  }
0xba: {  	[tilespmem:s15], [sflag:$0x1] =	stream.indirect_vreg.gather [hbm4b:s3+s2], $0x80, v4, vm0, $0xb8;
	[tilespmem:$0x18280] =	vst v63  }
0xbb: {  	s15 =	simm.s32 $0xEA80  }
0xbc: {  	[tilespmem:s15], [sflag:$0x1] =	stream.indirect_vreg.gather [hbm4b:s3+s2], $0x80, v3, vm0, $0xb8;
	[tilespmem:$0x18280] =	vst v63  }
0xbd: {  	v3 =	vld [tilespmem:$0xF0];
	_ =	sdelay $0x4  }
0xbe: {  	v39 =	vshll.u32 v3, $0x1  }
0xbf: {  	v3 =	vand.u32 $0x7, v3;
	v4 =	vand.u32 $0xFFFFFFF0, v39  }
0xc0: {  	v3 =	vor.u32 v3, v4  }
0xc1: {  	v4 =	vperm.xlane v3, v0;
	_ =	sdelay $0x1  }
0xc2: {  	v3 =	vperm.xlane v3, v2;
	v4 =	vadd.s32 v1, v4;
	_ =	sdelay $0x1  }
0xc3: {  	v3 =	vadd.s32 v1, v3;
	_ =	sdelay $0x1  }
0xc4: {  	s15 =	simm.s32 $0xF280  }
0xc5: {  	[tilespmem:s15], [sflag:$0x1] =	stream.indirect_vreg.gather [hbm4b:s3+s2], $0x80, v4, vm0, $0xb8;
	[tilespmem:$0x18280] =	vst v63  }
0xc6: {  	s15 =	simm.s32 $0xFA80  }
0xc7: {  	[tilespmem:s15], [sflag:$0x1] =	stream.indirect_vreg.gather [hbm4b:s3+s2], $0x80, v3, vm0, $0xb8;
	[tilespmem:$0x18280] =	vst v63  }
0xc8: {  	v3 =	vld [tilespmem:$0x100];
	_ =	sdelay $0x4  }
0xc9: {  	v40 =	vshll.u32 v3, $0x1  }
0xca: {  	v3 =	vand.u32 $0x7, v3;
	v4 =	vand.u32 $0xFFFFFFF0, v40  }
0xcb: {  	v3 =	vor.u32 v3, v4  }
0xcc: {  	v4 =	vperm.xlane v3, v0;
	_ =	sdelay $0x1  }
0xcd: {  	v3 =	vperm.xlane v3, v2;
	v4 =	vadd.s32 v1, v4;
	_ =	sdelay $0x1  }
0xce: {  	v3 =	vadd.s32 v1, v3;
	_ =	sdelay $0x1  }
0xcf: {  	s14 =	rddreg [dreg:$0x6]  }
0xd0: {  	[tilespmem:s14], [sflag:$0x1] =	stream.indirect_vreg.gather [hbm4b:s3+s2], $0x80, v4, vm0, $0xb8;
	[tilespmem:$0x18280] =	vst v63  }
0xd1: {  	s15 =	rddreg [dreg:$0x7]  }
0xd2: {  	[tilespmem:s15], [sflag:$0x1] =	stream.indirect_vreg.gather [hbm4b:s3+s2], $0x80, v3, vm0, $0xb8;
	[tilespmem:$0x18280] =	vst v63  }
0xd3: {  	v3 =	vld [tilespmem:$0x110];
	_ =	sdelay $0x4  }
0xd4: {  	v41 =	vshll.u32 v3, $0x1  }
0xd5: {  	v3 =	vand.u32 $0x7, v3;
	v4 =	vand.u32 $0xFFFFFFF0, v41  }
0xd6: {  	v3 =	vor.u32 v3, v4  }
0xd7: {  	v4 =	vperm.xlane v3, v0;
	_ =	sdelay $0x1  }
0xd8: {  	v3 =	vperm.xlane v3, v2;
	v4 =	vadd.s32 v1, v4;
	_ =	sdelay $0x1  }
0xd9: {  	v3 =	vadd.s32 v1, v3;
	_ =	sdelay $0x1  }
0xda: {  	s14 =	rddreg [dreg:$0x8]  }
0xdb: {  	[tilespmem:s14], [sflag:$0x1] =	stream.indirect_vreg.gather [hbm4b:s3+s2], $0x80, v4, vm0, $0xb8;
	[tilespmem:$0x18280] =	vst v63  }
0xdc: {  	s15 =	rddreg [dreg:$0x9]  }
0xdd: {  	[tilespmem:s15], [sflag:$0x1] =	stream.indirect_vreg.gather [hbm4b:s3+s2], $0x80, v3, vm0, $0xb8;
	[tilespmem:$0x18280] =	vst v63  }
0xde: {  	v3 =	vld [tilespmem:$0x120];
	_ =	sdelay $0x4  }
0xdf: {  	v42 =	vshll.u32 v3, $0x1  }
0xe0: {  	v3 =	vand.u32 $0x7, v3;
	v4 =	vand.u32 $0xFFFFFFF0, v42  }
0xe1: {  	v3 =	vor.u32 v3, v4  }
0xe2: {  	v4 =	vperm.xlane v3, v0;
	_ =	sdelay $0x1  }
0xe3: {  	v3 =	vperm.xlane v3, v2;
	v4 =	vadd.s32 v1, v4;
	_ =	sdelay $0x1  }
0xe4: {  	v3 =	vadd.s32 v1, v3;
	_ =	sdelay $0x1  }
0xe5: {  	s14 =	rddreg [dreg:$0xa]  }
0xe6: {  	[tilespmem:s14], [sflag:$0x1] =	stream.indirect_vreg.gather [hbm4b:s3+s2], $0x80, v4, vm0, $0xb8;
	[tilespmem:$0x18280] =	vst v63  }
0xe7: {  	s15 =	rddreg [dreg:$0xb]  }
0xe8: {  	[tilespmem:s15], [sflag:$0x1] =	stream.indirect_vreg.gather [hbm4b:s3+s2], $0x80, v3, vm0, $0xb8;
	[tilespmem:$0x18280] =	vst v63  }
0xe9: {  	v3 =	vld [tilespmem:$0x130];
	_ =	sdelay $0x4  }
0xea: {  	v43 =	vshll.u32 v3, $0x1  }
0xeb: {  	v3 =	vand.u32 $0x7, v3;
	v4 =	vand.u32 $0xFFFFFFF0, v43  }
0xec: {  	v3 =	vor.u32 v3, v4  }
0xed: {  	v4 =	vperm.xlane v3, v0;
	_ =	sdelay $0x1  }
0xee: {  	v3 =	vperm.xlane v3, v2;
	v4 =	vadd.s32 v1, v4;
	_ =	sdelay $0x1  }
0xef: {  	v3 =	vadd.s32 v1, v3;
	_ =	sdelay $0x1  }
0xf0: {  	s14 =	rddreg [dreg:$0xc]  }
0xf1: {  	[tilespmem:s14], [sflag:$0x1] =	stream.indirect_vreg.gather [hbm4b:s3+s2], $0x80, v4, vm0, $0xb8;
	[tilespmem:$0x18280] =	vst v63  }
0xf2: {  	s15 =	rddreg [dreg:$0xd]  }
0xf3: {  	[tilespmem:s15], [sflag:$0x1] =	stream.indirect_vreg.gather [hbm4b:s3+s2], $0x80, v3, vm0, $0xb8;
	[tilespmem:$0x18280] =	vst v63  }
0xf4: {  	v3 =	vld [tilespmem:$0x140];
	_ =	sdelay $0x4  }
0xf5: {  	v44 =	vshll.u32 v3, $0x1  }
0xf6: {  	v3 =	vand.u32 $0x7, v3;
	v4 =	vand.u32 $0xFFFFFFF0, v44  }
0xf7: {  	v3 =	vor.u32 v3, v4  }
0xf8: {  	v4 =	vperm.xlane v3, v0;
	_ =	sdelay $0x1  }
0xf9: {  	v3 =	vperm.xlane v3, v2;
	v4 =	vadd.s32 v1, v4;
	_ =	sdelay $0x1  }
0xfa: {  	v3 =	vadd.s32 v1, v3;
	_ =	sdelay $0x1  }
0xfb: {  	s14 =	rddreg [dreg:$0xe]  }
0xfc: {  	[tilespmem:s14], [sflag:$0x1] =	stream.indirect_vreg.gather [hbm4b:s3+s2], $0x80, v4, vm0, $0xb8;
	[tilespmem:$0x18280] =	vst v63  }
0xfd: {  	s15 =	rddreg [dreg:$0xf]  }
0xfe: {  	[tilespmem:s15], [sflag:$0x1] =	stream.indirect_vreg.gather [hbm4b:s3+s2], $0x80, v3, vm0, $0xb8;
	[tilespmem:$0x18280] =	vst v63  }
0xff: {  	v3 =	vld [tilespmem:$0x150];
	_ =	sdelay $0x4  }
0x100: {  	v45 =	vshll.u32 v3, $0x1  }
0x101: {  	v3 =	vand.u32 $0x7, v3;
	v4 =	vand.u32 $0xFFFFFFF0, v45  }
0x102: {  	v3 =	vor.u32 v3, v4  }
0x103: {  	v4 =	vperm.xlane v3, v0;
	_ =	sdelay $0x1  }
0x104: {  	v3 =	vperm.xlane v3, v2;
	v4 =	vadd.s32 v1, v4;
	_ =	sdelay $0x1  }
0x105: {  	v3 =	vadd.s32 v1, v3;
	_ =	sdelay $0x1  }
0x106: {  	s14 =	rddreg [dreg:$0x10]  }
0x107: {  	[tilespmem:s14], [sflag:$0x1] =	stream.indirect_vreg.gather [hbm4b:s3+s2], $0x80, v4, vm0, $0xb8;
	[tilespmem:$0x18280] =	vst v63  }
0x108: {  	s15 =	rddreg [dreg:$0x11]  }
0x109: {  	[tilespmem:s15], [sflag:$0x1] =	stream.indirect_vreg.gather [hbm4b:s3+s2], $0x80, v3, vm0, $0xb8;
	[tilespmem:$0x18280] =	vst v63  }
0x10a: {  	v3 =	vld [tilespmem:$0x160];
	_ =	sdelay $0x4  }
0x10b: {  	v46 =	vshll.u32 v3, $0x1  }
0x10c: {  	v3 =	vand.u32 $0x7, v3;
	v4 =	vand.u32 $0xFFFFFFF0, v46  }
0x10d: {  	v3 =	vor.u32 v3, v4  }
0x10e: {  	v4 =	vperm.xlane v3, v0;
	_ =	sdelay $0x1  }
0x10f: {  	v3 =	vperm.xlane v3, v2;
	v4 =	vadd.s32 v1, v4;
	_ =	sdelay $0x1  }
0x110: {  	v3 =	vadd.s32 v1, v3;
	_ =	sdelay $0x1  }
0x111: {  	s14 =	rddreg [dreg:$0x12]  }
0x112: {  	[tilespmem:s14], [sflag:$0x1] =	stream.indirect_vreg.gather [hbm4b:s3+s2], $0x80, v4, vm0, $0xb8;
	[tilespmem:$0x18280] =	vst v63  }
0x113: {  	s15 =	rddreg [dreg:$0x13]  }
0x114: {  	[tilespmem:s15], [sflag:$0x1] =	stream.indirect_vreg.gather [hbm4b:s3+s2], $0x80, v3, vm0, $0xb8;
	[tilespmem:$0x18280] =	vst v63  }
0x115: {  	v3 =	vld [tilespmem:$0x170];
	_ =	sdelay $0x4  }
0x116: {  	v47 =	vshll.u32 v3, $0x1  }
0x117: {  	v3 =	vand.u32 $0x7, v3;
	v4 =	vand.u32 $0xFFFFFFF0, v47  }
0x118: {  	v3 =	vor.u32 v3, v4  }
0x119: {  	v4 =	vperm.xlane v3, v0;
	_ =	sdelay $0x1  }
0x11a: {  	v3 =	vperm.xlane v3, v2;
	v4 =	vadd.s32 v1, v4;
	_ =	sdelay $0x1  }
0x11b: {  	v3 =	vadd.s32 v1, v3;
	_ =	sdelay $0x1  }
0x11c: {  	s14 =	rddreg [dreg:$0x14]  }
0x11d: {  	[tilespmem:s14], [sflag:$0x1] =	stream.indirect_vreg.gather [hbm4b:s3+s2], $0x80, v4, vm0, $0xb8;
	[tilespmem:$0x18280] =	vst v63  }
0x11e: {  	s15 =	rddreg [dreg:$0x15]  }
0x11f: {  	[tilespmem:s15], [sflag:$0x1] =	stream.indirect_vreg.gather [hbm4b:s3+s2], $0x80, v3, vm0, $0xb8;
	[tilespmem:$0x18280] =	vst v63  }
0x120: {  	_ =	swait.ge [sflag:s12], $0x8000  }
0x121: {  	[sflag:s12] =	ssyncset.done $0x0  }
0x122: {  	[sflag:s12] =	ssyncadd.s32 $0xFFFF8000  }
0x123: {  	_ =	swait.ge [sflag:s12], $0x8000  }
0x124: {  	[sflag:s12] =	ssyncset.done $0x0  }
0x125: {  	[sflag:s12] =	ssyncadd.s32 $0xFFFF8000  }
0x126: {  	_ =	swait.ge [sflag:s12], $0x8000  }
0x127: {  	[sflag:s12] =	ssyncset.done $0x0  }
0x128: {  	s15 =	rddreg [dreg:$0x3];
	[sflag:s12] =	ssyncadd.s32 $0xFFFF8000  }
0x129: {  	[hbm4b:s15+s2] =	stream.linear.scatter [tilespmem:s0], [sflag:$0x2], $0x18000, $0x38;
	[tilespmem:$0x18280] =	vst v63  }
0x12a: {  	s15 =	simm.s32 $0x2  }
0x12b: {  	_ =	swait.ge [sflag:s15], $0x18000  }
0x12c: {  	[sflag:s15] =	ssyncset.done $0x0  }
0x12d: {  	[sflag:s15] =	ssyncadd.s32 $0xFFFE8000  }
0x12e: {  	v3 =	vld [tilespmem:$0x180];
	_ =	sdelay $0x4  }
0x12f: {  	v48 =	vshll.u32 v3, $0x1  }
0x130: {  	v3 =	vand.u32 $0x7, v3;
	v4 =	vand.u32 $0xFFFFFFF0, v48  }
0x131: {  	v3 =	vor.u32 v3, v4  }
0x132: {  	v4 =	vperm.xlane v3, v0;
	_ =	sdelay $0x1  }
0x133: {  	v3 =	vperm.xlane v3, v2;
	v4 =	vadd.s32 v1, v4;
	_ =	sdelay $0x1  }
0x134: {  	v3 =	vadd.s32 v1, v3;
	_ =	sdelay $0x2  }
0x135: {  	[tilespmem:s0], [sflag:$0x1] =	stream.indirect_vreg.gather [hbm4b:s3+s2], $0x80, v4, vm0, $0xb8;
	[tilespmem:$0x18280] =	vst v63  }
0x136: {  	_ = 	snop  }
0x137: {  	[tilespmem:s16], [sflag:$0x1] =	stream.indirect_vreg.gather [hbm4b:s3+s2], $0x80, v3, vm0, $0xb8;
	[tilespmem:$0x18280] =	vst v63  }
0x138: {  	v3 =	vld [tilespmem:$0x190];
	_ =	sdelay $0x4  }
0x139: {  	v49 =	vshll.u32 v3, $0x1  }
0x13a: {  	v3 =	vand.u32 $0x7, v3;
	v4 =	vand.u32 $0xFFFFFFF0, v49  }
0x13b: {  	v3 =	vor.u32 v3, v4  }
0x13c: {  	v4 =	vperm.xlane v3, v0;
	_ =	sdelay $0x1  }
0x13d: {  	v3 =	vperm.xlane v3, v2;
	v4 =	vadd.s32 v1, v4;
	_ =	sdelay $0x1  }
0x13e: {  	v3 =	vadd.s32 v1, v3;
	_ =	sdelay $0x2  }
0x13f: {  	[tilespmem:s17], [sflag:$0x1] =	stream.indirect_vreg.gather [hbm4b:s3+s2], $0x80, v4, vm0, $0xb8;
	[tilespmem:$0x18280] =	vst v63  }
0x140: {  	_ = 	snop  }
0x141: {  	[tilespmem:s18], [sflag:$0x1] =	stream.indirect_vreg.gather [hbm4b:s3+s2], $0x80, v3, vm0, $0xb8;
	[tilespmem:$0x18280] =	vst v63  }
0x142: {  	v3 =	vld [tilespmem:$0x1A0];
	_ =	sdelay $0x4  }
0x143: {  	v50 =	vshll.u32 v3, $0x1  }
0x144: {  	v3 =	vand.u32 $0x7, v3;
	v4 =	vand.u32 $0xFFFFFFF0, v50  }
0x145: {  	v3 =	vor.u32 v3, v4  }
0x146: {  	v4 =	vperm.xlane v3, v0;
	_ =	sdelay $0x1  }
0x147: {  	v3 =	vperm.xlane v3, v2;
	v4 =	vadd.s32 v1, v4;
	_ =	sdelay $0x1  }
0x148: {  	v3 =	vadd.s32 v1, v3;
	_ =	sdelay $0x2  }
0x149: {  	[tilespmem:s19], [sflag:$0x1] =	stream.indirect_vreg.gather [hbm4b:s3+s2], $0x80, v4, vm0, $0xb8;
	[tilespmem:$0x18280] =	vst v63  }
0x14a: {  	_ = 	snop  }
0x14b: {  	[tilespmem:s20], [sflag:$0x1] =	stream.indirect_vreg.gather [hbm4b:s3+s2], $0x80, v3, vm0, $0xb8;
	[tilespmem:$0x18280] =	vst v63  }
0x14c: {  	v3 =	vld [tilespmem:$0x1B0];
	_ =	sdelay $0x4  }
0x14d: {  	v51 =	vshll.u32 v3, $0x1  }
0x14e: {  	v3 =	vand.u32 $0x7, v3;
	v4 =	vand.u32 $0xFFFFFFF0, v51  }
0x14f: {  	v3 =	vor.u32 v3, v4  }
0x150: {  	v4 =	vperm.xlane v3, v0;
	_ =	sdelay $0x1  }
0x151: {  	v3 =	vperm.xlane v3, v2;
	v4 =	vadd.s32 v1, v4;
	_ =	sdelay $0x1  }
0x152: {  	v3 =	vadd.s32 v1, v3;
	_ =	sdelay $0x2  }
0x153: {  	[tilespmem:s21], [sflag:$0x1] =	stream.indirect_vreg.gather [hbm4b:s3+s2], $0x80, v4, vm0, $0xb8;
	[tilespmem:$0x18280] =	vst v63  }
0x154: {  	_ = 	snop  }
0x155: {  	[tilespmem:s23], [sflag:$0x1] =	stream.indirect_vreg.gather [hbm4b:s3+s2], $0x80, v3, vm0, $0xb8;
	[tilespmem:$0x18280] =	vst v63  }
0x156: {  	v3 =	vld [tilespmem:$0x1C0];
	_ =	sdelay $0x4  }
0x157: {  	v52 =	vshll.u32 v3, $0x1  }
0x158: {  	v3 =	vand.u32 $0x7, v3;
	v4 =	vand.u32 $0xFFFFFFF0, v52  }
0x159: {  	v3 =	vor.u32 v3, v4  }
0x15a: {  	v4 =	vperm.xlane v3, v0;
	_ =	sdelay $0x1  }
0x15b: {  	v3 =	vperm.xlane v3, v2;
	v4 =	vadd.s32 v1, v4;
	_ =	sdelay $0x1  }
0x15c: {  	v3 =	vadd.s32 v1, v3;
	_ =	sdelay $0x2  }
0x15d: {  	[tilespmem:s24], [sflag:$0x1] =	stream.indirect_vreg.gather [hbm4b:s3+s2], $0x80, v4, vm0, $0xb8;
	[tilespmem:$0x18280] =	vst v63  }
0x15e: {  	_ = 	snop  }
0x15f: {  	[tilespmem:s25], [sflag:$0x1] =	stream.indirect_vreg.gather [hbm4b:s3+s2], $0x80, v3, vm0, $0xb8;
	[tilespmem:$0x18280] =	vst v63  }
0x160: {  	v3 =	vld [tilespmem:$0x1D0];
	_ =	sdelay $0x4  }
0x161: {  	v53 =	vshll.u32 v3, $0x1  }
0x162: {  	v3 =	vand.u32 $0x7, v3;
	v4 =	vand.u32 $0xFFFFFFF0, v53  }
0x163: {  	v3 =	vor.u32 v3, v4  }
0x164: {  	v4 =	vperm.xlane v3, v0;
	_ =	sdelay $0x1  }
0x165: {  	v3 =	vperm.xlane v3, v2;
	v4 =	vadd.s32 v1, v4;
	_ =	sdelay $0x1  }
0x166: {  	v3 =	vadd.s32 v1, v3;
	_ =	sdelay $0x2  }
0x167: {  	[tilespmem:s26], [sflag:$0x1] =	stream.indirect_vreg.gather [hbm4b:s3+s2], $0x80, v4, vm0, $0xb8;
	[tilespmem:$0x18280] =	vst v63  }
0x168: {  	_ = 	snop  }
0x169: {  	[tilespmem:s28], [sflag:$0x1] =	stream.indirect_vreg.gather [hbm4b:s3+s2], $0x80, v3, vm0, $0xb8;
	[tilespmem:$0x18280] =	vst v63  }
0x16a: {  	v3 =	vld [tilespmem:$0x1E0];
	_ =	sdelay $0x4  }
0x16b: {  	v54 =	vshll.u32 v3, $0x1  }
0x16c: {  	v3 =	vand.u32 $0x7, v3;
	v4 =	vand.u32 $0xFFFFFFF0, v54  }
0x16d: {  	v3 =	vor.u32 v3, v4  }
0x16e: {  	v4 =	vperm.xlane v3, v0;
	_ =	sdelay $0x1  }
0x16f: {  	v3 =	vperm.xlane v3, v2;
	v4 =	vadd.s32 v1, v4;
	_ =	sdelay $0x1  }
0x170: {  	v3 =	vadd.s32 v1, v3;
	_ =	sdelay $0x2  }
0x171: {  	[tilespmem:s29], [sflag:$0x1] =	stream.indirect_vreg.gather [hbm4b:s3+s2], $0x80, v4, vm0, $0xb8;
	[tilespmem:$0x18280] =	vst v63  }
0x172: {  	_ = 	snop  }
0x173: {  	[tilespmem:s30], [sflag:$0x1] =	stream.indirect_vreg.gather [hbm4b:s3+s2], $0x80, v3, vm0, $0xb8;
	[tilespmem:$0x18280] =	vst v63  }
0x174: {  	v3 =	vld [tilespmem:$0x1F0];
	_ =	sdelay $0x4  }
0x175: {  	v55 =	vshll.u32 v3, $0x1  }
0x176: {  	v3 =	vand.u32 $0x7, v3;
	v4 =	vand.u32 $0xFFFFFFF0, v55  }
0x177: {  	v3 =	vor.u32 v3, v4  }
0x178: {  	v4 =	vperm.xlane v3, v0;
	_ =	sdelay $0x1  }
0x179: {  	v3 =	vperm.xlane v3, v2;
	v4 =	vadd.s32 v1, v4;
	_ =	sdelay $0x1  }
0x17a: {  	v3 =	vadd.s32 v1, v3;
	_ =	sdelay $0x2  }
0x17b: {  	[tilespmem:s31], [sflag:$0x1] =	stream.indirect_vreg.gather [hbm4b:s3+s2], $0x80, v4, vm0, $0xb8;
	[tilespmem:$0x18280] =	vst v63  }
0x17c: {  	_ = 	snop  }
0x17d: {  	[tilespmem:s1], [sflag:$0x1] =	stream.indirect_vreg.gather [hbm4b:s3+s2], $0x80, v3, vm0, $0xb8;
	[tilespmem:$0x18280] =	vst v63  }
0x17e: {  	_ =	swait.ge [sflag:s12], $0x8000  }
0x17f: {  	[sflag:s12] =	ssyncset.done $0x0  }
0x180: {  	s15 =	rddreg [dreg:$0x4];
	[sflag:s12] =	ssyncadd.s32 $0xFFFF8000  }
0x181: {  	[hbm4b:s15+s2] =	stream.linear.scatter [tilespmem:s0], [sflag:$0x3], $0x8000, $0x38;
	[tilespmem:$0x18280] =	vst v63  }
0x182: {  	_ =	swait.ge [sflag:s5], $0x8000  }
0x183: {  	[sflag:s5] =	ssyncset.done $0x0  }
0x184: {  	[sflag:s5] =	ssyncadd.s32 $0xFFFF8000  }
0x185: {  	v3 =	vld [tilespmem:$0x200];
	_ =	sdelay $0x4  }
0x186: {  	v56 =	vshll.u32 v3, $0x1  }
0x187: {  	v3 =	vand.u32 $0x7, v3;
	v4 =	vand.u32 $0xFFFFFFF0, v56  }
0x188: {  	v3 =	vor.u32 v3, v4  }
0x189: {  	v4 =	vperm.xlane v3, v0;
	_ =	sdelay $0x1  }
0x18a: {  	v3 =	vperm.xlane v3, v2;
	v4 =	vadd.s32 v1, v4;
	_ =	sdelay $0x1  }
0x18b: {  	v3 =	vadd.s32 v1, v3;
	_ =	sdelay $0x2  }
0x18c: {  	[tilespmem:s13], [sflag:$0x1] =	stream.indirect_vreg.gather [hbm4b:s3+s2], $0x80, v4, vm0, $0xb8;
	[tilespmem:$0x18280] =	vst v63  }
0x18d: {  	s15 =	simm.s32 $0x8A80  }
0x18e: {  	[tilespmem:s15], [sflag:$0x1] =	stream.indirect_vreg.gather [hbm4b:s3+s2], $0x80, v3, vm0, $0xb8;
	[tilespmem:$0x18280] =	vst v63  }
0x18f: {  	v3 =	vld [tilespmem:$0x210];
	_ =	sdelay $0x4  }
0x190: {  	v57 =	vshll.u32 v3, $0x1  }
0x191: {  	v3 =	vand.u32 $0x7, v3;
	v4 =	vand.u32 $0xFFFFFFF0, v57  }
0x192: {  	v3 =	vor.u32 v3, v4  }
0x193: {  	v4 =	vperm.xlane v3, v0;
	_ =	sdelay $0x1  }
0x194: {  	v3 =	vperm.xlane v3, v2;
	v4 =	vadd.s32 v1, v4;
	_ =	sdelay $0x1  }
0x195: {  	v3 =	vadd.s32 v1, v3;
	_ =	sdelay $0x2  }
0x196: {  	[tilespmem:s7], [sflag:$0x1] =	stream.indirect_vreg.gather [hbm4b:s3+s2], $0x80, v4, vm0, $0xb8;
	[tilespmem:$0x18280] =	vst v63  }
0x197: {  	_ = 	snop  }
0x198: {  	[tilespmem:s8], [sflag:$0x1] =	stream.indirect_vreg.gather [hbm4b:s3+s2], $0x80, v3, vm0, $0xb8;
	[tilespmem:$0x18280] =	vst v63  }
0x199: {  	v3 =	vld [tilespmem:$0x220];
	_ =	sdelay $0x4  }
0x19a: {  	v58 =	vshll.u32 v3, $0x1  }
0x19b: {  	v3 =	vand.u32 $0x7, v3;
	v4 =	vand.u32 $0xFFFFFFF0, v58  }
0x19c: {  	v3 =	vor.u32 v3, v4  }
0x19d: {  	v4 =	vperm.xlane v3, v0;
	_ =	sdelay $0x1  }
0x19e: {  	v3 =	vperm.xlane v3, v2;
	v4 =	vadd.s32 v1, v4;
	_ =	sdelay $0x1  }
0x19f: {  	v3 =	vadd.s32 v1, v3;
	_ =	sdelay $0x2  }
0x1a0: {  	[tilespmem:s9], [sflag:$0x1] =	stream.indirect_vreg.gather [hbm4b:s3+s2], $0x80, v4, vm0, $0xb8;
	[tilespmem:$0x18280] =	vst v63  }
0x1a1: {  	_ = 	snop  }
0x1a2: {  	[tilespmem:s10], [sflag:$0x1] =	stream.indirect_vreg.gather [hbm4b:s3+s2], $0x80, v3, vm0, $0xb8;
	[tilespmem:$0x18280] =	vst v63  }
0x1a3: {  	v3 =	vld [tilespmem:$0x230];
	_ =	sdelay $0x4  }
0x1a4: {  	v59 =	vshll.u32 v3, $0x1  }
0x1a5: {  	v3 =	vand.u32 $0x7, v3;
	v4 =	vand.u32 $0xFFFFFFF0, v59  }
0x1a6: {  	v3 =	vor.u32 v3, v4  }
0x1a7: {  	v4 =	vperm.xlane v3, v0;
	_ =	sdelay $0x1  }
0x1a8: {  	v3 =	vperm.xlane v3, v2;
	v4 =	vadd.s32 v1, v4;
	_ =	sdelay $0x1  }
0x1a9: {  	v3 =	vadd.s32 v1, v3;
	_ =	sdelay $0x2  }
0x1aa: {  	[tilespmem:s11], [sflag:$0x1] =	stream.indirect_vreg.gather [hbm4b:s3+s2], $0x80, v4, vm0, $0xb8;
	[tilespmem:$0x18280] =	vst v63  }
0x1ab: {  	_ = 	snop  }
0x1ac: {  	[tilespmem:s22], [sflag:$0x1] =	stream.indirect_vreg.gather [hbm4b:s3+s2], $0x80, v3, vm0, $0xb8;
	[tilespmem:$0x18280] =	vst v63  }
0x1ad: {  	v3 =	vld [tilespmem:$0x240];
	_ =	sdelay $0x4  }
0x1ae: {  	v60 =	vshll.u32 v3, $0x1  }
0x1af: {  	v3 =	vand.u32 $0x7, v3;
	v4 =	vand.u32 $0xFFFFFFF0, v60  }
0x1b0: {  	v3 =	vor.u32 v3, v4  }
0x1b1: {  	v4 =	vperm.xlane v3, v0;
	_ =	sdelay $0x1  }
0x1b2: {  	v3 =	vperm.xlane v3, v2;
	v4 =	vadd.s32 v1, v4;
	_ =	sdelay $0x1  }
0x1b3: {  	v3 =	vadd.s32 v1, v3;
	_ =	sdelay $0x2  }
0x1b4: {  	[tilespmem:s6], [sflag:$0x1] =	stream.indirect_vreg.gather [hbm4b:s3+s2], $0x80, v4, vm0, $0xb8;
	[tilespmem:$0x18280] =	vst v63  }
0x1b5: {  	s14 =	simm.s32 $0xCA80  }
0x1b6: {  	[tilespmem:s14], [sflag:$0x1] =	stream.indirect_vreg.gather [hbm4b:s3+s2], $0x80, v3, vm0, $0xb8;
	[tilespmem:$0x18280] =	vst v63  }
0x1b7: {  	v3 =	vld [tilespmem:$0x250];
	_ =	sdelay $0x4  }
0x1b8: {  	v61 =	vshll.u32 v3, $0x1  }
0x1b9: {  	v3 =	vand.u32 $0x7, v3;
	v4 =	vand.u32 $0xFFFFFFF0, v61  }
0x1ba: {  	v3 =	vor.u32 v3, v4  }
0x1bb: {  	v4 =	vperm.xlane v3, v0;
	_ =	sdelay $0x1  }
0x1bc: {  	v3 =	vperm.xlane v3, v2;
	v4 =	vadd.s32 v1, v4;
	_ =	sdelay $0x1  }
0x1bd: {  	v3 =	vadd.s32 v1, v3;
	_ =	sdelay $0x1  }
0x1be: {  	s15 =	simm.s32 $0xD280  }
0x1bf: {  	[tilespmem:s15], [sflag:$0x1] =	stream.indirect_vreg.gather [hbm4b:s3+s2], $0x80, v4, vm0, $0xb8;
	[tilespmem:$0x18280] =	vst v63  }
0x1c0: {  	s6 =	simm.s32 $0xDA80  }
0x1c1: {  	[tilespmem:s6], [sflag:$0x1] =	stream.indirect_vreg.gather [hbm4b:s3+s2], $0x80, v3, vm0, $0xb8;
	[tilespmem:$0x18280] =	vst v63  }
0x1c2: {  	v3 =	vld [tilespmem:$0x260];
	_ =	sdelay $0x4  }
0x1c3: {  	v62 =	vshll.u32 v3, $0x1  }
0x1c4: {  	v3 =	vand.u32 $0x7, v3;
	v4 =	vand.u32 $0xFFFFFFF0, v62  }
0x1c5: {  	v3 =	vor.u32 v3, v4  }
0x1c6: {  	v4 =	vperm.xlane v3, v0;
	_ =	sdelay $0x1  }
0x1c7: {  	v3 =	vperm.xlane v3, v2;
	v4 =	vadd.s32 v1, v4;
	_ =	sdelay $0x1  }
0x1c8: {  	v3 =	vadd.s32 v1, v3;
	_ =	sdelay $0x1  }
0x1c9: {  	s14 =	simm.s32 $0xE280  }
0x1ca: {  	[tilespmem:s14], [sflag:$0x1] =	stream.indirect_vreg.gather [hbm4b:s3+s2], $0x80, v4, vm0, $0xb8;
	[tilespmem:$0x18280] =	vst v63  }
0x1cb: {  	s15 =	simm.s32 $0xEA80  }
0x1cc: {  	[tilespmem:s15], [sflag:$0x1] =	stream.indirect_vreg.gather [hbm4b:s3+s2], $0x80, v3, vm0, $0xb8;
	[tilespmem:$0x18280] =	vst v63  }
0x1cd: {  	v3 =	vld [tilespmem:$0x270];
	_ =	sdelay $0x4  }
0x1ce: {  	v63 =	vshll.u32 v3, $0x1  }
0x1cf: {  	v3 =	vand.u32 $0x7, v3;
	v4 =	vand.u32 $0xFFFFFFF0, v63  }
0x1d0: {  	v3 =	vor.u32 v3, v4  }
0x1d1: {  	v4 =	vperm.xlane v3, v0;
	_ =	sdelay $0x1  }
0x1d2: {  	v3 =	vperm.xlane v3, v2;
	v4 =	vadd.s32 v1, v4;
	_ =	sdelay $0x1  }
0x1d3: {  	v3 =	vadd.s32 v1, v3;
	_ =	sdelay $0x1  }
0x1d4: {  	s6 =	simm.s32 $0xF280  }
0x1d5: {  	[tilespmem:s6], [sflag:$0x1] =	stream.indirect_vreg.gather [hbm4b:s3+s2], $0x80, v4, vm0, $0xb8;
	[tilespmem:$0x18280] =	vst v63  }
0x1d6: {  	s14 =	simm.s32 $0xFA80  }
0x1d7: {  	[tilespmem:s14], [sflag:$0x1] =	stream.indirect_vreg.gather [hbm4b:s3+s2], $0x80, v3, vm0, $0xb8;
	[tilespmem:$0x18280] =	vst v63  }
0x1d8: {  	_ =	swait.ge [sflag:s12], $0x8000  }
0x1d9: {  	p0 =	sne.s32 s4, $0x1;
	[sflag:s12] =	ssyncset.done $0x0  }
.Ltmp0:
0x1da: {  	s15 =	rddreg [dreg:$0x5];
	[sflag:s12] =	ssyncadd.s32 $0xFFFF8000;
	(pc) =	sbr.rel @p0 .LBB2_1-.Ltmp0, $4  }
0x1db: {  	[hbm4b:s15+s2] =	stream.linear.scatter [tilespmem:s13], [sflag:$0x3], $0x8000, $0x38;
	[tilespmem:$0x18280] =	vst v63  }
0x1dc: {  	_ =	swait.ge [sflag:s5], $0x8000  }
0x1dd: {  	[sflag:s5] =	ssyncset.done $0x0  }
0x1de: {  	s4 =	sadd.s32 $0xFFFFFFFF, s4;
	[sflag:s5] =	ssyncadd.s32 $0xFFFF8000  }
0x1df: {  	_ =	sfence.sel $0x180000  }
0x1e0: {  	[bflag:$0x0] =	sbarrier.arrive $0xFFFF  }
0x1e1: {  	_ =	strace $0x90000065  }
0x1e2: {  	s0 =	stileid.u32;
	[bflag:$0x2] =	sbarrier.arrive $0xFFFF  }
0x1e3: {  	p0 =	sne.s32 s0, $0x0;
	s0 =	rddreg [dreg:$0x1]  }
0x1e4: {  	s0 =	sadd.s32 @!p0 $0x100000, s0  }
0x1e5: {  	[sflag:s0] =	ssyncadd.tile.s32 @!p0 $0x1;
	_ =	shalt  }
.Lfunc_end2:
_tile_overlayer_lowered:
.L_overlay_start_2:
0x1e6: {  	(tag) =	ssettag $0x2  }
0x1e7: {  	s0 =	rddreg [dreg:$0x0];
	s2 =	stileid.u32  }
0x1e8: {  	s1 =	rddreg [dreg:$0x1];
	p0 =	sne.s32 s2, $0x0  }
0x1e9: {  	s3 =	rddreg [dreg:$0x2];
	[bflag:$0x3] =	sbarrier.arrive $0xFFFF;
	s2 =	simm.s32 @!p0 $0x1C03  }
0x1ea: {  	[timem:s3], [sflag:s2] =	dma.local @!p0 [hbm:s0], s1  }
0x1eb: {  	s0 =	simm.s32 @!p0 $0x3  }
0x1ec: {  	_ =	swait.ge @!p0 [sflag:s0], s1  }
0x1ed: {  	s1 =	ssub.s32 @!p0 $0x0, s1;
	[sflag:s0] =	ssyncset.done @!p0 $0x0  }
0x1ee: {  	[sflag:s0] =	ssyncadd.s32 @!p0 s1  }
0x1ef: {  	[bflag:$0x3] =	sbarrier.arrive $0xFFFF  }
0x1f0: {  	_ =	shalt  }

// kernel: scatter_offload_async_start.1
scs
__scs_entry_jumppad:
0x0: {  	(pc) =	sbr.rel $0x88, $3  }
0x1: {  	(tag) =	ssettag $0x0;
	lr =	simm.s32 $0x1  }
0x2: {  	[smem:$0x3F91] =	sst lr;
	_ =	strace $0xD0000000  }
0x3: {  	_ = 	snop  }
0x4: {  	_ = 	snop  }
0x5: {  	_ = 	snop  }
0x6: {  	_ = 	snop  }
0x7: {  	_ = 	snop  }
__scs_overlays_trampoline_lowered:
0x8: {  	[smem:$0x3FA0] =	sst s0  }
0x9: {  	[smem:$0x3FA1] =	sst s1  }
0xa: {  	[smem:$0x3FA2] =	sst s2  }
0xb: {  	[smem:$0x3FA3] =	sst s3  }
0xc: {  	[smem:$0x3FA4] =	sst s4  }
0xd: {  	[smem:$0x3FA5] =	sst s5  }
0xe: {  	[smem:$0x3FA6] =	sst s6  }
0xf: {  	[smem:$0x3FA7] =	sst s7  }
0x10: {  	[smem:$0x3FA8] =	sst s8  }
0x11: {  	[smem:$0x3FA9] =	sst s9;
	s0 =	simm.s32 @!p0 $0x0  }
0x12: {  	s1 =	sld [smem:$0x3F8F];
	s0 =	simm.s32 @p0 $0x1  }
0x13: {  	[smem:$0x3FAA] =	sst s0;
	s0 =	simm.s32 @!p1 $0x0  }
0x14: {  	s2 =	sld [smem:$0x3F8E];
	s0 =	simm.s32 @p1 $0x1  }
0x15: {  	[smem:$0x3FAB] =	sst s0;
	s0 =	simm.s32 @!p2 $0x0  }
0x16: {  	s3 =	sld [smem:$0x3FDB];
	s0 =	simm.s32 @p2 $0x1  }
0x17: {  	s4 =	simm.s32 $0x1BF5;
	[smem:$0x3FAD] =	sst s0  }
0x18: {  	s0 =	sld [smem:$0x3F90];
	_ =	swait.ge [sflag:s4], $0x0  }
0x19: {  	s7 =	sld [smem:$0x3F91]  }
0x1a: {  	s8 =	sadd.s32 $0xFFFFE003, lr  }
0x1b: {  	s9 =	sadd.s32 $0xFFFFFEF7, lr;
	s5 =	simm.s32 $0xFFFFFFFF;
	p2 =	slt.u32 s8, $0xFFFFF086  }
0x1c: {  	p1 =	slt.u32 s9, $0xF7A;
	s5 =	simm.s32 @!p2 $0x0  }
0x1d: {  	s5 =	simm.s32 @p1 $0x1;
	p0 =	seq.s32 s7, s2  }
0x1e: {  	s7 =	smul.u32 @!p0 $0xF7A, s2;
	p2 =	seq.s32 @!p0 s5, $0x0  }
0x1f: {  	s9 =	smul.u32 $0xF7A, s1;
	s8 =	simm.s32 @!p0 $0x1BF5;
	p2 =	por !p2, p0  }
0x20: {  	[sflag:s8] =	ssyncset.s32 @!p0 $0xFFFFF086;
	s6 =	sadd.s32 @!p0 s3, s7;
	s7 =	simm.s32 @!p0 $0x108  }
0x21: {  	s3 =	sadd.s32 s3, s9;
	s6 =	sadd.s32 @!p0 $0x88, s6;
	s7 =	simm.s32 @p2 $0x1082  }
0x22: {  	[simem:s7], [sflag:s8] =	dma.local @!p0 [hbm:s6], $0xF7A  }
0x23: {  	s9 =	sor.u32 $0xD0000000, s2;
	s6 =	simm.s32 $0x108;
	_ =	swait.ge @!p0 [sflag:s8], $0x0  }
0x24: {  	s3 =	sadd.s32 $0x88, s3;
	s6 =	simm.s32 @!p1 $0x1082;
	[sflag:s4] =	ssyncset.s32 $0xFFFFF086  }
0x25: {  	[simem:s6], [sflag:s4] =	dma.local [hbm:s3], $0xF7A  }
0x26: {  	[smem:$0x3F91] =	sst s1;
	(tag) =	ssettag s2;
	_ =	strace s9  }
0x27: {  	s1 =	sld [smem:$0x3FA1]  }
0x28: {  	s2 =	sld [smem:$0x3FA2]  }
0x29: {  	s4 =	sld [smem:$0x3FA4]  }
0x2a: {  	p0 =	seq.s32 s5, $0x0;
	s5 =	sld [smem:$0x3FA5]  }
0x2b: {  	s6 =	sld [smem:$0x3FA6]  }
0x2c: {  	s7 =	sld [smem:$0x3FA7]  }
0x2d: {  	s3 =	simm.s32 $0x108;
	s8 =	sld [smem:$0x3FA8]  }
0x2e: {  	s3 =	simm.s32 @!p0 $0x1082;
	s9 =	sld [smem:$0x3FA9]  }
0x2f: {  	lr =	sadd.s32 s0, s3;
	s0 =	sld [smem:$0x3FA0]  }
0x30: {  	s3 =	sld [smem:$0x3FA3]  }
0x31: {  	[smem:$0x3FAC] =	sst s10  }
0x32: {  	s10 =	sld [smem:$0x3FAA];
	_ =	sdelay $0x3  }
0x33: {  	p0 =	seq.s32 s10, $0x1;
	s10 =	sld [smem:$0x3FAC];
	_ =	sdelay $0x3  }
0x34: {  	[smem:$0x3FAC] =	sst s10  }
0x35: {  	s10 =	sld [smem:$0x3FAB];
	_ =	sdelay $0x3  }
0x36: {  	p1 =	seq.s32 s10, $0x1;
	s10 =	sld [smem:$0x3FAC];
	_ =	sdelay $0x3  }
0x37: {  	[smem:$0x3FAC] =	sst s10  }
0x38: {  	s10 =	sld [smem:$0x3FAD]  }
0x39: {  	_ = 	snop;
	(pc) =	sbr.ind lr, $3  }
0x3a: {  	_ = 	snop  }
0x3b: {  	_ = 	snop  }
0x3c: {  	p2 =	seq.s32 s10, $0x1;
	s10 =	sld [smem:$0x3FAC]  }
0x3d: {  	_ =	shalt  }
0x3e: {  	_ =	shalt  }
0x3f: {  	_ =	shalt  }
0x40: {  	_ =	shalt  }
0x41: {  	_ =	shalt  }
0x42: {  	_ =	shalt  }
0x43: {  	_ =	shalt  }
0x44: {  	_ =	shalt  }
0x45: {  	_ =	shalt  }
0x46: {  	_ =	shalt  }
0x47: {  	_ =	shalt  }
0x48: {  	_ =	shalt  }
0x49: {  	_ =	shalt  }
0x4a: {  	_ =	shalt  }
0x4b: {  	_ =	shalt  }
0x4c: {  	_ =	shalt  }
0x4d: {  	_ =	shalt  }
0x4e: {  	_ =	shalt  }
0x4f: {  	_ =	shalt  }
0x50: {  	_ =	shalt  }
0x51: {  	_ =	shalt  }
0x52: {  	_ =	shalt  }
0x53: {  	_ =	shalt  }
0x54: {  	_ =	shalt  }
0x55: {  	_ =	shalt  }
0x56: {  	_ =	shalt  }
0x57: {  	_ =	shalt  }
0x58: {  	_ =	shalt  }
0x59: {  	_ =	shalt  }
0x5a: {  	_ =	shalt  }
0x5b: {  	_ =	shalt  }
0x5c: {  	_ =	shalt  }
0x5d: {  	_ =	shalt  }
0x5e: {  	_ =	shalt  }
0x5f: {  	_ =	shalt  }
0x60: {  	_ =	shalt  }
0x61: {  	_ =	shalt  }
0x62: {  	_ =	shalt  }
0x63: {  	_ =	shalt  }
0x64: {  	_ =	shalt  }
0x65: {  	_ =	shalt  }
0x66: {  	_ =	shalt  }
0x67: {  	_ =	shalt  }
0x68: {  	_ =	shalt  }
0x69: {  	_ =	shalt  }
0x6a: {  	_ =	shalt  }
0x6b: {  	_ =	shalt  }
0x6c: {  	_ =	shalt  }
0x6d: {  	_ =	shalt  }
0x6e: {  	_ =	shalt  }
0x6f: {  	_ =	shalt  }
0x70: {  	_ =	shalt  }
0x71: {  	_ =	shalt  }
0x72: {  	_ =	shalt  }
0x73: {  	_ =	shalt  }
0x74: {  	_ =	shalt  }
0x75: {  	_ =	shalt  }
0x76: {  	_ =	shalt  }
0x77: {  	_ =	shalt  }
0x78: {  	_ =	shalt  }
0x79: {  	_ =	shalt  }
0x7a: {  	_ =	shalt  }
0x7b: {  	_ =	shalt  }
0x7c: {  	_ =	shalt  }
0x7d: {  	_ =	shalt  }
0x7e: {  	_ =	shalt  }
0x7f: {  	_ =	shalt  }
0x80: {  	_ =	shalt  }
0x81: {  	_ =	shalt  }
0x82: {  	_ =	shalt  }
0x83: {  	_ =	shalt  }
0x84: {  	_ =	shalt  }
0x85: {  	_ =	shalt  }
0x86: {  	_ =	shalt  }
0x87: {  	_ =	shalt  }
.Lfunc_end0:
.L_simem_size_0:
called_computation.1_lowered:
.L_overlay_start_0:
0x88: {  	s0 =	sld [smem:$0x3FD9]  }
0x89: {  	s1 =	sld [smem:$0x3FFE];
	_ =	sdelay $0x3  }
0x8a: {  	s0 =	sadd.s32 s1, s0  }
0x8b: {  	[smem:$0x3FB8] =	sst s0  }
0x8c: {  	_ = 	snop  }
0x8d: {  	(tm) =	ssettm $0x1  }
0x8e: {  	s15 =	sld [smem:$0x3FFB];
	_ =	sdelay $0x3  }
0x8f: {  	_ =	strace s15  }
0x90: {  	s0 =	sld [smem:$0x3FFC];
	_ =	sdelay $0x3  }
0x91: {  	_ =	strace s0  }
0x92: {  	s0 =	sld [smem:$0x3FFD];
	_ =	sdelay $0x3  }
0x93: {  	_ =	strace s0  }
0x94: {  	_ =	strace $0x8FFFFFFF  }
0x95: {  	s16 =	sld [smem:$0x3FDB];
	_ =	sdelay $0x1  }
0x96: {  	s17 =	simm.s32 $_scs_section_size  }
0x97: {  	s2 =	simm.s32 $_size__tile_overlayer_lowered;
	s3 =	simm.s32 $_tile_overlayer_lowered  }
0x98: {  	s20 =	simm.s32 $0x1BFF;
	s19 =	sshll.u32 s3, $0x1;
	s0 =	sadd.s32 s17, s16  }
0x99: {  	s4 =	simm.s32 $0x0;
	s18 =	sshll.u32 s2, $0x1;
	s2 =	sadd.s32 s19, s0  }
0x9a: {  	[timem:s4], [sflag:s20] =	dma.local [hbm:s2], s18  }
0x9b: {  	_ =	swait.ge [sflag:s20], s18  }
0x9c: {  	s1 =	ssub.s32 $0x0, s18;
	[sflag:s20] =	ssyncset.done $0x0  }
0x9d: {  	[sflag:s20] =	ssyncadd.s32 s1;
	_ =	sdelay $0x1  }
0x9e: {  	s21 =	simm.s32 $0x1B8B  }
0x9f: {  	_ =	swait.ge [sflag:s21], $0x1  }
0xa0: {  	[sflag:s21] =	ssyncset.done $0x0  }
0xa1: {  	s23 =	simm.s32 $0x1B8E;
	s22 =	sld [smem:$0x3FFE];
	[sflag:s21] =	ssyncadd.s32 $0xFFFFFFFF  }
0xa2: {  	s24 =	simm.s32 $execute0_lowered;
	[smem:$0x3FD2] =	sst s23  }
0xa3: {  	s2 =	sshll.u32 s24, $0x1;
	_ =	strace $0x80000055;
	[dreg:$0x1] =	wrdreg $0xFFFFFFFF  }
0xa4: {  	s25 =	simm.s32 $_size_execute0_lowered;
	s0 =	sadd.s32 s0, s2;
	[dreg:$0x0] =	wrdreg $0x0  }
0xa5: {  	s2 =	sshll.u32 s25, $0x1;
	[dreg:$0x2] =	wrdreg s0  }
0xa6: {  	[dreg:$0x3] =	wrdreg s2  }
0xa7: {  	[dreg:$0x4] =	wrdreg $0xC0  }
0xa8: {  	_ =	task [dreg:s4], $0x5FFFF  }
0xa9: {  	[dreg:$0x1] =	wrdreg $0xFFFFFFFF  }
0xaa: {  	[dreg:$0x0] =	wrdreg $0x60  }
0xab: {  	[dreg:$0x2] =	wrdreg s22  }
0xac: {  	[dreg:$0x3] =	wrdreg $0x9  }
0xad: {  	_ =	task.clear_ibuf [dreg:s4], $0x4FFFF;
	_ =	strace $0x90000055  }
0xae: {  	s26 =	simm.s32 $0x9;
	_ =	strace $0x80000057  }
0xaf: {  	_ =	swait.ge [sflag:s26], $0x1  }
0xb0: {  	[sflag:s26] =	ssyncadd.s32 $0xFFFFFFFF  }
0xb1: {  	_ =	strace $0x90000057  }
0xb2: {  	_ =	sfence  }
0xb3: {  	s28 =	sld [smem:$0x0];
	_ =	sdelay $0x1  }
0xb4: {  	s29 =	srdreg.scid  }
0xb5: {  	s30 =	sshll.u32 s29, $0xD;
	s31 =	sshrl.u32 s29, $0x2  }
0xb6: {  	s1 =	sand.u32 $0x1, s29;
	s2 =	sand.u32 $0x4000, s30;
	s0 =	sadd.s32 s31, s28  }
0xb7: {  	s1 =	sor.u32 s2, s1;
	s0 =	sshll.u32 s0, $0x11  }
0xb8: {  	s0 =	sor.u32 s0, s1  }
0xb9: {  	s0 =	sadd.s32 $0x8F2B, s0  }
0xba: {  	[sflag:s0] =	ssyncadd.remote.s32 $0x1  }
0xbb: {  	_ =	sfence.sel $0xFFFF  }
0xbc: {  	[dreg:$0x0] =	wrdreg $0xFFFFFFFF;
	(pc) =	sbr.abs _section_cstart, $3  }
0xbd: {  	[dreg:$0x1] =	wrdreg $0xFFFFFFFF  }
0xbe: {  	_ =	task.clear_ibuf [dreg:s4], $0x2FFFF;
	_ =	strace $0x9FFFFFFF  }
0xbf: {  	(tm) =	ssettm $0x7FFFFFFF  }
tec
execute0_lowered:
.L_overlay_start_1:
0x0: {  	(tag) =	ssettag $0x1  }
0x1: {  	s7 =	rddreg [dreg:$0x0]  }
0x2: {  	s0 =	rddreg [dreg:$0x1]  }
0x3: {  	_ =	strace $0x80000056;
	s3 =	stileid.u32;
	s4 =	simm.s32 $0x3E  }
0x4: {  	s1 =	sadd.s32 $0x4600, s7;
	p0 =	sne.s32 s3, $0x0;
	[sflag:s4] =	ssyncpa.u1 $0x0  }
0x5: {  	s30 =	smin.u32 s3, $0x9;
	s2 =	simm.s32 @!p0 $0x1C3E;
	s5 =	simm.s32 @!p0 $0x0  }
0x6: {  	[spmem:s5], [sflag:s2] =	dma.local @!p0 [hbm:s1], $0x10  }
0x7: {  	s2 =	sadd.s32 s3, s30  }
0x8: {  	p1 =	slt.u32 s3, $0x9;
	s3 =	simm.s32 $0x640;
	s2 =	smul.u32 $0x320, s2  }
0x9: {  	s3 =	simm.s32 @!p1 $0x320  }
0xa: {  	s3 =	sadd.s32 s3, s2  }
0xb: {  	s3 =	smin.u32 s3, $0x4E20  }
0xc: {  	s8 =	ssub.s32 s3, s2  }
0xd: {  	p1 =	sgt.s32 s8, $0x0  }
0xe: {  	s8 =	simm.s32 @!p1 $0x0  }
0xf: {  	s6 =	sand.u32 $0xFFE0, s8  }
0x10: {  	s5 =	simm.s32 @!p0 $0x3E;
	s6 =	sshrl.u32 s6, $0x5  }
0x11: {  	_ =	swait.ge @!p0 [sflag:s5], $0x10;
	s31 =	smul.u32 $0xA3E, s6  }
0x12: {  	[sflag:s5] =	ssyncset.done @!p0 $0x0  }
0x13: {  	[sflag:s5] =	ssyncadd.s32 @!p0 $0xFFFFFFF0;
	s9 =	sshrl.u32 s31, $0x10  }
0x14: {  	s11 =	simm.s32 $0x0;
	[bflag:$0x0] =	sbarrier.arrive $0xFFFF;
	s10 =	smul.u32 $0x320, s9  }
.Ltmp0:
0x15: {  	[sflag:s4] =	ssyncpa.u1 $0x1;
	s4 =	simm.s32 $0x1;
	(pc) =	sbr.rel .LBB2_1-.Ltmp0, $4  }
0x16: {  	s5 =	sadd.s32 $0x2800, s7;
	s7 =	sadd.s32 $0x3C00, s7;
	[sflag:s4] =	ssyncpa.u1 $0x0  }
0x17: {  	s6 =	simm.s32 $0x2;
	p1 =	sne.s32 s8, s10;
	s8 =	simm.s32 $0x1  }
0x18: {  	(ifvalue) =	ssetifvalue $0x80;
	[sflag:s6] =	ssyncpa.u1 $0x0;
	s8 =	simm.s32 @!p1 $0x0  }
0x19: {  	vm0 =	vmmov $0xffff;
	s10 =	smov.u32 s2;
	s8 =	sadd.s32 s9, s8;
	s9 =	simm.s32 $0x0  }
.LBB2_5:
0x1a: {  	p2 =	sne.s32 s11, s8  }
.Ltmp1:
0x1b: {  	_ = 	snop;
	(pc) =	sbr.rel @!p2 .LBB2_6-.Ltmp1, $4  }
0x1c: {  	_ = 	snop  }
0x1d: {  	s12 =	sadd.s32 $0x320, s10  }
0x1e: {  	s10 =	smov.u32 s2;
	s13 =	sadd.s32 $0x1, s11;
	p1 =	slt.s32 s12, s3  }
0x1f: {  	s11 =	smov.u32 s13;
	s10 =	smov.u32 @p1 s12  }
.LBB2_1:
0x20: {  	p1 =	sge.u32 s11, s8  }
0x21: {  	s12 =	sxor.u32 @!p1 $0xFFFFFFFF, s11  }
0x22: {  	s12 =	sand.u32 @!p1 $0x1, s12  }
0x23: {  	s12 =	smul.u32 @!p1 $0x320, s12  }
0x24: {  	s13 =	sshrl.u32 @!p1 s10, $0x3  }
0x25: {  	s16 =	sand.u32 @!p1 $0x7, s10;
	s14 =	sadd.s32 @!p1 s5, s13;
	s15 =	sor.u32 @!p1 $0x8, s12  }
0x26: {  	[tilespmem:s15], [sflag:$0x2] =	stream.linear.gather @!p1 [hbm4b:s14+s16], $0x320, $0x38;
	[tilespmem:$0xC88] =	vst v63  }
0x27: {  	s13 =	sadd.s32 @!p1 s7, s13;
	s12 =	sadd.s32 @!p1 $0x648, s12  }
0x28: {  	[tilespmem:s12], [sflag:$0x2] =	stream.linear.gather @!p1 [hbm4b:s13+s16], $0x320, $0x38;
	[tilespmem:$0xC88] =	vst v63  }
0x29: {  	p1 =	seq.s32 s11, $0x0  }
.Ltmp2:
0x2a: {  	_ = 	snop;
	(pc) =	sbr.rel @p1 .LBB2_5-.Ltmp2, $1  }
0x2b: {  	_ =	sdelay $0x3  }
0x2c: {  	s12 =	sand.u32 $0x1, s11  }
0x2d: {  	_ =	swait.ge [sflag:s6], $0x640;
	p1 =	seq.s32 s12, $0x1;
	s12 =	simm.s32 $0x320  }
0x2e: {  	[sflag:s6] =	ssyncset.done $0x0;
	s12 =	simm.s32 @!p1 $0x0  }
0x2f: {  	[sflag:s6] =	ssyncadd.s32 $0xFFFFF9C0;
	s14 =	sor.u32 $0x8, s12  }
0x30: {  	v0 =	vld.msk [tilespmem:s14+$0x0 ss:$0x1], $0xffff;
	_ =	sdelay $0x4  }
0x31: {  	v0 =	vmin.u32 v0, $0x80;
	_ =	sdelay $0x3  }
0x32: {  	s13 =	simm.s32 $0x0;
	s12 =	sadd.s32 $0x648, s12;
	s14 =	sadd.s32 $0x10, s14  }
0x33: {  	[spmem:s9] =	stream.indirect_vreg.scatter.add.s32 [tilespmem:s12], [sflag:$0x1], $0x1, v0, vm0, $0x4038;
	[tilespmem:$0xC88] =	vst v63  }
.LBB2_3:
0x34: {  	v0 =	vld.msk [tilespmem:s14+$0x0 ss:$0x1], $0xffff;
	s13 =	sadd.s32 $0x10, s13  }
0x35: {  	p1 =	slt.u32 s13, $0x310;
	_ =	sdelay $0x4  }
0x36: {  	v0 =	vmin.u32 v0, $0x80  }
.Ltmp3:
0x37: {  	(pc) =	sbr.rel @p1 .LBB2_3-.Ltmp3, $3  }
0x38: {  	_ =	sdelay $0x1  }
0x39: {  	s14 =	sadd.s32 $0x10, s14;
	s12 =	sadd.s32 $0x10, s12  }
0x3a: {  	[spmem:s9] =	stream.indirect_vreg.scatter.add.s32 [tilespmem:s12], [sflag:$0x1], $0x1, v0, vm0, $0x4038;
	[tilespmem:$0xC88] =	vst v63  }
.Ltmp4:
0x3b: {  	(pc) =	sbr.rel .LBB2_5-.Ltmp4, $4  }
0x3c: {  	_ = 	snop  }
0x3d: {  	_ =	swait.ge [sflag:s4], $0x320  }
0x3e: {  	[sflag:s4] =	ssyncset.done $0x0  }
0x3f: {  	[sflag:s4] =	ssyncadd.s32 $0xFFFFFCE0  }
.LBB2_6:
0x40: {  	_ =	sfence.sel $0x180000  }
0x41: {  	s2 =	simm.s32 $0x2;
	[bflag:$0x0] =	sbarrier.arrive $0xFFFF  }
0x42: {  	s30 =	simm.s32 $0x1;
	[sflag:s2] =	ssyncpa.u1 $0x1  }
0x43: {  	[sflag:s30] =	ssyncpa.u1 $0x1  }
0x44: {  	_ =	sfence.stream.spmem  }
0x45: {  	s31 =	simm.s32 $0x3D;
	[bflag:$0x0] =	sbarrier.arrive $0xFFFF  }
0x46: {  	s2 =	simm.s32 @p0 $0x3D;
	[sflag:s31] =	ssyncpa.u1 $0x0  }
0x47: {  	[sflag:s2] =	ssyncpa.u1 @p0 $0x1  }
0x48: {  	[bflag:$0x0] =	sbarrier.arrive @p0 $0xFFFF  }
0x49: {  	_ =	strace @p0 $0x90000056  }
0x4a: {  	s3 =	simm.s32 @!p0 $0x1C3D;
	s2 =	simm.s32 @!p0 $0x0;
	[bflag:$0x2] =	sbarrier.arrive @p0 $0xFFFF  }
0x4b: {  	[hbm:s1], [sflag:s3] =	dma.local @!p0 [spmem:s2], $0x10  }
0x4c: {  	s1 =	simm.s32 @!p0 $0x3D  }
0x4d: {  	_ =	swait.ge @!p0 [sflag:s1], $0x10  }
0x4e: {  	[sflag:s1] =	ssyncset.done @!p0 $0x0  }
0x4f: {  	[sflag:s1] =	ssyncadd.s32 @!p0 $0xFFFFFFF0  }
0x50: {  	[sflag:s1] =	ssyncpa.u1 @!p0 $0x1  }
0x51: {  	[bflag:$0x0] =	sbarrier.arrive @!p0 $0xFFFF  }
0x52: {  	_ =	strace @!p0 $0x90000056  }
0x53: {  	s0 =	sadd.s32 @!p0 $0x100000, s0;
	[bflag:$0x2] =	sbarrier.arrive @!p0 $0xFFFF  }
0x54: {  	[sflag:s0] =	ssyncadd.tile.s32 @!p0 $0x1;
	_ =	shalt  }
.Lfunc_end2:
_tile_overlayer_lowered:
.L_overlay_start_2:
0x55: {  	(tag) =	ssettag $0x2  }
0x56: {  	s0 =	rddreg [dreg:$0x0];
	s2 =	stileid.u32  }
0x57: {  	s1 =	rddreg [dreg:$0x1];
	p0 =	sne.s32 s2, $0x0  }
0x58: {  	s3 =	rddreg [dreg:$0x2];
	[bflag:$0x3] =	sbarrier.arrive $0xFFFF;
	s2 =	simm.s32 @!p0 $0x1C01  }
0x59: {  	[timem:s3], [sflag:s2] =	dma.local @!p0 [hbm:s0], s1  }
0x5a: {  	s0 =	simm.s32 @!p0 $0x1  }
0x5b: {  	_ =	swait.ge @!p0 [sflag:s0], s1  }
0x5c: {  	s1 =	ssub.s32 @!p0 $0x0, s1;
	[sflag:s0] =	ssyncset.done @!p0 $0x0  }
0x5d: {  	[sflag:s0] =	ssyncadd.s32 @!p0 s1  }
0x5e: {  	[bflag:$0x3] =	sbarrier.arrive $0xFFFF  }
0x5f: {  	_ =	shalt  }

// kernel: scatter_offload_async_start
scs
__scs_entry_jumppad:
0x0: {  	(pc) =	sbr.rel $0x88, $3  }
0x1: {  	(tag) =	ssettag $0x0;
	lr =	simm.s32 $0x1  }
0x2: {  	[smem:$0x3F91] =	sst lr;
	_ =	strace $0xD0000000  }
0x3: {  	_ = 	snop  }
0x4: {  	_ = 	snop  }
0x5: {  	_ = 	snop  }
0x6: {  	_ = 	snop  }
0x7: {  	_ = 	snop  }
__scs_overlays_trampoline_lowered:
0x8: {  	[smem:$0x3FA0] =	sst s0  }
0x9: {  	[smem:$0x3FA1] =	sst s1  }
0xa: {  	[smem:$0x3FA2] =	sst s2  }
0xb: {  	[smem:$0x3FA3] =	sst s3  }
0xc: {  	[smem:$0x3FA4] =	sst s4  }
0xd: {  	[smem:$0x3FA5] =	sst s5  }
0xe: {  	[smem:$0x3FA6] =	sst s6  }
0xf: {  	[smem:$0x3FA7] =	sst s7  }
0x10: {  	[smem:$0x3FA8] =	sst s8  }
0x11: {  	[smem:$0x3FA9] =	sst s9;
	s0 =	simm.s32 @!p0 $0x0  }
0x12: {  	s1 =	sld [smem:$0x3F8F];
	s0 =	simm.s32 @p0 $0x1  }
0x13: {  	[smem:$0x3FAA] =	sst s0;
	s0 =	simm.s32 @!p1 $0x0  }
0x14: {  	s2 =	sld [smem:$0x3F8E];
	s0 =	simm.s32 @p1 $0x1  }
0x15: {  	[smem:$0x3FAB] =	sst s0;
	s0 =	simm.s32 @!p2 $0x0  }
0x16: {  	s3 =	sld [smem:$0x3FDB];
	s0 =	simm.s32 @p2 $0x1  }
0x17: {  	s4 =	simm.s32 $0x1BF5;
	[smem:$0x3FAD] =	sst s0  }
0x18: {  	s0 =	sld [smem:$0x3F90];
	_ =	swait.ge [sflag:s4], $0x0  }
0x19: {  	s7 =	sld [smem:$0x3F91]  }
0x1a: {  	s8 =	sadd.s32 $0xFFFFE003, lr  }
0x1b: {  	s9 =	sadd.s32 $0xFFFFFEF7, lr;
	s5 =	simm.s32 $0xFFFFFFFF;
	p2 =	slt.u32 s8, $0xFFFFF086  }
0x1c: {  	p1 =	slt.u32 s9, $0xF7A;
	s5 =	simm.s32 @!p2 $0x0  }
0x1d: {  	s5 =	simm.s32 @p1 $0x1;
	p0 =	seq.s32 s7, s2  }
0x1e: {  	s7 =	smul.u32 @!p0 $0xF7A, s2;
	p2 =	seq.s32 @!p0 s5, $0x0  }
0x1f: {  	s9 =	smul.u32 $0xF7A, s1;
	s8 =	simm.s32 @!p0 $0x1BF5;
	p2 =	por !p2, p0  }
0x20: {  	[sflag:s8] =	ssyncset.s32 @!p0 $0xFFFFF086;
	s6 =	sadd.s32 @!p0 s3, s7;
	s7 =	simm.s32 @!p0 $0x108  }
0x21: {  	s3 =	sadd.s32 s3, s9;
	s6 =	sadd.s32 @!p0 $0x88, s6;
	s7 =	simm.s32 @p2 $0x1082  }
0x22: {  	[simem:s7], [sflag:s8] =	dma.local @!p0 [hbm:s6], $0xF7A  }
0x23: {  	s9 =	sor.u32 $0xD0000000, s2;
	s6 =	simm.s32 $0x108;
	_ =	swait.ge @!p0 [sflag:s8], $0x0  }
0x24: {  	s3 =	sadd.s32 $0x88, s3;
	s6 =	simm.s32 @!p1 $0x1082;
	[sflag:s4] =	ssyncset.s32 $0xFFFFF086  }
0x25: {  	[simem:s6], [sflag:s4] =	dma.local [hbm:s3], $0xF7A  }
0x26: {  	[smem:$0x3F91] =	sst s1;
	(tag) =	ssettag s2;
	_ =	strace s9  }
0x27: {  	s1 =	sld [smem:$0x3FA1]  }
0x28: {  	s2 =	sld [smem:$0x3FA2]  }
0x29: {  	s4 =	sld [smem:$0x3FA4]  }
0x2a: {  	p0 =	seq.s32 s5, $0x0;
	s5 =	sld [smem:$0x3FA5]  }
0x2b: {  	s6 =	sld [smem:$0x3FA6]  }
0x2c: {  	s7 =	sld [smem:$0x3FA7]  }
0x2d: {  	s3 =	simm.s32 $0x108;
	s8 =	sld [smem:$0x3FA8]  }
0x2e: {  	s3 =	simm.s32 @!p0 $0x1082;
	s9 =	sld [smem:$0x3FA9]  }
0x2f: {  	lr =	sadd.s32 s0, s3;
	s0 =	sld [smem:$0x3FA0]  }
0x30: {  	s3 =	sld [smem:$0x3FA3]  }
0x31: {  	[smem:$0x3FAC] =	sst s10  }
0x32: {  	s10 =	sld [smem:$0x3FAA];
	_ =	sdelay $0x3  }
0x33: {  	p0 =	seq.s32 s10, $0x1;
	s10 =	sld [smem:$0x3FAC];
	_ =	sdelay $0x3  }
0x34: {  	[smem:$0x3FAC] =	sst s10  }
0x35: {  	s10 =	sld [smem:$0x3FAB];
	_ =	sdelay $0x3  }
0x36: {  	p1 =	seq.s32 s10, $0x1;
	s10 =	sld [smem:$0x3FAC];
	_ =	sdelay $0x3  }
0x37: {  	[smem:$0x3FAC] =	sst s10  }
0x38: {  	s10 =	sld [smem:$0x3FAD]  }
0x39: {  	_ = 	snop;
	(pc) =	sbr.ind lr, $3  }
0x3a: {  	_ = 	snop  }
0x3b: {  	_ = 	snop  }
0x3c: {  	p2 =	seq.s32 s10, $0x1;
	s10 =	sld [smem:$0x3FAC]  }
0x3d: {  	_ =	shalt  }
0x3e: {  	_ =	shalt  }
0x3f: {  	_ =	shalt  }
0x40: {  	_ =	shalt  }
0x41: {  	_ =	shalt  }
0x42: {  	_ =	shalt  }
0x43: {  	_ =	shalt  }
0x44: {  	_ =	shalt  }
0x45: {  	_ =	shalt  }
0x46: {  	_ =	shalt  }
0x47: {  	_ =	shalt  }
0x48: {  	_ =	shalt  }
0x49: {  	_ =	shalt  }
0x4a: {  	_ =	shalt  }
0x4b: {  	_ =	shalt  }
0x4c: {  	_ =	shalt  }
0x4d: {  	_ =	shalt  }
0x4e: {  	_ =	shalt  }
0x4f: {  	_ =	shalt  }
0x50: {  	_ =	shalt  }
0x51: {  	_ =	shalt  }
0x52: {  	_ =	shalt  }
0x53: {  	_ =	shalt  }
0x54: {  	_ =	shalt  }
0x55: {  	_ =	shalt  }
0x56: {  	_ =	shalt  }
0x57: {  	_ =	shalt  }
0x58: {  	_ =	shalt  }
0x59: {  	_ =	shalt  }
0x5a: {  	_ =	shalt  }
0x5b: {  	_ =	shalt  }
0x5c: {  	_ =	shalt  }
0x5d: {  	_ =	shalt  }
0x5e: {  	_ =	shalt  }
0x5f: {  	_ =	shalt  }
0x60: {  	_ =	shalt  }
0x61: {  	_ =	shalt  }
0x62: {  	_ =	shalt  }
0x63: {  	_ =	shalt  }
0x64: {  	_ =	shalt  }
0x65: {  	_ =	shalt  }
0x66: {  	_ =	shalt  }
0x67: {  	_ =	shalt  }
0x68: {  	_ =	shalt  }
0x69: {  	_ =	shalt  }
0x6a: {  	_ =	shalt  }
0x6b: {  	_ =	shalt  }
0x6c: {  	_ =	shalt  }
0x6d: {  	_ =	shalt  }
0x6e: {  	_ =	shalt  }
0x6f: {  	_ =	shalt  }
0x70: {  	_ =	shalt  }
0x71: {  	_ =	shalt  }
0x72: {  	_ =	shalt  }
0x73: {  	_ =	shalt  }
0x74: {  	_ =	shalt  }
0x75: {  	_ =	shalt  }
0x76: {  	_ =	shalt  }
0x77: {  	_ =	shalt  }
0x78: {  	_ =	shalt  }
0x79: {  	_ =	shalt  }
0x7a: {  	_ =	shalt  }
0x7b: {  	_ =	shalt  }
0x7c: {  	_ =	shalt  }
0x7d: {  	_ =	shalt  }
0x7e: {  	_ =	shalt  }
0x7f: {  	_ =	shalt  }
0x80: {  	_ =	shalt  }
0x81: {  	_ =	shalt  }
0x82: {  	_ =	shalt  }
0x83: {  	_ =	shalt  }
0x84: {  	_ =	shalt  }
0x85: {  	_ =	shalt  }
0x86: {  	_ =	shalt  }
0x87: {  	_ =	shalt  }
.Lfunc_end0:
.L_simem_size_0:
called_computation_lowered:
.L_overlay_start_0:
0x88: {  	s0 =	sld [smem:$0x3FD9]  }
0x89: {  	s1 =	sld [smem:$0x3FFE];
	_ =	sdelay $0x3  }
0x8a: {  	s0 =	sadd.s32 s1, s0  }
0x8b: {  	[smem:$0x3FB8] =	sst s0  }
0x8c: {  	_ = 	snop  }
0x8d: {  	(tm) =	ssettm $0x1  }
0x8e: {  	s15 =	sld [smem:$0x3FFB];
	_ =	sdelay $0x3  }
0x8f: {  	_ =	strace s15  }
0x90: {  	s0 =	sld [smem:$0x3FFC];
	_ =	sdelay $0x3  }
0x91: {  	_ =	strace s0  }
0x92: {  	s0 =	sld [smem:$0x3FFD];
	_ =	sdelay $0x3  }
0x93: {  	_ =	strace s0  }
0x94: {  	_ =	strace $0x8FFFFFFF  }
0x95: {  	s16 =	sld [smem:$0x3FDB];
	_ =	sdelay $0x1  }
0x96: {  	s17 =	simm.s32 $_scs_section_size  }
0x97: {  	s2 =	simm.s32 $_size__tile_overlayer_lowered;
	s3 =	simm.s32 $_tile_overlayer_lowered  }
0x98: {  	s20 =	simm.s32 $0x1BFF;
	s19 =	sshll.u32 s3, $0x1;
	s0 =	sadd.s32 s17, s16  }
0x99: {  	s4 =	simm.s32 $0x0;
	s18 =	sshll.u32 s2, $0x1;
	s2 =	sadd.s32 s19, s0  }
0x9a: {  	[timem:s4], [sflag:s20] =	dma.local [hbm:s2], s18  }
0x9b: {  	_ =	swait.ge [sflag:s20], s18  }
0x9c: {  	s1 =	ssub.s32 $0x0, s18;
	[sflag:s20] =	ssyncset.done $0x0  }
0x9d: {  	[sflag:s20] =	ssyncadd.s32 s1;
	_ =	sdelay $0x1  }
0x9e: {  	s21 =	simm.s32 $0x1B8B  }
0x9f: {  	_ =	swait.ge [sflag:s21], $0x1  }
0xa0: {  	[sflag:s21] =	ssyncset.done $0x0  }
0xa1: {  	s23 =	simm.s32 $0x1B8E;
	s22 =	sld [smem:$0x3FFE];
	[sflag:s21] =	ssyncadd.s32 $0xFFFFFFFF  }
0xa2: {  	s24 =	simm.s32 $execute0_lowered;
	[smem:$0x3FD2] =	sst s23  }
0xa3: {  	s2 =	sshll.u32 s24, $0x1;
	_ =	strace $0x80000046;
	[dreg:$0x1] =	wrdreg $0xFFFFFFFF  }
0xa4: {  	s25 =	simm.s32 $_size_execute0_lowered;
	s0 =	sadd.s32 s0, s2;
	[dreg:$0x0] =	wrdreg $0x0  }
0xa5: {  	s2 =	sshll.u32 s25, $0x1;
	[dreg:$0x2] =	wrdreg s0  }
0xa6: {  	[dreg:$0x3] =	wrdreg s2  }
0xa7: {  	[dreg:$0x4] =	wrdreg $0xC0  }
0xa8: {  	_ =	task [dreg:s4], $0x5FFFF  }
0xa9: {  	[dreg:$0x1] =	wrdreg $0xFFFFFFFF  }
0xaa: {  	[dreg:$0x0] =	wrdreg $0x60  }
0xab: {  	[dreg:$0x2] =	wrdreg s22  }
0xac: {  	[dreg:$0x3] =	wrdreg $0x9  }
0xad: {  	_ =	task.clear_ibuf [dreg:s4], $0x4FFFF;
	_ =	strace $0x90000046  }
0xae: {  	s26 =	simm.s32 $0x9;
	_ =	strace $0x80000048  }
0xaf: {  	_ =	swait.ge [sflag:s26], $0x1  }
0xb0: {  	[sflag:s26] =	ssyncadd.s32 $0xFFFFFFFF  }
0xb1: {  	_ =	strace $0x90000048  }
0xb2: {  	_ =	sfence  }
0xb3: {  	s28 =	sld [smem:$0x0];
	_ =	sdelay $0x1  }
0xb4: {  	s29 =	srdreg.scid  }
0xb5: {  	s30 =	sshll.u32 s29, $0xD;
	s31 =	sshrl.u32 s29, $0x2  }
0xb6: {  	s1 =	sand.u32 $0x1, s29;
	s2 =	sand.u32 $0x4000, s30;
	s0 =	sadd.s32 s31, s28  }
0xb7: {  	s1 =	sor.u32 s2, s1;
	s0 =	sshll.u32 s0, $0x11  }
0xb8: {  	s0 =	sor.u32 s0, s1  }
0xb9: {  	s0 =	sadd.s32 $0x8F2B, s0  }
0xba: {  	[sflag:s0] =	ssyncadd.remote.s32 $0x1  }
0xbb: {  	_ =	sfence.sel $0xFFFF  }
0xbc: {  	[dreg:$0x0] =	wrdreg $0xFFFFFFFF;
	(pc) =	sbr.abs _section_cstart, $3  }
0xbd: {  	[dreg:$0x1] =	wrdreg $0xFFFFFFFF  }
0xbe: {  	_ =	task.clear_ibuf [dreg:s4], $0x2FFFF;
	_ =	strace $0x9FFFFFFF  }
0xbf: {  	(tm) =	ssettm $0x7FFFFFFF  }
tec
execute0_lowered:
.L_overlay_start_1:
0x0: {  	(tag) =	ssettag $0x1  }
0x1: {  	s2 =	rddreg [dreg:$0x0]  }
0x2: {  	s0 =	rddreg [dreg:$0x1]  }
0x3: {  	_ =	strace $0x80000047;
	s4 =	stileid.u32;
	s5 =	simm.s32 $0x3E  }
0x4: {  	s1 =	sadd.s32 $0x1E000, s2;
	p0 =	sne.s32 s4, $0x0;
	[sflag:s5] =	ssyncpa.u1 $0x0  }
0x5: {  	s30 =	smin.u32 s4, $0x4;
	s3 =	simm.s32 @!p0 $0x1C3E;
	s6 =	simm.s32 @!p0 $0x0  }
0x6: {  	[spmem:s6], [sflag:s3] =	dma.local @!p0 [hbm:s1], $0x10  }
0x7: {  	s3 =	sadd.s32 s4, s30  }
0x8: {  	p1 =	slt.u32 s4, $0x4;
	s4 =	simm.s32 $0x3E80;
	s3 =	smul.u32 $0x1F40, s3  }
0x9: {  	s4 =	simm.s32 @!p1 $0x1F40  }
0xa: {  	s4 =	sadd.s32 s4, s3  }
0xb: {  	s4 =	smin.u32 s4, $0x27100  }
0xc: {  	s7 =	ssub.s32 s4, s3  }
0xd: {  	p1 =	sgt.s32 s7, $0x0  }
0xe: {  	s7 =	simm.s32 @!p1 $0x0  }
0xf: {  	s6 =	simm.s32 @!p0 $0x3E;
	s31 =	smulhi.u32 $0x10624DD3, s7  }
0x10: {  	_ =	swait.ge @!p0 [sflag:s6], $0x10  }
0x11: {  	[sflag:s6] =	ssyncset.done @!p0 $0x0;
	s8 =	sshrl.u32 s31, $0x9  }
0x12: {  	s11 =	simm.s32 $0x0;
	[sflag:s6] =	ssyncadd.s32 @!p0 $0xFFFFFFF0;
	s9 =	smul.u32 $0x1F40, s8  }
.Ltmp0:
0x13: {  	s6 =	simm.s32 $0x2;
	[bflag:$0x0] =	sbarrier.arrive $0xFFFF;
	(pc) =	sbr.rel .LBB2_1-.Ltmp0, $4  }
0x14: {  	s10 =	smov.u32 s3;
	[sflag:s5] =	ssyncpa.u1 $0x1;
	s5 =	simm.s32 $0x1  }
0x15: {  	[sflag:s5] =	ssyncpa.u1 $0x0;
	p1 =	sne.s32 s7, s9;
	s9 =	simm.s32 $0x1  }
0x16: {  	(ifvalue) =	ssetifvalue $0x80;
	[sflag:s6] =	ssyncpa.u1 $0x0;
	s9 =	simm.s32 @!p1 $0x0  }
0x17: {  	vm0 =	vmmov $0xffff;
	s7 =	sadd.s32 $0x19000, s2;
	s8 =	sadd.s32 s9, s8;
	s9 =	simm.s32 $0x0  }
.LBB2_5:
0x18: {  	p2 =	sne.s32 s11, s8  }
.Ltmp1:
0x19: {  	_ = 	snop;
	(pc) =	sbr.rel @!p2 .LBB2_6-.Ltmp1, $4  }
0x1a: {  	_ = 	snop  }
0x1b: {  	s12 =	sadd.s32 $0x1F40, s10  }
0x1c: {  	s10 =	smov.u32 s3;
	s13 =	sadd.s32 $0x1, s11;
	p1 =	slt.s32 s12, s4  }
0x1d: {  	s11 =	smov.u32 s13;
	s10 =	smov.u32 @p1 s12  }
.LBB2_1:
0x1e: {  	p1 =	sge.u32 s11, s8  }
0x1f: {  	s12 =	sxor.u32 @!p1 $0xFFFFFFFF, s11  }
0x20: {  	s12 =	sand.u32 @!p1 $0x1, s12  }
0x21: {  	s12 =	smul.u32 @!p1 $0x1F40, s12  }
0x22: {  	s13 =	sshrl.u32 @!p1 s10, $0x3  }
0x23: {  	s16 =	sand.u32 @!p1 $0x7, s10;
	s14 =	sadd.s32 @!p1 s2, s13;
	s15 =	sor.u32 @!p1 $0x8, s12  }
0x24: {  	[tilespmem:s15], [sflag:$0x2] =	stream.linear.gather @!p1 [hbm4b:s14+s16], $0x1F40, $0x38;
	[tilespmem:$0x7D08] =	vst v63  }
0x25: {  	s13 =	sadd.s32 @!p1 s7, s13;
	s12 =	sadd.s32 @!p1 $0x3E88, s12  }
0x26: {  	[tilespmem:s12], [sflag:$0x2] =	stream.linear.gather @!p1 [hbm4b:s13+s16], $0x1F40, $0x38;
	[tilespmem:$0x7D08] =	vst v63  }
0x27: {  	p1 =	seq.s32 s11, $0x0  }
.Ltmp2:
0x28: {  	_ = 	snop;
	(pc) =	sbr.rel @p1 .LBB2_5-.Ltmp2, $1  }
0x29: {  	_ =	sdelay $0x3  }
0x2a: {  	s12 =	sand.u32 $0x1, s11  }
0x2b: {  	_ =	swait.ge [sflag:s6], $0x3E80;
	p1 =	seq.s32 s12, $0x1;
	s12 =	simm.s32 $0x1F40  }
0x2c: {  	[sflag:s6] =	ssyncset.done $0x0;
	s12 =	simm.s32 @!p1 $0x0  }
0x2d: {  	[sflag:s6] =	ssyncadd.s32 $0xFFFFC180;
	s14 =	sor.u32 $0x8, s12  }
0x2e: {  	v0 =	vld.msk [tilespmem:s14+$0x0 ss:$0x1], $0xffff;
	_ =	sdelay $0x4  }
0x2f: {  	v0 =	vmin.u32 v0, $0x80;
	_ =	sdelay $0x3  }
0x30: {  	s13 =	simm.s32 $0x0;
	s12 =	sadd.s32 $0x3E88, s12;
	s14 =	sadd.s32 $0x10, s14  }
0x31: {  	[spmem:s9] =	stream.indirect_vreg.scatter.add.s32 [tilespmem:s12], [sflag:$0x1], $0x1, v0, vm0, $0x4038;
	[tilespmem:$0x7D08] =	vst v63  }
.LBB2_3:
0x32: {  	v0 =	vld.msk [tilespmem:s14+$0x0 ss:$0x1], $0xffff;
	s13 =	sadd.s32 $0x10, s13  }
0x33: {  	p1 =	slt.u32 s13, $0x1F30;
	_ =	sdelay $0x4  }
0x34: {  	v0 =	vmin.u32 v0, $0x80  }
.Ltmp3:
0x35: {  	(pc) =	sbr.rel @p1 .LBB2_3-.Ltmp3, $3  }
0x36: {  	_ =	sdelay $0x1  }
0x37: {  	s14 =	sadd.s32 $0x10, s14;
	s12 =	sadd.s32 $0x10, s12  }
0x38: {  	[spmem:s9] =	stream.indirect_vreg.scatter.add.s32 [tilespmem:s12], [sflag:$0x1], $0x1, v0, vm0, $0x4038;
	[tilespmem:$0x7D08] =	vst v63  }
.Ltmp4:
0x39: {  	(pc) =	sbr.rel .LBB2_5-.Ltmp4, $4  }
0x3a: {  	_ = 	snop  }
0x3b: {  	_ =	swait.ge [sflag:s5], $0x1F40  }
0x3c: {  	[sflag:s5] =	ssyncset.done $0x0  }
0x3d: {  	[sflag:s5] =	ssyncadd.s32 $0xFFFFE0C0  }
.LBB2_6:
0x3e: {  	_ =	sfence.sel $0x180000  }
0x3f: {  	s2 =	simm.s32 $0x2;
	[bflag:$0x0] =	sbarrier.arrive $0xFFFF  }
0x40: {  	s30 =	simm.s32 $0x1;
	[sflag:s2] =	ssyncpa.u1 $0x1  }
0x41: {  	[sflag:s30] =	ssyncpa.u1 $0x1  }
0x42: {  	_ =	sfence.stream.spmem  }
0x43: {  	s31 =	simm.s32 $0x3D;
	[bflag:$0x0] =	sbarrier.arrive $0xFFFF  }
0x44: {  	s2 =	simm.s32 @p0 $0x3D;
	[sflag:s31] =	ssyncpa.u1 $0x0  }
0x45: {  	[sflag:s2] =	ssyncpa.u1 @p0 $0x1  }
0x46: {  	[bflag:$0x0] =	sbarrier.arrive @p0 $0xFFFF  }
0x47: {  	_ =	strace @p0 $0x90000047  }
0x48: {  	s3 =	simm.s32 @!p0 $0x1C3D;
	s2 =	simm.s32 @!p0 $0x0;
	[bflag:$0x2] =	sbarrier.arrive @p0 $0xFFFF  }
0x49: {  	[hbm:s1], [sflag:s3] =	dma.local @!p0 [spmem:s2], $0x10  }
0x4a: {  	s1 =	simm.s32 @!p0 $0x3D  }
0x4b: {  	_ =	swait.ge @!p0 [sflag:s1], $0x10  }
0x4c: {  	[sflag:s1] =	ssyncset.done @!p0 $0x0  }
0x4d: {  	[sflag:s1] =	ssyncadd.s32 @!p0 $0xFFFFFFF0  }
0x4e: {  	[sflag:s1] =	ssyncpa.u1 @!p0 $0x1  }
0x4f: {  	[bflag:$0x0] =	sbarrier.arrive @!p0 $0xFFFF  }
0x50: {  	_ =	strace @!p0 $0x90000047  }
0x51: {  	s0 =	sadd.s32 @!p0 $0x100000, s0;
	[bflag:$0x2] =	sbarrier.arrive @!p0 $0xFFFF  }
0x52: {  	[sflag:s0] =	ssyncadd.tile.s32 @!p0 $0x1;
	_ =	shalt  }
.Lfunc_end2:
_tile_overlayer_lowered:
.L_overlay_start_2:
0x53: {  	(tag) =	ssettag $0x2  }
0x54: {  	s0 =	rddreg [dreg:$0x0];
	s2 =	stileid.u32  }
0x55: {  	s1 =	rddreg [dreg:$0x1];
	p0 =	sne.s32 s2, $0x0  }
0x56: {  	s3 =	rddreg [dreg:$0x2];
	[bflag:$0x3] =	sbarrier.arrive $0xFFFF;
	s2 =	simm.s32 @!p0 $0x1C01  }
0x57: {  	[timem:s3], [sflag:s2] =	dma.local @!p0 [hbm:s0], s1  }
0x58: {  	s0 =	simm.s32 @!p0 $0x1  }
0x59: {  	_ =	swait.ge @!p0 [sflag:s0], s1  }
0x5a: {  	s1 =	ssub.s32 @!p0 $0x0, s1;
	[sflag:s0] =	ssyncset.done @!p0 $0x0  }
0x5b: {  	[sflag:s0] =	ssyncadd.s32 @!p0 s1  }
0x5c: {  	[bflag:$0x3] =	sbarrier.arrive $0xFFFF  }
0x5d: {  	_ =	shalt  }

</sc_bundles>
